<compile_context>
chip_gen: v7x
topology: tpu7x:2x2x1
jax: 0.10.2.dev20260603
libtpu: 0.0.44.dev20260713+nightly
codegen_flags: <defaults>
</compile_context>

<pallas_src>
import functools

import jax
import jax.numpy as jnp
from jax import lax
from jax.experimental import pallas as pl
from jax.experimental.pallas import tpu as pltpu
from jax.experimental.pallas import tpu_sc as plsc

F32 = jnp.float32
N = 10000
E = 160000
STATE = 224
NFREQ = 8
NRBF = 10
DCUT = 5.0

NW = 32
NC = 2
NS = 16
LCH = 128
E_PAD = 163840
CPW = E_PAD // (NW * LCH)
CPW2 = E_PAD // (NS * LCH)
N_ACC = 10112
BE = 2048
BN = 1000


def _gelu(x):
    return jax.nn.gelu(x)



def _make_sc_gather(width):
    del width
    mesh = plsc.VectorSubcoreMesh(core_axis_name="c", subcore_axis_name="s",
                                  num_cores=NC, num_subcores=NS)
    trows = N_ACC // NS

    @functools.partial(
        pl.kernel,
        out_type=(jax.ShapeDtypeStruct((E_PAD, 128), F32),
                  jax.ShapeDtypeStruct((E_PAD, 128), F32)),
        mesh=mesh,
        scratch_types=[
            pltpu.VMEM((CPW2, LCH), jnp.int32),
            pltpu.VMEM((2, LCH, 128), F32),
            pltpu.VMEM_SHARED((N_ACC, 128), F32),
        ] + [pltpu.SemaphoreType.DMA] * 4,
        name="sc_gather_spmem",
    )
    def gather(tab_s, tab_d, srcw, dstw, out_s, out_d,
               idxv, bufs, stab, g0, g1, o0, o1):
        cid = lax.axis_index("c")
        sid = lax.axis_index("s")
        gsem = (g0, g1)
        osem = (o0, o1)

        @pl.when(cid == 0)
        def _():
            pltpu.sync_copy(tab_s.at[pl.ds(sid * trows, trows)],
                            stab.at[pl.ds(sid * trows, trows)])
            pltpu.sync_copy(srcw.at[sid], idxv)

        @pl.when(cid == 1)
        def _():
            pltpu.sync_copy(tab_d.at[pl.ds(sid * trows, trows)],
                            stab.at[pl.ds(sid * trows, trows)])
            pltpu.sync_copy(dstw.at[sid], idxv)

        plsc.subcore_barrier()
        for b in range(2):
            pltpu.async_copy(stab.at[idxv.at[b]], bufs.at[b], gsem[b])

        def body(p, carry):
            for b in range(2):
                jc = 2 * p + b
                base = (sid * CPW2 + jc) * LCH
                pltpu.make_async_copy(stab.at[idxv.at[jc]],
                                      bufs.at[b], gsem[b]).wait()

                @pl.when(cid == 0)
                def _():
                    pltpu.async_copy(bufs.at[b], out_s.at[pl.ds(base, LCH)],
                                     osem[b])

                @pl.when(cid == 1)
                def _():
                    pltpu.async_copy(bufs.at[b], out_d.at[pl.ds(base, LCH)],
                                     osem[b])

                @pl.when(p < CPW2 // 2 - 1)
                def _():
                    pltpu.make_async_copy(bufs.at[b],
                                          out_s.at[pl.ds(base, LCH)],
                                          osem[b]).wait()
                    pltpu.async_copy(stab.at[idxv.at[jc + 2]],
                                     bufs.at[b], gsem[b])
            return carry

        lax.fori_loop(0, CPW2 // 2, body, 0)
        for b in range(2):
            base = (sid * CPW2 + CPW2 - 2 + b) * LCH
            pltpu.make_async_copy(bufs.at[b], out_s.at[pl.ds(base, LCH)],
                                  osem[b]).wait()

    return gather


def _make_sc_scatter(width):
    del width
    mesh = plsc.VectorSubcoreMesh(core_axis_name="c", subcore_axis_name="s",
                                  num_cores=NC, num_subcores=NS)
    rows = N_ACC // NS

    @functools.partial(
        pl.kernel,
        out_type=jax.ShapeDtypeStruct((2, N_ACC, 128), F32),
        mesh=mesh,
        scratch_types=[
            pltpu.VMEM((LCH,), jnp.int32),
            pltpu.VMEM((LCH, 128), F32),
            pltpu.VMEM_SHARED((N_ACC, 128), F32),
        ],
        name="sc_scatter128",
    )
    def scatter(vals, dstw, zeros_hbm, out, idxc, buf, acc):
        cid = lax.axis_index("c")
        sid = lax.axis_index("s")
        wid = sid * NC + cid
        pltpu.sync_copy(zeros_hbm.at[pl.ds(sid * rows, rows)],
                        acc.at[pl.ds(sid * rows, rows)])
        plsc.subcore_barrier()

        def body(j, carry):
            base = (wid * CPW + j) * LCH
            pltpu.sync_copy(dstw.at[wid, j], idxc)
            pltpu.sync_copy(vals.at[pl.ds(base, LCH)], buf)
            pltpu.sync_copy(buf, acc.at[idxc], add=True)
            return carry

        lax.fori_loop(0, CPW, body, 0)
        plsc.subcore_barrier()
        pltpu.sync_copy(acc.at[pl.ds(sid * rows, rows)],
                        out.at[cid, pl.ds(sid * rows, rows)])

    return scatter


_get_gather = functools.lru_cache(None)(_make_sc_gather)
_get_scatter = functools.lru_cache(None)(_make_sc_scatter)



def _full(a):
    return pl.BlockSpec(a.shape, lambda i: (0,) * a.ndim)


def _rbf_feats(d):
    c = lax.broadcasted_iota(jnp.int32, (1, NRBF), 1).astype(F32) * (DCUT / (NRBF - 1))
    inv2s2 = 1.0 / (2.0 * (DCUT / NRBF) ** 2)
    return jnp.exp(-((d - c) ** 2) * inv2s2)


def _edge_feats(gs, gd, ib2):
    xs = gs[:, 64:73]
    xd = gd[:, 64:73]
    dxyz = xs - xd
    d0 = dxyz[:, 0:3]
    d2 = jnp.sum(d0 * d0, axis=1, keepdims=True)
    dist = jnp.sqrt(d2 + 1e-12)
    dA3 = dxyz[:, 3:6]
    dA = jnp.sqrt(jnp.sum(dA3 * dA3, axis=1, keepdims=True) + 1e-12)
    dB3 = dxyz[:, 6:9]
    dB = jnp.sqrt(jnp.sum(dB3 * dB3, axis=1, keepdims=True) + 1e-12)
    ef = jnp.concatenate([ib2, dist, dist * dist, dA, dB, dA - dB,
                          _rbf_feats(dist), _rbf_feats(dA), _rbf_feats(dB)],
                         axis=1)
    return ef, d0


def _edge_msg_body(gs_ref, gd_ref, ib_ref, w1e, b1, w2, b2, w3, b3,
                   out_ref, ef_ref):
    gs = gs_ref[...]
    gd = gd_ref[...]
    ef, d0 = _edge_feats(gs, gd, ib_ref[...])
    g = gs[:, :64] + gd[:, :64]
    u = _gelu(g + jnp.dot(ef, w1e[...]) + b1[...])
    u = _gelu(jnp.dot(u, w2[...]) + b2[...])
    m = jnp.dot(u, w3[...]) + b3[...]
    out_ref[...] = jnp.concatenate([m, jnp.zeros((m.shape[0], 64), F32)], axis=1)
    ef_ref[...] = jnp.concatenate([ef, d0], axis=1)


def _edge_alpha_body(ga_ref, gb_ref, ef_ref, w1e, b1, w2, b2, w3, b3, out_ref):
    ef4 = ef_ref[...]
    ef = ef4[:, :37]
    d0 = ef4[:, 37:40]
    g = ga_ref[:, :64] + gb_ref[:, 64:128]
    u = _gelu(g + jnp.dot(ef, w1e[...]) + b1[...])
    u = _gelu(jnp.dot(u, w2[...]) + b2[...])
    alpha = jnp.dot(u, w3[...]) + b3[...]
    av = alpha * d0
    out_ref[...] = jnp.concatenate(
        [av, jnp.zeros((av.shape[0], 125), F32)], axis=1)


def _prologue_body(zf_ref, s_ref, t_ref, x_ref, xa_ref, xb_ref,
                   wi1, bi1, wi2, bi2, wa1, ba1, wa2, ba2,
                   wb1, bb1, wb2, bb2, wms, wmd,
                   h_ref, ts_ref, td_ref):
    tab = jnp.concatenate([
        jnp.dot(_gelu(wi1[...] + bi1[...]), wi2[...]) + bi2[...],
        jnp.dot(_gelu(wa1[...] + ba1[...]), wa2[...]) + ba2[...],
        jnp.dot(_gelu(wb1[...] + bb1[...]), wb2[...]) + bb2[...],
    ], axis=1)
    z = zf_ref[...]
    oh = (z == lax.broadcasted_iota(jnp.int32, (z.shape[0], 10), 1).astype(F32)).astype(F32)
    emb = jnp.dot(oh, tab)
    k = jnp.exp2(lax.broadcasted_iota(jnp.int32, (1, NFREQ), 1).astype(F32)) * jnp.pi
    angs = s_ref[...] * k
    angt = t_ref[...] * k
    h = jnp.concatenate([emb, jnp.sin(angs), jnp.cos(angs),
                         jnp.sin(angt), jnp.cos(angt)], axis=1)
    h_ref[...] = h
    p = jnp.concatenate([x_ref[...], xa_ref[...], xb_ref[...],
                         jnp.zeros((h.shape[0], 55), F32)], axis=1)
    ts_ref[...] = jnp.concatenate([jnp.dot(h, wms[...]), p], axis=1)
    td_ref[...] = jnp.concatenate([jnp.dot(h, wmd[...]), p], axis=1)


def _node_update_body0(h_ref, n0_ref, n1_ref,
                       ws1a, ws1b, bs1, ws2, bs2, ws3, bs3,
                       wa1s, wa1d,
                       wbe1, bbe1, wbe2, bbe2, wbe3, bbe3,
                       wg1, bg1, wg2, bg2, wg3, bg3,
                       wmsn, wmdn,
                       h_out, ta_out, bg_out, msn_out, mdn_out):
    h = h_ref[...]
    nm = n0_ref[:, :64] + n1_ref[:, :64]
    v = _gelu(jnp.dot(h, ws1a[...]) + jnp.dot(nm, ws1b[...]) + bs1[...])
    v = _gelu(jnp.dot(v, ws2[...]) + bs2[...])
    hn = h + jnp.dot(v, ws3[...]) + bs3[...]
    h_out[...] = hn
    ta_out[...] = jnp.concatenate(
        [jnp.dot(hn, wa1s[...]), jnp.dot(hn, wa1d[...])], axis=1)
    ub = _gelu(jnp.dot(hn, wbe1[...]) + bbe1[...])
    ub = _gelu(jnp.dot(ub, wbe2[...]) + bbe2[...])
    beta = jnp.dot(ub, wbe3[...]) + bbe3[...]
    ug = _gelu(jnp.dot(hn, wg1[...]) + bg1[...])
    ug = _gelu(jnp.dot(ug, wg2[...]) + bg2[...])
    gamma = jnp.dot(ug, wg3[...]) + bg3[...]
    bg_out[...] = jnp.concatenate([beta, gamma], axis=1)
    msn_out[...] = jnp.dot(hn, wmsn[...])
    mdn_out[...] = jnp.dot(hn, wmdn[...])


def _node_update_body1(h_ref, n0_ref, n1_ref,
                       ws1a, ws1b, bs1, ws2, bs2, ws3, bs3,
                       wa1s, wa1d,
                       wbe1, bbe1, wbe2, bbe2, wbe3, bbe3,
                       wg1, bg1, wg2, bg2, wg3, bg3,
                       h_out, ta_out, bg_out):
    h = h_ref[...]
    nm = n0_ref[:, :64] + n1_ref[:, :64]
    v = _gelu(jnp.dot(h, ws1a[...]) + jnp.dot(nm, ws1b[...]) + bs1[...])
    v = _gelu(jnp.dot(v, ws2[...]) + bs2[...])
    hn = h + jnp.dot(v, ws3[...]) + bs3[...]
    h_out[...] = hn
    ta_out[...] = jnp.concatenate(
        [jnp.dot(hn, wa1s[...]), jnp.dot(hn, wa1d[...])], axis=1)
    ub = _gelu(jnp.dot(hn, wbe1[...]) + bbe1[...])
    ub = _gelu(jnp.dot(ub, wbe2[...]) + bbe2[...])
    beta = jnp.dot(ub, wbe3[...]) + bbe3[...]
    ug = _gelu(jnp.dot(hn, wg1[...]) + bg1[...])
    ug = _gelu(jnp.dot(ug, wg2[...]) + bg2[...])
    gamma = jnp.dot(ug, wg3[...]) + bg3[...]
    bg_out[...] = jnp.concatenate([beta, gamma], axis=1)


def _x_update(x, xa, xb, s2, bg, nu):
    beta = bg[:, 0:1]
    gamma = bg[:, 1:2]
    return x + nu + beta * (1.0 - s2) * (xa - x) + gamma * s2 * (xb - x)


def _transition_body(x_ref, xa_ref, xb_ref, s_ref, bg_ref, n0_ref, n1_ref,
                     msn_ref, mdn_ref, ts_ref, td_ref, x_out):
    nu = n0_ref[:, 0:3] + n1_ref[:, 0:3]
    xn = _x_update(x_ref[...], xa_ref[...], xb_ref[...], s_ref[...],
                   bg_ref[...], nu)
    x_out[...] = xn
    p = jnp.concatenate([xn, xa_ref[...], xb_ref[...],
                         jnp.zeros((xn.shape[0], 55), F32)], axis=1)
    ts_ref[...] = jnp.concatenate([msn_ref[...], p], axis=1)
    td_ref[...] = jnp.concatenate([mdn_ref[...], p], axis=1)


def _final_body(x_ref, xa_ref, xb_ref, s_ref, bg_ref, n0_ref, n1_ref, out_ref):
    nu = n0_ref[:, 0:3] + n1_ref[:, 0:3]
    xn = _x_update(x_ref[...], xa_ref[...], xb_ref[...], s_ref[...],
                   bg_ref[...], nu)
    out_ref[...] = xn - jnp.mean(xn, axis=0, keepdims=True)



def _edge_spec(width):
    return pl.BlockSpec((BE, width), lambda i: (i, 0))


def _node_spec(width):
    return pl.BlockSpec((BN, width), lambda i: (i, 0))


def kernel(x_t, xA_pos, xB_pos, s, t, Z, edge_index, is_bond_A, is_bond_B, params):
    src = edge_index[0].astype(jnp.int32)
    dst = edge_index[1].astype(jnp.int32)
    pad = E_PAD - E
    srcp = jnp.concatenate([src, jnp.zeros((pad,), jnp.int32)]).reshape(NS, CPW2, LCH)
    dstp = jnp.concatenate([dst, jnp.zeros((pad,), jnp.int32)]).reshape(NS, CPW2, LCH)
    dsts = jnp.concatenate([dst, jnp.full((pad,), N, jnp.int32)]).reshape(NW, CPW, LCH)
    ib2 = jnp.concatenate(
        [jnp.stack([is_bond_A, is_bond_B], axis=1), jnp.zeros((pad, 2), F32)], axis=0)
    zeros128 = jnp.zeros((N_ACC, 128), F32)
    s2 = s[:, None]
    t2 = t[:, None]
    zf = Z.astype(F32)[:, None]

    def w2d(b):
        return b.reshape(1, -1)

    P = params
    NG = N // BN
    EG = E_PAD // BE

    wm0, bm0 = P["message"][0][0]
    pro_in = [zf, s2, t2, x_t, xA_pos, xB_pos,
              P["info"][0][0], w2d(P["info"][0][1]), P["info"][1][0], w2d(P["info"][1][1]),
              P["embA"][0][0], w2d(P["embA"][0][1]), P["embA"][1][0], w2d(P["embA"][1][1]),
              P["embB"][0][0], w2d(P["embB"][0][1]), P["embB"][1][0], w2d(P["embB"][1][1]),
              wm0[:STATE], wm0[STATE:2 * STATE]]
    h, tabs, tabd = pl.pallas_call(
        _prologue_body,
        grid=(NG,),
        in_specs=[_node_spec(1), _node_spec(1), _node_spec(1),
                  _node_spec(3), _node_spec(3), _node_spec(3)] +
                 [_full(a) for a in pro_in[6:]],
        out_specs=[_node_spec(STATE), _node_spec(128), _node_spec(128)],
        out_shape=[jax.ShapeDtypeStruct((N, STATE), F32),
                   jax.ShapeDtypeStruct((N_ACC, 128), F32),
                   jax.ShapeDtypeStruct((N_ACC, 128), F32)],
        name="prologue",
    )(*pro_in)

    x = x_t
    out = None
    for l in range(2):
        wm1, bm1 = P["message"][l][0]
        wm2, bm2 = P["message"][l][1]
        wm3, bm3 = P["message"][l][2]
        ws1, bs1 = P["state"][l][0]
        ws2, bs2 = P["state"][l][1]
        ws3, bs3 = P["state"][l][2]
        wa1, ba1 = P["alpha"][l][0]
        wa2, ba2 = P["alpha"][l][1]
        wa3, ba3 = P["alpha"][l][2]

        gs, gd = _get_gather(128)(tabs, tabd, srcp, dstp)

        msg_w = [wm1[2 * STATE:], w2d(bm1), wm2, w2d(bm2), wm3, w2d(bm3)]
        msg, ef4 = pl.pallas_call(
            _edge_msg_body,
            grid=(EG,),
            in_specs=[_edge_spec(128), _edge_spec(128), _edge_spec(2)] +
                     [_full(a) for a in msg_w],
            out_specs=[_edge_spec(128), _edge_spec(40)],
            out_shape=[jax.ShapeDtypeStruct((E_PAD, 128), F32),
                       jax.ShapeDtypeStruct((E_PAD, 40), F32)],
            name="edge_msg",
        )(gs, gd, ib2, *msg_w)

        nmp = _get_scatter(128)(msg, dsts, zeros128)
        nm0, nm1 = nmp[0], nmp[1]

        node_w = [ws1[:STATE], ws1[STATE:], w2d(bs1), ws2, w2d(bs2), ws3, w2d(bs3),
                  wa1[:STATE], wa1[STATE:2 * STATE]]
        for nm_ in ("beta", "gamma"):
            for li in range(3):
                node_w.append(P[nm_][l][li][0])
                node_w.append(w2d(P[nm_][l][li][1]))
        if l == 0:
            wmn = P["message"][1][0][0]
            node_w += [wmn[:STATE], wmn[STATE:2 * STATE]]
            h, taba, bgv, msn, mdn = pl.pallas_call(
                _node_update_body0,
                grid=(NG,),
                in_specs=[_node_spec(STATE),
                          pl.BlockSpec((BN, 128), lambda i: (i, 0)),
                          pl.BlockSpec((BN, 128), lambda i: (i, 0))] +
                         [_full(a) for a in node_w],
                out_specs=[_node_spec(STATE), _node_spec(128),
                           _node_spec(2), _node_spec(64), _node_spec(64)],
                out_shape=[jax.ShapeDtypeStruct((N, STATE), F32),
                           jax.ShapeDtypeStruct((N_ACC, 128), F32),
                           jax.ShapeDtypeStruct((N, 2), F32),
                           jax.ShapeDtypeStruct((N, 64), F32),
                           jax.ShapeDtypeStruct((N, 64), F32)],
                name="node_update0",
            )(h, nm0, nm1, *node_w)
        else:
            h, taba, bgv = pl.pallas_call(
                _node_update_body1,
                grid=(NG,),
                in_specs=[_node_spec(STATE),
                          pl.BlockSpec((BN, 128), lambda i: (i, 0)),
                          pl.BlockSpec((BN, 128), lambda i: (i, 0))] +
                         [_full(a) for a in node_w],
                out_specs=[_node_spec(STATE), _node_spec(128),
                           _node_spec(2)],
                out_shape=[jax.ShapeDtypeStruct((N, STATE), F32),
                           jax.ShapeDtypeStruct((N_ACC, 128), F32),
                           jax.ShapeDtypeStruct((N, 2), F32)],
                name="node_update1",
            )(h, nm0, nm1, *node_w)

        ga, gb = _get_gather(128)(taba, taba, srcp, dstp)

        al_w = [wa1[2 * STATE:], w2d(ba1), wa2, w2d(ba2), wa3, w2d(ba3)]
        av = pl.pallas_call(
            _edge_alpha_body,
            grid=(EG,),
            in_specs=[_edge_spec(128), _edge_spec(128), _edge_spec(40)] +
                     [_full(a) for a in al_w],
            out_specs=_edge_spec(128),
            out_shape=jax.ShapeDtypeStruct((E_PAD, 128), F32),
            name="edge_alpha",
        )(ga, gb, ef4, *al_w)

        nup = _get_scatter(128)(av, dsts, zeros128)
        nu0, nu1 = nup[0], nup[1]

        if l == 0:
            tabs, tabd, x = pl.pallas_call(
                _transition_body,
                grid=(NG,),
                in_specs=[_node_spec(3), _node_spec(3), _node_spec(3),
                          _node_spec(1), _node_spec(2),
                          pl.BlockSpec((BN, 128), lambda i: (i, 0)),
                          pl.BlockSpec((BN, 128), lambda i: (i, 0)),
                          _node_spec(64), _node_spec(64)],
                out_specs=[_node_spec(128), _node_spec(128), _node_spec(3)],
                out_shape=[jax.ShapeDtypeStruct((N_ACC, 128), F32),
                           jax.ShapeDtypeStruct((N_ACC, 128), F32),
                           jax.ShapeDtypeStruct((N, 3), F32)],
                name="transition",
            )(x, xA_pos, xB_pos, s2, bgv, nu0, nu1, msn, mdn)
        else:
            out = pl.pallas_call(
                _final_body,
                grid=(1,),
                in_specs=[pl.BlockSpec((N, 3), lambda i: (0, 0)),
                          pl.BlockSpec((N, 3), lambda i: (0, 0)),
                          pl.BlockSpec((N, 3), lambda i: (0, 0)),
                          pl.BlockSpec((N, 1), lambda i: (0, 0)),
                          pl.BlockSpec((N, 2), lambda i: (0, 0)),
                          pl.BlockSpec((N, 128), lambda i: (0, 0)),
                          pl.BlockSpec((N, 128), lambda i: (0, 0))],
                out_specs=pl.BlockSpec((N, 3), lambda i: (0, 0)),
                out_shape=jax.ShapeDtypeStruct((N, 3), F32),
                name="final",
            )(x, xA_pos, xB_pos, s2, bgv, nu0, nu1)
    return out

# --- scband reference (transcript-rebuilt; emitter-appended) ---
"""Pipeline reference for scband-transition-path-diffusion-gnn-63093069578775 (READ-ONLY COPY).

The authoritative reference and input builder live on the scoring server;
editing this copy changes nothing except your own understanding.
"""

import jax, jax.numpy as jnp
import numpy as np

N = 10000
E = 160000
N_LAYERS = 2
D_CUTOFF = 5.0
N_FREQ = 8
MSG = 64
HID = 64
N_ELEM = 10
EMB = 64
INFO = 64
STATE = EMB + EMB + INFO + 2 * N_FREQ + 2 * N_FREQ  # 224
N_RBF = 10
NEF = 3 * N_RBF + 7  # 37


def _mlp_init(key, dims, last_scale=1.0):
    params = []
    keys = jax.random.split(key, len(dims) - 1)
    for i in range(len(dims) - 1):
        scale = last_scale if i == len(dims) - 2 else 1.0
        W = jax.random.normal(keys[i], (dims[i], dims[i + 1]), dtype=jnp.float32) * (scale / np.sqrt(dims[i]))
        b = jnp.zeros((dims[i + 1],), dtype=jnp.float32)
        params.append((W, b))
    return params


def _mlp_apply(params, x):
    for i, (W, b) in enumerate(params):
        x = x @ W + b
        if i < len(params) - 1:
            x = jax.nn.gelu(x)
    return x


def _sinusoid(v, n_freq):
    k = 2.0 ** jnp.arange(n_freq, dtype=jnp.float32)
    ang = v[:, None] * k[None, :] * jnp.pi
    return jnp.concatenate([jnp.sin(ang), jnp.cos(ang)], axis=1)


def _rbf(d):
    centers = jnp.linspace(0.0, D_CUTOFF, N_RBF, dtype=jnp.float32)
    sigma = D_CUTOFF / N_RBF
    return jnp.exp(-((d - centers[None, :]) ** 2) / (2.0 * sigma * sigma))


def setup_inputs(seed: int = 0):
    key = jax.random.key(seed)
    ks = jax.random.split(key, 16)
    x_t = jax.random.normal(ks[0], (N, 3), dtype=jnp.float32) * 3.0
    xA_pos = jax.random.normal(ks[1], (N, 3), dtype=jnp.float32) * 3.0
    xB_pos = jax.random.normal(ks[2], (N, 3), dtype=jnp.float32) * 3.0
    Z = jax.random.randint(ks[3], (N,), 0, N_ELEM)
    edge_index = jax.random.randint(ks[4], (2, E), 0, N)
    is_bond_A = jax.random.uniform(ks[5], (E,), dtype=jnp.float32)
    is_bond_B = jax.random.uniform(ks[6], (E,), dtype=jnp.float32)
    s = jax.random.uniform(ks[7], (N,), dtype=jnp.float32)
    t = jax.random.uniform(ks[8], (N,), dtype=jnp.float32)
    params = {
        "info": _mlp_init(ks[9], [N_ELEM, 64, INFO]),
        "embA": _mlp_init(ks[10], [N_ELEM, 64, EMB]),
        "embB": _mlp_init(ks[11], [N_ELEM, 64, EMB]),
        "message": [_mlp_init(jax.random.fold_in(ks[12], l), [2 * STATE + NEF, HID, HID, MSG]) for l in range(N_LAYERS)],
        "state": [_mlp_init(jax.random.fold_in(ks[13], l), [STATE + MSG, HID, HID, STATE], 0.01) for l in range(N_LAYERS)],
        "alpha": [_mlp_init(jax.random.fold_in(ks[14], l), [2 * STATE + NEF, HID, HID, 1], 0.01) for l in range(N_LAYERS)],
        "beta": [_mlp_init(jax.random.fold_in(ks[15], l), [STATE, HID, HID, 1], 0.01) for l in range(N_LAYERS)],
        "gamma": [_mlp_init(jax.random.fold_in(ks[15], 1000 + l), [STATE, HID, HID, 1], 0.01) for l in range(N_LAYERS)],
    }
    return {"x_t": x_t, "xA_pos": xA_pos, "xB_pos": xB_pos, "s": s, "t": t, "Z": Z,
            "edge_index": edge_index, "is_bond_A": is_bond_A, "is_bond_B": is_bond_B, "params": params}


def _forward(x_t, xA_pos, xB_pos, s, t, is_bond_A, is_bond_B, params, Z, edge_index):
    zoh = jax.nn.one_hot(Z, N_ELEM, dtype=jnp.float32)
    atom_embedding = _mlp_apply(params["info"], zoh)
    hA = _mlp_apply(params["embA"], zoh)
    hB = _mlp_apply(params["embB"], zoh)
    s_embed = _sinusoid(s, N_FREQ)
    t_embed = _sinusoid(t, N_FREQ)
    h = jnp.concatenate([atom_embedding, hA, hB, s_embed, t_embed], axis=1)
    x = x_t
    src = edge_index[0]
    dst = edge_index[1]
    for l in range(N_LAYERS):
        dx = x[src] - x[dst]
        dist = jnp.sqrt(jnp.sum(dx * dx, axis=1, keepdims=True) + 1e-12)
        rbf = _rbf(dist)
        dxA = xA_pos[src] - xA_pos[dst]
        dist_xA = jnp.sqrt(jnp.sum(dxA * dxA, axis=1, keepdims=True) + 1e-12)
        rbf_A = _rbf(dist_xA)
        dxB = xB_pos[src] - xB_pos[dst]
        dist_xB = jnp.sqrt(jnp.sum(dxB * dxB, axis=1, keepdims=True) + 1e-12)
        rbf_B = _rbf(dist_xB)
        edge_features = jnp.concatenate([is_bond_A[:, None], is_bond_B[:, None], dist, dist ** 2,
                                         dist_xA, dist_xB, dist_xA - dist_xB, rbf, rbf_A, rbf_B], axis=1)
        message_inputs = jnp.concatenate([h[src], h[dst], edge_features], axis=1)
        messages = _mlp_apply(params["message"][l], message_inputs)
        node_messages = jax.ops.segment_sum(messages, dst, num_segments=N)
        h = h + _mlp_apply(params["state"][l], jnp.concatenate([h, node_messages], axis=1))
        edge_inputs = jnp.concatenate([h[src], h[dst], edge_features], axis=1)
        alpha = _mlp_apply(params["alpha"][l], edge_inputs)
        beta = _mlp_apply(params["beta"][l], h)
        gamma = _mlp_apply(params["gamma"][l], h)
        neighbor_update = jax.ops.segment_sum(alpha * dx, dst, num_segments=N)
        x = x + neighbor_update + beta * (1.0 - s[:, None]) * (xA_pos - x) + gamma * s[:, None] * (xB_pos - x)
    return x - jnp.mean(x, axis=0, keepdims=True)


def reference(x_t, xA_pos, xB_pos, s, t, Z, edge_index, is_bond_A, is_bond_B, params):
    return _forward(x_t, xA_pos, xB_pos, s, t, is_bond_A, is_bond_B, params, Z, edge_index)

if __name__ == "__main__":
    import jax
    _d = setup_inputs()
    print(jax.jit(kernel)(*tuple(_d.values())))

</pallas_src>

<mosaic_0001>
#map = affine_map<(d0, d1) -> (0, 0)>
#map1 = affine_map<(d0, d1) -> (0, 0, 0)>
module attributes {stable_mosaic.version = 14 : i64} {
  func.func @sc_gather_spmem(%arg0: i32, %arg1: i32, %arg2: memref<10112x128xf32, #tpu.memory_space<hbm>>, %arg3: memref<10112x128xf32, #tpu.memory_space<hbm>>, %arg4: memref<16x80x128xi32, #tpu.memory_space<hbm>>, %arg5: memref<16x80x128xi32, #tpu.memory_space<hbm>>, %arg6: memref<163840x128xf32, #tpu.memory_space<hbm>>, %arg7: memref<163840x128xf32, #tpu.memory_space<hbm>>, %arg8: memref<80x128xi32, #tpu.memory_space<vmem>>, %arg9: memref<2x128x128xf32, #tpu.memory_space<vmem>>, %arg10: memref<10112x128xf32, #tpu.memory_space<vmem_shared>>, %arg11: memref<!tpu.dma_semaphore, #tpu.memory_space<semaphore_mem>>, %arg12: memref<!tpu.dma_semaphore, #tpu.memory_space<semaphore_mem>>, %arg13: memref<!tpu.dma_semaphore, #tpu.memory_space<semaphore_mem>>, %arg14: memref<!tpu.dma_semaphore, #tpu.memory_space<semaphore_mem>>) attributes {dimension_semantics = [#tpu.dimension_semantics<core_parallel>, #tpu.dimension_semantics<subcore_parallel>], iteration_bounds = array<i64: 2, 16>, scalar_prefetch = 0 : i64, scratch_operands = 7 : i64, tpu.core_type = #tpu.core_type<sc_vector_subcore>, window_params = [{transform_indices = #map}, {transform_indices = #map}, {transform_indices = #map1}, {transform_indices = #map1}, {transform_indices = #map}, {transform_indices = #map}]} {
    %eq3A = arith.constant 0 : i32
    %eq3A_0 = arith.cmpi eq, %arg0, %eq3A : i32
    %convert_element_type3A = arith.extui %eq3A_0 : i1 to i32
    %cond3A = arith.constant 0 : i32
    %cond3A_1 = arith.cmpi ne, %convert_element_type3A, %cond3A : i32
    scf.if %cond3A_1 {
      %mul3A_77 = arith.constant 632 : i32
      %mul3A_78 = arith.muli %arg1, %mul3A_77 : i32
      %mul3A_79 = arith.constant 632 : i32
      %mul3A_80 = arith.muli %arg1, %mul3A_79 : i32
      "tpu.region"() ({
        %run_scoped3A = tpu.sem_alloc : memref<!tpu.dma_semaphore, #tpu.memory_space<semaphore_mem>>
        %dma_start3A_81 = arith.constant 0 : i32
        %dma_start3A_82 = tpu.memref_slice %arg10[%mul3A_80, %dma_start3A_81] : memref<10112x128xf32, #tpu.memory_space<vmem_shared>> -> memref<632x128xf32, #tpu.memory_space<vmem_shared>>
        %dma_start3A_83 = arith.constant 0 : i32
        %dma_start3A_84 = tpu.memref_slice %arg2[%mul3A_78, %dma_start3A_83] : memref<10112x128xf32, #tpu.memory_space<hbm>> -> memref<632x128xf32, #tpu.memory_space<hbm>>
        tpu.enqueue_dma source(%dma_start3A_84 : memref<632x128xf32, #tpu.memory_space<hbm>>) target(%dma_start3A_82 : memref<632x128xf32, #tpu.memory_space<vmem_shared>>) target_semaphore(%run_scoped3A : memref<!tpu.dma_semaphore, #tpu.memory_space<semaphore_mem>>)
        %dma_wait3A_85 = arith.constant 0 : i32
        %dma_wait3A_86 = tpu.memref_slice %arg10[%mul3A_80, %dma_wait3A_85] : memref<10112x128xf32, #tpu.memory_space<vmem_shared>> -> memref<632x128xf32, #tpu.memory_space<vmem_shared>>
        %dma_wait3A_87 = arith.constant 0 : i32
        %dma_wait3A_88 = tpu.memref_slice %arg2[%mul3A_78, %dma_wait3A_87] : memref<10112x128xf32, #tpu.memory_space<hbm>> -> memref<632x128xf32, #tpu.memory_space<hbm>>
        tpu.wait_dma2 semaphore(%run_scoped3A : memref<!tpu.dma_semaphore, #tpu.memory_space<semaphore_mem>>) src(%dma_wait3A_88 : memref<632x128xf32, #tpu.memory_space<hbm>>) dst(%dma_wait3A_86 : memref<632x128xf32, #tpu.memory_space<vmem_shared>>)
        tpu.yield
      }) : () -> ()
      "tpu.region"() ({
        %run_scoped3A = tpu.sem_alloc : memref<!tpu.dma_semaphore, #tpu.memory_space<semaphore_mem>>
        %dma_start3A_81 = arith.constant 0 : i32
        %dma_start3A_82 = arith.constant 0 : i32
        %dma_start3A_83 = tpu.memref_slice %arg4[%arg1, %dma_start3A_81, %dma_start3A_82] : memref<16x80x128xi32, #tpu.memory_space<hbm>> -> memref<1x80x128xi32, #tpu.memory_space<hbm>>
        %dma_start3A_84 = tpu.memref_squeeze %dma_start3A_83 : memref<1x80x128xi32, #tpu.memory_space<hbm>> -> memref<80x128xi32, #tpu.memory_space<hbm>>
        %dma_start3A_85 = arith.constant 0 : i32
        %dma_start3A_86 = arith.constant 0 : i32
        %dma_start3A_87 = tpu.memref_slice %arg4[%arg1, %dma_start3A_85, %dma_start3A_86] : memref<16x80x128xi32, #tpu.memory_space<hbm>> -> memref<1x80x128xi32, #tpu.memory_space<hbm>>
        %dma_start3A_88 = tpu.memref_squeeze %dma_start3A_87 : memref<1x80x128xi32, #tpu.memory_space<hbm>> -> memref<80x128xi32, #tpu.memory_space<hbm>>
        tpu.enqueue_dma source(%dma_start3A_88 : memref<80x128xi32, #tpu.memory_space<hbm>>) target(%arg8 : memref<80x128xi32, #tpu.memory_space<vmem>>) target_semaphore(%run_scoped3A : memref<!tpu.dma_semaphore, #tpu.memory_space<semaphore_mem>>)
        %dma_wait3A_89 = arith.constant 0 : i32
        %dma_wait3A_90 = arith.constant 0 : i32
        %dma_wait3A_91 = tpu.memref_slice %arg4[%arg1, %dma_wait3A_89, %dma_wait3A_90] : memref<16x80x128xi32, #tpu.memory_space<hbm>> -> memref<1x80x128xi32, #tpu.memory_space<hbm>>
        %dma_wait3A_92 = tpu.memref_squeeze %dma_wait3A_91 : memref<1x80x128xi32, #tpu.memory_space<hbm>> -> memref<80x128xi32, #tpu.memory_space<hbm>>
        %dma_wait3A_93 = arith.constant 0 : i32
        %dma_wait3A_94 = arith.constant 0 : i32
        %dma_wait3A_95 = tpu.memref_slice %arg4[%arg1, %dma_wait3A_93, %dma_wait3A_94] : memref<16x80x128xi32, #tpu.memory_space<hbm>> -> memref<1x80x128xi32, #tpu.memory_space<hbm>>
        %dma_wait3A_96 = tpu.memref_squeeze %dma_wait3A_95 : memref<1x80x128xi32, #tpu.memory_space<hbm>> -> memref<80x128xi32, #tpu.memory_space<hbm>>
        tpu.wait_dma2 semaphore(%run_scoped3A : memref<!tpu.dma_semaphore, #tpu.memory_space<semaphore_mem>>) src(%dma_wait3A_96 : memref<80x128xi32, #tpu.memory_space<hbm>>) dst(%arg8 : memref<80x128xi32, #tpu.memory_space<vmem>>)
        tpu.yield
      }) : () -> ()
    } else {
    }
    %eq3A_2 = arith.constant 1 : i32
    %eq3A_3 = arith.cmpi eq, %arg0, %eq3A_2 : i32
    %convert_element_type3A_4 = arith.extui %eq3A_3 : i1 to i32
    %cond3A_5 = arith.constant 0 : i32
    %cond3A_6 = arith.cmpi ne, %convert_element_type3A_4, %cond3A_5 : i32
    scf.if %cond3A_6 {
      %mul3A_77 = arith.constant 632 : i32
      %mul3A_78 = arith.muli %arg1, %mul3A_77 : i32
      %mul3A_79 = arith.constant 632 : i32
      %mul3A_80 = arith.muli %arg1, %mul3A_79 : i32
      "tpu.region"() ({
        %run_scoped3A = tpu.sem_alloc : memref<!tpu.dma_semaphore, #tpu.memory_space<semaphore_mem>>
        %dma_start3A_81 = arith.constant 0 : i32
        %dma_start3A_82 = tpu.memref_slice %arg10[%mul3A_80, %dma_start3A_81] : memref<10112x128xf32, #tpu.memory_space<vmem_shared>> -> memref<632x128xf32, #tpu.memory_space<vmem_shared>>
        %dma_start3A_83 = arith.constant 0 : i32
        %dma_start3A_84 = tpu.memref_slice %arg3[%mul3A_78, %dma_start3A_83] : memref<10112x128xf32, #tpu.memory_space<hbm>> -> memref<632x128xf32, #tpu.memory_space<hbm>>
        tpu.enqueue_dma source(%dma_start3A_84 : memref<632x128xf32, #tpu.memory_space<hbm>>) target(%dma_start3A_82 : memref<632x128xf32, #tpu.memory_space<vmem_shared>>) target_semaphore(%run_scoped3A : memref<!tpu.dma_semaphore, #tpu.memory_space<semaphore_mem>>)
        %dma_wait3A_85 = arith.constant 0 : i32
        %dma_wait3A_86 = tpu.memref_slice %arg10[%mul3A_80, %dma_wait3A_85] : memref<10112x128xf32, #tpu.memory_space<vmem_shared>> -> memref<632x128xf32, #tpu.memory_space<vmem_shared>>
        %dma_wait3A_87 = arith.constant 0 : i32
        %dma_wait3A_88 = tpu.memref_slice %arg3[%mul3A_78, %dma_wait3A_87] : memref<10112x128xf32, #tpu.memory_space<hbm>> -> memref<632x128xf32, #tpu.memory_space<hbm>>
        tpu.wait_dma2 semaphore(%run_scoped3A : memref<!tpu.dma_semaphore, #tpu.memory_space<semaphore_mem>>) src(%dma_wait3A_88 : memref<632x128xf32, #tpu.memory_space<hbm>>) dst(%dma_wait3A_86 : memref<632x128xf32, #tpu.memory_space<vmem_shared>>)
        tpu.yield
      }) : () -> ()
      "tpu.region"() ({
        %run_scoped3A = tpu.sem_alloc : memref<!tpu.dma_semaphore, #tpu.memory_space<semaphore_mem>>
        %dma_start3A_81 = arith.constant 0 : i32
        %dma_start3A_82 = arith.constant 0 : i32
        %dma_start3A_83 = tpu.memref_slice %arg5[%arg1, %dma_start3A_81, %dma_start3A_82] : memref<16x80x128xi32, #tpu.memory_space<hbm>> -> memref<1x80x128xi32, #tpu.memory_space<hbm>>
        %dma_start3A_84 = tpu.memref_squeeze %dma_start3A_83 : memref<1x80x128xi32, #tpu.memory_space<hbm>> -> memref<80x128xi32, #tpu.memory_space<hbm>>
        %dma_start3A_85 = arith.constant 0 : i32
        %dma_start3A_86 = arith.constant 0 : i32
        %dma_start3A_87 = tpu.memref_slice %arg5[%arg1, %dma_start3A_85, %dma_start3A_86] : memref<16x80x128xi32, #tpu.memory_space<hbm>> -> memref<1x80x128xi32, #tpu.memory_space<hbm>>
        %dma_start3A_88 = tpu.memref_squeeze %dma_start3A_87 : memref<1x80x128xi32, #tpu.memory_space<hbm>> -> memref<80x128xi32, #tpu.memory_space<hbm>>
        tpu.enqueue_dma source(%dma_start3A_88 : memref<80x128xi32, #tpu.memory_space<hbm>>) target(%arg8 : memref<80x128xi32, #tpu.memory_space<vmem>>) target_semaphore(%run_scoped3A : memref<!tpu.dma_semaphore, #tpu.memory_space<semaphore_mem>>)
        %dma_wait3A_89 = arith.constant 0 : i32
        %dma_wait3A_90 = arith.constant 0 : i32
        %dma_wait3A_91 = tpu.memref_slice %arg5[%arg1, %dma_wait3A_89, %dma_wait3A_90] : memref<16x80x128xi32, #tpu.memory_space<hbm>> -> memref<1x80x128xi32, #tpu.memory_space<hbm>>
        %dma_wait3A_92 = tpu.memref_squeeze %dma_wait3A_91 : memref<1x80x128xi32, #tpu.memory_space<hbm>> -> memref<80x128xi32, #tpu.memory_space<hbm>>
        %dma_wait3A_93 = arith.constant 0 : i32
        %dma_wait3A_94 = arith.constant 0 : i32
        %dma_wait3A_95 = tpu.memref_slice %arg5[%arg1, %dma_wait3A_93, %dma_wait3A_94] : memref<16x80x128xi32, #tpu.memory_space<hbm>> -> memref<1x80x128xi32, #tpu.memory_space<hbm>>
        %dma_wait3A_96 = tpu.memref_squeeze %dma_wait3A_95 : memref<1x80x128xi32, #tpu.memory_space<hbm>> -> memref<80x128xi32, #tpu.memory_space<hbm>>
        tpu.wait_dma2 semaphore(%run_scoped3A : memref<!tpu.dma_semaphore, #tpu.memory_space<semaphore_mem>>) src(%dma_wait3A_96 : memref<80x128xi32, #tpu.memory_space<hbm>>) dst(%arg8 : memref<80x128xi32, #tpu.memory_space<vmem>>)
        tpu.yield
      }) : () -> ()
    } else {
    }
    %barrier3A = arith.constant 0 : index
    tpu.barrier barrier_id(%barrier3A)
    %dma_start3A = arith.constant 0 : i32
    %dma_start3A_7 = arith.constant 0 : i32
    %dma_start3A_8 = arith.constant 0 : i32
    %dma_start3A_9 = arith.constant 0 : i32
    %dma_start3A_10 = tpu.memref_slice %arg9[%dma_start3A_7, %dma_start3A_8, %dma_start3A_9] : memref<2x128x128xf32, #tpu.memory_space<vmem>> -> memref<1x128x128xf32, #tpu.memory_space<vmem>>
    %dma_start3A_11 = tpu.memref_squeeze %dma_start3A_10 : memref<1x128x128xf32, #tpu.memory_space<vmem>> -> memref<128x128xf32, #tpu.memory_space<vmem>>
    %dma_start3A_12 = arith.constant 0 : i32
    %dma_start3A_13 = tpu.memref_slice %arg8[%dma_start3A, %dma_start3A_12] : memref<80x128xi32, #tpu.memory_space<vmem>> -> memref<1x128xi32, #tpu.memory_space<vmem>>
    %dma_start3A_14 = tpu.memref_squeeze %dma_start3A_13 : memref<1x128xi32, #tpu.memory_space<vmem>> -> memref<128xi32, #tpu.memory_space<vmem>>
    %dma_start3A_15 = arith.constant 0 : i32
    %dma_start3A_16 = arith.constant 0 : i32
    %dma_start3A_17 = tpu.memref_slice %arg10[%dma_start3A_15, %dma_start3A_16] : memref<10112x128xf32, #tpu.memory_space<vmem_shared>> -> memref<10112x128xf32, #tpu.memory_space<vmem_shared>>
    tpu.enqueue_indirect_dma source(%dma_start3A_17 : memref<10112x128xf32, #tpu.memory_space<vmem_shared>>) target(%dma_start3A_11 : memref<128x128xf32, #tpu.memory_space<vmem>>) offsets(%dma_start3A_14 : memref<128xi32, #tpu.memory_space<vmem>>) semaphore(%arg11 : memref<!tpu.dma_semaphore, #tpu.memory_space<semaphore_mem>>)
    %dma_start3A_18 = arith.constant 1 : i32
    %dma_start3A_19 = arith.constant 1 : i32
    %dma_start3A_20 = arith.constant 0 : i32
    %dma_start3A_21 = arith.constant 0 : i32
    %dma_start3A_22 = tpu.memref_slice %arg9[%dma_start3A_19, %dma_start3A_20, %dma_start3A_21] : memref<2x128x128xf32, #tpu.memory_space<vmem>> -> memref<1x128x128xf32, #tpu.memory_space<vmem>>
    %dma_start3A_23 = tpu.memref_squeeze %dma_start3A_22 : memref<1x128x128xf32, #tpu.memory_space<vmem>> -> memref<128x128xf32, #tpu.memory_space<vmem>>
    %dma_start3A_24 = arith.constant 0 : i32
    %dma_start3A_25 = tpu.memref_slice %arg8[%dma_start3A_18, %dma_start3A_24] : memref<80x128xi32, #tpu.memory_space<vmem>> -> memref<1x128xi32, #tpu.memory_space<vmem>>
    %dma_start3A_26 = tpu.memref_squeeze %dma_start3A_25 : memref<1x128xi32, #tpu.memory_space<vmem>> -> memref<128xi32, #tpu.memory_space<vmem>>
    %dma_start3A_27 = arith.constant 0 : i32
    %dma_start3A_28 = arith.constant 0 : i32
    %dma_start3A_29 = tpu.memref_slice %arg10[%dma_start3A_27, %dma_start3A_28] : memref<10112x128xf32, #tpu.memory_space<vmem_shared>> -> memref<10112x128xf32, #tpu.memory_space<vmem_shared>>
    tpu.enqueue_indirect_dma source(%dma_start3A_29 : memref<10112x128xf32, #tpu.memory_space<vmem_shared>>) target(%dma_start3A_23 : memref<128x128xf32, #tpu.memory_space<vmem>>) offsets(%dma_start3A_26 : memref<128xi32, #tpu.memory_space<vmem>>) semaphore(%arg12 : memref<!tpu.dma_semaphore, #tpu.memory_space<semaphore_mem>>)
    %scan3A = arith.constant 0 : i32
    %scan3A_30 = arith.constant 0 : i32
    %scan3A_31 = arith.constant 40 : i32
    %scan3A_32 = arith.addi %scan3A_30, %scan3A_31 : i32
    %scan3A_33 = arith.constant 1 : i32
    scf.for %scan3A_77 = %scan3A_30 to %scan3A_32 step %scan3A_33  : i32 {
      %mul3A_78 = arith.constant 2 : i32
      %mul3A_79 = arith.muli %mul3A_78, %scan3A_77 : i32
      %add3A_80 = arith.constant 0 : i32
      %add3A_81 = arith.addi %mul3A_79, %add3A_80 : i32
      %mul3A_82 = arith.constant 80 : i32
      %mul3A_83 = arith.muli %arg1, %mul3A_82 : i32
      %add3A_84 = arith.addi %mul3A_83, %add3A_81 : i32
      %mul3A_85 = arith.constant 128 : i32
      %mul3A_86 = arith.muli %add3A_84, %mul3A_85 : i32
      %dma_wait3A_87 = arith.constant 0 : i32
      %dma_wait3A_88 = arith.constant 0 : i32
      %dma_wait3A_89 = arith.constant 0 : i32
      %dma_wait3A_90 = tpu.memref_slice %arg9[%dma_wait3A_87, %dma_wait3A_88, %dma_wait3A_89] : memref<2x128x128xf32, #tpu.memory_space<vmem>> -> memref<1x128x128xf32, #tpu.memory_space<vmem>>
      %dma_wait3A_91 = tpu.memref_squeeze %dma_wait3A_90 : memref<1x128x128xf32, #tpu.memory_space<vmem>> -> memref<128x128xf32, #tpu.memory_space<vmem>>
      %dma_wait3A_92 = arith.constant 0 : i32
      %dma_wait3A_93 = tpu.memref_slice %arg8[%add3A_81, %dma_wait3A_92] : memref<80x128xi32, #tpu.memory_space<vmem>> -> memref<1x128xi32, #tpu.memory_space<vmem>>
      %dma_wait3A_94 = tpu.memref_squeeze %dma_wait3A_93 : memref<1x128xi32, #tpu.memory_space<vmem>> -> memref<128xi32, #tpu.memory_space<vmem>>
      %dma_wait3A_95 = arith.constant 0 : i32
      %dma_wait3A_96 = arith.constant 0 : i32
      %dma_wait3A_97 = tpu.memref_slice %arg10[%dma_wait3A_95, %dma_wait3A_96] : memref<10112x128xf32, #tpu.memory_space<vmem_shared>> -> memref<10112x128xf32, #tpu.memory_space<vmem_shared>>
      tpu.wait_indirect_dma semaphore(%arg11 : memref<!tpu.dma_semaphore, #tpu.memory_space<semaphore_mem>>) src(%dma_wait3A_97 : memref<10112x128xf32, #tpu.memory_space<vmem_shared>>) dst(%dma_wait3A_91 : memref<128x128xf32, #tpu.memory_space<vmem>>)
      %eq3A_98 = arith.constant 0 : i32
      %eq3A_99 = arith.cmpi eq, %arg0, %eq3A_98 : i32
      %convert_element_type3A_100 = arith.extui %eq3A_99 : i1 to i32
      %cond3A_101 = arith.constant 0 : i32
      %cond3A_102 = arith.cmpi ne, %convert_element_type3A_100, %cond3A_101 : i32
      scf.if %cond3A_102 {
        %dma_start3A_147 = arith.constant 0 : i32
        %dma_start3A_148 = arith.constant 0 : i32
        %dma_start3A_149 = arith.constant 0 : i32
        %dma_start3A_150 = tpu.memref_slice %arg9[%dma_start3A_147, %dma_start3A_148, %dma_start3A_149] : memref<2x128x128xf32, #tpu.memory_space<vmem>> -> memref<1x128x128xf32, #tpu.memory_space<vmem>>
        %dma_start3A_151 = tpu.memref_squeeze %dma_start3A_150 : memref<1x128x128xf32, #tpu.memory_space<vmem>> -> memref<128x128xf32, #tpu.memory_space<vmem>>
        %dma_start3A_152 = arith.constant 0 : i32
        %dma_start3A_153 = tpu.memref_slice %arg6[%mul3A_86, %dma_start3A_152] : memref<163840x128xf32, #tpu.memory_space<hbm>> -> memref<128x128xf32, #tpu.memory_space<hbm>>
        %dma_start3A_154 = arith.constant 0 : i32
        %dma_start3A_155 = tpu.memref_slice %arg6[%mul3A_86, %dma_start3A_154] : memref<163840x128xf32, #tpu.memory_space<hbm>> -> memref<128x128xf32, #tpu.memory_space<hbm>>
        %dma_start3A_156 = arith.constant 0 : i32
        %dma_start3A_157 = arith.constant 0 : i32
        %dma_start3A_158 = tpu.memref_slice %arg9[%dma_start3A_147, %dma_start3A_156, %dma_start3A_157] : memref<2x128x128xf32, #tpu.memory_space<vmem>> -> memref<1x128x128xf32, #tpu.memory_space<vmem>>
        %dma_start3A_159 = tpu.memref_squeeze %dma_start3A_158 : memref<1x128x128xf32, #tpu.memory_space<vmem>> -> memref<128x128xf32, #tpu.memory_space<vmem>>
        tpu.enqueue_dma source(%dma_start3A_159 : memref<128x128xf32, #tpu.memory_space<vmem>>) target(%dma_start3A_155 : memref<128x128xf32, #tpu.memory_space<hbm>>) target_semaphore(%arg13 : memref<!tpu.dma_semaphore, #tpu.memory_space<semaphore_mem>>)
      } else {
      }
      %eq3A_103 = arith.constant 1 : i32
      %eq3A_104 = arith.cmpi eq, %arg0, %eq3A_103 : i32
      %convert_element_type3A_105 = arith.extui %eq3A_104 : i1 to i32
      %cond3A_106 = arith.constant 0 : i32
      %cond3A_107 = arith.cmpi ne, %convert_element_type3A_105, %cond3A_106 : i32
      scf.if %cond3A_107 {
        %dma_start3A_147 = arith.constant 0 : i32
        %dma_start3A_148 = arith.constant 0 : i32
        %dma_start3A_149 = arith.constant 0 : i32
        %dma_start3A_150 = tpu.memref_slice %arg9[%dma_start3A_147, %dma_start3A_148, %dma_start3A_149] : memref<2x128x128xf32, #tpu.memory_space<vmem>> -> memref<1x128x128xf32, #tpu.memory_space<vmem>>
        %dma_start3A_151 = tpu.memref_squeeze %dma_start3A_150 : memref<1x128x128xf32, #tpu.memory_space<vmem>> -> memref<128x128xf32, #tpu.memory_space<vmem>>
        %dma_start3A_152 = arith.constant 0 : i32
        %dma_start3A_153 = tpu.memref_slice %arg7[%mul3A_86, %dma_start3A_152] : memref<163840x128xf32, #tpu.memory_space<hbm>> -> memref<128x128xf32, #tpu.memory_space<hbm>>
        %dma_start3A_154 = arith.constant 0 : i32
        %dma_start3A_155 = tpu.memref_slice %arg7[%mul3A_86, %dma_start3A_154] : memref<163840x128xf32, #tpu.memory_space<hbm>> -> memref<128x128xf32, #tpu.memory_space<hbm>>
        %dma_start3A_156 = arith.constant 0 : i32
        %dma_start3A_157 = arith.constant 0 : i32
        %dma_start3A_158 = tpu.memref_slice %arg9[%dma_start3A_147, %dma_start3A_156, %dma_start3A_157] : memref<2x128x128xf32, #tpu.memory_space<vmem>> -> memref<1x128x128xf32, #tpu.memory_space<vmem>>
        %dma_start3A_159 = tpu.memref_squeeze %dma_start3A_158 : memref<1x128x128xf32, #tpu.memory_space<vmem>> -> memref<128x128xf32, #tpu.memory_space<vmem>>
        tpu.enqueue_dma source(%dma_start3A_159 : memref<128x128xf32, #tpu.memory_space<vmem>>) target(%dma_start3A_155 : memref<128x128xf32, #tpu.memory_space<hbm>>) target_semaphore(%arg13 : memref<!tpu.dma_semaphore, #tpu.memory_space<semaphore_mem>>)
      } else {
      }
      %lt3A = arith.constant 39 : i32
      %lt3A_108 = arith.cmpi slt, %scan3A_77, %lt3A : i32
      %convert_element_type3A_109 = arith.extui %lt3A_108 : i1 to i32
      %cond3A_110 = arith.constant 0 : i32
      %cond3A_111 = arith.cmpi ne, %convert_element_type3A_109, %cond3A_110 : i32
      scf.if %cond3A_111 {
        %dma_wait3A_147 = arith.constant 0 : i32
        %dma_wait3A_148 = arith.constant 0 : i32
        %dma_wait3A_149 = arith.constant 0 : i32
        %dma_wait3A_150 = tpu.memref_slice %arg9[%dma_wait3A_147, %dma_wait3A_148, %dma_wait3A_149] : memref<2x128x128xf32, #tpu.memory_space<vmem>> -> memref<1x128x128xf32, #tpu.memory_space<vmem>>
        %dma_wait3A_151 = tpu.memref_squeeze %dma_wait3A_150 : memref<1x128x128xf32, #tpu.memory_space<vmem>> -> memref<128x128xf32, #tpu.memory_space<vmem>>
        %dma_wait3A_152 = arith.constant 0 : i32
        %dma_wait3A_153 = tpu.memref_slice %arg6[%mul3A_86, %dma_wait3A_152] : memref<163840x128xf32, #tpu.memory_space<hbm>> -> memref<128x128xf32, #tpu.memory_space<hbm>>
        %dma_wait3A_154 = arith.constant 0 : i32
        %dma_wait3A_155 = tpu.memref_slice %arg6[%mul3A_86, %dma_wait3A_154] : memref<163840x128xf32, #tpu.memory_space<hbm>> -> memref<128x128xf32, #tpu.memory_space<hbm>>
        %dma_wait3A_156 = arith.constant 0 : i32
        %dma_wait3A_157 = arith.constant 0 : i32
        %dma_wait3A_158 = tpu.memref_slice %arg9[%dma_wait3A_147, %dma_wait3A_156, %dma_wait3A_157] : memref<2x128x128xf32, #tpu.memory_space<vmem>> -> memref<1x128x128xf32, #tpu.memory_space<vmem>>
        %dma_wait3A_159 = tpu.memref_squeeze %dma_wait3A_158 : memref<1x128x128xf32, #tpu.memory_space<vmem>> -> memref<128x128xf32, #tpu.memory_space<vmem>>
        tpu.wait_dma2 semaphore(%arg13 : memref<!tpu.dma_semaphore, #tpu.memory_space<semaphore_mem>>) src(%dma_wait3A_159 : memref<128x128xf32, #tpu.memory_space<vmem>>) dst(%dma_wait3A_155 : memref<128x128xf32, #tpu.memory_space<hbm>>)
        %add3A_160 = arith.constant 2 : i32
        %add3A_161 = arith.addi %add3A_81, %add3A_160 : i32
        %dma_start3A_162 = arith.constant 0 : i32
        %dma_start3A_163 = arith.constant 0 : i32
        %dma_start3A_164 = arith.constant 0 : i32
        %dma_start3A_165 = tpu.memref_slice %arg9[%dma_start3A_162, %dma_start3A_163, %dma_start3A_164] : memref<2x128x128xf32, #tpu.memory_space<vmem>> -> memref<1x128x128xf32, #tpu.memory_space<vmem>>
        %dma_start3A_166 = tpu.memref_squeeze %dma_start3A_165 : memref<1x128x128xf32, #tpu.memory_space<vmem>> -> memref<128x128xf32, #tpu.memory_space<vmem>>
        %dma_start3A_167 = arith.constant 0 : i32
        %dma_start3A_168 = tpu.memref_slice %arg8[%add3A_161, %dma_start3A_167] : memref<80x128xi32, #tpu.memory_space<vmem>> -> memref<1x128xi32, #tpu.memory_space<vmem>>
        %dma_start3A_169 = tpu.memref_squeeze %dma_start3A_168 : memref<1x128xi32, #tpu.memory_space<vmem>> -> memref<128xi32, #tpu.memory_space<vmem>>
        %dma_start3A_170 = arith.constant 0 : i32
        %dma_start3A_171 = arith.constant 0 : i32
        %dma_start3A_172 = tpu.memref_slice %arg10[%dma_start3A_170, %dma_start3A_171] : memref<10112x128xf32, #tpu.memory_space<vmem_shared>> -> memref<10112x128xf32, #tpu.memory_space<vmem_shared>>
        tpu.enqueue_indirect_dma source(%dma_start3A_172 : memref<10112x128xf32, #tpu.memory_space<vmem_shared>>) target(%dma_start3A_166 : memref<128x128xf32, #tpu.memory_space<vmem>>) offsets(%dma_start3A_169 : memref<128xi32, #tpu.memory_space<vmem>>) semaphore(%arg11 : memref<!tpu.dma_semaphore, #tpu.memory_space<semaphore_mem>>)
      } else {
      }
      %mul3A_112 = arith.constant 2 : i32
      %mul3A_113 = arith.muli %mul3A_112, %scan3A_77 : i32
      %add3A_114 = arith.constant 1 : i32
      %add3A_115 = arith.addi %mul3A_113, %add3A_114 : i32
      %mul3A_116 = arith.constant 80 : i32
      %mul3A_117 = arith.muli %arg1, %mul3A_116 : i32
      %add3A_118 = arith.addi %mul3A_117, %add3A_115 : i32
      %mul3A_119 = arith.constant 128 : i32
      %mul3A_120 = arith.muli %add3A_118, %mul3A_119 : i32
      %dma_wait3A_121 = arith.constant 1 : i32
      %dma_wait3A_122 = arith.constant 0 : i32
      %dma_wait3A_123 = arith.constant 0 : i32
      %dma_wait3A_124 = tpu.memref_slice %arg9[%dma_wait3A_121, %dma_wait3A_122, %dma_wait3A_123] : memref<2x128x128xf32, #tpu.memory_space<vmem>> -> memref<1x128x128xf32, #tpu.memory_space<vmem>>
      %dma_wait3A_125 = tpu.memref_squeeze %dma_wait3A_124 : memref<1x128x128xf32, #tpu.memory_space<vmem>> -> memref<128x128xf32, #tpu.memory_space<vmem>>
      %dma_wait3A_126 = arith.constant 0 : i32
      %dma_wait3A_127 = tpu.memref_slice %arg8[%add3A_115, %dma_wait3A_126] : memref<80x128xi32, #tpu.memory_space<vmem>> -> memref<1x128xi32, #tpu.memory_space<vmem>>
      %dma_wait3A_128 = tpu.memref_squeeze %dma_wait3A_127 : memref<1x128xi32, #tpu.memory_space<vmem>> -> memref<128xi32, #tpu.memory_space<vmem>>
      %dma_wait3A_129 = arith.constant 0 : i32
      %dma_wait3A_130 = arith.constant 0 : i32
      %dma_wait3A_131 = tpu.memref_slice %arg10[%dma_wait3A_129, %dma_wait3A_130] : memref<10112x128xf32, #tpu.memory_space<vmem_shared>> -> memref<10112x128xf32, #tpu.memory_space<vmem_shared>>
      tpu.wait_indirect_dma semaphore(%arg12 : memref<!tpu.dma_semaphore, #tpu.memory_space<semaphore_mem>>) src(%dma_wait3A_131 : memref<10112x128xf32, #tpu.memory_space<vmem_shared>>) dst(%dma_wait3A_125 : memref<128x128xf32, #tpu.memory_space<vmem>>)
      %eq3A_132 = arith.constant 0 : i32
      %eq3A_133 = arith.cmpi eq, %arg0, %eq3A_132 : i32
      %convert_element_type3A_134 = arith.extui %eq3A_133 : i1 to i32
      %cond3A_135 = arith.constant 0 : i32
      %cond3A_136 = arith.cmpi ne, %convert_element_type3A_134, %cond3A_135 : i32
      scf.if %cond3A_136 {
        %dma_start3A_147 = arith.constant 1 : i32
        %dma_start3A_148 = arith.constant 0 : i32
        %dma_start3A_149 = arith.constant 0 : i32
        %dma_start3A_150 = tpu.memref_slice %arg9[%dma_start3A_147, %dma_start3A_148, %dma_start3A_149] : memref<2x128x128xf32, #tpu.memory_space<vmem>> -> memref<1x128x128xf32, #tpu.memory_space<vmem>>
        %dma_start3A_151 = tpu.memref_squeeze %dma_start3A_150 : memref<1x128x128xf32, #tpu.memory_space<vmem>> -> memref<128x128xf32, #tpu.memory_space<vmem>>
        %dma_start3A_152 = arith.constant 0 : i32
        %dma_start3A_153 = tpu.memref_slice %arg6[%mul3A_120, %dma_start3A_152] : memref<163840x128xf32, #tpu.memory_space<hbm>> -> memref<128x128xf32, #tpu.memory_space<hbm>>
        %dma_start3A_154 = arith.constant 0 : i32
        %dma_start3A_155 = tpu.memref_slice %arg6[%mul3A_120, %dma_start3A_154] : memref<163840x128xf32, #tpu.memory_space<hbm>> -> memref<128x128xf32, #tpu.memory_space<hbm>>
        %dma_start3A_156 = arith.constant 0 : i32
        %dma_start3A_157 = arith.constant 0 : i32
        %dma_start3A_158 = tpu.memref_slice %arg9[%dma_start3A_147, %dma_start3A_156, %dma_start3A_157] : memref<2x128x128xf32, #tpu.memory_space<vmem>> -> memref<1x128x128xf32, #tpu.memory_space<vmem>>
        %dma_start3A_159 = tpu.memref_squeeze %dma_start3A_158 : memref<1x128x128xf32, #tpu.memory_space<vmem>> -> memref<128x128xf32, #tpu.memory_space<vmem>>
        tpu.enqueue_dma source(%dma_start3A_159 : memref<128x128xf32, #tpu.memory_space<vmem>>) target(%dma_start3A_155 : memref<128x128xf32, #tpu.memory_space<hbm>>) target_semaphore(%arg14 : memref<!tpu.dma_semaphore, #tpu.memory_space<semaphore_mem>>)
      } else {
      }
      %eq3A_137 = arith.constant 1 : i32
      %eq3A_138 = arith.cmpi eq, %arg0, %eq3A_137 : i32
      %convert_element_type3A_139 = arith.extui %eq3A_138 : i1 to i32
      %cond3A_140 = arith.constant 0 : i32
      %cond3A_141 = arith.cmpi ne, %convert_element_type3A_139, %cond3A_140 : i32
      scf.if %cond3A_141 {
        %dma_start3A_147 = arith.constant 1 : i32
        %dma_start3A_148 = arith.constant 0 : i32
        %dma_start3A_149 = arith.constant 0 : i32
        %dma_start3A_150 = tpu.memref_slice %arg9[%dma_start3A_147, %dma_start3A_148, %dma_start3A_149] : memref<2x128x128xf32, #tpu.memory_space<vmem>> -> memref<1x128x128xf32, #tpu.memory_space<vmem>>
        %dma_start3A_151 = tpu.memref_squeeze %dma_start3A_150 : memref<1x128x128xf32, #tpu.memory_space<vmem>> -> memref<128x128xf32, #tpu.memory_space<vmem>>
        %dma_start3A_152 = arith.constant 0 : i32
        %dma_start3A_153 = tpu.memref_slice %arg7[%mul3A_120, %dma_start3A_152] : memref<163840x128xf32, #tpu.memory_space<hbm>> -> memref<128x128xf32, #tpu.memory_space<hbm>>
        %dma_start3A_154 = arith.constant 0 : i32
        %dma_start3A_155 = tpu.memref_slice %arg7[%mul3A_120, %dma_start3A_154] : memref<163840x128xf32, #tpu.memory_space<hbm>> -> memref<128x128xf32, #tpu.memory_space<hbm>>
        %dma_start3A_156 = arith.constant 0 : i32
        %dma_start3A_157 = arith.constant 0 : i32
        %dma_start3A_158 = tpu.memref_slice %arg9[%dma_start3A_147, %dma_start3A_156, %dma_start3A_157] : memref<2x128x128xf32, #tpu.memory_space<vmem>> -> memref<1x128x128xf32, #tpu.memory_space<vmem>>
        %dma_start3A_159 = tpu.memref_squeeze %dma_start3A_158 : memref<1x128x128xf32, #tpu.memory_space<vmem>> -> memref<128x128xf32, #tpu.memory_space<vmem>>
        tpu.enqueue_dma source(%dma_start3A_159 : memref<128x128xf32, #tpu.memory_space<vmem>>) target(%dma_start3A_155 : memref<128x128xf32, #tpu.memory_space<hbm>>) target_semaphore(%arg14 : memref<!tpu.dma_semaphore, #tpu.memory_space<semaphore_mem>>)
      } else {
      }
      %lt3A_142 = arith.constant 39 : i32
      %lt3A_143 = arith.cmpi slt, %scan3A_77, %lt3A_142 : i32
      %convert_element_type3A_144 = arith.extui %lt3A_143 : i1 to i32
      %cond3A_145 = arith.constant 0 : i32
      %cond3A_146 = arith.cmpi ne, %convert_element_type3A_144, %cond3A_145 : i32
      scf.if %cond3A_146 {
        %dma_wait3A_147 = arith.constant 1 : i32
        %dma_wait3A_148 = arith.constant 0 : i32
        %dma_wait3A_149 = arith.constant 0 : i32
        %dma_wait3A_150 = tpu.memref_slice %arg9[%dma_wait3A_147, %dma_wait3A_148, %dma_wait3A_149] : memref<2x128x128xf32, #tpu.memory_space<vmem>> -> memref<1x128x128xf32, #tpu.memory_space<vmem>>
        %dma_wait3A_151 = tpu.memref_squeeze %dma_wait3A_150 : memref<1x128x128xf32, #tpu.memory_space<vmem>> -> memref<128x128xf32, #tpu.memory_space<vmem>>
        %dma_wait3A_152 = arith.constant 0 : i32
        %dma_wait3A_153 = tpu.memref_slice %arg6[%mul3A_120, %dma_wait3A_152] : memref<163840x128xf32, #tpu.memory_space<hbm>> -> memref<128x128xf32, #tpu.memory_space<hbm>>
        %dma_wait3A_154 = arith.constant 0 : i32
        %dma_wait3A_155 = tpu.memref_slice %arg6[%mul3A_120, %dma_wait3A_154] : memref<163840x128xf32, #tpu.memory_space<hbm>> -> memref<128x128xf32, #tpu.memory_space<hbm>>
        %dma_wait3A_156 = arith.constant 0 : i32
        %dma_wait3A_157 = arith.constant 0 : i32
        %dma_wait3A_158 = tpu.memref_slice %arg9[%dma_wait3A_147, %dma_wait3A_156, %dma_wait3A_157] : memref<2x128x128xf32, #tpu.memory_space<vmem>> -> memref<1x128x128xf32, #tpu.memory_space<vmem>>
        %dma_wait3A_159 = tpu.memref_squeeze %dma_wait3A_158 : memref<1x128x128xf32, #tpu.memory_space<vmem>> -> memref<128x128xf32, #tpu.memory_space<vmem>>
        tpu.wait_dma2 semaphore(%arg14 : memref<!tpu.dma_semaphore, #tpu.memory_space<semaphore_mem>>) src(%dma_wait3A_159 : memref<128x128xf32, #tpu.memory_space<vmem>>) dst(%dma_wait3A_155 : memref<128x128xf32, #tpu.memory_space<hbm>>)
        %add3A_160 = arith.constant 2 : i32
        %add3A_161 = arith.addi %add3A_115, %add3A_160 : i32
        %dma_start3A_162 = arith.constant 1 : i32
        %dma_start3A_163 = arith.constant 0 : i32
        %dma_start3A_164 = arith.constant 0 : i32
        %dma_start3A_165 = tpu.memref_slice %arg9[%dma_start3A_162, %dma_start3A_163, %dma_start3A_164] : memref<2x128x128xf32, #tpu.memory_space<vmem>> -> memref<1x128x128xf32, #tpu.memory_space<vmem>>
        %dma_start3A_166 = tpu.memref_squeeze %dma_start3A_165 : memref<1x128x128xf32, #tpu.memory_space<vmem>> -> memref<128x128xf32, #tpu.memory_space<vmem>>
        %dma_start3A_167 = arith.constant 0 : i32
        %dma_start3A_168 = tpu.memref_slice %arg8[%add3A_161, %dma_start3A_167] : memref<80x128xi32, #tpu.memory_space<vmem>> -> memref<1x128xi32, #tpu.memory_space<vmem>>
        %dma_start3A_169 = tpu.memref_squeeze %dma_start3A_168 : memref<1x128xi32, #tpu.memory_space<vmem>> -> memref<128xi32, #tpu.memory_space<vmem>>
        %dma_start3A_170 = arith.constant 0 : i32
        %dma_start3A_171 = arith.constant 0 : i32
        %dma_start3A_172 = tpu.memref_slice %arg10[%dma_start3A_170, %dma_start3A_171] : memref<10112x128xf32, #tpu.memory_space<vmem_shared>> -> memref<10112x128xf32, #tpu.memory_space<vmem_shared>>
        tpu.enqueue_indirect_dma source(%dma_start3A_172 : memref<10112x128xf32, #tpu.memory_space<vmem_shared>>) target(%dma_start3A_166 : memref<128x128xf32, #tpu.memory_space<vmem>>) offsets(%dma_start3A_169 : memref<128xi32, #tpu.memory_space<vmem>>) semaphore(%arg12 : memref<!tpu.dma_semaphore, #tpu.memory_space<semaphore_mem>>)
      } else {
      }
    }
    %scan3A_34 = arith.constant 40 : i32
    %mul3A = arith.constant 80 : i32
    %mul3A_35 = arith.muli %arg1, %mul3A : i32
    %add3A = arith.constant 80 : i32
    %add3A_36 = arith.addi %mul3A_35, %add3A : i32
    %sub3A = arith.constant 2 : i32
    %sub3A_37 = arith.subi %add3A_36, %sub3A : i32
    %add3A_38 = arith.constant 0 : i32
    %add3A_39 = arith.addi %sub3A_37, %add3A_38 : i32
    %mul3A_40 = arith.constant 128 : i32
    %mul3A_41 = arith.muli %add3A_39, %mul3A_40 : i32
    %dma_wait3A = arith.constant 0 : i32
    %dma_wait3A_42 = arith.constant 0 : i32
    %dma_wait3A_43 = arith.constant 0 : i32
    %dma_wait3A_44 = tpu.memref_slice %arg9[%dma_wait3A, %dma_wait3A_42, %dma_wait3A_43] : memref<2x128x128xf32, #tpu.memory_space<vmem>> -> memref<1x128x128xf32, #tpu.memory_space<vmem>>
    %dma_wait3A_45 = tpu.memref_squeeze %dma_wait3A_44 : memref<1x128x128xf32, #tpu.memory_space<vmem>> -> memref<128x128xf32, #tpu.memory_space<vmem>>
    %dma_wait3A_46 = arith.constant 0 : i32
    %dma_wait3A_47 = tpu.memref_slice %arg6[%mul3A_41, %dma_wait3A_46] : memref<163840x128xf32, #tpu.memory_space<hbm>> -> memref<128x128xf32, #tpu.memory_space<hbm>>
    %dma_wait3A_48 = arith.constant 0 : i32
    %dma_wait3A_49 = tpu.memref_slice %arg6[%mul3A_41, %dma_wait3A_48] : memref<163840x128xf32, #tpu.memory_space<hbm>> -> memref<128x128xf32, #tpu.memory_space<hbm>>
    %dma_wait3A_50 = arith.constant 0 : i32
    %dma_wait3A_51 = arith.constant 0 : i32
    %dma_wait3A_52 = tpu.memref_slice %arg9[%dma_wait3A, %dma_wait3A_50, %dma_wait3A_51] : memref<2x128x128xf32, #tpu.memory_space<vmem>> -> memref<1x128x128xf32, #tpu.memory_space<vmem>>
    %dma_wait3A_53 = tpu.memref_squeeze %dma_wait3A_52 : memref<1x128x128xf32, #tpu.memory_space<vmem>> -> memref<128x128xf32, #tpu.memory_space<vmem>>
    tpu.wait_dma2 semaphore(%arg13 : memref<!tpu.dma_semaphore, #tpu.memory_space<semaphore_mem>>) src(%dma_wait3A_53 : memref<128x128xf32, #tpu.memory_space<vmem>>) dst(%dma_wait3A_49 : memref<128x128xf32, #tpu.memory_space<hbm>>)
    %mul3A_54 = arith.constant 80 : i32
    %mul3A_55 = arith.muli %arg1, %mul3A_54 : i32
    %add3A_56 = arith.constant 80 : i32
    %add3A_57 = arith.addi %mul3A_55, %add3A_56 : i32
    %sub3A_58 = arith.constant 2 : i32
    %sub3A_59 = arith.subi %add3A_57, %sub3A_58 : i32
    %add3A_60 = arith.constant 1 : i32
    %add3A_61 = arith.addi %sub3A_59, %add3A_60 : i32
    %mul3A_62 = arith.constant 128 : i32
    %mul3A_63 = arith.muli %add3A_61, %mul3A_62 : i32
    %dma_wait3A_64 = arith.constant 1 : i32
    %dma_wait3A_65 = arith.constant 0 : i32
    %dma_wait3A_66 = arith.constant 0 : i32
    %dma_wait3A_67 = tpu.memref_slice %arg9[%dma_wait3A_64, %dma_wait3A_65, %dma_wait3A_66] : memref<2x128x128xf32, #tpu.memory_space<vmem>> -> memref<1x128x128xf32, #tpu.memory_space<vmem>>
    %dma_wait3A_68 = tpu.memref_squeeze %dma_wait3A_67 : memref<1x128x128xf32, #tpu.memory_space<vmem>> -> memref<128x128xf32, #tpu.memory_space<vmem>>
    %dma_wait3A_69 = arith.constant 0 : i32
    %dma_wait3A_70 = tpu.memref_slice %arg6[%mul3A_63, %dma_wait3A_69] : memref<163840x128xf32, #tpu.memory_space<hbm>> -> memref<128x128xf32, #tpu.memory_space<hbm>>
    %dma_wait3A_71 = arith.constant 0 : i32
    %dma_wait3A_72 = tpu.memref_slice %arg6[%mul3A_63, %dma_wait3A_71] : memref<163840x128xf32, #tpu.memory_space<hbm>> -> memref<128x128xf32, #tpu.memory_space<hbm>>
    %dma_wait3A_73 = arith.constant 0 : i32
    %dma_wait3A_74 = arith.constant 0 : i32
    %dma_wait3A_75 = tpu.memref_slice %arg9[%dma_wait3A_64, %dma_wait3A_73, %dma_wait3A_74] : memref<2x128x128xf32, #tpu.memory_space<vmem>> -> memref<1x128x128xf32, #tpu.memory_space<vmem>>
    %dma_wait3A_76 = tpu.memref_squeeze %dma_wait3A_75 : memref<1x128x128xf32, #tpu.memory_space<vmem>> -> memref<128x128xf32, #tpu.memory_space<vmem>>
    tpu.wait_dma2 semaphore(%arg14 : memref<!tpu.dma_semaphore, #tpu.memory_space<semaphore_mem>>) src(%dma_wait3A_76 : memref<128x128xf32, #tpu.memory_space<vmem>>) dst(%dma_wait3A_72 : memref<128x128xf32, #tpu.memory_space<hbm>>)
    return
  }
}

#map = affine_map<(d0, d1) -> (0, 0)>
#map1 = affine_map<(d0, d1) -> (0, 0, 0)>
module attributes {stable_mosaic.version = 14 : i64} {
  func.func @sc_gather_spmem(%arg0: i32, %arg1: i32, %arg2: memref<10112x128xf32, #tpu.memory_space<hbm>>, %arg3: memref<10112x128xf32, #tpu.memory_space<hbm>>, %arg4: memref<16x80x128xi32, #tpu.memory_space<hbm>>, %arg5: memref<16x80x128xi32, #tpu.memory_space<hbm>>, %arg6: memref<163840x128xf32, #tpu.memory_space<hbm>>, %arg7: memref<163840x128xf32, #tpu.memory_space<hbm>>, %arg8: memref<80x128xi32, #tpu.memory_space<vmem>>, %arg9: memref<2x128x128xf32, #tpu.memory_space<vmem>>, %arg10: memref<10112x128xf32, #tpu.memory_space<vmem_shared>>, %arg11: memref<!tpu.dma_semaphore, #tpu.memory_space<semaphore_mem>>, %arg12: memref<!tpu.dma_semaphore, #tpu.memory_space<semaphore_mem>>, %arg13: memref<!tpu.dma_semaphore, #tpu.memory_space<semaphore_mem>>, %arg14: memref<!tpu.dma_semaphore, #tpu.memory_space<semaphore_mem>>) attributes {dimension_semantics = [#tpu.dimension_semantics<core_parallel>, #tpu.dimension_semantics<subcore_parallel>], iteration_bounds = array<i64: 2, 16>, scalar_prefetch = 0 : i64, scratch_operands = 7 : i64, tpu.core_type = #tpu.core_type<sc_vector_subcore>, window_params = [{transform_indices = #map}, {transform_indices = #map}, {transform_indices = #map1}, {transform_indices = #map1}, {transform_indices = #map}, {transform_indices = #map}]} {
    %eq3A = arith.constant 0 : i32
    %eq3A_0 = arith.cmpi eq, %arg0, %eq3A : i32
    %convert_element_type3A = arith.extui %eq3A_0 : i1 to i32
    %cond3A = arith.constant 0 : i32
    %cond3A_1 = arith.cmpi ne, %convert_element_type3A, %cond3A : i32
    scf.if %cond3A_1 {
      %mul3A_77 = arith.constant 632 : i32
      %mul3A_78 = arith.muli %arg1, %mul3A_77 : i32
      %mul3A_79 = arith.constant 632 : i32
      %mul3A_80 = arith.muli %arg1, %mul3A_79 : i32
      "tpu.region"() ({
        %run_scoped3A = tpu.sem_alloc : memref<!tpu.dma_semaphore, #tpu.memory_space<semaphore_mem>>
        %dma_start3A_81 = arith.constant 0 : i32
        %dma_start3A_82 = tpu.memref_slice %arg10[%mul3A_80, %dma_start3A_81] : memref<10112x128xf32, #tpu.memory_space<vmem_shared>> -> memref<632x128xf32, #tpu.memory_space<vmem_shared>>
        %dma_start3A_83 = arith.constant 0 : i32
        %dma_start3A_84 = tpu.memref_slice %arg2[%mul3A_78, %dma_start3A_83] : memref<10112x128xf32, #tpu.memory_space<hbm>> -> memref<632x128xf32, #tpu.memory_space<hbm>>
        tpu.enqueue_dma source(%dma_start3A_84 : memref<632x128xf32, #tpu.memory_space<hbm>>) target(%dma_start3A_82 : memref<632x128xf32, #tpu.memory_space<vmem_shared>>) target_semaphore(%run_scoped3A : memref<!tpu.dma_semaphore, #tpu.memory_space<semaphore_mem>>)
        %dma_wait3A_85 = arith.constant 0 : i32
        %dma_wait3A_86 = tpu.memref_slice %arg10[%mul3A_80, %dma_wait3A_85] : memref<10112x128xf32, #tpu.memory_space<vmem_shared>> -> memref<632x128xf32, #tpu.memory_space<vmem_shared>>
        %dma_wait3A_87 = arith.constant 0 : i32
        %dma_wait3A_88 = tpu.memref_slice %arg2[%mul3A_78, %dma_wait3A_87] : memref<10112x128xf32, #tpu.memory_space<hbm>> -> memref<632x128xf32, #tpu.memory_space<hbm>>
        tpu.wait_dma2 semaphore(%run_scoped3A : memref<!tpu.dma_semaphore, #tpu.memory_space<semaphore_mem>>) src(%dma_wait3A_88 : memref<632x128xf32, #tpu.memory_space<hbm>>) dst(%dma_wait3A_86 : memref<632x128xf32, #tpu.memory_space<vmem_shared>>)
        tpu.yield
      }) : () -> ()
      "tpu.region"() ({
        %run_scoped3A = tpu.sem_alloc : memref<!tpu.dma_semaphore, #tpu.memory_space<semaphore_mem>>
        %dma_start3A_81 = arith.constant 0 : i32
        %dma_start3A_82 = arith.constant 0 : i32
        %dma_start3A_83 = tpu.memref_slice %arg4[%arg1, %dma_start3A_81, %dma_start3A_82] : memref<16x80x128xi32, #tpu.memory_space<hbm>> -> memref<1x80x128xi32, #tpu.memory_space<hbm>>
        %dma_start3A_84 = tpu.memref_squeeze %dma_start3A_83 : memref<1x80x128xi32, #tpu.memory_space<hbm>> -> memref<80x128xi32, #tpu.memory_space<hbm>>
        %dma_start3A_85 = arith.constant 0 : i32
        %dma_start3A_86 = arith.constant 0 : i32
        %dma_start3A_87 = tpu.memref_slice %arg4[%arg1, %dma_start3A_85, %dma_start3A_86] : memref<16x80x128xi32, #tpu.memory_space<hbm>> -> memref<1x80x128xi32, #tpu.memory_space<hbm>>
        %dma_start3A_88 = tpu.memref_squeeze %dma_start3A_87 : memref<1x80x128xi32, #tpu.memory_space<hbm>> -> memref<80x128xi32, #tpu.memory_space<hbm>>
        tpu.enqueue_dma source(%dma_start3A_88 : memref<80x128xi32, #tpu.memory_space<hbm>>) target(%arg8 : memref<80x128xi32, #tpu.memory_space<vmem>>) target_semaphore(%run_scoped3A : memref<!tpu.dma_semaphore, #tpu.memory_space<semaphore_mem>>)
        %dma_wait3A_89 = arith.constant 0 : i32
        %dma_wait3A_90 = arith.constant 0 : i32
        %dma_wait3A_91 = tpu.memref_slice %arg4[%arg1, %dma_wait3A_89, %dma_wait3A_90] : memref<16x80x128xi32, #tpu.memory_space<hbm>> -> memref<1x80x128xi32, #tpu.memory_space<hbm>>
        %dma_wait3A_92 = tpu.memref_squeeze %dma_wait3A_91 : memref<1x80x128xi32, #tpu.memory_space<hbm>> -> memref<80x128xi32, #tpu.memory_space<hbm>>
        %dma_wait3A_93 = arith.constant 0 : i32
        %dma_wait3A_94 = arith.constant 0 : i32
        %dma_wait3A_95 = tpu.memref_slice %arg4[%arg1, %dma_wait3A_93, %dma_wait3A_94] : memref<16x80x128xi32, #tpu.memory_space<hbm>> -> memref<1x80x128xi32, #tpu.memory_space<hbm>>
        %dma_wait3A_96 = tpu.memref_squeeze %dma_wait3A_95 : memref<1x80x128xi32, #tpu.memory_space<hbm>> -> memref<80x128xi32, #tpu.memory_space<hbm>>
        tpu.wait_dma2 semaphore(%run_scoped3A : memref<!tpu.dma_semaphore, #tpu.memory_space<semaphore_mem>>) src(%dma_wait3A_96 : memref<80x128xi32, #tpu.memory_space<hbm>>) dst(%arg8 : memref<80x128xi32, #tpu.memory_space<vmem>>)
        tpu.yield
      }) : () -> ()
    } else {
    }
    %eq3A_2 = arith.constant 1 : i32
    %eq3A_3 = arith.cmpi eq, %arg0, %eq3A_2 : i32
    %convert_element_type3A_4 = arith.extui %eq3A_3 : i1 to i32
    %cond3A_5 = arith.constant 0 : i32
    %cond3A_6 = arith.cmpi ne, %convert_element_type3A_4, %cond3A_5 : i32
    scf.if %cond3A_6 {
      %mul3A_77 = arith.constant 632 : i32
      %mul3A_78 = arith.muli %arg1, %mul3A_77 : i32
      %mul3A_79 = arith.constant 632 : i32
      %mul3A_80 = arith.muli %arg1, %mul3A_79 : i32
      "tpu.region"() ({
        %run_scoped3A = tpu.sem_alloc : memref<!tpu.dma_semaphore, #tpu.memory_space<semaphore_mem>>
        %dma_start3A_81 = arith.constant 0 : i32
        %dma_start3A_82 = tpu.memref_slice %arg10[%mul3A_80, %dma_start3A_81] : memref<10112x128xf32, #tpu.memory_space<vmem_shared>> -> memref<632x128xf32, #tpu.memory_space<vmem_shared>>
        %dma_start3A_83 = arith.constant 0 : i32
        %dma_start3A_84 = tpu.memref_slice %arg3[%mul3A_78, %dma_start3A_83] : memref<10112x128xf32, #tpu.memory_space<hbm>> -> memref<632x128xf32, #tpu.memory_space<hbm>>
        tpu.enqueue_dma source(%dma_start3A_84 : memref<632x128xf32, #tpu.memory_space<hbm>>) target(%dma_start3A_82 : memref<632x128xf32, #tpu.memory_space<vmem_shared>>) target_semaphore(%run_scoped3A : memref<!tpu.dma_semaphore, #tpu.memory_space<semaphore_mem>>)
        %dma_wait3A_85 = arith.constant 0 : i32
        %dma_wait3A_86 = tpu.memref_slice %arg10[%mul3A_80, %dma_wait3A_85] : memref<10112x128xf32, #tpu.memory_space<vmem_shared>> -> memref<632x128xf32, #tpu.memory_space<vmem_shared>>
        %dma_wait3A_87 = arith.constant 0 : i32
        %dma_wait3A_88 = tpu.memref_slice %arg3[%mul3A_78, %dma_wait3A_87] : memref<10112x128xf32, #tpu.memory_space<hbm>> -> memref<632x128xf32, #tpu.memory_space<hbm>>
        tpu.wait_dma2 semaphore(%run_scoped3A : memref<!tpu.dma_semaphore, #tpu.memory_space<semaphore_mem>>) src(%dma_wait3A_88 : memref<632x128xf32, #tpu.memory_space<hbm>>) dst(%dma_wait3A_86 : memref<632x128xf32, #tpu.memory_space<vmem_shared>>)
        tpu.yield
      }) : () -> ()
      "tpu.region"() ({
        %run_scoped3A = tpu.sem_alloc : memref<!tpu.dma_semaphore, #tpu.memory_space<semaphore_mem>>
        %dma_start3A_81 = arith.constant 0 : i32
        %dma_start3A_82 = arith.constant 0 : i32
        %dma_start3A_83 = tpu.memref_slice %arg5[%arg1, %dma_start3A_81, %dma_start3A_82] : memref<16x80x128xi32, #tpu.memory_space<hbm>> -> memref<1x80x128xi32, #tpu.memory_space<hbm>>
        %dma_start3A_84 = tpu.memref_squeeze %dma_start3A_83 : memref<1x80x128xi32, #tpu.memory_space<hbm>> -> memref<80x128xi32, #tpu.memory_space<hbm>>
        %dma_start3A_85 = arith.constant 0 : i32
        %dma_start3A_86 = arith.constant 0 : i32
        %dma_start3A_87 = tpu.memref_slice %arg5[%arg1, %dma_start3A_85, %dma_start3A_86] : memref<16x80x128xi32, #tpu.memory_space<hbm>> -> memref<1x80x128xi32, #tpu.memory_space<hbm>>
        %dma_start3A_88 = tpu.memref_squeeze %dma_start3A_87 : memref<1x80x128xi32, #tpu.memory_space<hbm>> -> memref<80x128xi32, #tpu.memory_space<hbm>>
        tpu.enqueue_dma source(%dma_start3A_88 : memref<80x128xi32, #tpu.memory_space<hbm>>) target(%arg8 : memref<80x128xi32, #tpu.memory_space<vmem>>) target_semaphore(%run_scoped3A : memref<!tpu.dma_semaphore, #tpu.memory_space<semaphore_mem>>)
        %dma_wait3A_89 = arith.constant 0 : i32
        %dma_wait3A_90 = arith.constant 0 : i32
        %dma_wait3A_91 = tpu.memref_slice %arg5[%arg1, %dma_wait3A_89, %dma_wait3A_90] : memref<16x80x128xi32, #tpu.memory_space<hbm>> -> memref<1x80x128xi32, #tpu.memory_space<hbm>>
        %dma_wait3A_92 = tpu.memref_squeeze %dma_wait3A_91 : memref<1x80x128xi32, #tpu.memory_space<hbm>> -> memref<80x128xi32, #tpu.memory_space<hbm>>
        %dma_wait3A_93 = arith.constant 0 : i32
        %dma_wait3A_94 = arith.constant 0 : i32
        %dma_wait3A_95 = tpu.memref_slice %arg5[%arg1, %dma_wait3A_93, %dma_wait3A_94] : memref<16x80x128xi32, #tpu.memory_space<hbm>> -> memref<1x80x128xi32, #tpu.memory_space<hbm>>
        %dma_wait3A_96 = tpu.memref_squeeze %dma_wait3A_95 : memref<1x80x128xi32, #tpu.memory_space<hbm>> -> memref<80x128xi32, #tpu.memory_space<hbm>>
        tpu.wait_dma2 semaphore(%run_scoped3A : memref<!tpu.dma_semaphore, #tpu.memory_space<semaphore_mem>>) src(%dma_wait3A_96 : memref<80x128xi32, #tpu.memory_space<hbm>>) dst(%arg8 : memref<80x128xi32, #tpu.memory_space<vmem>>)
        tpu.yield
      }) : () -> ()
    } else {
    }
    %barrier3A = arith.constant 0 : index
    tpu.barrier barrier_id(%barrier3A)
    %dma_start3A = arith.constant 0 : i32
    %dma_start3A_7 = arith.constant 0 : i32
    %dma_start3A_8 = arith.constant 0 : i32
    %dma_start3A_9 = arith.constant 0 : i32
    %dma_start3A_10 = tpu.memref_slice %arg9[%dma_start3A_7, %dma_start3A_8, %dma_start3A_9] : memref<2x128x128xf32, #tpu.memory_space<vmem>> -> memref<1x128x128xf32, #tpu.memory_space<vmem>>
    %dma_start3A_11 = tpu.memref_squeeze %dma_start3A_10 : memref<1x128x128xf32, #tpu.memory_space<vmem>> -> memref<128x128xf32, #tpu.memory_space<vmem>>
    %dma_start3A_12 = arith.constant 0 : i32
    %dma_start3A_13 = tpu.memref_slice %arg8[%dma_start3A, %dma_start3A_12] : memref<80x128xi32, #tpu.memory_space<vmem>> -> memref<1x128xi32, #tpu.memory_space<vmem>>
    %dma_start3A_14 = tpu.memref_squeeze %dma_start3A_13 : memref<1x128xi32, #tpu.memory_space<vmem>> -> memref<128xi32, #tpu.memory_space<vmem>>
    %dma_start3A_15 = arith.constant 0 : i32
    %dma_start3A_16 = arith.constant 0 : i32
    %dma_start3A_17 = tpu.memref_slice %arg10[%dma_start3A_15, %dma_start3A_16] : memref<10112x128xf32, #tpu.memory_space<vmem_shared>> -> memref<10112x128xf32, #tpu.memory_space<vmem_shared>>
    tpu.enqueue_indirect_dma source(%dma_start3A_17 : memref<10112x128xf32, #tpu.memory_space<vmem_shared>>) target(%dma_start3A_11 : memref<128x128xf32, #tpu.memory_space<vmem>>) offsets(%dma_start3A_14 : memref<128xi32, #tpu.memory_space<vmem>>) semaphore(%arg11 : memref<!tpu.dma_semaphore, #tpu.memory_space<semaphore_mem>>)
    %dma_start3A_18 = arith.constant 1 : i32
    %dma_start3A_19 = arith.constant 1 : i32
    %dma_start3A_20 = arith.constant 0 : i32
    %dma_start3A_21 = arith.constant 0 : i32
    %dma_start3A_22 = tpu.memref_slice %arg9[%dma_start3A_19, %dma_start3A_20, %dma_start3A_21] : memref<2x128x128xf32, #tpu.memory_space<vmem>> -> memref<1x128x128xf32, #tpu.memory_space<vmem>>
    %dma_start3A_23 = tpu.memref_squeeze %dma_start3A_22 : memref<1x128x128xf32, #tpu.memory_space<vmem>> -> memref<128x128xf32, #tpu.memory_space<vmem>>
    %dma_start3A_24 = arith.constant 0 : i32
    %dma_start3A_25 = tpu.memref_slice %arg8[%dma_start3A_18, %dma_start3A_24] : memref<80x128xi32, #tpu.memory_space<vmem>> -> memref<1x128xi32, #tpu.memory_space<vmem>>
    %dma_start3A_26 = tpu.memref_squeeze %dma_start3A_25 : memref<1x128xi32, #tpu.memory_space<vmem>> -> memref<128xi32, #tpu.memory_space<vmem>>
    %dma_start3A_27 = arith.constant 0 : i32
    %dma_start3A_28 = arith.constant 0 : i32
    %dma_start3A_29 = tpu.memref_slice %arg10[%dma_start3A_27, %dma_start3A_28] : memref<10112x128xf32, #tpu.memory_space<vmem_shared>> -> memref<10112x128xf32, #tpu.memory_space<vmem_shared>>
    tpu.enqueue_indirect_dma source(%dma_start3A_29 : memref<10112x128xf32, #tpu.memory_space<vmem_shared>>) target(%dma_start3A_23 : memref<128x128xf32, #tpu.memory_space<vmem>>) offsets(%dma_start3A_26 : memref<128xi32, #tpu.memory_space<vmem>>) semaphore(%arg12 : memref<!tpu.dma_semaphore, #tpu.memory_space<semaphore_mem>>)
    %scan3A = arith.constant 0 : i32
    %scan3A_30 = arith.constant 0 : i32
    %scan3A_31 = arith.constant 40 : i32
    %scan3A_32 = arith.addi %scan3A_30, %scan3A_31 : i32
    %scan3A_33 = arith.constant 1 : i32
    scf.for %scan3A_77 = %scan3A_30 to %scan3A_32 step %scan3A_33  : i32 {
      %mul3A_78 = arith.constant 2 : i32
      %mul3A_79 = arith.muli %mul3A_78, %scan3A_77 : i32
      %add3A_80 = arith.constant 0 : i32
      %add3A_81 = arith.addi %mul3A_79, %add3A_80 : i32
      %mul3A_82 = arith.constant 80 : i32
      %mul3A_83 = arith.muli %arg1, %mul3A_82 : i32
      %add3A_84 = arith.addi %mul3A_83, %add3A_81 : i32
      %mul3A_85 = arith.constant 128 : i32
      %mul3A_86 = arith.muli %add3A_84, %mul3A_85 : i32
      %dma_wait3A_87 = arith.constant 0 : i32
      %dma_wait3A_88 = arith.constant 0 : i32
      %dma_wait3A_89 = arith.constant 0 : i32
      %dma_wait3A_90 = tpu.memref_slice %arg9[%dma_wait3A_87, %dma_wait3A_88, %dma_wait3A_89] : memref<2x128x128xf32, #tpu.memory_space<vmem>> -> memref<1x128x128xf32, #tpu.memory_space<vmem>>
      %dma_wait3A_91 = tpu.memref_squeeze %dma_wait3A_90 : memref<1x128x128xf32, #tpu.memory_space<vmem>> -> memref<128x128xf32, #tpu.memory_space<vmem>>
      %dma_wait3A_92 = arith.constant 0 : i32
      %dma_wait3A_93 = tpu.memref_slice %arg8[%add3A_81, %dma_wait3A_92] : memref<80x128xi32, #tpu.memory_space<vmem>> -> memref<1x128xi32, #tpu.memory_space<vmem>>
      %dma_wait3A_94 = tpu.memref_squeeze %dma_wait3A_93 : memref<1x128xi32, #tpu.memory_space<vmem>> -> memref<128xi32, #tpu.memory_space<vmem>>
      %dma_wait3A_95 = arith.constant 0 : i32
      %dma_wait3A_96 = arith.constant 0 : i32
      %dma_wait3A_97 = tpu.memref_slice %arg10[%dma_wait3A_95, %dma_wait3A_96] : memref<10112x128xf32, #tpu.memory_space<vmem_shared>> -> memref<10112x128xf32, #tpu.memory_space<vmem_shared>>
      tpu.wait_indirect_dma semaphore(%arg11 : memref<!tpu.dma_semaphore, #tpu.memory_space<semaphore_mem>>) src(%dma_wait3A_97 : memref<10112x128xf32, #tpu.memory_space<vmem_shared>>) dst(%dma_wait3A_91 : memref<128x128xf32, #tpu.memory_space<vmem>>)
      %eq3A_98 = arith.constant 0 : i32
      %eq3A_99 = arith.cmpi eq, %arg0, %eq3A_98 : i32
      %convert_element_type3A_100 = arith.extui %eq3A_99 : i1 to i32
      %cond3A_101 = arith.constant 0 : i32
      %cond3A_102 = arith.cmpi ne, %convert_element_type3A_100, %cond3A_101 : i32
      scf.if %cond3A_102 {
        %dma_start3A_147 = arith.constant 0 : i32
        %dma_start3A_148 = arith.constant 0 : i32
        %dma_start3A_149 = arith.constant 0 : i32
        %dma_start3A_150 = tpu.memref_slice %arg9[%dma_start3A_147, %dma_start3A_148, %dma_start3A_149] : memref<2x128x128xf32, #tpu.memory_space<vmem>> -> memref<1x128x128xf32, #tpu.memory_space<vmem>>
        %dma_start3A_151 = tpu.memref_squeeze %dma_start3A_150 : memref<1x128x128xf32, #tpu.memory_space<vmem>> -> memref<128x128xf32, #tpu.memory_space<vmem>>
        %dma_start3A_152 = arith.constant 0 : i32
        %dma_start3A_153 = tpu.memref_slice %arg6[%mul3A_86, %dma_start3A_152] : memref<163840x128xf32, #tpu.memory_space<hbm>> -> memref<128x128xf32, #tpu.memory_space<hbm>>
        %dma_start3A_154 = arith.constant 0 : i32
        %dma_start3A_155 = tpu.memref_slice %arg6[%mul3A_86, %dma_start3A_154] : memref<163840x128xf32, #tpu.memory_space<hbm>> -> memref<128x128xf32, #tpu.memory_space<hbm>>
        %dma_start3A_156 = arith.constant 0 : i32
        %dma_start3A_157 = arith.constant 0 : i32
        %dma_start3A_158 = tpu.memref_slice %arg9[%dma_start3A_147, %dma_start3A_156, %dma_start3A_157] : memref<2x128x128xf32, #tpu.memory_space<vmem>> -> memref<1x128x128xf32, #tpu.memory_space<vmem>>
        %dma_start3A_159 = tpu.memref_squeeze %dma_start3A_158 : memref<1x128x128xf32, #tpu.memory_space<vmem>> -> memref<128x128xf32, #tpu.memory_space<vmem>>
        tpu.enqueue_dma source(%dma_start3A_159 : memref<128x128xf32, #tpu.memory_space<vmem>>) target(%dma_start3A_155 : memref<128x128xf32, #tpu.memory_space<hbm>>) target_semaphore(%arg13 : memref<!tpu.dma_semaphore, #tpu.memory_space<semaphore_mem>>)
      } else {
      }
      %eq3A_103 = arith.constant 1 : i32
      %eq3A_104 = arith.cmpi eq, %arg0, %eq3A_103 : i32
      %convert_element_type3A_105 = arith.extui %eq3A_104 : i1 to i32
      %cond3A_106 = arith.constant 0 : i32
      %cond3A_107 = arith.cmpi ne, %convert_element_type3A_105, %cond3A_106 : i32
      scf.if %cond3A_107 {
        %dma_start3A_147 = arith.constant 0 : i32
        %dma_start3A_148 = arith.constant 0 : i32
        %dma_start3A_149 = arith.constant 0 : i32
        %dma_start3A_150 = tpu.memref_slice %arg9[%dma_start3A_147, %dma_start3A_148, %dma_start3A_149] : memref<2x128x128xf32, #tpu.memory_space<vmem>> -> memref<1x128x128xf32, #tpu.memory_space<vmem>>
        %dma_start3A_151 = tpu.memref_squeeze %dma_start3A_150 : memref<1x128x128xf32, #tpu.memory_space<vmem>> -> memref<128x128xf32, #tpu.memory_space<vmem>>
        %dma_start3A_152 = arith.constant 0 : i32
        %dma_start3A_153 = tpu.memref_slice %arg7[%mul3A_86, %dma_start3A_152] : memref<163840x128xf32, #tpu.memory_space<hbm>> -> memref<128x128xf32, #tpu.memory_space<hbm>>
        %dma_start3A_154 = arith.constant 0 : i32
        %dma_start3A_155 = tpu.memref_slice %arg7[%mul3A_86, %dma_start3A_154] : memref<163840x128xf32, #tpu.memory_space<hbm>> -> memref<128x128xf32, #tpu.memory_space<hbm>>
        %dma_start3A_156 = arith.constant 0 : i32
        %dma_start3A_157 = arith.constant 0 : i32
        %dma_start3A_158 = tpu.memref_slice %arg9[%dma_start3A_147, %dma_start3A_156, %dma_start3A_157] : memref<2x128x128xf32, #tpu.memory_space<vmem>> -> memref<1x128x128xf32, #tpu.memory_space<vmem>>
        %dma_start3A_159 = tpu.memref_squeeze %dma_start3A_158 : memref<1x128x128xf32, #tpu.memory_space<vmem>> -> memref<128x128xf32, #tpu.memory_space<vmem>>
        tpu.enqueue_dma source(%dma_start3A_159 : memref<128x128xf32, #tpu.memory_space<vmem>>) target(%dma_start3A_155 : memref<128x128xf32, #tpu.memory_space<hbm>>) target_semaphore(%arg13 : memref<!tpu.dma_semaphore, #tpu.memory_space<semaphore_mem>>)
      } else {
      }
      %lt3A = arith.constant 39 : i32
      %lt3A_108 = arith.cmpi slt, %scan3A_77, %lt3A : i32
      %convert_element_type3A_109 = arith.extui %lt3A_108 : i1 to i32
      %cond3A_110 = arith.constant 0 : i32
      %cond3A_111 = arith.cmpi ne, %convert_element_type3A_109, %cond3A_110 : i32
      scf.if %cond3A_111 {
        %dma_wait3A_147 = arith.constant 0 : i32
        %dma_wait3A_148 = arith.constant 0 : i32
        %dma_wait3A_149 = arith.constant 0 : i32
        %dma_wait3A_150 = tpu.memref_slice %arg9[%dma_wait3A_147, %dma_wait3A_148, %dma_wait3A_149] : memref<2x128x128xf32, #tpu.memory_space<vmem>> -> memref<1x128x128xf32, #tpu.memory_space<vmem>>
        %dma_wait3A_151 = tpu.memref_squeeze %dma_wait3A_150 : memref<1x128x128xf32, #tpu.memory_space<vmem>> -> memref<128x128xf32, #tpu.memory_space<vmem>>
        %dma_wait3A_152 = arith.constant 0 : i32
        %dma_wait3A_153 = tpu.memref_slice %arg6[%mul3A_86, %dma_wait3A_152] : memref<163840x128xf32, #tpu.memory_space<hbm>> -> memref<128x128xf32, #tpu.memory_space<hbm>>
        %dma_wait3A_154 = arith.constant 0 : i32
        %dma_wait3A_155 = tpu.memref_slice %arg6[%mul3A_86, %dma_wait3A_154] : memref<163840x128xf32, #tpu.memory_space<hbm>> -> memref<128x128xf32, #tpu.memory_space<hbm>>
        %dma_wait3A_156 = arith.constant 0 : i32
        %dma_wait3A_157 = arith.constant 0 : i32
        %dma_wait3A_158 = tpu.memref_slice %arg9[%dma_wait3A_147, %dma_wait3A_156, %dma_wait3A_157] : memref<2x128x128xf32, #tpu.memory_space<vmem>> -> memref<1x128x128xf32, #tpu.memory_space<vmem>>
        %dma_wait3A_159 = tpu.memref_squeeze %dma_wait3A_158 : memref<1x128x128xf32, #tpu.memory_space<vmem>> -> memref<128x128xf32, #tpu.memory_space<vmem>>
        tpu.wait_dma2 semaphore(%arg13 : memref<!tpu.dma_semaphore, #tpu.memory_space<semaphore_mem>>) src(%dma_wait3A_159 : memref<128x128xf32, #tpu.memory_space<vmem>>) dst(%dma_wait3A_155 : memref<128x128xf32, #tpu.memory_space<hbm>>)
        %add3A_160 = arith.constant 2 : i32
        %add3A_161 = arith.addi %add3A_81, %add3A_160 : i32
        %dma_start3A_162 = arith.constant 0 : i32
        %dma_start3A_163 = arith.constant 0 : i32
        %dma_start3A_164 = arith.constant 0 : i32
        %dma_start3A_165 = tpu.memref_slice %arg9[%dma_start3A_162, %dma_start3A_163, %dma_start3A_164] : memref<2x128x128xf32, #tpu.memory_space<vmem>> -> memref<1x128x128xf32, #tpu.memory_space<vmem>>
        %dma_start3A_166 = tpu.memref_squeeze %dma_start3A_165 : memref<1x128x128xf32, #tpu.memory_space<vmem>> -> memref<128x128xf32, #tpu.memory_space<vmem>>
        %dma_start3A_167 = arith.constant 0 : i32
        %dma_start3A_168 = tpu.memref_slice %arg8[%add3A_161, %dma_start3A_167] : memref<80x128xi32, #tpu.memory_space<vmem>> -> memref<1x128xi32, #tpu.memory_space<vmem>>
        %dma_start3A_169 = tpu.memref_squeeze %dma_start3A_168 : memref<1x128xi32, #tpu.memory_space<vmem>> -> memref<128xi32, #tpu.memory_space<vmem>>
        %dma_start3A_170 = arith.constant 0 : i32
        %dma_start3A_171 = arith.constant 0 : i32
        %dma_start3A_172 = tpu.memref_slice %arg10[%dma_start3A_170, %dma_start3A_171] : memref<10112x128xf32, #tpu.memory_space<vmem_shared>> -> memref<10112x128xf32, #tpu.memory_space<vmem_shared>>
        tpu.enqueue_indirect_dma source(%dma_start3A_172 : memref<10112x128xf32, #tpu.memory_space<vmem_shared>>) target(%dma_start3A_166 : memref<128x128xf32, #tpu.memory_space<vmem>>) offsets(%dma_start3A_169 : memref<128xi32, #tpu.memory_space<vmem>>) semaphore(%arg11 : memref<!tpu.dma_semaphore, #tpu.memory_space<semaphore_mem>>)
      } else {
      }
      %mul3A_112 = arith.constant 2 : i32
      %mul3A_113 = arith.muli %mul3A_112, %scan3A_77 : i32
      %add3A_114 = arith.constant 1 : i32
      %add3A_115 = arith.addi %mul3A_113, %add3A_114 : i32
      %mul3A_116 = arith.constant 80 : i32
      %mul3A_117 = arith.muli %arg1, %mul3A_116 : i32
      %add3A_118 = arith.addi %mul3A_117, %add3A_115 : i32
      %mul3A_119 = arith.constant 128 : i32
      %mul3A_120 = arith.muli %add3A_118, %mul3A_119 : i32
      %dma_wait3A_121 = arith.constant 1 : i32
      %dma_wait3A_122 = arith.constant 0 : i32
      %dma_wait3A_123 = arith.constant 0 : i32
      %dma_wait3A_124 = tpu.memref_slice %arg9[%dma_wait3A_121, %dma_wait3A_122, %dma_wait3A_123] : memref<2x128x128xf32, #tpu.memory_space<vmem>> -> memref<1x128x128xf32, #tpu.memory_space<vmem>>
      %dma_wait3A_125 = tpu.memref_squeeze %dma_wait3A_124 : memref<1x128x128xf32, #tpu.memory_space<vmem>> -> memref<128x128xf32, #tpu.memory_space<vmem>>
      %dma_wait3A_126 = arith.constant 0 : i32
      %dma_wait3A_127 = tpu.memref_slice %arg8[%add3A_115, %dma_wait3A_126] : memref<80x128xi32, #tpu.memory_space<vmem>> -> memref<1x128xi32, #tpu.memory_space<vmem>>
      %dma_wait3A_128 = tpu.memref_squeeze %dma_wait3A_127 : memref<1x128xi32, #tpu.memory_space<vmem>> -> memref<128xi32, #tpu.memory_space<vmem>>
      %dma_wait3A_129 = arith.constant 0 : i32
      %dma_wait3A_130 = arith.constant 0 : i32
      %dma_wait3A_131 = tpu.memref_slice %arg10[%dma_wait3A_129, %dma_wait3A_130] : memref<10112x128xf32, #tpu.memory_space<vmem_shared>> -> memref<10112x128xf32, #tpu.memory_space<vmem_shared>>
      tpu.wait_indirect_dma semaphore(%arg12 : memref<!tpu.dma_semaphore, #tpu.memory_space<semaphore_mem>>) src(%dma_wait3A_131 : memref<10112x128xf32, #tpu.memory_space<vmem_shared>>) dst(%dma_wait3A_125 : memref<128x128xf32, #tpu.memory_space<vmem>>)
      %eq3A_132 = arith.constant 0 : i32
      %eq3A_133 = arith.cmpi eq, %arg0, %eq3A_132 : i32
      %convert_element_type3A_134 = arith.extui %eq3A_133 : i1 to i32
      %cond3A_135 = arith.constant 0 : i32
      %cond3A_136 = arith.cmpi ne, %convert_element_type3A_134, %cond3A_135 : i32
      scf.if %cond3A_136 {
        %dma_start3A_147 = arith.constant 1 : i32
        %dma_start3A_148 = arith.constant 0 : i32
        %dma_start3A_149 = arith.constant 0 : i32
        %dma_start3A_150 = tpu.memref_slice %arg9[%dma_start3A_147, %dma_start3A_148, %dma_start3A_149] : memref<2x128x128xf32, #tpu.memory_space<vmem>> -> memref<1x128x128xf32, #tpu.memory_space<vmem>>
        %dma_start3A_151 = tpu.memref_squeeze %dma_start3A_150 : memref<1x128x128xf32, #tpu.memory_space<vmem>> -> memref<128x128xf32, #tpu.memory_space<vmem>>
        %dma_start3A_152 = arith.constant 0 : i32
        %dma_start3A_153 = tpu.memref_slice %arg6[%mul3A_120, %dma_start3A_152] : memref<163840x128xf32, #tpu.memory_space<hbm>> -> memref<128x128xf32, #tpu.memory_space<hbm>>
        %dma_start3A_154 = arith.constant 0 : i32
        %dma_start3A_155 = tpu.memref_slice %arg6[%mul3A_120, %dma_start3A_154] : memref<163840x128xf32, #tpu.memory_space<hbm>> -> memref<128x128xf32, #tpu.memory_space<hbm>>
        %dma_start3A_156 = arith.constant 0 : i32
        %dma_start3A_157 = arith.constant 0 : i32
        %dma_start3A_158 = tpu.memref_slice %arg9[%dma_start3A_147, %dma_start3A_156, %dma_start3A_157] : memref<2x128x128xf32, #tpu.memory_space<vmem>> -> memref<1x128x128xf32, #tpu.memory_space<vmem>>
        %dma_start3A_159 = tpu.memref_squeeze %dma_start3A_158 : memref<1x128x128xf32, #tpu.memory_space<vmem>> -> memref<128x128xf32, #tpu.memory_space<vmem>>
        tpu.enqueue_dma source(%dma_start3A_159 : memref<128x128xf32, #tpu.memory_space<vmem>>) target(%dma_start3A_155 : memref<128x128xf32, #tpu.memory_space<hbm>>) target_semaphore(%arg14 : memref<!tpu.dma_semaphore, #tpu.memory_space<semaphore_mem>>)
      } else {
      }
      %eq3A_137 = arith.constant 1 : i32
      %eq3A_138 = arith.cmpi eq, %arg0, %eq3A_137 : i32
      %convert_element_type3A_139 = arith.extui %eq3A_138 : i1 to i32
      %cond3A_140 = arith.constant 0 : i32
      %cond3A_141 = arith.cmpi ne, %convert_element_type3A_139, %cond3A_140 : i32
      scf.if %cond3A_141 {
        %dma_start3A_147 = arith.constant 1 : i32
        %dma_start3A_148 = arith.constant 0 : i32
        %dma_start3A_149 = arith.constant 0 : i32
        %dma_start3A_150 = tpu.memref_slice %arg9[%dma_start3A_147, %dma_start3A_148, %dma_start3A_149] : memref<2x128x128xf32, #tpu.memory_space<vmem>> -> memref<1x128x128xf32, #tpu.memory_space<vmem>>
        %dma_start3A_151 = tpu.memref_squeeze %dma_start3A_150 : memref<1x128x128xf32, #tpu.memory_space<vmem>> -> memref<128x128xf32, #tpu.memory_space<vmem>>
        %dma_start3A_152 = arith.constant 0 : i32
        %dma_start3A_153 = tpu.memref_slice %arg7[%mul3A_120, %dma_start3A_152] : memref<163840x128xf32, #tpu.memory_space<hbm>> -> memref<128x128xf32, #tpu.memory_space<hbm>>
        %dma_start3A_154 = arith.constant 0 : i32
        %dma_start3A_155 = tpu.memref_slice %arg7[%mul3A_120, %dma_start3A_154] : memref<163840x128xf32, #tpu.memory_space<hbm>> -> memref<128x128xf32, #tpu.memory_space<hbm>>
        %dma_start3A_156 = arith.constant 0 : i32
        %dma_start3A_157 = arith.constant 0 : i32
        %dma_start3A_158 = tpu.memref_slice %arg9[%dma_start3A_147, %dma_start3A_156, %dma_start3A_157] : memref<2x128x128xf32, #tpu.memory_space<vmem>> -> memref<1x128x128xf32, #tpu.memory_space<vmem>>
        %dma_start3A_159 = tpu.memref_squeeze %dma_start3A_158 : memref<1x128x128xf32, #tpu.memory_space<vmem>> -> memref<128x128xf32, #tpu.memory_space<vmem>>
        tpu.enqueue_dma source(%dma_start3A_159 : memref<128x128xf32, #tpu.memory_space<vmem>>) target(%dma_start3A_155 : memref<128x128xf32, #tpu.memory_space<hbm>>) target_semaphore(%arg14 : memref<!tpu.dma_semaphore, #tpu.memory_space<semaphore_mem>>)
      } else {
      }
      %lt3A_142 = arith.constant 39 : i32
      %lt3A_143 = arith.cmpi slt, %scan3A_77, %lt3A_142 : i32
      %convert_element_type3A_144 = arith.extui %lt3A_143 : i1 to i32
      %cond3A_145 = arith.constant 0 : i32
      %cond3A_146 = arith.cmpi ne, %convert_element_type3A_144, %cond3A_145 : i32
      scf.if %cond3A_146 {
        %dma_wait3A_147 = arith.constant 1 : i32
        %dma_wait3A_148 = arith.constant 0 : i32
        %dma_wait3A_149 = arith.constant 0 : i32
        %dma_wait3A_150 = tpu.memref_slice %arg9[%dma_wait3A_147, %dma_wait3A_148, %dma_wait3A_149] : memref<2x128x128xf32, #tpu.memory_space<vmem>> -> memref<1x128x128xf32, #tpu.memory_space<vmem>>
        %dma_wait3A_151 = tpu.memref_squeeze %dma_wait3A_150 : memref<1x128x128xf32, #tpu.memory_space<vmem>> -> memref<128x128xf32, #tpu.memory_space<vmem>>
        %dma_wait3A_152 = arith.constant 0 : i32
        %dma_wait3A_153 = tpu.memref_slice %arg6[%mul3A_120, %dma_wait3A_152] : memref<163840x128xf32, #tpu.memory_space<hbm>> -> memref<128x128xf32, #tpu.memory_space<hbm>>
        %dma_wait3A_154 = arith.constant 0 : i32
        %dma_wait3A_155 = tpu.memref_slice %arg6[%mul3A_120, %dma_wait3A_154] : memref<163840x128xf32, #tpu.memory_space<hbm>> -> memref<128x128xf32, #tpu.memory_space<hbm>>
        %dma_wait3A_156 = arith.constant 0 : i32
        %dma_wait3A_157 = arith.constant 0 : i32
        %dma_wait3A_158 = tpu.memref_slice %arg9[%dma_wait3A_147, %dma_wait3A_156, %dma_wait3A_157] : memref<2x128x128xf32, #tpu.memory_space<vmem>> -> memref<1x128x128xf32, #tpu.memory_space<vmem>>
        %dma_wait3A_159 = tpu.memref_squeeze %dma_wait3A_158 : memref<1x128x128xf32, #tpu.memory_space<vmem>> -> memref<128x128xf32, #tpu.memory_space<vmem>>
        tpu.wait_dma2 semaphore(%arg14 : memref<!tpu.dma_semaphore, #tpu.memory_space<semaphore_mem>>) src(%dma_wait3A_159 : memref<128x128xf32, #tpu.memory_space<vmem>>) dst(%dma_wait3A_155 : memref<128x128xf32, #tpu.memory_space<hbm>>)
        %add3A_160 = arith.constant 2 : i32
        %add3A_161 = arith.addi %add3A_115, %add3A_160 : i32
        %dma_start3A_162 = arith.constant 1 : i32
        %dma_start3A_163 = arith.constant 0 : i32
        %dma_start3A_164 = arith.constant 0 : i32
        %dma_start3A_165 = tpu.memref_slice %arg9[%dma_start3A_162, %dma_start3A_163, %dma_start3A_164] : memref<2x128x128xf32, #tpu.memory_space<vmem>> -> memref<1x128x128xf32, #tpu.memory_space<vmem>>
        %dma_start3A_166 = tpu.memref_squeeze %dma_start3A_165 : memref<1x128x128xf32, #tpu.memory_space<vmem>> -> memref<128x128xf32, #tpu.memory_space<vmem>>
        %dma_start3A_167 = arith.constant 0 : i32
        %dma_start3A_168 = tpu.memref_slice %arg8[%add3A_161, %dma_start3A_167] : memref<80x128xi32, #tpu.memory_space<vmem>> -> memref<1x128xi32, #tpu.memory_space<vmem>>
        %dma_start3A_169 = tpu.memref_squeeze %dma_start3A_168 : memref<1x128xi32, #tpu.memory_space<vmem>> -> memref<128xi32, #tpu.memory_space<vmem>>
        %dma_start3A_170 = arith.constant 0 : i32
        %dma_start3A_171 = arith.constant 0 : i32
        %dma_start3A_172 = tpu.memref_slice %arg10[%dma_start3A_170, %dma_start3A_171] : memref<10112x128xf32, #tpu.memory_space<vmem_shared>> -> memref<10112x128xf32, #tpu.memory_space<vmem_shared>>
        tpu.enqueue_indirect_dma source(%dma_start3A_172 : memref<10112x128xf32, #tpu.memory_space<vmem_shared>>) target(%dma_start3A_166 : memref<128x128xf32, #tpu.memory_space<vmem>>) offsets(%dma_start3A_169 : memref<128xi32, #tpu.memory_space<vmem>>) semaphore(%arg12 : memref<!tpu.dma_semaphore, #tpu.memory_space<semaphore_mem>>)
      } else {
      }
    }
    %scan3A_34 = arith.constant 40 : i32
    %mul3A = arith.constant 80 : i32
    %mul3A_35 = arith.muli %arg1, %mul3A : i32
    %add3A = arith.constant 80 : i32
    %add3A_36 = arith.addi %mul3A_35, %add3A : i32
    %sub3A = arith.constant 2 : i32
    %sub3A_37 = arith.subi %add3A_36, %sub3A : i32
    %add3A_38 = arith.constant 0 : i32
    %add3A_39 = arith.addi %sub3A_37, %add3A_38 : i32
    %mul3A_40 = arith.constant 128 : i32
    %mul3A_41 = arith.muli %add3A_39, %mul3A_40 : i32
    %dma_wait3A = arith.constant 0 : i32
    %dma_wait3A_42 = arith.constant 0 : i32
    %dma_wait3A_43 = arith.constant 0 : i32
    %dma_wait3A_44 = tpu.memref_slice %arg9[%dma_wait3A, %dma_wait3A_42, %dma_wait3A_43] : memref<2x128x128xf32, #tpu.memory_space<vmem>> -> memref<1x128x128xf32, #tpu.memory_space<vmem>>
    %dma_wait3A_45 = tpu.memref_squeeze %dma_wait3A_44 : memref<1x128x128xf32, #tpu.memory_space<vmem>> -> memref<128x128xf32, #tpu.memory_space<vmem>>
    %dma_wait3A_46 = arith.constant 0 : i32
    %dma_wait3A_47 = tpu.memref_slice %arg6[%mul3A_41, %dma_wait3A_46] : memref<163840x128xf32, #tpu.memory_space<hbm>> -> memref<128x128xf32, #tpu.memory_space<hbm>>
    %dma_wait3A_48 = arith.constant 0 : i32
    %dma_wait3A_49 = tpu.memref_slice %arg6[%mul3A_41, %dma_wait3A_48] : memref<163840x128xf32, #tpu.memory_space<hbm>> -> memref<128x128xf32, #tpu.memory_space<hbm>>
    %dma_wait3A_50 = arith.constant 0 : i32
    %dma_wait3A_51 = arith.constant 0 : i32
    %dma_wait3A_52 = tpu.memref_slice %arg9[%dma_wait3A, %dma_wait3A_50, %dma_wait3A_51] : memref<2x128x128xf32, #tpu.memory_space<vmem>> -> memref<1x128x128xf32, #tpu.memory_space<vmem>>
    %dma_wait3A_53 = tpu.memref_squeeze %dma_wait3A_52 : memref<1x128x128xf32, #tpu.memory_space<vmem>> -> memref<128x128xf32, #tpu.memory_space<vmem>>
    tpu.wait_dma2 semaphore(%arg13 : memref<!tpu.dma_semaphore, #tpu.memory_space<semaphore_mem>>) src(%dma_wait3A_53 : memref<128x128xf32, #tpu.memory_space<vmem>>) dst(%dma_wait3A_49 : memref<128x128xf32, #tpu.memory_space<hbm>>)
    %mul3A_54 = arith.constant 80 : i32
    %mul3A_55 = arith.muli %arg1, %mul3A_54 : i32
    %add3A_56 = arith.constant 80 : i32
    %add3A_57 = arith.addi %mul3A_55, %add3A_56 : i32
    %sub3A_58 = arith.constant 2 : i32
    %sub3A_59 = arith.subi %add3A_57, %sub3A_58 : i32
    %add3A_60 = arith.constant 1 : i32
    %add3A_61 = arith.addi %sub3A_59, %add3A_60 : i32
    %mul3A_62 = arith.constant 128 : i32
    %mul3A_63 = arith.muli %add3A_61, %mul3A_62 : i32
    %dma_wait3A_64 = arith.constant 1 : i32
    %dma_wait3A_65 = arith.constant 0 : i32
    %dma_wait3A_66 = arith.constant 0 : i32
    %dma_wait3A_67 = tpu.memref_slice %arg9[%dma_wait3A_64, %dma_wait3A_65, %dma_wait3A_66] : memref<2x128x128xf32, #tpu.memory_space<vmem>> -> memref<1x128x128xf32, #tpu.memory_space<vmem>>
    %dma_wait3A_68 = tpu.memref_squeeze %dma_wait3A_67 : memref<1x128x128xf32, #tpu.memory_space<vmem>> -> memref<128x128xf32, #tpu.memory_space<vmem>>
    %dma_wait3A_69 = arith.constant 0 : i32
    %dma_wait3A_70 = tpu.memref_slice %arg6[%mul3A_63, %dma_wait3A_69] : memref<163840x128xf32, #tpu.memory_space<hbm>> -> memref<128x128xf32, #tpu.memory_space<hbm>>
    %dma_wait3A_71 = arith.constant 0 : i32
    %dma_wait3A_72 = tpu.memref_slice %arg6[%mul3A_63, %dma_wait3A_71] : memref<163840x128xf32, #tpu.memory_space<hbm>> -> memref<128x128xf32, #tpu.memory_space<hbm>>
    %dma_wait3A_73 = arith.constant 0 : i32
    %dma_wait3A_74 = arith.constant 0 : i32
    %dma_wait3A_75 = tpu.memref_slice %arg9[%dma_wait3A_64, %dma_wait3A_73, %dma_wait3A_74] : memref<2x128x128xf32, #tpu.memory_space<vmem>> -> memref<1x128x128xf32, #tpu.memory_space<vmem>>
    %dma_wait3A_76 = tpu.memref_squeeze %dma_wait3A_75 : memref<1x128x128xf32, #tpu.memory_space<vmem>> -> memref<128x128xf32, #tpu.memory_space<vmem>>
    tpu.wait_dma2 semaphore(%arg14 : memref<!tpu.dma_semaphore, #tpu.memory_space<semaphore_mem>>) src(%dma_wait3A_76 : memref<128x128xf32, #tpu.memory_space<vmem>>) dst(%dma_wait3A_72 : memref<128x128xf32, #tpu.memory_space<hbm>>)
    return
  }
}

#map = affine_map<(d0, d1) -> (0, 0)>
#map1 = affine_map<(d0, d1) -> (0, 0, 0)>
module attributes {stable_mosaic.version = 14 : i64} {
  func.func @sc_scatter128(%arg0: i32, %arg1: i32, %arg2: memref<163840x128xf32, #tpu.memory_space<hbm>>, %arg3: memref<32x40x128xi32, #tpu.memory_space<hbm>>, %arg4: memref<10112x128xf32, #tpu.memory_space<hbm>>, %arg5: memref<2x10112x128xf32, #tpu.memory_space<hbm>>, %arg6: memref<128xi32, #tpu.memory_space<vmem>>, %arg7: memref<128x128xf32, #tpu.memory_space<vmem>>, %arg8: memref<10112x128xf32, #tpu.memory_space<vmem_shared>>) attributes {dimension_semantics = [#tpu.dimension_semantics<core_parallel>, #tpu.dimension_semantics<subcore_parallel>], iteration_bounds = array<i64: 2, 16>, scalar_prefetch = 0 : i64, scratch_operands = 3 : i64, tpu.core_type = #tpu.core_type<sc_vector_subcore>, window_params = [{transform_indices = #map}, {transform_indices = #map1}, {transform_indices = #map}, {transform_indices = #map1}]} {
    %mul3A = arith.constant 2 : i32
    %mul3A_0 = arith.muli %arg1, %mul3A : i32
    %add3A = arith.addi %mul3A_0, %arg0 : i32
    %mul3A_1 = arith.constant 632 : i32
    %mul3A_2 = arith.muli %arg1, %mul3A_1 : i32
    %mul3A_3 = arith.constant 632 : i32
    %mul3A_4 = arith.muli %arg1, %mul3A_3 : i32
    "tpu.region"() ({
      %run_scoped3A = tpu.sem_alloc : memref<!tpu.dma_semaphore, #tpu.memory_space<semaphore_mem>>
      %dma_start3A = arith.constant 0 : i32
      %dma_start3A_15 = tpu.memref_slice %arg8[%mul3A_4, %dma_start3A] : memref<10112x128xf32, #tpu.memory_space<vmem_shared>> -> memref<632x128xf32, #tpu.memory_space<vmem_shared>>
      %dma_start3A_16 = arith.constant 0 : i32
      %dma_start3A_17 = tpu.memref_slice %arg4[%mul3A_2, %dma_start3A_16] : memref<10112x128xf32, #tpu.memory_space<hbm>> -> memref<632x128xf32, #tpu.memory_space<hbm>>
      tpu.enqueue_dma source(%dma_start3A_17 : memref<632x128xf32, #tpu.memory_space<hbm>>) target(%dma_start3A_15 : memref<632x128xf32, #tpu.memory_space<vmem_shared>>) target_semaphore(%run_scoped3A : memref<!tpu.dma_semaphore, #tpu.memory_space<semaphore_mem>>)
      %dma_wait3A = arith.constant 0 : i32
      %dma_wait3A_18 = tpu.memref_slice %arg8[%mul3A_4, %dma_wait3A] : memref<10112x128xf32, #tpu.memory_space<vmem_shared>> -> memref<632x128xf32, #tpu.memory_space<vmem_shared>>
      %dma_wait3A_19 = arith.constant 0 : i32
      %dma_wait3A_20 = tpu.memref_slice %arg4[%mul3A_2, %dma_wait3A_19] : memref<10112x128xf32, #tpu.memory_space<hbm>> -> memref<632x128xf32, #tpu.memory_space<hbm>>
      tpu.wait_dma2 semaphore(%run_scoped3A : memref<!tpu.dma_semaphore, #tpu.memory_space<semaphore_mem>>) src(%dma_wait3A_20 : memref<632x128xf32, #tpu.memory_space<hbm>>) dst(%dma_wait3A_18 : memref<632x128xf32, #tpu.memory_space<vmem_shared>>)
      tpu.yield
    }) : () -> ()
    %barrier3A = arith.constant 0 : index
    tpu.barrier barrier_id(%barrier3A)
    %scan3A = arith.constant 0 : i32
    %scan3A_5 = arith.constant 0 : i32
    %scan3A_6 = arith.constant 40 : i32
    %scan3A_7 = arith.addi %scan3A_5, %scan3A_6 : i32
    %scan3A_8 = arith.constant 1 : i32
    scf.for %scan3A_15 = %scan3A_5 to %scan3A_7 step %scan3A_8  : i32 {
      %mul3A_16 = arith.constant 40 : i32
      %mul3A_17 = arith.muli %add3A, %mul3A_16 : i32
      %add3A_18 = arith.addi %mul3A_17, %scan3A_15 : i32
      %mul3A_19 = arith.constant 128 : i32
      %mul3A_20 = arith.muli %add3A_18, %mul3A_19 : i32
      "tpu.region"() ({
        %run_scoped3A = tpu.sem_alloc : memref<!tpu.dma_semaphore, #tpu.memory_space<semaphore_mem>>
        %dma_start3A = arith.constant 0 : i32
        %dma_start3A_21 = tpu.memref_slice %arg3[%add3A, %scan3A_15, %dma_start3A] : memref<32x40x128xi32, #tpu.memory_space<hbm>> -> memref<1x1x128xi32, #tpu.memory_space<hbm>>
        %dma_start3A_22 = tpu.memref_squeeze %dma_start3A_21 : memref<1x1x128xi32, #tpu.memory_space<hbm>> -> memref<128xi32, #tpu.memory_space<hbm>>
        %dma_start3A_23 = arith.constant 0 : i32
        %dma_start3A_24 = tpu.memref_slice %arg3[%add3A, %scan3A_15, %dma_start3A_23] : memref<32x40x128xi32, #tpu.memory_space<hbm>> -> memref<1x1x128xi32, #tpu.memory_space<hbm>>
        %dma_start3A_25 = tpu.memref_squeeze %dma_start3A_24 : memref<1x1x128xi32, #tpu.memory_space<hbm>> -> memref<128xi32, #tpu.memory_space<hbm>>
        tpu.enqueue_dma source(%dma_start3A_25 : memref<128xi32, #tpu.memory_space<hbm>>) target(%arg6 : memref<128xi32, #tpu.memory_space<vmem>>) target_semaphore(%run_scoped3A : memref<!tpu.dma_semaphore, #tpu.memory_space<semaphore_mem>>)
        %dma_wait3A = arith.constant 0 : i32
        %dma_wait3A_26 = tpu.memref_slice %arg3[%add3A, %scan3A_15, %dma_wait3A] : memref<32x40x128xi32, #tpu.memory_space<hbm>> -> memref<1x1x128xi32, #tpu.memory_space<hbm>>
        %dma_wait3A_27 = tpu.memref_squeeze %dma_wait3A_26 : memref<1x1x128xi32, #tpu.memory_space<hbm>> -> memref<128xi32, #tpu.memory_space<hbm>>
        %dma_wait3A_28 = arith.constant 0 : i32
        %dma_wait3A_29 = tpu.memref_slice %arg3[%add3A, %scan3A_15, %dma_wait3A_28] : memref<32x40x128xi32, #tpu.memory_space<hbm>> -> memref<1x1x128xi32, #tpu.memory_space<hbm>>
        %dma_wait3A_30 = tpu.memref_squeeze %dma_wait3A_29 : memref<1x1x128xi32, #tpu.memory_space<hbm>> -> memref<128xi32, #tpu.memory_space<hbm>>
        tpu.wait_dma2 semaphore(%run_scoped3A : memref<!tpu.dma_semaphore, #tpu.memory_space<semaphore_mem>>) src(%dma_wait3A_30 : memref<128xi32, #tpu.memory_space<hbm>>) dst(%arg6 : memref<128xi32, #tpu.memory_space<vmem>>)
        tpu.yield
      }) : () -> ()
      "tpu.region"() ({
        %run_scoped3A = tpu.sem_alloc : memref<!tpu.dma_semaphore, #tpu.memory_space<semaphore_mem>>
        %dma_start3A = arith.constant 0 : i32
        %dma_start3A_21 = tpu.memref_slice %arg2[%mul3A_20, %dma_start3A] : memref<163840x128xf32, #tpu.memory_space<hbm>> -> memref<128x128xf32, #tpu.memory_space<hbm>>
        %dma_start3A_22 = arith.constant 0 : i32
        %dma_start3A_23 = tpu.memref_slice %arg2[%mul3A_20, %dma_start3A_22] : memref<163840x128xf32, #tpu.memory_space<hbm>> -> memref<128x128xf32, #tpu.memory_space<hbm>>
        tpu.enqueue_dma source(%dma_start3A_23 : memref<128x128xf32, #tpu.memory_space<hbm>>) target(%arg7 : memref<128x128xf32, #tpu.memory_space<vmem>>) target_semaphore(%run_scoped3A : memref<!tpu.dma_semaphore, #tpu.memory_space<semaphore_mem>>)
        %dma_wait3A = arith.constant 0 : i32
        %dma_wait3A_24 = tpu.memref_slice %arg2[%mul3A_20, %dma_wait3A] : memref<163840x128xf32, #tpu.memory_space<hbm>> -> memref<128x128xf32, #tpu.memory_space<hbm>>
        %dma_wait3A_25 = arith.constant 0 : i32
        %dma_wait3A_26 = tpu.memref_slice %arg2[%mul3A_20, %dma_wait3A_25] : memref<163840x128xf32, #tpu.memory_space<hbm>> -> memref<128x128xf32, #tpu.memory_space<hbm>>
        tpu.wait_dma2 semaphore(%run_scoped3A : memref<!tpu.dma_semaphore, #tpu.memory_space<semaphore_mem>>) src(%dma_wait3A_26 : memref<128x128xf32, #tpu.memory_space<hbm>>) dst(%arg7 : memref<128x128xf32, #tpu.memory_space<vmem>>)
        tpu.yield
      }) : () -> ()
      "tpu.region"() ({
        %run_scoped3A = tpu.sem_alloc : memref<!tpu.dma_semaphore, #tpu.memory_space<semaphore_mem>>
        %dma_start3A = arith.constant 0 : i32
        %dma_start3A_21 = arith.constant 0 : i32
        %dma_start3A_22 = tpu.memref_slice %arg8[%dma_start3A, %dma_start3A_21] : memref<10112x128xf32, #tpu.memory_space<vmem_shared>> -> memref<10112x128xf32, #tpu.memory_space<vmem_shared>>
        tpu.enqueue_indirect_dma source(%arg7 : memref<128x128xf32, #tpu.memory_space<vmem>>) target(%dma_start3A_22 : memref<10112x128xf32, #tpu.memory_space<vmem_shared>>) offsets(%arg6 : memref<128xi32, #tpu.memory_space<vmem>>) semaphore(%run_scoped3A : memref<!tpu.dma_semaphore, #tpu.memory_space<semaphore_mem>>) {add = true}
        %dma_wait3A = arith.constant 0 : i32
        %dma_wait3A_23 = arith.constant 0 : i32
        %dma_wait3A_24 = tpu.memref_slice %arg8[%dma_wait3A, %dma_wait3A_23] : memref<10112x128xf32, #tpu.memory_space<vmem_shared>> -> memref<10112x128xf32, #tpu.memory_space<vmem_shared>>
        tpu.wait_indirect_dma semaphore(%run_scoped3A : memref<!tpu.dma_semaphore, #tpu.memory_space<semaphore_mem>>) src(%arg7 : memref<128x128xf32, #tpu.memory_space<vmem>>) dst(%dma_wait3A_24 : memref<10112x128xf32, #tpu.memory_space<vmem_shared>>)
        tpu.yield
      }) : () -> ()
    }
    %scan3A_9 = arith.constant 40 : i32
    %barrier3A_10 = arith.constant 0 : index
    tpu.barrier barrier_id(%barrier3A_10)
    %mul3A_11 = arith.constant 632 : i32
    %mul3A_12 = arith.muli %arg1, %mul3A_11 : i32
    %mul3A_13 = arith.constant 632 : i32
    %mul3A_14 = arith.muli %arg1, %mul3A_13 : i32
    "tpu.region"() ({
      %run_scoped3A = tpu.sem_alloc : memref<!tpu.dma_semaphore, #tpu.memory_space<semaphore_mem>>
      %dma_start3A = arith.constant 0 : i32
      %dma_start3A_15 = tpu.memref_slice %arg5[%arg0, %mul3A_14, %dma_start3A] : memref<2x10112x128xf32, #tpu.memory_space<hbm>> -> memref<1x632x128xf32, #tpu.memory_space<hbm>>
      %dma_start3A_16 = tpu.memref_squeeze %dma_start3A_15 : memref<1x632x128xf32, #tpu.memory_space<hbm>> -> memref<632x128xf32, #tpu.memory_space<hbm>>
      %dma_start3A_17 = arith.constant 0 : i32
      %dma_start3A_18 = tpu.memref_slice %arg8[%mul3A_12, %dma_start3A_17] : memref<10112x128xf32, #tpu.memory_space<vmem_shared>> -> memref<632x128xf32, #tpu.memory_space<vmem_shared>>
      tpu.enqueue_dma source(%dma_start3A_18 : memref<632x128xf32, #tpu.memory_space<vmem_shared>>) target(%dma_start3A_16 : memref<632x128xf32, #tpu.memory_space<hbm>>) target_semaphore(%run_scoped3A : memref<!tpu.dma_semaphore, #tpu.memory_space<semaphore_mem>>)
      %dma_wait3A = arith.constant 0 : i32
      %dma_wait3A_19 = tpu.memref_slice %arg5[%arg0, %mul3A_14, %dma_wait3A] : memref<2x10112x128xf32, #tpu.memory_space<hbm>> -> memref<1x632x128xf32, #tpu.memory_space<hbm>>
      %dma_wait3A_20 = tpu.memref_squeeze %dma_wait3A_19 : memref<1x632x128xf32, #tpu.memory_space<hbm>> -> memref<632x128xf32, #tpu.memory_space<hbm>>
      %dma_wait3A_21 = arith.constant 0 : i32
      %dma_wait3A_22 = tpu.memref_slice %arg8[%mul3A_12, %dma_wait3A_21] : memref<10112x128xf32, #tpu.memory_space<vmem_shared>> -> memref<632x128xf32, #tpu.memory_space<vmem_shared>>
      tpu.wait_dma2 semaphore(%run_scoped3A : memref<!tpu.dma_semaphore, #tpu.memory_space<semaphore_mem>>) src(%dma_wait3A_22 : memref<632x128xf32, #tpu.memory_space<vmem_shared>>) dst(%dma_wait3A_20 : memref<632x128xf32, #tpu.memory_space<hbm>>)
      tpu.yield
    }) : () -> ()
    return
  }
}

#map = affine_map<(d0, d1) -> (0, 0)>
#map1 = affine_map<(d0, d1) -> (0, 0, 0)>
module attributes {stable_mosaic.version = 14 : i64} {
  func.func @sc_scatter128(%arg0: i32, %arg1: i32, %arg2: memref<163840x128xf32, #tpu.memory_space<hbm>>, %arg3: memref<32x40x128xi32, #tpu.memory_space<hbm>>, %arg4: memref<10112x128xf32, #tpu.memory_space<hbm>>, %arg5: memref<2x10112x128xf32, #tpu.memory_space<hbm>>, %arg6: memref<128xi32, #tpu.memory_space<vmem>>, %arg7: memref<128x128xf32, #tpu.memory_space<vmem>>, %arg8: memref<10112x128xf32, #tpu.memory_space<vmem_shared>>) attributes {dimension_semantics = [#tpu.dimension_semantics<core_parallel>, #tpu.dimension_semantics<subcore_parallel>], iteration_bounds = array<i64: 2, 16>, scalar_prefetch = 0 : i64, scratch_operands = 3 : i64, tpu.core_type = #tpu.core_type<sc_vector_subcore>, window_params = [{transform_indices = #map}, {transform_indices = #map1}, {transform_indices = #map}, {transform_indices = #map1}]} {
    %mul3A = arith.constant 2 : i32
    %mul3A_0 = arith.muli %arg1, %mul3A : i32
    %add3A = arith.addi %mul3A_0, %arg0 : i32
    %mul3A_1 = arith.constant 632 : i32
    %mul3A_2 = arith.muli %arg1, %mul3A_1 : i32
    %mul3A_3 = arith.constant 632 : i32
    %mul3A_4 = arith.muli %arg1, %mul3A_3 : i32
    "tpu.region"() ({
      %run_scoped3A = tpu.sem_alloc : memref<!tpu.dma_semaphore, #tpu.memory_space<semaphore_mem>>
      %dma_start3A = arith.constant 0 : i32
      %dma_start3A_15 = tpu.memref_slice %arg8[%mul3A_4, %dma_start3A] : memref<10112x128xf32, #tpu.memory_space<vmem_shared>> -> memref<632x128xf32, #tpu.memory_space<vmem_shared>>
      %dma_start3A_16 = arith.constant 0 : i32
      %dma_start3A_17 = tpu.memref_slice %arg4[%mul3A_2, %dma_start3A_16] : memref<10112x128xf32, #tpu.memory_space<hbm>> -> memref<632x128xf32, #tpu.memory_space<hbm>>
      tpu.enqueue_dma source(%dma_start3A_17 : memref<632x128xf32, #tpu.memory_space<hbm>>) target(%dma_start3A_15 : memref<632x128xf32, #tpu.memory_space<vmem_shared>>) target_semaphore(%run_scoped3A : memref<!tpu.dma_semaphore, #tpu.memory_space<semaphore_mem>>)
      %dma_wait3A = arith.constant 0 : i32
      %dma_wait3A_18 = tpu.memref_slice %arg8[%mul3A_4, %dma_wait3A] : memref<10112x128xf32, #tpu.memory_space<vmem_shared>> -> memref<632x128xf32, #tpu.memory_space<vmem_shared>>
      %dma_wait3A_19 = arith.constant 0 : i32
      %dma_wait3A_20 = tpu.memref_slice %arg4[%mul3A_2, %dma_wait3A_19] : memref<10112x128xf32, #tpu.memory_space<hbm>> -> memref<632x128xf32, #tpu.memory_space<hbm>>
      tpu.wait_dma2 semaphore(%run_scoped3A : memref<!tpu.dma_semaphore, #tpu.memory_space<semaphore_mem>>) src(%dma_wait3A_20 : memref<632x128xf32, #tpu.memory_space<hbm>>) dst(%dma_wait3A_18 : memref<632x128xf32, #tpu.memory_space<vmem_shared>>)
      tpu.yield
    }) : () -> ()
    %barrier3A = arith.constant 0 : index
    tpu.barrier barrier_id(%barrier3A)
    %scan3A = arith.constant 0 : i32
    %scan3A_5 = arith.constant 0 : i32
    %scan3A_6 = arith.constant 40 : i32
    %scan3A_7 = arith.addi %scan3A_5, %scan3A_6 : i32
    %scan3A_8 = arith.constant 1 : i32
    scf.for %scan3A_15 = %scan3A_5 to %scan3A_7 step %scan3A_8  : i32 {
      %mul3A_16 = arith.constant 40 : i32
      %mul3A_17 = arith.muli %add3A, %mul3A_16 : i32
      %add3A_18 = arith.addi %mul3A_17, %scan3A_15 : i32
      %mul3A_19 = arith.constant 128 : i32
      %mul3A_20 = arith.muli %add3A_18, %mul3A_19 : i32
      "tpu.region"() ({
        %run_scoped3A = tpu.sem_alloc : memref<!tpu.dma_semaphore, #tpu.memory_space<semaphore_mem>>
        %dma_start3A = arith.constant 0 : i32
        %dma_start3A_21 = tpu.memref_slice %arg3[%add3A, %scan3A_15, %dma_start3A] : memref<32x40x128xi32, #tpu.memory_space<hbm>> -> memref<1x1x128xi32, #tpu.memory_space<hbm>>
        %dma_start3A_22 = tpu.memref_squeeze %dma_start3A_21 : memref<1x1x128xi32, #tpu.memory_space<hbm>> -> memref<128xi32, #tpu.memory_space<hbm>>
        %dma_start3A_23 = arith.constant 0 : i32
        %dma_start3A_24 = tpu.memref_slice %arg3[%add3A, %scan3A_15, %dma_start3A_23] : memref<32x40x128xi32, #tpu.memory_space<hbm>> -> memref<1x1x128xi32, #tpu.memory_space<hbm>>
        %dma_start3A_25 = tpu.memref_squeeze %dma_start3A_24 : memref<1x1x128xi32, #tpu.memory_space<hbm>> -> memref<128xi32, #tpu.memory_space<hbm>>
        tpu.enqueue_dma source(%dma_start3A_25 : memref<128xi32, #tpu.memory_space<hbm>>) target(%arg6 : memref<128xi32, #tpu.memory_space<vmem>>) target_semaphore(%run_scoped3A : memref<!tpu.dma_semaphore, #tpu.memory_space<semaphore_mem>>)
        %dma_wait3A = arith.constant 0 : i32
        %dma_wait3A_26 = tpu.memref_slice %arg3[%add3A, %scan3A_15, %dma_wait3A] : memref<32x40x128xi32, #tpu.memory_space<hbm>> -> memref<1x1x128xi32, #tpu.memory_space<hbm>>
        %dma_wait3A_27 = tpu.memref_squeeze %dma_wait3A_26 : memref<1x1x128xi32, #tpu.memory_space<hbm>> -> memref<128xi32, #tpu.memory_space<hbm>>
        %dma_wait3A_28 = arith.constant 0 : i32
        %dma_wait3A_29 = tpu.memref_slice %arg3[%add3A, %scan3A_15, %dma_wait3A_28] : memref<32x40x128xi32, #tpu.memory_space<hbm>> -> memref<1x1x128xi32, #tpu.memory_space<hbm>>
        %dma_wait3A_30 = tpu.memref_squeeze %dma_wait3A_29 : memref<1x1x128xi32, #tpu.memory_space<hbm>> -> memref<128xi32, #tpu.memory_space<hbm>>
        tpu.wait_dma2 semaphore(%run_scoped3A : memref<!tpu.dma_semaphore, #tpu.memory_space<semaphore_mem>>) src(%dma_wait3A_30 : memref<128xi32, #tpu.memory_space<hbm>>) dst(%arg6 : memref<128xi32, #tpu.memory_space<vmem>>)
        tpu.yield
      }) : () -> ()
      "tpu.region"() ({
        %run_scoped3A = tpu.sem_alloc : memref<!tpu.dma_semaphore, #tpu.memory_space<semaphore_mem>>
        %dma_start3A = arith.constant 0 : i32
        %dma_start3A_21 = tpu.memref_slice %arg2[%mul3A_20, %dma_start3A] : memref<163840x128xf32, #tpu.memory_space<hbm>> -> memref<128x128xf32, #tpu.memory_space<hbm>>
        %dma_start3A_22 = arith.constant 0 : i32
        %dma_start3A_23 = tpu.memref_slice %arg2[%mul3A_20, %dma_start3A_22] : memref<163840x128xf32, #tpu.memory_space<hbm>> -> memref<128x128xf32, #tpu.memory_space<hbm>>
        tpu.enqueue_dma source(%dma_start3A_23 : memref<128x128xf32, #tpu.memory_space<hbm>>) target(%arg7 : memref<128x128xf32, #tpu.memory_space<vmem>>) target_semaphore(%run_scoped3A : memref<!tpu.dma_semaphore, #tpu.memory_space<semaphore_mem>>)
        %dma_wait3A = arith.constant 0 : i32
        %dma_wait3A_24 = tpu.memref_slice %arg2[%mul3A_20, %dma_wait3A] : memref<163840x128xf32, #tpu.memory_space<hbm>> -> memref<128x128xf32, #tpu.memory_space<hbm>>
        %dma_wait3A_25 = arith.constant 0 : i32
        %dma_wait3A_26 = tpu.memref_slice %arg2[%mul3A_20, %dma_wait3A_25] : memref<163840x128xf32, #tpu.memory_space<hbm>> -> memref<128x128xf32, #tpu.memory_space<hbm>>
        tpu.wait_dma2 semaphore(%run_scoped3A : memref<!tpu.dma_semaphore, #tpu.memory_space<semaphore_mem>>) src(%dma_wait3A_26 : memref<128x128xf32, #tpu.memory_space<hbm>>) dst(%arg7 : memref<128x128xf32, #tpu.memory_space<vmem>>)
        tpu.yield
      }) : () -> ()
      "tpu.region"() ({
        %run_scoped3A = tpu.sem_alloc : memref<!tpu.dma_semaphore, #tpu.memory_space<semaphore_mem>>
        %dma_start3A = arith.constant 0 : i32
        %dma_start3A_21 = arith.constant 0 : i32
        %dma_start3A_22 = tpu.memref_slice %arg8[%dma_start3A, %dma_start3A_21] : memref<10112x128xf32, #tpu.memory_space<vmem_shared>> -> memref<10112x128xf32, #tpu.memory_space<vmem_shared>>
        tpu.enqueue_indirect_dma source(%arg7 : memref<128x128xf32, #tpu.memory_space<vmem>>) target(%dma_start3A_22 : memref<10112x128xf32, #tpu.memory_space<vmem_shared>>) offsets(%arg6 : memref<128xi32, #tpu.memory_space<vmem>>) semaphore(%run_scoped3A : memref<!tpu.dma_semaphore, #tpu.memory_space<semaphore_mem>>) {add = true}
        %dma_wait3A = arith.constant 0 : i32
        %dma_wait3A_23 = arith.constant 0 : i32
        %dma_wait3A_24 = tpu.memref_slice %arg8[%dma_wait3A, %dma_wait3A_23] : memref<10112x128xf32, #tpu.memory_space<vmem_shared>> -> memref<10112x128xf32, #tpu.memory_space<vmem_shared>>
        tpu.wait_indirect_dma semaphore(%run_scoped3A : memref<!tpu.dma_semaphore, #tpu.memory_space<semaphore_mem>>) src(%arg7 : memref<128x128xf32, #tpu.memory_space<vmem>>) dst(%dma_wait3A_24 : memref<10112x128xf32, #tpu.memory_space<vmem_shared>>)
        tpu.yield
      }) : () -> ()
    }
    %scan3A_9 = arith.constant 40 : i32
    %barrier3A_10 = arith.constant 0 : index
    tpu.barrier barrier_id(%barrier3A_10)
    %mul3A_11 = arith.constant 632 : i32
    %mul3A_12 = arith.muli %arg1, %mul3A_11 : i32
    %mul3A_13 = arith.constant 632 : i32
    %mul3A_14 = arith.muli %arg1, %mul3A_13 : i32
    "tpu.region"() ({
      %run_scoped3A = tpu.sem_alloc : memref<!tpu.dma_semaphore, #tpu.memory_space<semaphore_mem>>
      %dma_start3A = arith.constant 0 : i32
      %dma_start3A_15 = tpu.memref_slice %arg5[%arg0, %mul3A_14, %dma_start3A] : memref<2x10112x128xf32, #tpu.memory_space<hbm>> -> memref<1x632x128xf32, #tpu.memory_space<hbm>>
      %dma_start3A_16 = tpu.memref_squeeze %dma_start3A_15 : memref<1x632x128xf32, #tpu.memory_space<hbm>> -> memref<632x128xf32, #tpu.memory_space<hbm>>
      %dma_start3A_17 = arith.constant 0 : i32
      %dma_start3A_18 = tpu.memref_slice %arg8[%mul3A_12, %dma_start3A_17] : memref<10112x128xf32, #tpu.memory_space<vmem_shared>> -> memref<632x128xf32, #tpu.memory_space<vmem_shared>>
      tpu.enqueue_dma source(%dma_start3A_18 : memref<632x128xf32, #tpu.memory_space<vmem_shared>>) target(%dma_start3A_16 : memref<632x128xf32, #tpu.memory_space<hbm>>) target_semaphore(%run_scoped3A : memref<!tpu.dma_semaphore, #tpu.memory_space<semaphore_mem>>)
      %dma_wait3A = arith.constant 0 : i32
      %dma_wait3A_19 = tpu.memref_slice %arg5[%arg0, %mul3A_14, %dma_wait3A] : memref<2x10112x128xf32, #tpu.memory_space<hbm>> -> memref<1x632x128xf32, #tpu.memory_space<hbm>>
      %dma_wait3A_20 = tpu.memref_squeeze %dma_wait3A_19 : memref<1x632x128xf32, #tpu.memory_space<hbm>> -> memref<632x128xf32, #tpu.memory_space<hbm>>
      %dma_wait3A_21 = arith.constant 0 : i32
      %dma_wait3A_22 = tpu.memref_slice %arg8[%mul3A_12, %dma_wait3A_21] : memref<10112x128xf32, #tpu.memory_space<vmem_shared>> -> memref<632x128xf32, #tpu.memory_space<vmem_shared>>
      tpu.wait_dma2 semaphore(%run_scoped3A : memref<!tpu.dma_semaphore, #tpu.memory_space<semaphore_mem>>) src(%dma_wait3A_22 : memref<632x128xf32, #tpu.memory_space<vmem_shared>>) dst(%dma_wait3A_20 : memref<632x128xf32, #tpu.memory_space<hbm>>)
      tpu.yield
    }) : () -> ()
    return
  }
}

#map = affine_map<(d0, d1) -> (0, 0)>
#map1 = affine_map<(d0, d1) -> (0, 0, 0)>
module attributes {stable_mosaic.version = 14 : i64} {
  func.func @sc_gather_spmem(%arg0: i32, %arg1: i32, %arg2: memref<10112x128xf32, #tpu.memory_space<hbm>>, %arg3: memref<10112x128xf32, #tpu.memory_space<hbm>>, %arg4: memref<16x80x128xi32, #tpu.memory_space<hbm>>, %arg5: memref<16x80x128xi32, #tpu.memory_space<hbm>>, %arg6: memref<163840x128xf32, #tpu.memory_space<hbm>>, %arg7: memref<163840x128xf32, #tpu.memory_space<hbm>>, %arg8: memref<80x128xi32, #tpu.memory_space<vmem>>, %arg9: memref<2x128x128xf32, #tpu.memory_space<vmem>>, %arg10: memref<10112x128xf32, #tpu.memory_space<vmem_shared>>, %arg11: memref<!tpu.dma_semaphore, #tpu.memory_space<semaphore_mem>>, %arg12: memref<!tpu.dma_semaphore, #tpu.memory_space<semaphore_mem>>, %arg13: memref<!tpu.dma_semaphore, #tpu.memory_space<semaphore_mem>>, %arg14: memref<!tpu.dma_semaphore, #tpu.memory_space<semaphore_mem>>) attributes {dimension_semantics = [#tpu.dimension_semantics<core_parallel>, #tpu.dimension_semantics<subcore_parallel>], iteration_bounds = array<i64: 2, 16>, scalar_prefetch = 0 : i64, scratch_operands = 7 : i64, tpu.core_type = #tpu.core_type<sc_vector_subcore>, window_params = [{transform_indices = #map}, {transform_indices = #map}, {transform_indices = #map1}, {transform_indices = #map1}, {transform_indices = #map}, {transform_indices = #map}]} {
    %eq3A = arith.constant 0 : i32
    %eq3A_0 = arith.cmpi eq, %arg0, %eq3A : i32
    %convert_element_type3A = arith.extui %eq3A_0 : i1 to i32
    %cond3A = arith.constant 0 : i32
    %cond3A_1 = arith.cmpi ne, %convert_element_type3A, %cond3A : i32
    scf.if %cond3A_1 {
      %mul3A_77 = arith.constant 632 : i32
      %mul3A_78 = arith.muli %arg1, %mul3A_77 : i32
      %mul3A_79 = arith.constant 632 : i32
      %mul3A_80 = arith.muli %arg1, %mul3A_79 : i32
      "tpu.region"() ({
        %run_scoped3A = tpu.sem_alloc : memref<!tpu.dma_semaphore, #tpu.memory_space<semaphore_mem>>
        %dma_start3A_81 = arith.constant 0 : i32
        %dma_start3A_82 = tpu.memref_slice %arg10[%mul3A_80, %dma_start3A_81] : memref<10112x128xf32, #tpu.memory_space<vmem_shared>> -> memref<632x128xf32, #tpu.memory_space<vmem_shared>>
        %dma_start3A_83 = arith.constant 0 : i32
        %dma_start3A_84 = tpu.memref_slice %arg2[%mul3A_78, %dma_start3A_83] : memref<10112x128xf32, #tpu.memory_space<hbm>> -> memref<632x128xf32, #tpu.memory_space<hbm>>
        tpu.enqueue_dma source(%dma_start3A_84 : memref<632x128xf32, #tpu.memory_space<hbm>>) target(%dma_start3A_82 : memref<632x128xf32, #tpu.memory_space<vmem_shared>>) target_semaphore(%run_scoped3A : memref<!tpu.dma_semaphore, #tpu.memory_space<semaphore_mem>>)
        %dma_wait3A_85 = arith.constant 0 : i32
        %dma_wait3A_86 = tpu.memref_slice %arg10[%mul3A_80, %dma_wait3A_85] : memref<10112x128xf32, #tpu.memory_space<vmem_shared>> -> memref<632x128xf32, #tpu.memory_space<vmem_shared>>
        %dma_wait3A_87 = arith.constant 0 : i32
        %dma_wait3A_88 = tpu.memref_slice %arg2[%mul3A_78, %dma_wait3A_87] : memref<10112x128xf32, #tpu.memory_space<hbm>> -> memref<632x128xf32, #tpu.memory_space<hbm>>
        tpu.wait_dma2 semaphore(%run_scoped3A : memref<!tpu.dma_semaphore, #tpu.memory_space<semaphore_mem>>) src(%dma_wait3A_88 : memref<632x128xf32, #tpu.memory_space<hbm>>) dst(%dma_wait3A_86 : memref<632x128xf32, #tpu.memory_space<vmem_shared>>)
        tpu.yield
      }) : () -> ()
      "tpu.region"() ({
        %run_scoped3A = tpu.sem_alloc : memref<!tpu.dma_semaphore, #tpu.memory_space<semaphore_mem>>
        %dma_start3A_81 = arith.constant 0 : i32
        %dma_start3A_82 = arith.constant 0 : i32
        %dma_start3A_83 = tpu.memref_slice %arg4[%arg1, %dma_start3A_81, %dma_start3A_82] : memref<16x80x128xi32, #tpu.memory_space<hbm>> -> memref<1x80x128xi32, #tpu.memory_space<hbm>>
        %dma_start3A_84 = tpu.memref_squeeze %dma_start3A_83 : memref<1x80x128xi32, #tpu.memory_space<hbm>> -> memref<80x128xi32, #tpu.memory_space<hbm>>
        %dma_start3A_85 = arith.constant 0 : i32
        %dma_start3A_86 = arith.constant 0 : i32
        %dma_start3A_87 = tpu.memref_slice %arg4[%arg1, %dma_start3A_85, %dma_start3A_86] : memref<16x80x128xi32, #tpu.memory_space<hbm>> -> memref<1x80x128xi32, #tpu.memory_space<hbm>>
        %dma_start3A_88 = tpu.memref_squeeze %dma_start3A_87 : memref<1x80x128xi32, #tpu.memory_space<hbm>> -> memref<80x128xi32, #tpu.memory_space<hbm>>
        tpu.enqueue_dma source(%dma_start3A_88 : memref<80x128xi32, #tpu.memory_space<hbm>>) target(%arg8 : memref<80x128xi32, #tpu.memory_space<vmem>>) target_semaphore(%run_scoped3A : memref<!tpu.dma_semaphore, #tpu.memory_space<semaphore_mem>>)
        %dma_wait3A_89 = arith.constant 0 : i32
        %dma_wait3A_90 = arith.constant 0 : i32
        %dma_wait3A_91 = tpu.memref_slice %arg4[%arg1, %dma_wait3A_89, %dma_wait3A_90] : memref<16x80x128xi32, #tpu.memory_space<hbm>> -> memref<1x80x128xi32, #tpu.memory_space<hbm>>
        %dma_wait3A_92 = tpu.memref_squeeze %dma_wait3A_91 : memref<1x80x128xi32, #tpu.memory_space<hbm>> -> memref<80x128xi32, #tpu.memory_space<hbm>>
        %dma_wait3A_93 = arith.constant 0 : i32
        %dma_wait3A_94 = arith.constant 0 : i32
        %dma_wait3A_95 = tpu.memref_slice %arg4[%arg1, %dma_wait3A_93, %dma_wait3A_94] : memref<16x80x128xi32, #tpu.memory_space<hbm>> -> memref<1x80x128xi32, #tpu.memory_space<hbm>>
        %dma_wait3A_96 = tpu.memref_squeeze %dma_wait3A_95 : memref<1x80x128xi32, #tpu.memory_space<hbm>> -> memref<80x128xi32, #tpu.memory_space<hbm>>
        tpu.wait_dma2 semaphore(%run_scoped3A : memref<!tpu.dma_semaphore, #tpu.memory_space<semaphore_mem>>) src(%dma_wait3A_96 : memref<80x128xi32, #tpu.memory_space<hbm>>) dst(%arg8 : memref<80x128xi32, #tpu.memory_space<vmem>>)
        tpu.yield
      }) : () -> ()
    } else {
    }
    %eq3A_2 = arith.constant 1 : i32
    %eq3A_3 = arith.cmpi eq, %arg0, %eq3A_2 : i32
    %convert_element_type3A_4 = arith.extui %eq3A_3 : i1 to i32
    %cond3A_5 = arith.constant 0 : i32
    %cond3A_6 = arith.cmpi ne, %convert_element_type3A_4, %cond3A_5 : i32
    scf.if %cond3A_6 {
      %mul3A_77 = arith.constant 632 : i32
      %mul3A_78 = arith.muli %arg1, %mul3A_77 : i32
      %mul3A_79 = arith.constant 632 : i32
      %mul3A_80 = arith.muli %arg1, %mul3A_79 : i32
      "tpu.region"() ({
        %run_scoped3A = tpu.sem_alloc : memref<!tpu.dma_semaphore, #tpu.memory_space<semaphore_mem>>
        %dma_start3A_81 = arith.constant 0 : i32
        %dma_start3A_82 = tpu.memref_slice %arg10[%mul3A_80, %dma_start3A_81] : memref<10112x128xf32, #tpu.memory_space<vmem_shared>> -> memref<632x128xf32, #tpu.memory_space<vmem_shared>>
        %dma_start3A_83 = arith.constant 0 : i32
        %dma_start3A_84 = tpu.memref_slice %arg3[%mul3A_78, %dma_start3A_83] : memref<10112x128xf32, #tpu.memory_space<hbm>> -> memref<632x128xf32, #tpu.memory_space<hbm>>
        tpu.enqueue_dma source(%dma_start3A_84 : memref<632x128xf32, #tpu.memory_space<hbm>>) target(%dma_start3A_82 : memref<632x128xf32, #tpu.memory_space<vmem_shared>>) target_semaphore(%run_scoped3A : memref<!tpu.dma_semaphore, #tpu.memory_space<semaphore_mem>>)
        %dma_wait3A_85 = arith.constant 0 : i32
        %dma_wait3A_86 = tpu.memref_slice %arg10[%mul3A_80, %dma_wait3A_85] : memref<10112x128xf32, #tpu.memory_space<vmem_shared>> -> memref<632x128xf32, #tpu.memory_space<vmem_shared>>
        %dma_wait3A_87 = arith.constant 0 : i32
        %dma_wait3A_88 = tpu.memref_slice %arg3[%mul3A_78, %dma_wait3A_87] : memref<10112x128xf32, #tpu.memory_space<hbm>> -> memref<632x128xf32, #tpu.memory_space<hbm>>
        tpu.wait_dma2 semaphore(%run_scoped3A : memref<!tpu.dma_semaphore, #tpu.memory_space<semaphore_mem>>) src(%dma_wait3A_88 : memref<632x128xf32, #tpu.memory_space<hbm>>) dst(%dma_wait3A_86 : memref<632x128xf32, #tpu.memory_space<vmem_shared>>)
        tpu.yield
      }) : () -> ()
      "tpu.region"() ({
        %run_scoped3A = tpu.sem_alloc : memref<!tpu.dma_semaphore, #tpu.memory_space<semaphore_mem>>
        %dma_start3A_81 = arith.constant 0 : i32
        %dma_start3A_82 = arith.constant 0 : i32
        %dma_start3A_83 = tpu.memref_slice %arg5[%arg1, %dma_start3A_81, %dma_start3A_82] : memref<16x80x128xi32, #tpu.memory_space<hbm>> -> memref<1x80x128xi32, #tpu.memory_space<hbm>>
        %dma_start3A_84 = tpu.memref_squeeze %dma_start3A_83 : memref<1x80x128xi32, #tpu.memory_space<hbm>> -> memref<80x128xi32, #tpu.memory_space<hbm>>
        %dma_start3A_85 = arith.constant 0 : i32
        %dma_start3A_86 = arith.constant 0 : i32
        %dma_start3A_87 = tpu.memref_slice %arg5[%arg1, %dma_start3A_85, %dma_start3A_86] : memref<16x80x128xi32, #tpu.memory_space<hbm>> -> memref<1x80x128xi32, #tpu.memory_space<hbm>>
        %dma_start3A_88 = tpu.memref_squeeze %dma_start3A_87 : memref<1x80x128xi32, #tpu.memory_space<hbm>> -> memref<80x128xi32, #tpu.memory_space<hbm>>
        tpu.enqueue_dma source(%dma_start3A_88 : memref<80x128xi32, #tpu.memory_space<hbm>>) target(%arg8 : memref<80x128xi32, #tpu.memory_space<vmem>>) target_semaphore(%run_scoped3A : memref<!tpu.dma_semaphore, #tpu.memory_space<semaphore_mem>>)
        %dma_wait3A_89 = arith.constant 0 : i32
        %dma_wait3A_90 = arith.constant 0 : i32
        %dma_wait3A_91 = tpu.memref_slice %arg5[%arg1, %dma_wait3A_89, %dma_wait3A_90] : memref<16x80x128xi32, #tpu.memory_space<hbm>> -> memref<1x80x128xi32, #tpu.memory_space<hbm>>
        %dma_wait3A_92 = tpu.memref_squeeze %dma_wait3A_91 : memref<1x80x128xi32, #tpu.memory_space<hbm>> -> memref<80x128xi32, #tpu.memory_space<hbm>>
        %dma_wait3A_93 = arith.constant 0 : i32
        %dma_wait3A_94 = arith.constant 0 : i32
        %dma_wait3A_95 = tpu.memref_slice %arg5[%arg1, %dma_wait3A_93, %dma_wait3A_94] : memref<16x80x128xi32, #tpu.memory_space<hbm>> -> memref<1x80x128xi32, #tpu.memory_space<hbm>>
        %dma_wait3A_96 = tpu.memref_squeeze %dma_wait3A_95 : memref<1x80x128xi32, #tpu.memory_space<hbm>> -> memref<80x128xi32, #tpu.memory_space<hbm>>
        tpu.wait_dma2 semaphore(%run_scoped3A : memref<!tpu.dma_semaphore, #tpu.memory_space<semaphore_mem>>) src(%dma_wait3A_96 : memref<80x128xi32, #tpu.memory_space<hbm>>) dst(%arg8 : memref<80x128xi32, #tpu.memory_space<vmem>>)
        tpu.yield
      }) : () -> ()
    } else {
    }
    %barrier3A = arith.constant 0 : index
    tpu.barrier barrier_id(%barrier3A)
    %dma_start3A = arith.constant 0 : i32
    %dma_start3A_7 = arith.constant 0 : i32
    %dma_start3A_8 = arith.constant 0 : i32
    %dma_start3A_9 = arith.constant 0 : i32
    %dma_start3A_10 = tpu.memref_slice %arg9[%dma_start3A_7, %dma_start3A_8, %dma_start3A_9] : memref<2x128x128xf32, #tpu.memory_space<vmem>> -> memref<1x128x128xf32, #tpu.memory_space<vmem>>
    %dma_start3A_11 = tpu.memref_squeeze %dma_start3A_10 : memref<1x128x128xf32, #tpu.memory_space<vmem>> -> memref<128x128xf32, #tpu.memory_space<vmem>>
    %dma_start3A_12 = arith.constant 0 : i32
    %dma_start3A_13 = tpu.memref_slice %arg8[%dma_start3A, %dma_start3A_12] : memref<80x128xi32, #tpu.memory_space<vmem>> -> memref<1x128xi32, #tpu.memory_space<vmem>>
    %dma_start3A_14 = tpu.memref_squeeze %dma_start3A_13 : memref<1x128xi32, #tpu.memory_space<vmem>> -> memref<128xi32, #tpu.memory_space<vmem>>
    %dma_start3A_15 = arith.constant 0 : i32
    %dma_start3A_16 = arith.constant 0 : i32
    %dma_start3A_17 = tpu.memref_slice %arg10[%dma_start3A_15, %dma_start3A_16] : memref<10112x128xf32, #tpu.memory_space<vmem_shared>> -> memref<10112x128xf32, #tpu.memory_space<vmem_shared>>
    tpu.enqueue_indirect_dma source(%dma_start3A_17 : memref<10112x128xf32, #tpu.memory_space<vmem_shared>>) target(%dma_start3A_11 : memref<128x128xf32, #tpu.memory_space<vmem>>) offsets(%dma_start3A_14 : memref<128xi32, #tpu.memory_space<vmem>>) semaphore(%arg11 : memref<!tpu.dma_semaphore, #tpu.memory_space<semaphore_mem>>)
    %dma_start3A_18 = arith.constant 1 : i32
    %dma_start3A_19 = arith.constant 1 : i32
    %dma_start3A_20 = arith.constant 0 : i32
    %dma_start3A_21 = arith.constant 0 : i32
    %dma_start3A_22 = tpu.memref_slice %arg9[%dma_start3A_19, %dma_start3A_20, %dma_start3A_21] : memref<2x128x128xf32, #tpu.memory_space<vmem>> -> memref<1x128x128xf32, #tpu.memory_space<vmem>>
    %dma_start3A_23 = tpu.memref_squeeze %dma_start3A_22 : memref<1x128x128xf32, #tpu.memory_space<vmem>> -> memref<128x128xf32, #tpu.memory_space<vmem>>
    %dma_start3A_24 = arith.constant 0 : i32
    %dma_start3A_25 = tpu.memref_slice %arg8[%dma_start3A_18, %dma_start3A_24] : memref<80x128xi32, #tpu.memory_space<vmem>> -> memref<1x128xi32, #tpu.memory_space<vmem>>
    %dma_start3A_26 = tpu.memref_squeeze %dma_start3A_25 : memref<1x128xi32, #tpu.memory_space<vmem>> -> memref<128xi32, #tpu.memory_space<vmem>>
    %dma_start3A_27 = arith.constant 0 : i32
    %dma_start3A_28 = arith.constant 0 : i32
    %dma_start3A_29 = tpu.memref_slice %arg10[%dma_start3A_27, %dma_start3A_28] : memref<10112x128xf32, #tpu.memory_space<vmem_shared>> -> memref<10112x128xf32, #tpu.memory_space<vmem_shared>>
    tpu.enqueue_indirect_dma source(%dma_start3A_29 : memref<10112x128xf32, #tpu.memory_space<vmem_shared>>) target(%dma_start3A_23 : memref<128x128xf32, #tpu.memory_space<vmem>>) offsets(%dma_start3A_26 : memref<128xi32, #tpu.memory_space<vmem>>) semaphore(%arg12 : memref<!tpu.dma_semaphore, #tpu.memory_space<semaphore_mem>>)
    %scan3A = arith.constant 0 : i32
    %scan3A_30 = arith.constant 0 : i32
    %scan3A_31 = arith.constant 40 : i32
    %scan3A_32 = arith.addi %scan3A_30, %scan3A_31 : i32
    %scan3A_33 = arith.constant 1 : i32
    scf.for %scan3A_77 = %scan3A_30 to %scan3A_32 step %scan3A_33  : i32 {
      %mul3A_78 = arith.constant 2 : i32
      %mul3A_79 = arith.muli %mul3A_78, %scan3A_77 : i32
      %add3A_80 = arith.constant 0 : i32
      %add3A_81 = arith.addi %mul3A_79, %add3A_80 : i32
      %mul3A_82 = arith.constant 80 : i32
      %mul3A_83 = arith.muli %arg1, %mul3A_82 : i32
      %add3A_84 = arith.addi %mul3A_83, %add3A_81 : i32
      %mul3A_85 = arith.constant 128 : i32
      %mul3A_86 = arith.muli %add3A_84, %mul3A_85 : i32
      %dma_wait3A_87 = arith.constant 0 : i32
      %dma_wait3A_88 = arith.constant 0 : i32
      %dma_wait3A_89 = arith.constant 0 : i32
      %dma_wait3A_90 = tpu.memref_slice %arg9[%dma_wait3A_87, %dma_wait3A_88, %dma_wait3A_89] : memref<2x128x128xf32, #tpu.memory_space<vmem>> -> memref<1x128x128xf32, #tpu.memory_space<vmem>>
      %dma_wait3A_91 = tpu.memref_squeeze %dma_wait3A_90 : memref<1x128x128xf32, #tpu.memory_space<vmem>> -> memref<128x128xf32, #tpu.memory_space<vmem>>
      %dma_wait3A_92 = arith.constant 0 : i32
      %dma_wait3A_93 = tpu.memref_slice %arg8[%add3A_81, %dma_wait3A_92] : memref<80x128xi32, #tpu.memory_space<vmem>> -> memref<1x128xi32, #tpu.memory_space<vmem>>
      %dma_wait3A_94 = tpu.memref_squeeze %dma_wait3A_93 : memref<1x128xi32, #tpu.memory_space<vmem>> -> memref<128xi32, #tpu.memory_space<vmem>>
      %dma_wait3A_95 = arith.constant 0 : i32
      %dma_wait3A_96 = arith.constant 0 : i32
      %dma_wait3A_97 = tpu.memref_slice %arg10[%dma_wait3A_95, %dma_wait3A_96] : memref<10112x128xf32, #tpu.memory_space<vmem_shared>> -> memref<10112x128xf32, #tpu.memory_space<vmem_shared>>
      tpu.wait_indirect_dma semaphore(%arg11 : memref<!tpu.dma_semaphore, #tpu.memory_space<semaphore_mem>>) src(%dma_wait3A_97 : memref<10112x128xf32, #tpu.memory_space<vmem_shared>>) dst(%dma_wait3A_91 : memref<128x128xf32, #tpu.memory_space<vmem>>)
      %eq3A_98 = arith.constant 0 : i32
      %eq3A_99 = arith.cmpi eq, %arg0, %eq3A_98 : i32
      %convert_element_type3A_100 = arith.extui %eq3A_99 : i1 to i32
      %cond3A_101 = arith.constant 0 : i32
      %cond3A_102 = arith.cmpi ne, %convert_element_type3A_100, %cond3A_101 : i32
      scf.if %cond3A_102 {
        %dma_start3A_147 = arith.constant 0 : i32
        %dma_start3A_148 = arith.constant 0 : i32
        %dma_start3A_149 = arith.constant 0 : i32
        %dma_start3A_150 = tpu.memref_slice %arg9[%dma_start3A_147, %dma_start3A_148, %dma_start3A_149] : memref<2x128x128xf32, #tpu.memory_space<vmem>> -> memref<1x128x128xf32, #tpu.memory_space<vmem>>
        %dma_start3A_151 = tpu.memref_squeeze %dma_start3A_150 : memref<1x128x128xf32, #tpu.memory_space<vmem>> -> memref<128x128xf32, #tpu.memory_space<vmem>>
        %dma_start3A_152 = arith.constant 0 : i32
        %dma_start3A_153 = tpu.memref_slice %arg6[%mul3A_86, %dma_start3A_152] : memref<163840x128xf32, #tpu.memory_space<hbm>> -> memref<128x128xf32, #tpu.memory_space<hbm>>
        %dma_start3A_154 = arith.constant 0 : i32
        %dma_start3A_155 = tpu.memref_slice %arg6[%mul3A_86, %dma_start3A_154] : memref<163840x128xf32, #tpu.memory_space<hbm>> -> memref<128x128xf32, #tpu.memory_space<hbm>>
        %dma_start3A_156 = arith.constant 0 : i32
        %dma_start3A_157 = arith.constant 0 : i32
        %dma_start3A_158 = tpu.memref_slice %arg9[%dma_start3A_147, %dma_start3A_156, %dma_start3A_157] : memref<2x128x128xf32, #tpu.memory_space<vmem>> -> memref<1x128x128xf32, #tpu.memory_space<vmem>>
        %dma_start3A_159 = tpu.memref_squeeze %dma_start3A_158 : memref<1x128x128xf32, #tpu.memory_space<vmem>> -> memref<128x128xf32, #tpu.memory_space<vmem>>
        tpu.enqueue_dma source(%dma_start3A_159 : memref<128x128xf32, #tpu.memory_space<vmem>>) target(%dma_start3A_155 : memref<128x128xf32, #tpu.memory_space<hbm>>) target_semaphore(%arg13 : memref<!tpu.dma_semaphore, #tpu.memory_space<semaphore_mem>>)
      } else {
      }
      %eq3A_103 = arith.constant 1 : i32
      %eq3A_104 = arith.cmpi eq, %arg0, %eq3A_103 : i32
      %convert_element_type3A_105 = arith.extui %eq3A_104 : i1 to i32
      %cond3A_106 = arith.constant 0 : i32
      %cond3A_107 = arith.cmpi ne, %convert_element_type3A_105, %cond3A_106 : i32
      scf.if %cond3A_107 {
        %dma_start3A_147 = arith.constant 0 : i32
        %dma_start3A_148 = arith.constant 0 : i32
        %dma_start3A_149 = arith.constant 0 : i32
        %dma_start3A_150 = tpu.memref_slice %arg9[%dma_start3A_147, %dma_start3A_148, %dma_start3A_149] : memref<2x128x128xf32, #tpu.memory_space<vmem>> -> memref<1x128x128xf32, #tpu.memory_space<vmem>>
        %dma_start3A_151 = tpu.memref_squeeze %dma_start3A_150 : memref<1x128x128xf32, #tpu.memory_space<vmem>> -> memref<128x128xf32, #tpu.memory_space<vmem>>
        %dma_start3A_152 = arith.constant 0 : i32
        %dma_start3A_153 = tpu.memref_slice %arg7[%mul3A_86, %dma_start3A_152] : memref<163840x128xf32, #tpu.memory_space<hbm>> -> memref<128x128xf32, #tpu.memory_space<hbm>>
        %dma_start3A_154 = arith.constant 0 : i32
        %dma_start3A_155 = tpu.memref_slice %arg7[%mul3A_86, %dma_start3A_154] : memref<163840x128xf32, #tpu.memory_space<hbm>> -> memref<128x128xf32, #tpu.memory_space<hbm>>
        %dma_start3A_156 = arith.constant 0 : i32
        %dma_start3A_157 = arith.constant 0 : i32
        %dma_start3A_158 = tpu.memref_slice %arg9[%dma_start3A_147, %dma_start3A_156, %dma_start3A_157] : memref<2x128x128xf32, #tpu.memory_space<vmem>> -> memref<1x128x128xf32, #tpu.memory_space<vmem>>
        %dma_start3A_159 = tpu.memref_squeeze %dma_start3A_158 : memref<1x128x128xf32, #tpu.memory_space<vmem>> -> memref<128x128xf32, #tpu.memory_space<vmem>>
        tpu.enqueue_dma source(%dma_start3A_159 : memref<128x128xf32, #tpu.memory_space<vmem>>) target(%dma_start3A_155 : memref<128x128xf32, #tpu.memory_space<hbm>>) target_semaphore(%arg13 : memref<!tpu.dma_semaphore, #tpu.memory_space<semaphore_mem>>)
      } else {
      }
      %lt3A = arith.constant 39 : i32
      %lt3A_108 = arith.cmpi slt, %scan3A_77, %lt3A : i32
      %convert_element_type3A_109 = arith.extui %lt3A_108 : i1 to i32
      %cond3A_110 = arith.constant 0 : i32
      %cond3A_111 = arith.cmpi ne, %convert_element_type3A_109, %cond3A_110 : i32
      scf.if %cond3A_111 {
        %dma_wait3A_147 = arith.constant 0 : i32
        %dma_wait3A_148 = arith.constant 0 : i32
        %dma_wait3A_149 = arith.constant 0 : i32
        %dma_wait3A_150 = tpu.memref_slice %arg9[%dma_wait3A_147, %dma_wait3A_148, %dma_wait3A_149] : memref<2x128x128xf32, #tpu.memory_space<vmem>> -> memref<1x128x128xf32, #tpu.memory_space<vmem>>
        %dma_wait3A_151 = tpu.memref_squeeze %dma_wait3A_150 : memref<1x128x128xf32, #tpu.memory_space<vmem>> -> memref<128x128xf32, #tpu.memory_space<vmem>>
        %dma_wait3A_152 = arith.constant 0 : i32
        %dma_wait3A_153 = tpu.memref_slice %arg6[%mul3A_86, %dma_wait3A_152] : memref<163840x128xf32, #tpu.memory_space<hbm>> -> memref<128x128xf32, #tpu.memory_space<hbm>>
        %dma_wait3A_154 = arith.constant 0 : i32
        %dma_wait3A_155 = tpu.memref_slice %arg6[%mul3A_86, %dma_wait3A_154] : memref<163840x128xf32, #tpu.memory_space<hbm>> -> memref<128x128xf32, #tpu.memory_space<hbm>>
        %dma_wait3A_156 = arith.constant 0 : i32
        %dma_wait3A_157 = arith.constant 0 : i32
        %dma_wait3A_158 = tpu.memref_slice %arg9[%dma_wait3A_147, %dma_wait3A_156, %dma_wait3A_157] : memref<2x128x128xf32, #tpu.memory_space<vmem>> -> memref<1x128x128xf32, #tpu.memory_space<vmem>>
        %dma_wait3A_159 = tpu.memref_squeeze %dma_wait3A_158 : memref<1x128x128xf32, #tpu.memory_space<vmem>> -> memref<128x128xf32, #tpu.memory_space<vmem>>
        tpu.wait_dma2 semaphore(%arg13 : memref<!tpu.dma_semaphore, #tpu.memory_space<semaphore_mem>>) src(%dma_wait3A_159 : memref<128x128xf32, #tpu.memory_space<vmem>>) dst(%dma_wait3A_155 : memref<128x128xf32, #tpu.memory_space<hbm>>)
        %add3A_160 = arith.constant 2 : i32
        %add3A_161 = arith.addi %add3A_81, %add3A_160 : i32
        %dma_start3A_162 = arith.constant 0 : i32
        %dma_start3A_163 = arith.constant 0 : i32
        %dma_start3A_164 = arith.constant 0 : i32
        %dma_start3A_165 = tpu.memref_slice %arg9[%dma_start3A_162, %dma_start3A_163, %dma_start3A_164] : memref<2x128x128xf32, #tpu.memory_space<vmem>> -> memref<1x128x128xf32, #tpu.memory_space<vmem>>
        %dma_start3A_166 = tpu.memref_squeeze %dma_start3A_165 : memref<1x128x128xf32, #tpu.memory_space<vmem>> -> memref<128x128xf32, #tpu.memory_space<vmem>>
        %dma_start3A_167 = arith.constant 0 : i32
        %dma_start3A_168 = tpu.memref_slice %arg8[%add3A_161, %dma_start3A_167] : memref<80x128xi32, #tpu.memory_space<vmem>> -> memref<1x128xi32, #tpu.memory_space<vmem>>
        %dma_start3A_169 = tpu.memref_squeeze %dma_start3A_168 : memref<1x128xi32, #tpu.memory_space<vmem>> -> memref<128xi32, #tpu.memory_space<vmem>>
        %dma_start3A_170 = arith.constant 0 : i32
        %dma_start3A_171 = arith.constant 0 : i32
        %dma_start3A_172 = tpu.memref_slice %arg10[%dma_start3A_170, %dma_start3A_171] : memref<10112x128xf32, #tpu.memory_space<vmem_shared>> -> memref<10112x128xf32, #tpu.memory_space<vmem_shared>>
        tpu.enqueue_indirect_dma source(%dma_start3A_172 : memref<10112x128xf32, #tpu.memory_space<vmem_shared>>) target(%dma_start3A_166 : memref<128x128xf32, #tpu.memory_space<vmem>>) offsets(%dma_start3A_169 : memref<128xi32, #tpu.memory_space<vmem>>) semaphore(%arg11 : memref<!tpu.dma_semaphore, #tpu.memory_space<semaphore_mem>>)
      } else {
      }
      %mul3A_112 = arith.constant 2 : i32
      %mul3A_113 = arith.muli %mul3A_112, %scan3A_77 : i32
      %add3A_114 = arith.constant 1 : i32
      %add3A_115 = arith.addi %mul3A_113, %add3A_114 : i32
      %mul3A_116 = arith.constant 80 : i32
      %mul3A_117 = arith.muli %arg1, %mul3A_116 : i32
      %add3A_118 = arith.addi %mul3A_117, %add3A_115 : i32
      %mul3A_119 = arith.constant 128 : i32
      %mul3A_120 = arith.muli %add3A_118, %mul3A_119 : i32
      %dma_wait3A_121 = arith.constant 1 : i32
      %dma_wait3A_122 = arith.constant 0 : i32
      %dma_wait3A_123 = arith.constant 0 : i32
      %dma_wait3A_124 = tpu.memref_slice %arg9[%dma_wait3A_121, %dma_wait3A_122, %dma_wait3A_123] : memref<2x128x128xf32, #tpu.memory_space<vmem>> -> memref<1x128x128xf32, #tpu.memory_space<vmem>>
      %dma_wait3A_125 = tpu.memref_squeeze %dma_wait3A_124 : memref<1x128x128xf32, #tpu.memory_space<vmem>> -> memref<128x128xf32, #tpu.memory_space<vmem>>
      %dma_wait3A_126 = arith.constant 0 : i32
      %dma_wait3A_127 = tpu.memref_slice %arg8[%add3A_115, %dma_wait3A_126] : memref<80x128xi32, #tpu.memory_space<vmem>> -> memref<1x128xi32, #tpu.memory_space<vmem>>
      %dma_wait3A_128 = tpu.memref_squeeze %dma_wait3A_127 : memref<1x128xi32, #tpu.memory_space<vmem>> -> memref<128xi32, #tpu.memory_space<vmem>>
      %dma_wait3A_129 = arith.constant 0 : i32
      %dma_wait3A_130 = arith.constant 0 : i32
      %dma_wait3A_131 = tpu.memref_slice %arg10[%dma_wait3A_129, %dma_wait3A_130] : memref<10112x128xf32, #tpu.memory_space<vmem_shared>> -> memref<10112x128xf32, #tpu.memory_space<vmem_shared>>
      tpu.wait_indirect_dma semaphore(%arg12 : memref<!tpu.dma_semaphore, #tpu.memory_space<semaphore_mem>>) src(%dma_wait3A_131 : memref<10112x128xf32, #tpu.memory_space<vmem_shared>>) dst(%dma_wait3A_125 : memref<128x128xf32, #tpu.memory_space<vmem>>)
      %eq3A_132 = arith.constant 0 : i32
      %eq3A_133 = arith.cmpi eq, %arg0, %eq3A_132 : i32
      %convert_element_type3A_134 = arith.extui %eq3A_133 : i1 to i32
      %cond3A_135 = arith.constant 0 : i32
      %cond3A_136 = arith.cmpi ne, %convert_element_type3A_134, %cond3A_135 : i32
      scf.if %cond3A_136 {
        %dma_start3A_147 = arith.constant 1 : i32
        %dma_start3A_148 = arith.constant 0 : i32
        %dma_start3A_149 = arith.constant 0 : i32
        %dma_start3A_150 = tpu.memref_slice %arg9[%dma_start3A_147, %dma_start3A_148, %dma_start3A_149] : memref<2x128x128xf32, #tpu.memory_space<vmem>> -> memref<1x128x128xf32, #tpu.memory_space<vmem>>
        %dma_start3A_151 = tpu.memref_squeeze %dma_start3A_150 : memref<1x128x128xf32, #tpu.memory_space<vmem>> -> memref<128x128xf32, #tpu.memory_space<vmem>>
        %dma_start3A_152 = arith.constant 0 : i32
        %dma_start3A_153 = tpu.memref_slice %arg6[%mul3A_120, %dma_start3A_152] : memref<163840x128xf32, #tpu.memory_space<hbm>> -> memref<128x128xf32, #tpu.memory_space<hbm>>
        %dma_start3A_154 = arith.constant 0 : i32
        %dma_start3A_155 = tpu.memref_slice %arg6[%mul3A_120, %dma_start3A_154] : memref<163840x128xf32, #tpu.memory_space<hbm>> -> memref<128x128xf32, #tpu.memory_space<hbm>>
        %dma_start3A_156 = arith.constant 0 : i32
        %dma_start3A_157 = arith.constant 0 : i32
        %dma_start3A_158 = tpu.memref_slice %arg9[%dma_start3A_147, %dma_start3A_156, %dma_start3A_157] : memref<2x128x128xf32, #tpu.memory_space<vmem>> -> memref<1x128x128xf32, #tpu.memory_space<vmem>>
        %dma_start3A_159 = tpu.memref_squeeze %dma_start3A_158 : memref<1x128x128xf32, #tpu.memory_space<vmem>> -> memref<128x128xf32, #tpu.memory_space<vmem>>
        tpu.enqueue_dma source(%dma_start3A_159 : memref<128x128xf32, #tpu.memory_space<vmem>>) target(%dma_start3A_155 : memref<128x128xf32, #tpu.memory_space<hbm>>) target_semaphore(%arg14 : memref<!tpu.dma_semaphore, #tpu.memory_space<semaphore_mem>>)
      } else {
      }
      %eq3A_137 = arith.constant 1 : i32
      %eq3A_138 = arith.cmpi eq, %arg0, %eq3A_137 : i32
      %convert_element_type3A_139 = arith.extui %eq3A_138 : i1 to i32
      %cond3A_140 = arith.constant 0 : i32
      %cond3A_141 = arith.cmpi ne, %convert_element_type3A_139, %cond3A_140 : i32
      scf.if %cond3A_141 {
        %dma_start3A_147 = arith.constant 1 : i32
        %dma_start3A_148 = arith.constant 0 : i32
        %dma_start3A_149 = arith.constant 0 : i32
        %dma_start3A_150 = tpu.memref_slice %arg9[%dma_start3A_147, %dma_start3A_148, %dma_start3A_149] : memref<2x128x128xf32, #tpu.memory_space<vmem>> -> memref<1x128x128xf32, #tpu.memory_space<vmem>>
        %dma_start3A_151 = tpu.memref_squeeze %dma_start3A_150 : memref<1x128x128xf32, #tpu.memory_space<vmem>> -> memref<128x128xf32, #tpu.memory_space<vmem>>
        %dma_start3A_152 = arith.constant 0 : i32
        %dma_start3A_153 = tpu.memref_slice %arg7[%mul3A_120, %dma_start3A_152] : memref<163840x128xf32, #tpu.memory_space<hbm>> -> memref<128x128xf32, #tpu.memory_space<hbm>>
        %dma_start3A_154 = arith.constant 0 : i32
        %dma_start3A_155 = tpu.memref_slice %arg7[%mul3A_120, %dma_start3A_154] : memref<163840x128xf32, #tpu.memory_space<hbm>> -> memref<128x128xf32, #tpu.memory_space<hbm>>
        %dma_start3A_156 = arith.constant 0 : i32
        %dma_start3A_157 = arith.constant 0 : i32
        %dma_start3A_158 = tpu.memref_slice %arg9[%dma_start3A_147, %dma_start3A_156, %dma_start3A_157] : memref<2x128x128xf32, #tpu.memory_space<vmem>> -> memref<1x128x128xf32, #tpu.memory_space<vmem>>
        %dma_start3A_159 = tpu.memref_squeeze %dma_start3A_158 : memref<1x128x128xf32, #tpu.memory_space<vmem>> -> memref<128x128xf32, #tpu.memory_space<vmem>>
        tpu.enqueue_dma source(%dma_start3A_159 : memref<128x128xf32, #tpu.memory_space<vmem>>) target(%dma_start3A_155 : memref<128x128xf32, #tpu.memory_space<hbm>>) target_semaphore(%arg14 : memref<!tpu.dma_semaphore, #tpu.memory_space<semaphore_mem>>)
      } else {
      }
      %lt3A_142 = arith.constant 39 : i32
      %lt3A_143 = arith.cmpi slt, %scan3A_77, %lt3A_142 : i32
      %convert_element_type3A_144 = arith.extui %lt3A_143 : i1 to i32
      %cond3A_145 = arith.constant 0 : i32
      %cond3A_146 = arith.cmpi ne, %convert_element_type3A_144, %cond3A_145 : i32
      scf.if %cond3A_146 {
        %dma_wait3A_147 = arith.constant 1 : i32
        %dma_wait3A_148 = arith.constant 0 : i32
        %dma_wait3A_149 = arith.constant 0 : i32
        %dma_wait3A_150 = tpu.memref_slice %arg9[%dma_wait3A_147, %dma_wait3A_148, %dma_wait3A_149] : memref<2x128x128xf32, #tpu.memory_space<vmem>> -> memref<1x128x128xf32, #tpu.memory_space<vmem>>
        %dma_wait3A_151 = tpu.memref_squeeze %dma_wait3A_150 : memref<1x128x128xf32, #tpu.memory_space<vmem>> -> memref<128x128xf32, #tpu.memory_space<vmem>>
        %dma_wait3A_152 = arith.constant 0 : i32
        %dma_wait3A_153 = tpu.memref_slice %arg6[%mul3A_120, %dma_wait3A_152] : memref<163840x128xf32, #tpu.memory_space<hbm>> -> memref<128x128xf32, #tpu.memory_space<hbm>>
        %dma_wait3A_154 = arith.constant 0 : i32
        %dma_wait3A_155 = tpu.memref_slice %arg6[%mul3A_120, %dma_wait3A_154] : memref<163840x128xf32, #tpu.memory_space<hbm>> -> memref<128x128xf32, #tpu.memory_space<hbm>>
        %dma_wait3A_156 = arith.constant 0 : i32
        %dma_wait3A_157 = arith.constant 0 : i32
        %dma_wait3A_158 = tpu.memref_slice %arg9[%dma_wait3A_147, %dma_wait3A_156, %dma_wait3A_157] : memref<2x128x128xf32, #tpu.memory_space<vmem>> -> memref<1x128x128xf32, #tpu.memory_space<vmem>>
        %dma_wait3A_159 = tpu.memref_squeeze %dma_wait3A_158 : memref<1x128x128xf32, #tpu.memory_space<vmem>> -> memref<128x128xf32, #tpu.memory_space<vmem>>
        tpu.wait_dma2 semaphore(%arg14 : memref<!tpu.dma_semaphore, #tpu.memory_space<semaphore_mem>>) src(%dma_wait3A_159 : memref<128x128xf32, #tpu.memory_space<vmem>>) dst(%dma_wait3A_155 : memref<128x128xf32, #tpu.memory_space<hbm>>)
        %add3A_160 = arith.constant 2 : i32
        %add3A_161 = arith.addi %add3A_115, %add3A_160 : i32
        %dma_start3A_162 = arith.constant 1 : i32
        %dma_start3A_163 = arith.constant 0 : i32
        %dma_start3A_164 = arith.constant 0 : i32
        %dma_start3A_165 = tpu.memref_slice %arg9[%dma_start3A_162, %dma_start3A_163, %dma_start3A_164] : memref<2x128x128xf32, #tpu.memory_space<vmem>> -> memref<1x128x128xf32, #tpu.memory_space<vmem>>
        %dma_start3A_166 = tpu.memref_squeeze %dma_start3A_165 : memref<1x128x128xf32, #tpu.memory_space<vmem>> -> memref<128x128xf32, #tpu.memory_space<vmem>>
        %dma_start3A_167 = arith.constant 0 : i32
        %dma_start3A_168 = tpu.memref_slice %arg8[%add3A_161, %dma_start3A_167] : memref<80x128xi32, #tpu.memory_space<vmem>> -> memref<1x128xi32, #tpu.memory_space<vmem>>
        %dma_start3A_169 = tpu.memref_squeeze %dma_start3A_168 : memref<1x128xi32, #tpu.memory_space<vmem>> -> memref<128xi32, #tpu.memory_space<vmem>>
        %dma_start3A_170 = arith.constant 0 : i32
        %dma_start3A_171 = arith.constant 0 : i32
        %dma_start3A_172 = tpu.memref_slice %arg10[%dma_start3A_170, %dma_start3A_171] : memref<10112x128xf32, #tpu.memory_space<vmem_shared>> -> memref<10112x128xf32, #tpu.memory_space<vmem_shared>>
        tpu.enqueue_indirect_dma source(%dma_start3A_172 : memref<10112x128xf32, #tpu.memory_space<vmem_shared>>) target(%dma_start3A_166 : memref<128x128xf32, #tpu.memory_space<vmem>>) offsets(%dma_start3A_169 : memref<128xi32, #tpu.memory_space<vmem>>) semaphore(%arg12 : memref<!tpu.dma_semaphore, #tpu.memory_space<semaphore_mem>>)
      } else {
      }
    }
    %scan3A_34 = arith.constant 40 : i32
    %mul3A = arith.constant 80 : i32
    %mul3A_35 = arith.muli %arg1, %mul3A : i32
    %add3A = arith.constant 80 : i32
    %add3A_36 = arith.addi %mul3A_35, %add3A : i32
    %sub3A = arith.constant 2 : i32
    %sub3A_37 = arith.subi %add3A_36, %sub3A : i32
    %add3A_38 = arith.constant 0 : i32
    %add3A_39 = arith.addi %sub3A_37, %add3A_38 : i32
    %mul3A_40 = arith.constant 128 : i32
    %mul3A_41 = arith.muli %add3A_39, %mul3A_40 : i32
    %dma_wait3A = arith.constant 0 : i32
    %dma_wait3A_42 = arith.constant 0 : i32
    %dma_wait3A_43 = arith.constant 0 : i32
    %dma_wait3A_44 = tpu.memref_slice %arg9[%dma_wait3A, %dma_wait3A_42, %dma_wait3A_43] : memref<2x128x128xf32, #tpu.memory_space<vmem>> -> memref<1x128x128xf32, #tpu.memory_space<vmem>>
    %dma_wait3A_45 = tpu.memref_squeeze %dma_wait3A_44 : memref<1x128x128xf32, #tpu.memory_space<vmem>> -> memref<128x128xf32, #tpu.memory_space<vmem>>
    %dma_wait3A_46 = arith.constant 0 : i32
    %dma_wait3A_47 = tpu.memref_slice %arg6[%mul3A_41, %dma_wait3A_46] : memref<163840x128xf32, #tpu.memory_space<hbm>> -> memref<128x128xf32, #tpu.memory_space<hbm>>
    %dma_wait3A_48 = arith.constant 0 : i32
    %dma_wait3A_49 = tpu.memref_slice %arg6[%mul3A_41, %dma_wait3A_48] : memref<163840x128xf32, #tpu.memory_space<hbm>> -> memref<128x128xf32, #tpu.memory_space<hbm>>
    %dma_wait3A_50 = arith.constant 0 : i32
    %dma_wait3A_51 = arith.constant 0 : i32
    %dma_wait3A_52 = tpu.memref_slice %arg9[%dma_wait3A, %dma_wait3A_50, %dma_wait3A_51] : memref<2x128x128xf32, #tpu.memory_space<vmem>> -> memref<1x128x128xf32, #tpu.memory_space<vmem>>
    %dma_wait3A_53 = tpu.memref_squeeze %dma_wait3A_52 : memref<1x128x128xf32, #tpu.memory_space<vmem>> -> memref<128x128xf32, #tpu.memory_space<vmem>>
    tpu.wait_dma2 semaphore(%arg13 : memref<!tpu.dma_semaphore, #tpu.memory_space<semaphore_mem>>) src(%dma_wait3A_53 : memref<128x128xf32, #tpu.memory_space<vmem>>) dst(%dma_wait3A_49 : memref<128x128xf32, #tpu.memory_space<hbm>>)
    %mul3A_54 = arith.constant 80 : i32
    %mul3A_55 = arith.muli %arg1, %mul3A_54 : i32
    %add3A_56 = arith.constant 80 : i32
    %add3A_57 = arith.addi %mul3A_55, %add3A_56 : i32
    %sub3A_58 = arith.constant 2 : i32
    %sub3A_59 = arith.subi %add3A_57, %sub3A_58 : i32
    %add3A_60 = arith.constant 1 : i32
    %add3A_61 = arith.addi %sub3A_59, %add3A_60 : i32
    %mul3A_62 = arith.constant 128 : i32
    %mul3A_63 = arith.muli %add3A_61, %mul3A_62 : i32
    %dma_wait3A_64 = arith.constant 1 : i32
    %dma_wait3A_65 = arith.constant 0 : i32
    %dma_wait3A_66 = arith.constant 0 : i32
    %dma_wait3A_67 = tpu.memref_slice %arg9[%dma_wait3A_64, %dma_wait3A_65, %dma_wait3A_66] : memref<2x128x128xf32, #tpu.memory_space<vmem>> -> memref<1x128x128xf32, #tpu.memory_space<vmem>>
    %dma_wait3A_68 = tpu.memref_squeeze %dma_wait3A_67 : memref<1x128x128xf32, #tpu.memory_space<vmem>> -> memref<128x128xf32, #tpu.memory_space<vmem>>
    %dma_wait3A_69 = arith.constant 0 : i32
    %dma_wait3A_70 = tpu.memref_slice %arg6[%mul3A_63, %dma_wait3A_69] : memref<163840x128xf32, #tpu.memory_space<hbm>> -> memref<128x128xf32, #tpu.memory_space<hbm>>
    %dma_wait3A_71 = arith.constant 0 : i32
    %dma_wait3A_72 = tpu.memref_slice %arg6[%mul3A_63, %dma_wait3A_71] : memref<163840x128xf32, #tpu.memory_space<hbm>> -> memref<128x128xf32, #tpu.memory_space<hbm>>
    %dma_wait3A_73 = arith.constant 0 : i32
    %dma_wait3A_74 = arith.constant 0 : i32
    %dma_wait3A_75 = tpu.memref_slice %arg9[%dma_wait3A_64, %dma_wait3A_73, %dma_wait3A_74] : memref<2x128x128xf32, #tpu.memory_space<vmem>> -> memref<1x128x128xf32, #tpu.memory_space<vmem>>
    %dma_wait3A_76 = tpu.memref_squeeze %dma_wait3A_75 : memref<1x128x128xf32, #tpu.memory_space<vmem>> -> memref<128x128xf32, #tpu.memory_space<vmem>>
    tpu.wait_dma2 semaphore(%arg14 : memref<!tpu.dma_semaphore, #tpu.memory_space<semaphore_mem>>) src(%dma_wait3A_76 : memref<128x128xf32, #tpu.memory_space<vmem>>) dst(%dma_wait3A_72 : memref<128x128xf32, #tpu.memory_space<hbm>>)
    return
  }
}

#map = affine_map<(d0, d1) -> (0, 0)>
#map1 = affine_map<(d0, d1) -> (0, 0, 0)>
module attributes {stable_mosaic.version = 14 : i64} {
  func.func @sc_scatter128(%arg0: i32, %arg1: i32, %arg2: memref<163840x128xf32, #tpu.memory_space<hbm>>, %arg3: memref<32x40x128xi32, #tpu.memory_space<hbm>>, %arg4: memref<10112x128xf32, #tpu.memory_space<hbm>>, %arg5: memref<2x10112x128xf32, #tpu.memory_space<hbm>>, %arg6: memref<128xi32, #tpu.memory_space<vmem>>, %arg7: memref<128x128xf32, #tpu.memory_space<vmem>>, %arg8: memref<10112x128xf32, #tpu.memory_space<vmem_shared>>) attributes {dimension_semantics = [#tpu.dimension_semantics<core_parallel>, #tpu.dimension_semantics<subcore_parallel>], iteration_bounds = array<i64: 2, 16>, scalar_prefetch = 0 : i64, scratch_operands = 3 : i64, tpu.core_type = #tpu.core_type<sc_vector_subcore>, window_params = [{transform_indices = #map}, {transform_indices = #map1}, {transform_indices = #map}, {transform_indices = #map1}]} {
    %mul3A = arith.constant 2 : i32
    %mul3A_0 = arith.muli %arg1, %mul3A : i32
    %add3A = arith.addi %mul3A_0, %arg0 : i32
    %mul3A_1 = arith.constant 632 : i32
    %mul3A_2 = arith.muli %arg1, %mul3A_1 : i32
    %mul3A_3 = arith.constant 632 : i32
    %mul3A_4 = arith.muli %arg1, %mul3A_3 : i32
    "tpu.region"() ({
      %run_scoped3A = tpu.sem_alloc : memref<!tpu.dma_semaphore, #tpu.memory_space<semaphore_mem>>
      %dma_start3A = arith.constant 0 : i32
      %dma_start3A_15 = tpu.memref_slice %arg8[%mul3A_4, %dma_start3A] : memref<10112x128xf32, #tpu.memory_space<vmem_shared>> -> memref<632x128xf32, #tpu.memory_space<vmem_shared>>
      %dma_start3A_16 = arith.constant 0 : i32
      %dma_start3A_17 = tpu.memref_slice %arg4[%mul3A_2, %dma_start3A_16] : memref<10112x128xf32, #tpu.memory_space<hbm>> -> memref<632x128xf32, #tpu.memory_space<hbm>>
      tpu.enqueue_dma source(%dma_start3A_17 : memref<632x128xf32, #tpu.memory_space<hbm>>) target(%dma_start3A_15 : memref<632x128xf32, #tpu.memory_space<vmem_shared>>) target_semaphore(%run_scoped3A : memref<!tpu.dma_semaphore, #tpu.memory_space<semaphore_mem>>)
      %dma_wait3A = arith.constant 0 : i32
      %dma_wait3A_18 = tpu.memref_slice %arg8[%mul3A_4, %dma_wait3A] : memref<10112x128xf32, #tpu.memory_space<vmem_shared>> -> memref<632x128xf32, #tpu.memory_space<vmem_shared>>
      %dma_wait3A_19 = arith.constant 0 : i32
      %dma_wait3A_20 = tpu.memref_slice %arg4[%mul3A_2, %dma_wait3A_19] : memref<10112x128xf32, #tpu.memory_space<hbm>> -> memref<632x128xf32, #tpu.memory_space<hbm>>
      tpu.wait_dma2 semaphore(%run_scoped3A : memref<!tpu.dma_semaphore, #tpu.memory_space<semaphore_mem>>) src(%dma_wait3A_20 : memref<632x128xf32, #tpu.memory_space<hbm>>) dst(%dma_wait3A_18 : memref<632x128xf32, #tpu.memory_space<vmem_shared>>)
      tpu.yield
    }) : () -> ()
    %barrier3A = arith.constant 0 : index
    tpu.barrier barrier_id(%barrier3A)
    %scan3A = arith.constant 0 : i32
    %scan3A_5 = arith.constant 0 : i32
    %scan3A_6 = arith.constant 40 : i32
    %scan3A_7 = arith.addi %scan3A_5, %scan3A_6 : i32
    %scan3A_8 = arith.constant 1 : i32
    scf.for %scan3A_15 = %scan3A_5 to %scan3A_7 step %scan3A_8  : i32 {
      %mul3A_16 = arith.constant 40 : i32
      %mul3A_17 = arith.muli %add3A, %mul3A_16 : i32
      %add3A_18 = arith.addi %mul3A_17, %scan3A_15 : i32
      %mul3A_19 = arith.constant 128 : i32
      %mul3A_20 = arith.muli %add3A_18, %mul3A_19 : i32
      "tpu.region"() ({
        %run_scoped3A = tpu.sem_alloc : memref<!tpu.dma_semaphore, #tpu.memory_space<semaphore_mem>>
        %dma_start3A = arith.constant 0 : i32
        %dma_start3A_21 = tpu.memref_slice %arg3[%add3A, %scan3A_15, %dma_start3A] : memref<32x40x128xi32, #tpu.memory_space<hbm>> -> memref<1x1x128xi32, #tpu.memory_space<hbm>>
        %dma_start3A_22 = tpu.memref_squeeze %dma_start3A_21 : memref<1x1x128xi32, #tpu.memory_space<hbm>> -> memref<128xi32, #tpu.memory_space<hbm>>
        %dma_start3A_23 = arith.constant 0 : i32
        %dma_start3A_24 = tpu.memref_slice %arg3[%add3A, %scan3A_15, %dma_start3A_23] : memref<32x40x128xi32, #tpu.memory_space<hbm>> -> memref<1x1x128xi32, #tpu.memory_space<hbm>>
        %dma_start3A_25 = tpu.memref_squeeze %dma_start3A_24 : memref<1x1x128xi32, #tpu.memory_space<hbm>> -> memref<128xi32, #tpu.memory_space<hbm>>
        tpu.enqueue_dma source(%dma_start3A_25 : memref<128xi32, #tpu.memory_space<hbm>>) target(%arg6 : memref<128xi32, #tpu.memory_space<vmem>>) target_semaphore(%run_scoped3A : memref<!tpu.dma_semaphore, #tpu.memory_space<semaphore_mem>>)
        %dma_wait3A = arith.constant 0 : i32
        %dma_wait3A_26 = tpu.memref_slice %arg3[%add3A, %scan3A_15, %dma_wait3A] : memref<32x40x128xi32, #tpu.memory_space<hbm>> -> memref<1x1x128xi32, #tpu.memory_space<hbm>>
        %dma_wait3A_27 = tpu.memref_squeeze %dma_wait3A_26 : memref<1x1x128xi32, #tpu.memory_space<hbm>> -> memref<128xi32, #tpu.memory_space<hbm>>
        %dma_wait3A_28 = arith.constant 0 : i32
        %dma_wait3A_29 = tpu.memref_slice %arg3[%add3A, %scan3A_15, %dma_wait3A_28] : memref<32x40x128xi32, #tpu.memory_space<hbm>> -> memref<1x1x128xi32, #tpu.memory_space<hbm>>
        %dma_wait3A_30 = tpu.memref_squeeze %dma_wait3A_29 : memref<1x1x128xi32, #tpu.memory_space<hbm>> -> memref<128xi32, #tpu.memory_space<hbm>>
        tpu.wait_dma2 semaphore(%run_scoped3A : memref<!tpu.dma_semaphore, #tpu.memory_space<semaphore_mem>>) src(%dma_wait3A_30 : memref<128xi32, #tpu.memory_space<hbm>>) dst(%arg6 : memref<128xi32, #tpu.memory_space<vmem>>)
        tpu.yield
      }) : () -> ()
      "tpu.region"() ({
        %run_scoped3A = tpu.sem_alloc : memref<!tpu.dma_semaphore, #tpu.memory_space<semaphore_mem>>
        %dma_start3A = arith.constant 0 : i32
        %dma_start3A_21 = tpu.memref_slice %arg2[%mul3A_20, %dma_start3A] : memref<163840x128xf32, #tpu.memory_space<hbm>> -> memref<128x128xf32, #tpu.memory_space<hbm>>
        %dma_start3A_22 = arith.constant 0 : i32
        %dma_start3A_23 = tpu.memref_slice %arg2[%mul3A_20, %dma_start3A_22] : memref<163840x128xf32, #tpu.memory_space<hbm>> -> memref<128x128xf32, #tpu.memory_space<hbm>>
        tpu.enqueue_dma source(%dma_start3A_23 : memref<128x128xf32, #tpu.memory_space<hbm>>) target(%arg7 : memref<128x128xf32, #tpu.memory_space<vmem>>) target_semaphore(%run_scoped3A : memref<!tpu.dma_semaphore, #tpu.memory_space<semaphore_mem>>)
        %dma_wait3A = arith.constant 0 : i32
        %dma_wait3A_24 = tpu.memref_slice %arg2[%mul3A_20, %dma_wait3A] : memref<163840x128xf32, #tpu.memory_space<hbm>> -> memref<128x128xf32, #tpu.memory_space<hbm>>
        %dma_wait3A_25 = arith.constant 0 : i32
        %dma_wait3A_26 = tpu.memref_slice %arg2[%mul3A_20, %dma_wait3A_25] : memref<163840x128xf32, #tpu.memory_space<hbm>> -> memref<128x128xf32, #tpu.memory_space<hbm>>
        tpu.wait_dma2 semaphore(%run_scoped3A : memref<!tpu.dma_semaphore, #tpu.memory_space<semaphore_mem>>) src(%dma_wait3A_26 : memref<128x128xf32, #tpu.memory_space<hbm>>) dst(%arg7 : memref<128x128xf32, #tpu.memory_space<vmem>>)
        tpu.yield
      }) : () -> ()
      "tpu.region"() ({
        %run_scoped3A = tpu.sem_alloc : memref<!tpu.dma_semaphore, #tpu.memory_space<semaphore_mem>>
        %dma_start3A = arith.constant 0 : i32
        %dma_start3A_21 = arith.constant 0 : i32
        %dma_start3A_22 = tpu.memref_slice %arg8[%dma_start3A, %dma_start3A_21] : memref<10112x128xf32, #tpu.memory_space<vmem_shared>> -> memref<10112x128xf32, #tpu.memory_space<vmem_shared>>
        tpu.enqueue_indirect_dma source(%arg7 : memref<128x128xf32, #tpu.memory_space<vmem>>) target(%dma_start3A_22 : memref<10112x128xf32, #tpu.memory_space<vmem_shared>>) offsets(%arg6 : memref<128xi32, #tpu.memory_space<vmem>>) semaphore(%run_scoped3A : memref<!tpu.dma_semaphore, #tpu.memory_space<semaphore_mem>>) {add = true}
        %dma_wait3A = arith.constant 0 : i32
        %dma_wait3A_23 = arith.constant 0 : i32
        %dma_wait3A_24 = tpu.memref_slice %arg8[%dma_wait3A, %dma_wait3A_23] : memref<10112x128xf32, #tpu.memory_space<vmem_shared>> -> memref<10112x128xf32, #tpu.memory_space<vmem_shared>>
        tpu.wait_indirect_dma semaphore(%run_scoped3A : memref<!tpu.dma_semaphore, #tpu.memory_space<semaphore_mem>>) src(%arg7 : memref<128x128xf32, #tpu.memory_space<vmem>>) dst(%dma_wait3A_24 : memref<10112x128xf32, #tpu.memory_space<vmem_shared>>)
        tpu.yield
      }) : () -> ()
    }
    %scan3A_9 = arith.constant 40 : i32
    %barrier3A_10 = arith.constant 0 : index
    tpu.barrier barrier_id(%barrier3A_10)
    %mul3A_11 = arith.constant 632 : i32
    %mul3A_12 = arith.muli %arg1, %mul3A_11 : i32
    %mul3A_13 = arith.constant 632 : i32
    %mul3A_14 = arith.muli %arg1, %mul3A_13 : i32
    "tpu.region"() ({
      %run_scoped3A = tpu.sem_alloc : memref<!tpu.dma_semaphore, #tpu.memory_space<semaphore_mem>>
      %dma_start3A = arith.constant 0 : i32
      %dma_start3A_15 = tpu.memref_slice %arg5[%arg0, %mul3A_14, %dma_start3A] : memref<2x10112x128xf32, #tpu.memory_space<hbm>> -> memref<1x632x128xf32, #tpu.memory_space<hbm>>
      %dma_start3A_16 = tpu.memref_squeeze %dma_start3A_15 : memref<1x632x128xf32, #tpu.memory_space<hbm>> -> memref<632x128xf32, #tpu.memory_space<hbm>>
      %dma_start3A_17 = arith.constant 0 : i32
      %dma_start3A_18 = tpu.memref_slice %arg8[%mul3A_12, %dma_start3A_17] : memref<10112x128xf32, #tpu.memory_space<vmem_shared>> -> memref<632x128xf32, #tpu.memory_space<vmem_shared>>
      tpu.enqueue_dma source(%dma_start3A_18 : memref<632x128xf32, #tpu.memory_space<vmem_shared>>) target(%dma_start3A_16 : memref<632x128xf32, #tpu.memory_space<hbm>>) target_semaphore(%run_scoped3A : memref<!tpu.dma_semaphore, #tpu.memory_space<semaphore_mem>>)
      %dma_wait3A = arith.constant 0 : i32
      %dma_wait3A_19 = tpu.memref_slice %arg5[%arg0, %mul3A_14, %dma_wait3A] : memref<2x10112x128xf32, #tpu.memory_space<hbm>> -> memref<1x632x128xf32, #tpu.memory_space<hbm>>
      %dma_wait3A_20 = tpu.memref_squeeze %dma_wait3A_19 : memref<1x632x128xf32, #tpu.memory_space<hbm>> -> memref<632x128xf32, #tpu.memory_space<hbm>>
      %dma_wait3A_21 = arith.constant 0 : i32
      %dma_wait3A_22 = tpu.memref_slice %arg8[%mul3A_12, %dma_wait3A_21] : memref<10112x128xf32, #tpu.memory_space<vmem_shared>> -> memref<632x128xf32, #tpu.memory_space<vmem_shared>>
      tpu.wait_dma2 semaphore(%run_scoped3A : memref<!tpu.dma_semaphore, #tpu.memory_space<semaphore_mem>>) src(%dma_wait3A_22 : memref<632x128xf32, #tpu.memory_space<vmem_shared>>) dst(%dma_wait3A_20 : memref<632x128xf32, #tpu.memory_space<hbm>>)
      tpu.yield
    }) : () -> ()
    return
  }
}

#map = affine_map<(d0, d1) -> (0, 0)>
#map1 = affine_map<(d0, d1) -> (0, 0, 0)>
module attributes {stable_mosaic.version = 14 : i64} {
  func.func @sc_gather_spmem(%arg0: i32, %arg1: i32, %arg2: memref<10112x128xf32, #tpu.memory_space<hbm>>, %arg3: memref<10112x128xf32, #tpu.memory_space<hbm>>, %arg4: memref<16x80x128xi32, #tpu.memory_space<hbm>>, %arg5: memref<16x80x128xi32, #tpu.memory_space<hbm>>, %arg6: memref<163840x128xf32, #tpu.memory_space<hbm>>, %arg7: memref<163840x128xf32, #tpu.memory_space<hbm>>, %arg8: memref<80x128xi32, #tpu.memory_space<vmem>>, %arg9: memref<2x128x128xf32, #tpu.memory_space<vmem>>, %arg10: memref<10112x128xf32, #tpu.memory_space<vmem_shared>>, %arg11: memref<!tpu.dma_semaphore, #tpu.memory_space<semaphore_mem>>, %arg12: memref<!tpu.dma_semaphore, #tpu.memory_space<semaphore_mem>>, %arg13: memref<!tpu.dma_semaphore, #tpu.memory_space<semaphore_mem>>, %arg14: memref<!tpu.dma_semaphore, #tpu.memory_space<semaphore_mem>>) attributes {dimension_semantics = [#tpu.dimension_semantics<core_parallel>, #tpu.dimension_semantics<subcore_parallel>], iteration_bounds = array<i64: 2, 16>, scalar_prefetch = 0 : i64, scratch_operands = 7 : i64, tpu.core_type = #tpu.core_type<sc_vector_subcore>, window_params = [{transform_indices = #map}, {transform_indices = #map}, {transform_indices = #map1}, {transform_indices = #map1}, {transform_indices = #map}, {transform_indices = #map}]} {
    %eq3A = arith.constant 0 : i32
    %eq3A_0 = arith.cmpi eq, %arg0, %eq3A : i32
    %convert_element_type3A = arith.extui %eq3A_0 : i1 to i32
    %cond3A = arith.constant 0 : i32
    %cond3A_1 = arith.cmpi ne, %convert_element_type3A, %cond3A : i32
    scf.if %cond3A_1 {
      %mul3A_77 = arith.constant 632 : i32
      %mul3A_78 = arith.muli %arg1, %mul3A_77 : i32
      %mul3A_79 = arith.constant 632 : i32
      %mul3A_80 = arith.muli %arg1, %mul3A_79 : i32
      "tpu.region"() ({
        %run_scoped3A = tpu.sem_alloc : memref<!tpu.dma_semaphore, #tpu.memory_space<semaphore_mem>>
        %dma_start3A_81 = arith.constant 0 : i32
        %dma_start3A_82 = tpu.memref_slice %arg10[%mul3A_80, %dma_start3A_81] : memref<10112x128xf32, #tpu.memory_space<vmem_shared>> -> memref<632x128xf32, #tpu.memory_space<vmem_shared>>
        %dma_start3A_83 = arith.constant 0 : i32
        %dma_start3A_84 = tpu.memref_slice %arg2[%mul3A_78, %dma_start3A_83] : memref<10112x128xf32, #tpu.memory_space<hbm>> -> memref<632x128xf32, #tpu.memory_space<hbm>>
        tpu.enqueue_dma source(%dma_start3A_84 : memref<632x128xf32, #tpu.memory_space<hbm>>) target(%dma_start3A_82 : memref<632x128xf32, #tpu.memory_space<vmem_shared>>) target_semaphore(%run_scoped3A : memref<!tpu.dma_semaphore, #tpu.memory_space<semaphore_mem>>)
        %dma_wait3A_85 = arith.constant 0 : i32
        %dma_wait3A_86 = tpu.memref_slice %arg10[%mul3A_80, %dma_wait3A_85] : memref<10112x128xf32, #tpu.memory_space<vmem_shared>> -> memref<632x128xf32, #tpu.memory_space<vmem_shared>>
        %dma_wait3A_87 = arith.constant 0 : i32
        %dma_wait3A_88 = tpu.memref_slice %arg2[%mul3A_78, %dma_wait3A_87] : memref<10112x128xf32, #tpu.memory_space<hbm>> -> memref<632x128xf32, #tpu.memory_space<hbm>>
        tpu.wait_dma2 semaphore(%run_scoped3A : memref<!tpu.dma_semaphore, #tpu.memory_space<semaphore_mem>>) src(%dma_wait3A_88 : memref<632x128xf32, #tpu.memory_space<hbm>>) dst(%dma_wait3A_86 : memref<632x128xf32, #tpu.memory_space<vmem_shared>>)
        tpu.yield
      }) : () -> ()
      "tpu.region"() ({
        %run_scoped3A = tpu.sem_alloc : memref<!tpu.dma_semaphore, #tpu.memory_space<semaphore_mem>>
        %dma_start3A_81 = arith.constant 0 : i32
        %dma_start3A_82 = arith.constant 0 : i32
        %dma_start3A_83 = tpu.memref_slice %arg4[%arg1, %dma_start3A_81, %dma_start3A_82] : memref<16x80x128xi32, #tpu.memory_space<hbm>> -> memref<1x80x128xi32, #tpu.memory_space<hbm>>
        %dma_start3A_84 = tpu.memref_squeeze %dma_start3A_83 : memref<1x80x128xi32, #tpu.memory_space<hbm>> -> memref<80x128xi32, #tpu.memory_space<hbm>>
        %dma_start3A_85 = arith.constant 0 : i32
        %dma_start3A_86 = arith.constant 0 : i32
        %dma_start3A_87 = tpu.memref_slice %arg4[%arg1, %dma_start3A_85, %dma_start3A_86] : memref<16x80x128xi32, #tpu.memory_space<hbm>> -> memref<1x80x128xi32, #tpu.memory_space<hbm>>
        %dma_start3A_88 = tpu.memref_squeeze %dma_start3A_87 : memref<1x80x128xi32, #tpu.memory_space<hbm>> -> memref<80x128xi32, #tpu.memory_space<hbm>>
        tpu.enqueue_dma source(%dma_start3A_88 : memref<80x128xi32, #tpu.memory_space<hbm>>) target(%arg8 : memref<80x128xi32, #tpu.memory_space<vmem>>) target_semaphore(%run_scoped3A : memref<!tpu.dma_semaphore, #tpu.memory_space<semaphore_mem>>)
        %dma_wait3A_89 = arith.constant 0 : i32
        %dma_wait3A_90 = arith.constant 0 : i32
        %dma_wait3A_91 = tpu.memref_slice %arg4[%arg1, %dma_wait3A_89, %dma_wait3A_90] : memref<16x80x128xi32, #tpu.memory_space<hbm>> -> memref<1x80x128xi32, #tpu.memory_space<hbm>>
        %dma_wait3A_92 = tpu.memref_squeeze %dma_wait3A_91 : memref<1x80x128xi32, #tpu.memory_space<hbm>> -> memref<80x128xi32, #tpu.memory_space<hbm>>
        %dma_wait3A_93 = arith.constant 0 : i32
        %dma_wait3A_94 = arith.constant 0 : i32
        %dma_wait3A_95 = tpu.memref_slice %arg4[%arg1, %dma_wait3A_93, %dma_wait3A_94] : memref<16x80x128xi32, #tpu.memory_space<hbm>> -> memref<1x80x128xi32, #tpu.memory_space<hbm>>
        %dma_wait3A_96 = tpu.memref_squeeze %dma_wait3A_95 : memref<1x80x128xi32, #tpu.memory_space<hbm>> -> memref<80x128xi32, #tpu.memory_space<hbm>>
        tpu.wait_dma2 semaphore(%run_scoped3A : memref<!tpu.dma_semaphore, #tpu.memory_space<semaphore_mem>>) src(%dma_wait3A_96 : memref<80x128xi32, #tpu.memory_space<hbm>>) dst(%arg8 : memref<80x128xi32, #tpu.memory_space<vmem>>)
        tpu.yield
      }) : () -> ()
    } else {
    }
    %eq3A_2 = arith.constant 1 : i32
    %eq3A_3 = arith.cmpi eq, %arg0, %eq3A_2 : i32
    %convert_element_type3A_4 = arith.extui %eq3A_3 : i1 to i32
    %cond3A_5 = arith.constant 0 : i32
    %cond3A_6 = arith.cmpi ne, %convert_element_type3A_4, %cond3A_5 : i32
    scf.if %cond3A_6 {
      %mul3A_77 = arith.constant 632 : i32
      %mul3A_78 = arith.muli %arg1, %mul3A_77 : i32
      %mul3A_79 = arith.constant 632 : i32
      %mul3A_80 = arith.muli %arg1, %mul3A_79 : i32
      "tpu.region"() ({
        %run_scoped3A = tpu.sem_alloc : memref<!tpu.dma_semaphore, #tpu.memory_space<semaphore_mem>>
        %dma_start3A_81 = arith.constant 0 : i32
        %dma_start3A_82 = tpu.memref_slice %arg10[%mul3A_80, %dma_start3A_81] : memref<10112x128xf32, #tpu.memory_space<vmem_shared>> -> memref<632x128xf32, #tpu.memory_space<vmem_shared>>
        %dma_start3A_83 = arith.constant 0 : i32
        %dma_start3A_84 = tpu.memref_slice %arg3[%mul3A_78, %dma_start3A_83] : memref<10112x128xf32, #tpu.memory_space<hbm>> -> memref<632x128xf32, #tpu.memory_space<hbm>>
        tpu.enqueue_dma source(%dma_start3A_84 : memref<632x128xf32, #tpu.memory_space<hbm>>) target(%dma_start3A_82 : memref<632x128xf32, #tpu.memory_space<vmem_shared>>) target_semaphore(%run_scoped3A : memref<!tpu.dma_semaphore, #tpu.memory_space<semaphore_mem>>)
        %dma_wait3A_85 = arith.constant 0 : i32
        %dma_wait3A_86 = tpu.memref_slice %arg10[%mul3A_80, %dma_wait3A_85] : memref<10112x128xf32, #tpu.memory_space<vmem_shared>> -> memref<632x128xf32, #tpu.memory_space<vmem_shared>>
        %dma_wait3A_87 = arith.constant 0 : i32
        %dma_wait3A_88 = tpu.memref_slice %arg3[%mul3A_78, %dma_wait3A_87] : memref<10112x128xf32, #tpu.memory_space<hbm>> -> memref<632x128xf32, #tpu.memory_space<hbm>>
        tpu.wait_dma2 semaphore(%run_scoped3A : memref<!tpu.dma_semaphore, #tpu.memory_space<semaphore_mem>>) src(%dma_wait3A_88 : memref<632x128xf32, #tpu.memory_space<hbm>>) dst(%dma_wait3A_86 : memref<632x128xf32, #tpu.memory_space<vmem_shared>>)
        tpu.yield
      }) : () -> ()
      "tpu.region"() ({
        %run_scoped3A = tpu.sem_alloc : memref<!tpu.dma_semaphore, #tpu.memory_space<semaphore_mem>>
        %dma_start3A_81 = arith.constant 0 : i32
        %dma_start3A_82 = arith.constant 0 : i32
        %dma_start3A_83 = tpu.memref_slice %arg5[%arg1, %dma_start3A_81, %dma_start3A_82] : memref<16x80x128xi32, #tpu.memory_space<hbm>> -> memref<1x80x128xi32, #tpu.memory_space<hbm>>
        %dma_start3A_84 = tpu.memref_squeeze %dma_start3A_83 : memref<1x80x128xi32, #tpu.memory_space<hbm>> -> memref<80x128xi32, #tpu.memory_space<hbm>>
        %dma_start3A_85 = arith.constant 0 : i32
        %dma_start3A_86 = arith.constant 0 : i32
        %dma_start3A_87 = tpu.memref_slice %arg5[%arg1, %dma_start3A_85, %dma_start3A_86] : memref<16x80x128xi32, #tpu.memory_space<hbm>> -> memref<1x80x128xi32, #tpu.memory_space<hbm>>
        %dma_start3A_88 = tpu.memref_squeeze %dma_start3A_87 : memref<1x80x128xi32, #tpu.memory_space<hbm>> -> memref<80x128xi32, #tpu.memory_space<hbm>>
        tpu.enqueue_dma source(%dma_start3A_88 : memref<80x128xi32, #tpu.memory_space<hbm>>) target(%arg8 : memref<80x128xi32, #tpu.memory_space<vmem>>) target_semaphore(%run_scoped3A : memref<!tpu.dma_semaphore, #tpu.memory_space<semaphore_mem>>)
        %dma_wait3A_89 = arith.constant 0 : i32
        %dma_wait3A_90 = arith.constant 0 : i32
        %dma_wait3A_91 = tpu.memref_slice %arg5[%arg1, %dma_wait3A_89, %dma_wait3A_90] : memref<16x80x128xi32, #tpu.memory_space<hbm>> -> memref<1x80x128xi32, #tpu.memory_space<hbm>>
        %dma_wait3A_92 = tpu.memref_squeeze %dma_wait3A_91 : memref<1x80x128xi32, #tpu.memory_space<hbm>> -> memref<80x128xi32, #tpu.memory_space<hbm>>
        %dma_wait3A_93 = arith.constant 0 : i32
        %dma_wait3A_94 = arith.constant 0 : i32
        %dma_wait3A_95 = tpu.memref_slice %arg5[%arg1, %dma_wait3A_93, %dma_wait3A_94] : memref<16x80x128xi32, #tpu.memory_space<hbm>> -> memref<1x80x128xi32, #tpu.memory_space<hbm>>
        %dma_wait3A_96 = tpu.memref_squeeze %dma_wait3A_95 : memref<1x80x128xi32, #tpu.memory_space<hbm>> -> memref<80x128xi32, #tpu.memory_space<hbm>>
        tpu.wait_dma2 semaphore(%run_scoped3A : memref<!tpu.dma_semaphore, #tpu.memory_space<semaphore_mem>>) src(%dma_wait3A_96 : memref<80x128xi32, #tpu.memory_space<hbm>>) dst(%arg8 : memref<80x128xi32, #tpu.memory_space<vmem>>)
        tpu.yield
      }) : () -> ()
    } else {
    }
    %barrier3A = arith.constant 0 : index
    tpu.barrier barrier_id(%barrier3A)
    %dma_start3A = arith.constant 0 : i32
    %dma_start3A_7 = arith.constant 0 : i32
    %dma_start3A_8 = arith.constant 0 : i32
    %dma_start3A_9 = arith.constant 0 : i32
    %dma_start3A_10 = tpu.memref_slice %arg9[%dma_start3A_7, %dma_start3A_8, %dma_start3A_9] : memref<2x128x128xf32, #tpu.memory_space<vmem>> -> memref<1x128x128xf32, #tpu.memory_space<vmem>>
    %dma_start3A_11 = tpu.memref_squeeze %dma_start3A_10 : memref<1x128x128xf32, #tpu.memory_space<vmem>> -> memref<128x128xf32, #tpu.memory_space<vmem>>
    %dma_start3A_12 = arith.constant 0 : i32
    %dma_start3A_13 = tpu.memref_slice %arg8[%dma_start3A, %dma_start3A_12] : memref<80x128xi32, #tpu.memory_space<vmem>> -> memref<1x128xi32, #tpu.memory_space<vmem>>
    %dma_start3A_14 = tpu.memref_squeeze %dma_start3A_13 : memref<1x128xi32, #tpu.memory_space<vmem>> -> memref<128xi32, #tpu.memory_space<vmem>>
    %dma_start3A_15 = arith.constant 0 : i32
    %dma_start3A_16 = arith.constant 0 : i32
    %dma_start3A_17 = tpu.memref_slice %arg10[%dma_start3A_15, %dma_start3A_16] : memref<10112x128xf32, #tpu.memory_space<vmem_shared>> -> memref<10112x128xf32, #tpu.memory_space<vmem_shared>>
    tpu.enqueue_indirect_dma source(%dma_start3A_17 : memref<10112x128xf32, #tpu.memory_space<vmem_shared>>) target(%dma_start3A_11 : memref<128x128xf32, #tpu.memory_space<vmem>>) offsets(%dma_start3A_14 : memref<128xi32, #tpu.memory_space<vmem>>) semaphore(%arg11 : memref<!tpu.dma_semaphore, #tpu.memory_space<semaphore_mem>>)
    %dma_start3A_18 = arith.constant 1 : i32
    %dma_start3A_19 = arith.constant 1 : i32
    %dma_start3A_20 = arith.constant 0 : i32
    %dma_start3A_21 = arith.constant 0 : i32
    %dma_start3A_22 = tpu.memref_slice %arg9[%dma_start3A_19, %dma_start3A_20, %dma_start3A_21] : memref<2x128x128xf32, #tpu.memory_space<vmem>> -> memref<1x128x128xf32, #tpu.memory_space<vmem>>
    %dma_start3A_23 = tpu.memref_squeeze %dma_start3A_22 : memref<1x128x128xf32, #tpu.memory_space<vmem>> -> memref<128x128xf32, #tpu.memory_space<vmem>>
    %dma_start3A_24 = arith.constant 0 : i32
    %dma_start3A_25 = tpu.memref_slice %arg8[%dma_start3A_18, %dma_start3A_24] : memref<80x128xi32, #tpu.memory_space<vmem>> -> memref<1x128xi32, #tpu.memory_space<vmem>>
    %dma_start3A_26 = tpu.memref_squeeze %dma_start3A_25 : memref<1x128xi32, #tpu.memory_space<vmem>> -> memref<128xi32, #tpu.memory_space<vmem>>
    %dma_start3A_27 = arith.constant 0 : i32
    %dma_start3A_28 = arith.constant 0 : i32
    %dma_start3A_29 = tpu.memref_slice %arg10[%dma_start3A_27, %dma_start3A_28] : memref<10112x128xf32, #tpu.memory_space<vmem_shared>> -> memref<10112x128xf32, #tpu.memory_space<vmem_shared>>
    tpu.enqueue_indirect_dma source(%dma_start3A_29 : memref<10112x128xf32, #tpu.memory_space<vmem_shared>>) target(%dma_start3A_23 : memref<128x128xf32, #tpu.memory_space<vmem>>) offsets(%dma_start3A_26 : memref<128xi32, #tpu.memory_space<vmem>>) semaphore(%arg12 : memref<!tpu.dma_semaphore, #tpu.memory_space<semaphore_mem>>)
    %scan3A = arith.constant 0 : i32
    %scan3A_30 = arith.constant 0 : i32
    %scan3A_31 = arith.constant 40 : i32
    %scan3A_32 = arith.addi %scan3A_30, %scan3A_31 : i32
    %scan3A_33 = arith.constant 1 : i32
    scf.for %scan3A_77 = %scan3A_30 to %scan3A_32 step %scan3A_33  : i32 {
      %mul3A_78 = arith.constant 2 : i32
      %mul3A_79 = arith.muli %mul3A_78, %scan3A_77 : i32
      %add3A_80 = arith.constant 0 : i32
      %add3A_81 = arith.addi %mul3A_79, %add3A_80 : i32
      %mul3A_82 = arith.constant 80 : i32
      %mul3A_83 = arith.muli %arg1, %mul3A_82 : i32
      %add3A_84 = arith.addi %mul3A_83, %add3A_81 : i32
      %mul3A_85 = arith.constant 128 : i32
      %mul3A_86 = arith.muli %add3A_84, %mul3A_85 : i32
      %dma_wait3A_87 = arith.constant 0 : i32
      %dma_wait3A_88 = arith.constant 0 : i32
      %dma_wait3A_89 = arith.constant 0 : i32
      %dma_wait3A_90 = tpu.memref_slice %arg9[%dma_wait3A_87, %dma_wait3A_88, %dma_wait3A_89] : memref<2x128x128xf32, #tpu.memory_space<vmem>> -> memref<1x128x128xf32, #tpu.memory_space<vmem>>
      %dma_wait3A_91 = tpu.memref_squeeze %dma_wait3A_90 : memref<1x128x128xf32, #tpu.memory_space<vmem>> -> memref<128x128xf32, #tpu.memory_space<vmem>>
      %dma_wait3A_92 = arith.constant 0 : i32
      %dma_wait3A_93 = tpu.memref_slice %arg8[%add3A_81, %dma_wait3A_92] : memref<80x128xi32, #tpu.memory_space<vmem>> -> memref<1x128xi32, #tpu.memory_space<vmem>>
      %dma_wait3A_94 = tpu.memref_squeeze %dma_wait3A_93 : memref<1x128xi32, #tpu.memory_space<vmem>> -> memref<128xi32, #tpu.memory_space<vmem>>
      %dma_wait3A_95 = arith.constant 0 : i32
      %dma_wait3A_96 = arith.constant 0 : i32
      %dma_wait3A_97 = tpu.memref_slice %arg10[%dma_wait3A_95, %dma_wait3A_96] : memref<10112x128xf32, #tpu.memory_space<vmem_shared>> -> memref<10112x128xf32, #tpu.memory_space<vmem_shared>>
      tpu.wait_indirect_dma semaphore(%arg11 : memref<!tpu.dma_semaphore, #tpu.memory_space<semaphore_mem>>) src(%dma_wait3A_97 : memref<10112x128xf32, #tpu.memory_space<vmem_shared>>) dst(%dma_wait3A_91 : memref<128x128xf32, #tpu.memory_space<vmem>>)
      %eq3A_98 = arith.constant 0 : i32
      %eq3A_99 = arith.cmpi eq, %arg0, %eq3A_98 : i32
      %convert_element_type3A_100 = arith.extui %eq3A_99 : i1 to i32
      %cond3A_101 = arith.constant 0 : i32
      %cond3A_102 = arith.cmpi ne, %convert_element_type3A_100, %cond3A_101 : i32
      scf.if %cond3A_102 {
        %dma_start3A_147 = arith.constant 0 : i32
        %dma_start3A_148 = arith.constant 0 : i32
        %dma_start3A_149 = arith.constant 0 : i32
        %dma_start3A_150 = tpu.memref_slice %arg9[%dma_start3A_147, %dma_start3A_148, %dma_start3A_149] : memref<2x128x128xf32, #tpu.memory_space<vmem>> -> memref<1x128x128xf32, #tpu.memory_space<vmem>>
        %dma_start3A_151 = tpu.memref_squeeze %dma_start3A_150 : memref<1x128x128xf32, #tpu.memory_space<vmem>> -> memref<128x128xf32, #tpu.memory_space<vmem>>
        %dma_start3A_152 = arith.constant 0 : i32
        %dma_start3A_153 = tpu.memref_slice %arg6[%mul3A_86, %dma_start3A_152] : memref<163840x128xf32, #tpu.memory_space<hbm>> -> memref<128x128xf32, #tpu.memory_space<hbm>>
        %dma_start3A_154 = arith.constant 0 : i32
        %dma_start3A_155 = tpu.memref_slice %arg6[%mul3A_86, %dma_start3A_154] : memref<163840x128xf32, #tpu.memory_space<hbm>> -> memref<128x128xf32, #tpu.memory_space<hbm>>
        %dma_start3A_156 = arith.constant 0 : i32
        %dma_start3A_157 = arith.constant 0 : i32
        %dma_start3A_158 = tpu.memref_slice %arg9[%dma_start3A_147, %dma_start3A_156, %dma_start3A_157] : memref<2x128x128xf32, #tpu.memory_space<vmem>> -> memref<1x128x128xf32, #tpu.memory_space<vmem>>
        %dma_start3A_159 = tpu.memref_squeeze %dma_start3A_158 : memref<1x128x128xf32, #tpu.memory_space<vmem>> -> memref<128x128xf32, #tpu.memory_space<vmem>>
        tpu.enqueue_dma source(%dma_start3A_159 : memref<128x128xf32, #tpu.memory_space<vmem>>) target(%dma_start3A_155 : memref<128x128xf32, #tpu.memory_space<hbm>>) target_semaphore(%arg13 : memref<!tpu.dma_semaphore, #tpu.memory_space<semaphore_mem>>)
      } else {
      }
      %eq3A_103 = arith.constant 1 : i32
      %eq3A_104 = arith.cmpi eq, %arg0, %eq3A_103 : i32
      %convert_element_type3A_105 = arith.extui %eq3A_104 : i1 to i32
      %cond3A_106 = arith.constant 0 : i32
      %cond3A_107 = arith.cmpi ne, %convert_element_type3A_105, %cond3A_106 : i32
      scf.if %cond3A_107 {
        %dma_start3A_147 = arith.constant 0 : i32
        %dma_start3A_148 = arith.constant 0 : i32
        %dma_start3A_149 = arith.constant 0 : i32
        %dma_start3A_150 = tpu.memref_slice %arg9[%dma_start3A_147, %dma_start3A_148, %dma_start3A_149] : memref<2x128x128xf32, #tpu.memory_space<vmem>> -> memref<1x128x128xf32, #tpu.memory_space<vmem>>
        %dma_start3A_151 = tpu.memref_squeeze %dma_start3A_150 : memref<1x128x128xf32, #tpu.memory_space<vmem>> -> memref<128x128xf32, #tpu.memory_space<vmem>>
        %dma_start3A_152 = arith.constant 0 : i32
        %dma_start3A_153 = tpu.memref_slice %arg7[%mul3A_86, %dma_start3A_152] : memref<163840x128xf32, #tpu.memory_space<hbm>> -> memref<128x128xf32, #tpu.memory_space<hbm>>
        %dma_start3A_154 = arith.constant 0 : i32
        %dma_start3A_155 = tpu.memref_slice %arg7[%mul3A_86, %dma_start3A_154] : memref<163840x128xf32, #tpu.memory_space<hbm>> -> memref<128x128xf32, #tpu.memory_space<hbm>>
        %dma_start3A_156 = arith.constant 0 : i32
        %dma_start3A_157 = arith.constant 0 : i32
        %dma_start3A_158 = tpu.memref_slice %arg9[%dma_start3A_147, %dma_start3A_156, %dma_start3A_157] : memref<2x128x128xf32, #tpu.memory_space<vmem>> -> memref<1x128x128xf32, #tpu.memory_space<vmem>>
        %dma_start3A_159 = tpu.memref_squeeze %dma_start3A_158 : memref<1x128x128xf32, #tpu.memory_space<vmem>> -> memref<128x128xf32, #tpu.memory_space<vmem>>
        tpu.enqueue_dma source(%dma_start3A_159 : memref<128x128xf32, #tpu.memory_space<vmem>>) target(%dma_start3A_155 : memref<128x128xf32, #tpu.memory_space<hbm>>) target_semaphore(%arg13 : memref<!tpu.dma_semaphore, #tpu.memory_space<semaphore_mem>>)
      } else {
      }
      %lt3A = arith.constant 39 : i32
      %lt3A_108 = arith.cmpi slt, %scan3A_77, %lt3A : i32
      %convert_element_type3A_109 = arith.extui %lt3A_108 : i1 to i32
      %cond3A_110 = arith.constant 0 : i32
      %cond3A_111 = arith.cmpi ne, %convert_element_type3A_109, %cond3A_110 : i32
      scf.if %cond3A_111 {
        %dma_wait3A_147 = arith.constant 0 : i32
        %dma_wait3A_148 = arith.constant 0 : i32
        %dma_wait3A_149 = arith.constant 0 : i32
        %dma_wait3A_150 = tpu.memref_slice %arg9[%dma_wait3A_147, %dma_wait3A_148, %dma_wait3A_149] : memref<2x128x128xf32, #tpu.memory_space<vmem>> -> memref<1x128x128xf32, #tpu.memory_space<vmem>>
        %dma_wait3A_151 = tpu.memref_squeeze %dma_wait3A_150 : memref<1x128x128xf32, #tpu.memory_space<vmem>> -> memref<128x128xf32, #tpu.memory_space<vmem>>
        %dma_wait3A_152 = arith.constant 0 : i32
        %dma_wait3A_153 = tpu.memref_slice %arg6[%mul3A_86, %dma_wait3A_152] : memref<163840x128xf32, #tpu.memory_space<hbm>> -> memref<128x128xf32, #tpu.memory_space<hbm>>
        %dma_wait3A_154 = arith.constant 0 : i32
        %dma_wait3A_155 = tpu.memref_slice %arg6[%mul3A_86, %dma_wait3A_154] : memref<163840x128xf32, #tpu.memory_space<hbm>> -> memref<128x128xf32, #tpu.memory_space<hbm>>
        %dma_wait3A_156 = arith.constant 0 : i32
        %dma_wait3A_157 = arith.constant 0 : i32
        %dma_wait3A_158 = tpu.memref_slice %arg9[%dma_wait3A_147, %dma_wait3A_156, %dma_wait3A_157] : memref<2x128x128xf32, #tpu.memory_space<vmem>> -> memref<1x128x128xf32, #tpu.memory_space<vmem>>
        %dma_wait3A_159 = tpu.memref_squeeze %dma_wait3A_158 : memref<1x128x128xf32, #tpu.memory_space<vmem>> -> memref<128x128xf32, #tpu.memory_space<vmem>>
        tpu.wait_dma2 semaphore(%arg13 : memref<!tpu.dma_semaphore, #tpu.memory_space<semaphore_mem>>) src(%dma_wait3A_159 : memref<128x128xf32, #tpu.memory_space<vmem>>) dst(%dma_wait3A_155 : memref<128x128xf32, #tpu.memory_space<hbm>>)
        %add3A_160 = arith.constant 2 : i32
        %add3A_161 = arith.addi %add3A_81, %add3A_160 : i32
        %dma_start3A_162 = arith.constant 0 : i32
        %dma_start3A_163 = arith.constant 0 : i32
        %dma_start3A_164 = arith.constant 0 : i32
        %dma_start3A_165 = tpu.memref_slice %arg9[%dma_start3A_162, %dma_start3A_163, %dma_start3A_164] : memref<2x128x128xf32, #tpu.memory_space<vmem>> -> memref<1x128x128xf32, #tpu.memory_space<vmem>>
        %dma_start3A_166 = tpu.memref_squeeze %dma_start3A_165 : memref<1x128x128xf32, #tpu.memory_space<vmem>> -> memref<128x128xf32, #tpu.memory_space<vmem>>
        %dma_start3A_167 = arith.constant 0 : i32
        %dma_start3A_168 = tpu.memref_slice %arg8[%add3A_161, %dma_start3A_167] : memref<80x128xi32, #tpu.memory_space<vmem>> -> memref<1x128xi32, #tpu.memory_space<vmem>>
        %dma_start3A_169 = tpu.memref_squeeze %dma_start3A_168 : memref<1x128xi32, #tpu.memory_space<vmem>> -> memref<128xi32, #tpu.memory_space<vmem>>
        %dma_start3A_170 = arith.constant 0 : i32
        %dma_start3A_171 = arith.constant 0 : i32
        %dma_start3A_172 = tpu.memref_slice %arg10[%dma_start3A_170, %dma_start3A_171] : memref<10112x128xf32, #tpu.memory_space<vmem_shared>> -> memref<10112x128xf32, #tpu.memory_space<vmem_shared>>
        tpu.enqueue_indirect_dma source(%dma_start3A_172 : memref<10112x128xf32, #tpu.memory_space<vmem_shared>>) target(%dma_start3A_166 : memref<128x128xf32, #tpu.memory_space<vmem>>) offsets(%dma_start3A_169 : memref<128xi32, #tpu.memory_space<vmem>>) semaphore(%arg11 : memref<!tpu.dma_semaphore, #tpu.memory_space<semaphore_mem>>)
      } else {
      }
      %mul3A_112 = arith.constant 2 : i32
      %mul3A_113 = arith.muli %mul3A_112, %scan3A_77 : i32
      %add3A_114 = arith.constant 1 : i32
      %add3A_115 = arith.addi %mul3A_113, %add3A_114 : i32
      %mul3A_116 = arith.constant 80 : i32
      %mul3A_117 = arith.muli %arg1, %mul3A_116 : i32
      %add3A_118 = arith.addi %mul3A_117, %add3A_115 : i32
      %mul3A_119 = arith.constant 128 : i32
      %mul3A_120 = arith.muli %add3A_118, %mul3A_119 : i32
      %dma_wait3A_121 = arith.constant 1 : i32
      %dma_wait3A_122 = arith.constant 0 : i32
      %dma_wait3A_123 = arith.constant 0 : i32
      %dma_wait3A_124 = tpu.memref_slice %arg9[%dma_wait3A_121, %dma_wait3A_122, %dma_wait3A_123] : memref<2x128x128xf32, #tpu.memory_space<vmem>> -> memref<1x128x128xf32, #tpu.memory_space<vmem>>
      %dma_wait3A_125 = tpu.memref_squeeze %dma_wait3A_124 : memref<1x128x128xf32, #tpu.memory_space<vmem>> -> memref<128x128xf32, #tpu.memory_space<vmem>>
      %dma_wait3A_126 = arith.constant 0 : i32
      %dma_wait3A_127 = tpu.memref_slice %arg8[%add3A_115, %dma_wait3A_126] : memref<80x128xi32, #tpu.memory_space<vmem>> -> memref<1x128xi32, #tpu.memory_space<vmem>>
      %dma_wait3A_128 = tpu.memref_squeeze %dma_wait3A_127 : memref<1x128xi32, #tpu.memory_space<vmem>> -> memref<128xi32, #tpu.memory_space<vmem>>
      %dma_wait3A_129 = arith.constant 0 : i32
      %dma_wait3A_130 = arith.constant 0 : i32
      %dma_wait3A_131 = tpu.memref_slice %arg10[%dma_wait3A_129, %dma_wait3A_130] : memref<10112x128xf32, #tpu.memory_space<vmem_shared>> -> memref<10112x128xf32, #tpu.memory_space<vmem_shared>>
      tpu.wait_indirect_dma semaphore(%arg12 : memref<!tpu.dma_semaphore, #tpu.memory_space<semaphore_mem>>) src(%dma_wait3A_131 : memref<10112x128xf32, #tpu.memory_space<vmem_shared>>) dst(%dma_wait3A_125 : memref<128x128xf32, #tpu.memory_space<vmem>>)
      %eq3A_132 = arith.constant 0 : i32
      %eq3A_133 = arith.cmpi eq, %arg0, %eq3A_132 : i32
      %convert_element_type3A_134 = arith.extui %eq3A_133 : i1 to i32
      %cond3A_135 = arith.constant 0 : i32
      %cond3A_136 = arith.cmpi ne, %convert_element_type3A_134, %cond3A_135 : i32
      scf.if %cond3A_136 {
        %dma_start3A_147 = arith.constant 1 : i32
        %dma_start3A_148 = arith.constant 0 : i32
        %dma_start3A_149 = arith.constant 0 : i32
        %dma_start3A_150 = tpu.memref_slice %arg9[%dma_start3A_147, %dma_start3A_148, %dma_start3A_149] : memref<2x128x128xf32, #tpu.memory_space<vmem>> -> memref<1x128x128xf32, #tpu.memory_space<vmem>>
        %dma_start3A_151 = tpu.memref_squeeze %dma_start3A_150 : memref<1x128x128xf32, #tpu.memory_space<vmem>> -> memref<128x128xf32, #tpu.memory_space<vmem>>
        %dma_start3A_152 = arith.constant 0 : i32
        %dma_start3A_153 = tpu.memref_slice %arg6[%mul3A_120, %dma_start3A_152] : memref<163840x128xf32, #tpu.memory_space<hbm>> -> memref<128x128xf32, #tpu.memory_space<hbm>>
        %dma_start3A_154 = arith.constant 0 : i32
        %dma_start3A_155 = tpu.memref_slice %arg6[%mul3A_120, %dma_start3A_154] : memref<163840x128xf32, #tpu.memory_space<hbm>> -> memref<128x128xf32, #tpu.memory_space<hbm>>
        %dma_start3A_156 = arith.constant 0 : i32
        %dma_start3A_157 = arith.constant 0 : i32
        %dma_start3A_158 = tpu.memref_slice %arg9[%dma_start3A_147, %dma_start3A_156, %dma_start3A_157] : memref<2x128x128xf32, #tpu.memory_space<vmem>> -> memref<1x128x128xf32, #tpu.memory_space<vmem>>
        %dma_start3A_159 = tpu.memref_squeeze %dma_start3A_158 : memref<1x128x128xf32, #tpu.memory_space<vmem>> -> memref<128x128xf32, #tpu.memory_space<vmem>>
        tpu.enqueue_dma source(%dma_start3A_159 : memref<128x128xf32, #tpu.memory_space<vmem>>) target(%dma_start3A_155 : memref<128x128xf32, #tpu.memory_space<hbm>>) target_semaphore(%arg14 : memref<!tpu.dma_semaphore, #tpu.memory_space<semaphore_mem>>)
      } else {
      }
      %eq3A_137 = arith.constant 1 : i32
      %eq3A_138 = arith.cmpi eq, %arg0, %eq3A_137 : i32
      %convert_element_type3A_139 = arith.extui %eq3A_138 : i1 to i32
      %cond3A_140 = arith.constant 0 : i32
      %cond3A_141 = arith.cmpi ne, %convert_element_type3A_139, %cond3A_140 : i32
      scf.if %cond3A_141 {
        %dma_start3A_147 = arith.constant 1 : i32
        %dma_start3A_148 = arith.constant 0 : i32
        %dma_start3A_149 = arith.constant 0 : i32
        %dma_start3A_150 = tpu.memref_slice %arg9[%dma_start3A_147, %dma_start3A_148, %dma_start3A_149] : memref<2x128x128xf32, #tpu.memory_space<vmem>> -> memref<1x128x128xf32, #tpu.memory_space<vmem>>
        %dma_start3A_151 = tpu.memref_squeeze %dma_start3A_150 : memref<1x128x128xf32, #tpu.memory_space<vmem>> -> memref<128x128xf32, #tpu.memory_space<vmem>>
        %dma_start3A_152 = arith.constant 0 : i32
        %dma_start3A_153 = tpu.memref_slice %arg7[%mul3A_120, %dma_start3A_152] : memref<163840x128xf32, #tpu.memory_space<hbm>> -> memref<128x128xf32, #tpu.memory_space<hbm>>
        %dma_start3A_154 = arith.constant 0 : i32
        %dma_start3A_155 = tpu.memref_slice %arg7[%mul3A_120, %dma_start3A_154] : memref<163840x128xf32, #tpu.memory_space<hbm>> -> memref<128x128xf32, #tpu.memory_space<hbm>>
        %dma_start3A_156 = arith.constant 0 : i32
        %dma_start3A_157 = arith.constant 0 : i32
        %dma_start3A_158 = tpu.memref_slice %arg9[%dma_start3A_147, %dma_start3A_156, %dma_start3A_157] : memref<2x128x128xf32, #tpu.memory_space<vmem>> -> memref<1x128x128xf32, #tpu.memory_space<vmem>>
        %dma_start3A_159 = tpu.memref_squeeze %dma_start3A_158 : memref<1x128x128xf32, #tpu.memory_space<vmem>> -> memref<128x128xf32, #tpu.memory_space<vmem>>
        tpu.enqueue_dma source(%dma_start3A_159 : memref<128x128xf32, #tpu.memory_space<vmem>>) target(%dma_start3A_155 : memref<128x128xf32, #tpu.memory_space<hbm>>) target_semaphore(%arg14 : memref<!tpu.dma_semaphore, #tpu.memory_space<semaphore_mem>>)
      } else {
      }
      %lt3A_142 = arith.constant 39 : i32
      %lt3A_143 = arith.cmpi slt, %scan3A_77, %lt3A_142 : i32
      %convert_element_type3A_144 = arith.extui %lt3A_143 : i1 to i32
      %cond3A_145 = arith.constant 0 : i32
      %cond3A_146 = arith.cmpi ne, %convert_element_type3A_144, %cond3A_145 : i32
      scf.if %cond3A_146 {
        %dma_wait3A_147 = arith.constant 1 : i32
        %dma_wait3A_148 = arith.constant 0 : i32
        %dma_wait3A_149 = arith.constant 0 : i32
        %dma_wait3A_150 = tpu.memref_slice %arg9[%dma_wait3A_147, %dma_wait3A_148, %dma_wait3A_149] : memref<2x128x128xf32, #tpu.memory_space<vmem>> -> memref<1x128x128xf32, #tpu.memory_space<vmem>>
        %dma_wait3A_151 = tpu.memref_squeeze %dma_wait3A_150 : memref<1x128x128xf32, #tpu.memory_space<vmem>> -> memref<128x128xf32, #tpu.memory_space<vmem>>
        %dma_wait3A_152 = arith.constant 0 : i32
        %dma_wait3A_153 = tpu.memref_slice %arg6[%mul3A_120, %dma_wait3A_152] : memref<163840x128xf32, #tpu.memory_space<hbm>> -> memref<128x128xf32, #tpu.memory_space<hbm>>
        %dma_wait3A_154 = arith.constant 0 : i32
        %dma_wait3A_155 = tpu.memref_slice %arg6[%mul3A_120, %dma_wait3A_154] : memref<163840x128xf32, #tpu.memory_space<hbm>> -> memref<128x128xf32, #tpu.memory_space<hbm>>
        %dma_wait3A_156 = arith.constant 0 : i32
        %dma_wait3A_157 = arith.constant 0 : i32
        %dma_wait3A_158 = tpu.memref_slice %arg9[%dma_wait3A_147, %dma_wait3A_156, %dma_wait3A_157] : memref<2x128x128xf32, #tpu.memory_space<vmem>> -> memref<1x128x128xf32, #tpu.memory_space<vmem>>
        %dma_wait3A_159 = tpu.memref_squeeze %dma_wait3A_158 : memref<1x128x128xf32, #tpu.memory_space<vmem>> -> memref<128x128xf32, #tpu.memory_space<vmem>>
        tpu.wait_dma2 semaphore(%arg14 : memref<!tpu.dma_semaphore, #tpu.memory_space<semaphore_mem>>) src(%dma_wait3A_159 : memref<128x128xf32, #tpu.memory_space<vmem>>) dst(%dma_wait3A_155 : memref<128x128xf32, #tpu.memory_space<hbm>>)
        %add3A_160 = arith.constant 2 : i32
        %add3A_161 = arith.addi %add3A_115, %add3A_160 : i32
        %dma_start3A_162 = arith.constant 1 : i32
        %dma_start3A_163 = arith.constant 0 : i32
        %dma_start3A_164 = arith.constant 0 : i32
        %dma_start3A_165 = tpu.memref_slice %arg9[%dma_start3A_162, %dma_start3A_163, %dma_start3A_164] : memref<2x128x128xf32, #tpu.memory_space<vmem>> -> memref<1x128x128xf32, #tpu.memory_space<vmem>>
        %dma_start3A_166 = tpu.memref_squeeze %dma_start3A_165 : memref<1x128x128xf32, #tpu.memory_space<vmem>> -> memref<128x128xf32, #tpu.memory_space<vmem>>
        %dma_start3A_167 = arith.constant 0 : i32
        %dma_start3A_168 = tpu.memref_slice %arg8[%add3A_161, %dma_start3A_167] : memref<80x128xi32, #tpu.memory_space<vmem>> -> memref<1x128xi32, #tpu.memory_space<vmem>>
        %dma_start3A_169 = tpu.memref_squeeze %dma_start3A_168 : memref<1x128xi32, #tpu.memory_space<vmem>> -> memref<128xi32, #tpu.memory_space<vmem>>
        %dma_start3A_170 = arith.constant 0 : i32
        %dma_start3A_171 = arith.constant 0 : i32
        %dma_start3A_172 = tpu.memref_slice %arg10[%dma_start3A_170, %dma_start3A_171] : memref<10112x128xf32, #tpu.memory_space<vmem_shared>> -> memref<10112x128xf32, #tpu.memory_space<vmem_shared>>
        tpu.enqueue_indirect_dma source(%dma_start3A_172 : memref<10112x128xf32, #tpu.memory_space<vmem_shared>>) target(%dma_start3A_166 : memref<128x128xf32, #tpu.memory_space<vmem>>) offsets(%dma_start3A_169 : memref<128xi32, #tpu.memory_space<vmem>>) semaphore(%arg12 : memref<!tpu.dma_semaphore, #tpu.memory_space<semaphore_mem>>)
      } else {
      }
    }
    %scan3A_34 = arith.constant 40 : i32
    %mul3A = arith.constant 80 : i32
    %mul3A_35 = arith.muli %arg1, %mul3A : i32
    %add3A = arith.constant 80 : i32
    %add3A_36 = arith.addi %mul3A_35, %add3A : i32
    %sub3A = arith.constant 2 : i32
    %sub3A_37 = arith.subi %add3A_36, %sub3A : i32
    %add3A_38 = arith.constant 0 : i32
    %add3A_39 = arith.addi %sub3A_37, %add3A_38 : i32
    %mul3A_40 = arith.constant 128 : i32
    %mul3A_41 = arith.muli %add3A_39, %mul3A_40 : i32
    %dma_wait3A = arith.constant 0 : i32
    %dma_wait3A_42 = arith.constant 0 : i32
    %dma_wait3A_43 = arith.constant 0 : i32
    %dma_wait3A_44 = tpu.memref_slice %arg9[%dma_wait3A, %dma_wait3A_42, %dma_wait3A_43] : memref<2x128x128xf32, #tpu.memory_space<vmem>> -> memref<1x128x128xf32, #tpu.memory_space<vmem>>
    %dma_wait3A_45 = tpu.memref_squeeze %dma_wait3A_44 : memref<1x128x128xf32, #tpu.memory_space<vmem>> -> memref<128x128xf32, #tpu.memory_space<vmem>>
    %dma_wait3A_46 = arith.constant 0 : i32
    %dma_wait3A_47 = tpu.memref_slice %arg6[%mul3A_41, %dma_wait3A_46] : memref<163840x128xf32, #tpu.memory_space<hbm>> -> memref<128x128xf32, #tpu.memory_space<hbm>>
    %dma_wait3A_48 = arith.constant 0 : i32
    %dma_wait3A_49 = tpu.memref_slice %arg6[%mul3A_41, %dma_wait3A_48] : memref<163840x128xf32, #tpu.memory_space<hbm>> -> memref<128x128xf32, #tpu.memory_space<hbm>>
    %dma_wait3A_50 = arith.constant 0 : i32
    %dma_wait3A_51 = arith.constant 0 : i32
    %dma_wait3A_52 = tpu.memref_slice %arg9[%dma_wait3A, %dma_wait3A_50, %dma_wait3A_51] : memref<2x128x128xf32, #tpu.memory_space<vmem>> -> memref<1x128x128xf32, #tpu.memory_space<vmem>>
    %dma_wait3A_53 = tpu.memref_squeeze %dma_wait3A_52 : memref<1x128x128xf32, #tpu.memory_space<vmem>> -> memref<128x128xf32, #tpu.memory_space<vmem>>
    tpu.wait_dma2 semaphore(%arg13 : memref<!tpu.dma_semaphore, #tpu.memory_space<semaphore_mem>>) src(%dma_wait3A_53 : memref<128x128xf32, #tpu.memory_space<vmem>>) dst(%dma_wait3A_49 : memref<128x128xf32, #tpu.memory_space<hbm>>)
    %mul3A_54 = arith.constant 80 : i32
    %mul3A_55 = arith.muli %arg1, %mul3A_54 : i32
    %add3A_56 = arith.constant 80 : i32
    %add3A_57 = arith.addi %mul3A_55, %add3A_56 : i32
    %sub3A_58 = arith.constant 2 : i32
    %sub3A_59 = arith.subi %add3A_57, %sub3A_58 : i32
    %add3A_60 = arith.constant 1 : i32
    %add3A_61 = arith.addi %sub3A_59, %add3A_60 : i32
    %mul3A_62 = arith.constant 128 : i32
    %mul3A_63 = arith.muli %add3A_61, %mul3A_62 : i32
    %dma_wait3A_64 = arith.constant 1 : i32
    %dma_wait3A_65 = arith.constant 0 : i32
    %dma_wait3A_66 = arith.constant 0 : i32
    %dma_wait3A_67 = tpu.memref_slice %arg9[%dma_wait3A_64, %dma_wait3A_65, %dma_wait3A_66] : memref<2x128x128xf32, #tpu.memory_space<vmem>> -> memref<1x128x128xf32, #tpu.memory_space<vmem>>
    %dma_wait3A_68 = tpu.memref_squeeze %dma_wait3A_67 : memref<1x128x128xf32, #tpu.memory_space<vmem>> -> memref<128x128xf32, #tpu.memory_space<vmem>>
    %dma_wait3A_69 = arith.constant 0 : i32
    %dma_wait3A_70 = tpu.memref_slice %arg6[%mul3A_63, %dma_wait3A_69] : memref<163840x128xf32, #tpu.memory_space<hbm>> -> memref<128x128xf32, #tpu.memory_space<hbm>>
    %dma_wait3A_71 = arith.constant 0 : i32
    %dma_wait3A_72 = tpu.memref_slice %arg6[%mul3A_63, %dma_wait3A_71] : memref<163840x128xf32, #tpu.memory_space<hbm>> -> memref<128x128xf32, #tpu.memory_space<hbm>>
    %dma_wait3A_73 = arith.constant 0 : i32
    %dma_wait3A_74 = arith.constant 0 : i32
    %dma_wait3A_75 = tpu.memref_slice %arg9[%dma_wait3A_64, %dma_wait3A_73, %dma_wait3A_74] : memref<2x128x128xf32, #tpu.memory_space<vmem>> -> memref<1x128x128xf32, #tpu.memory_space<vmem>>
    %dma_wait3A_76 = tpu.memref_squeeze %dma_wait3A_75 : memref<1x128x128xf32, #tpu.memory_space<vmem>> -> memref<128x128xf32, #tpu.memory_space<vmem>>
    tpu.wait_dma2 semaphore(%arg14 : memref<!tpu.dma_semaphore, #tpu.memory_space<semaphore_mem>>) src(%dma_wait3A_76 : memref<128x128xf32, #tpu.memory_space<vmem>>) dst(%dma_wait3A_72 : memref<128x128xf32, #tpu.memory_space<hbm>>)
    return
  }
}

#map = affine_map<(d0, d1) -> (0, 0)>
#map1 = affine_map<(d0, d1) -> (0, 0, 0)>
module attributes {stable_mosaic.version = 14 : i64} {
  func.func @sc_scatter128(%arg0: i32, %arg1: i32, %arg2: memref<163840x128xf32, #tpu.memory_space<hbm>>, %arg3: memref<32x40x128xi32, #tpu.memory_space<hbm>>, %arg4: memref<10112x128xf32, #tpu.memory_space<hbm>>, %arg5: memref<2x10112x128xf32, #tpu.memory_space<hbm>>, %arg6: memref<128xi32, #tpu.memory_space<vmem>>, %arg7: memref<128x128xf32, #tpu.memory_space<vmem>>, %arg8: memref<10112x128xf32, #tpu.memory_space<vmem_shared>>) attributes {dimension_semantics = [#tpu.dimension_semantics<core_parallel>, #tpu.dimension_semantics<subcore_parallel>], iteration_bounds = array<i64: 2, 16>, scalar_prefetch = 0 : i64, scratch_operands = 3 : i64, tpu.core_type = #tpu.core_type<sc_vector_subcore>, window_params = [{transform_indices = #map}, {transform_indices = #map1}, {transform_indices = #map}, {transform_indices = #map1}]} {
    %mul3A = arith.constant 2 : i32
    %mul3A_0 = arith.muli %arg1, %mul3A : i32
    %add3A = arith.addi %mul3A_0, %arg0 : i32
    %mul3A_1 = arith.constant 632 : i32
    %mul3A_2 = arith.muli %arg1, %mul3A_1 : i32
    %mul3A_3 = arith.constant 632 : i32
    %mul3A_4 = arith.muli %arg1, %mul3A_3 : i32
    "tpu.region"() ({
      %run_scoped3A = tpu.sem_alloc : memref<!tpu.dma_semaphore, #tpu.memory_space<semaphore_mem>>
      %dma_start3A = arith.constant 0 : i32
      %dma_start3A_15 = tpu.memref_slice %arg8[%mul3A_4, %dma_start3A] : memref<10112x128xf32, #tpu.memory_space<vmem_shared>> -> memref<632x128xf32, #tpu.memory_space<vmem_shared>>
      %dma_start3A_16 = arith.constant 0 : i32
      %dma_start3A_17 = tpu.memref_slice %arg4[%mul3A_2, %dma_start3A_16] : memref<10112x128xf32, #tpu.memory_space<hbm>> -> memref<632x128xf32, #tpu.memory_space<hbm>>
      tpu.enqueue_dma source(%dma_start3A_17 : memref<632x128xf32, #tpu.memory_space<hbm>>) target(%dma_start3A_15 : memref<632x128xf32, #tpu.memory_space<vmem_shared>>) target_semaphore(%run_scoped3A : memref<!tpu.dma_semaphore, #tpu.memory_space<semaphore_mem>>)
      %dma_wait3A = arith.constant 0 : i32
      %dma_wait3A_18 = tpu.memref_slice %arg8[%mul3A_4, %dma_wait3A] : memref<10112x128xf32, #tpu.memory_space<vmem_shared>> -> memref<632x128xf32, #tpu.memory_space<vmem_shared>>
      %dma_wait3A_19 = arith.constant 0 : i32
      %dma_wait3A_20 = tpu.memref_slice %arg4[%mul3A_2, %dma_wait3A_19] : memref<10112x128xf32, #tpu.memory_space<hbm>> -> memref<632x128xf32, #tpu.memory_space<hbm>>
      tpu.wait_dma2 semaphore(%run_scoped3A : memref<!tpu.dma_semaphore, #tpu.memory_space<semaphore_mem>>) src(%dma_wait3A_20 : memref<632x128xf32, #tpu.memory_space<hbm>>) dst(%dma_wait3A_18 : memref<632x128xf32, #tpu.memory_space<vmem_shared>>)
      tpu.yield
    }) : () -> ()
    %barrier3A = arith.constant 0 : index
    tpu.barrier barrier_id(%barrier3A)
    %scan3A = arith.constant 0 : i32
    %scan3A_5 = arith.constant 0 : i32
    %scan3A_6 = arith.constant 40 : i32
    %scan3A_7 = arith.addi %scan3A_5, %scan3A_6 : i32
    %scan3A_8 = arith.constant 1 : i32
    scf.for %scan3A_15 = %scan3A_5 to %scan3A_7 step %scan3A_8  : i32 {
      %mul3A_16 = arith.constant 40 : i32
      %mul3A_17 = arith.muli %add3A, %mul3A_16 : i32
      %add3A_18 = arith.addi %mul3A_17, %scan3A_15 : i32
      %mul3A_19 = arith.constant 128 : i32
      %mul3A_20 = arith.muli %add3A_18, %mul3A_19 : i32
      "tpu.region"() ({
        %run_scoped3A = tpu.sem_alloc : memref<!tpu.dma_semaphore, #tpu.memory_space<semaphore_mem>>
        %dma_start3A = arith.constant 0 : i32
        %dma_start3A_21 = tpu.memref_slice %arg3[%add3A, %scan3A_15, %dma_start3A] : memref<32x40x128xi32, #tpu.memory_space<hbm>> -> memref<1x1x128xi32, #tpu.memory_space<hbm>>
        %dma_start3A_22 = tpu.memref_squeeze %dma_start3A_21 : memref<1x1x128xi32, #tpu.memory_space<hbm>> -> memref<128xi32, #tpu.memory_space<hbm>>
        %dma_start3A_23 = arith.constant 0 : i32
        %dma_start3A_24 = tpu.memref_slice %arg3[%add3A, %scan3A_15, %dma_start3A_23] : memref<32x40x128xi32, #tpu.memory_space<hbm>> -> memref<1x1x128xi32, #tpu.memory_space<hbm>>
        %dma_start3A_25 = tpu.memref_squeeze %dma_start3A_24 : memref<1x1x128xi32, #tpu.memory_space<hbm>> -> memref<128xi32, #tpu.memory_space<hbm>>
        tpu.enqueue_dma source(%dma_start3A_25 : memref<128xi32, #tpu.memory_space<hbm>>) target(%arg6 : memref<128xi32, #tpu.memory_space<vmem>>) target_semaphore(%run_scoped3A : memref<!tpu.dma_semaphore, #tpu.memory_space<semaphore_mem>>)
        %dma_wait3A = arith.constant 0 : i32
        %dma_wait3A_26 = tpu.memref_slice %arg3[%add3A, %scan3A_15, %dma_wait3A] : memref<32x40x128xi32, #tpu.memory_space<hbm>> -> memref<1x1x128xi32, #tpu.memory_space<hbm>>
        %dma_wait3A_27 = tpu.memref_squeeze %dma_wait3A_26 : memref<1x1x128xi32, #tpu.memory_space<hbm>> -> memref<128xi32, #tpu.memory_space<hbm>>
        %dma_wait3A_28 = arith.constant 0 : i32
        %dma_wait3A_29 = tpu.memref_slice %arg3[%add3A, %scan3A_15, %dma_wait3A_28] : memref<32x40x128xi32, #tpu.memory_space<hbm>> -> memref<1x1x128xi32, #tpu.memory_space<hbm>>
        %dma_wait3A_30 = tpu.memref_squeeze %dma_wait3A_29 : memref<1x1x128xi32, #tpu.memory_space<hbm>> -> memref<128xi32, #tpu.memory_space<hbm>>
        tpu.wait_dma2 semaphore(%run_scoped3A : memref<!tpu.dma_semaphore, #tpu.memory_space<semaphore_mem>>) src(%dma_wait3A_30 : memref<128xi32, #tpu.memory_space<hbm>>) dst(%arg6 : memref<128xi32, #tpu.memory_space<vmem>>)
        tpu.yield
      }) : () -> ()
      "tpu.region"() ({
        %run_scoped3A = tpu.sem_alloc : memref<!tpu.dma_semaphore, #tpu.memory_space<semaphore_mem>>
        %dma_start3A = arith.constant 0 : i32
        %dma_start3A_21 = tpu.memref_slice %arg2[%mul3A_20, %dma_start3A] : memref<163840x128xf32, #tpu.memory_space<hbm>> -> memref<128x128xf32, #tpu.memory_space<hbm>>
        %dma_start3A_22 = arith.constant 0 : i32
        %dma_start3A_23 = tpu.memref_slice %arg2[%mul3A_20, %dma_start3A_22] : memref<163840x128xf32, #tpu.memory_space<hbm>> -> memref<128x128xf32, #tpu.memory_space<hbm>>
        tpu.enqueue_dma source(%dma_start3A_23 : memref<128x128xf32, #tpu.memory_space<hbm>>) target(%arg7 : memref<128x128xf32, #tpu.memory_space<vmem>>) target_semaphore(%run_scoped3A : memref<!tpu.dma_semaphore, #tpu.memory_space<semaphore_mem>>)
        %dma_wait3A = arith.constant 0 : i32
        %dma_wait3A_24 = tpu.memref_slice %arg2[%mul3A_20, %dma_wait3A] : memref<163840x128xf32, #tpu.memory_space<hbm>> -> memref<128x128xf32, #tpu.memory_space<hbm>>
        %dma_wait3A_25 = arith.constant 0 : i32
        %dma_wait3A_26 = tpu.memref_slice %arg2[%mul3A_20, %dma_wait3A_25] : memref<163840x128xf32, #tpu.memory_space<hbm>> -> memref<128x128xf32, #tpu.memory_space<hbm>>
        tpu.wait_dma2 semaphore(%run_scoped3A : memref<!tpu.dma_semaphore, #tpu.memory_space<semaphore_mem>>) src(%dma_wait3A_26 : memref<128x128xf32, #tpu.memory_space<hbm>>) dst(%arg7 : memref<128x128xf32, #tpu.memory_space<vmem>>)
        tpu.yield
      }) : () -> ()
      "tpu.region"() ({
        %run_scoped3A = tpu.sem_alloc : memref<!tpu.dma_semaphore, #tpu.memory_space<semaphore_mem>>
        %dma_start3A = arith.constant 0 : i32
        %dma_start3A_21 = arith.constant 0 : i32
        %dma_start3A_22 = tpu.memref_slice %arg8[%dma_start3A, %dma_start3A_21] : memref<10112x128xf32, #tpu.memory_space<vmem_shared>> -> memref<10112x128xf32, #tpu.memory_space<vmem_shared>>
        tpu.enqueue_indirect_dma source(%arg7 : memref<128x128xf32, #tpu.memory_space<vmem>>) target(%dma_start3A_22 : memref<10112x128xf32, #tpu.memory_space<vmem_shared>>) offsets(%arg6 : memref<128xi32, #tpu.memory_space<vmem>>) semaphore(%run_scoped3A : memref<!tpu.dma_semaphore, #tpu.memory_space<semaphore_mem>>) {add = true}
        %dma_wait3A = arith.constant 0 : i32
        %dma_wait3A_23 = arith.constant 0 : i32
        %dma_wait3A_24 = tpu.memref_slice %arg8[%dma_wait3A, %dma_wait3A_23] : memref<10112x128xf32, #tpu.memory_space<vmem_shared>> -> memref<10112x128xf32, #tpu.memory_space<vmem_shared>>
        tpu.wait_indirect_dma semaphore(%run_scoped3A : memref<!tpu.dma_semaphore, #tpu.memory_space<semaphore_mem>>) src(%arg7 : memref<128x128xf32, #tpu.memory_space<vmem>>) dst(%dma_wait3A_24 : memref<10112x128xf32, #tpu.memory_space<vmem_shared>>)
        tpu.yield
      }) : () -> ()
    }
    %scan3A_9 = arith.constant 40 : i32
    %barrier3A_10 = arith.constant 0 : index
    tpu.barrier barrier_id(%barrier3A_10)
    %mul3A_11 = arith.constant 632 : i32
    %mul3A_12 = arith.muli %arg1, %mul3A_11 : i32
    %mul3A_13 = arith.constant 632 : i32
    %mul3A_14 = arith.muli %arg1, %mul3A_13 : i32
    "tpu.region"() ({
      %run_scoped3A = tpu.sem_alloc : memref<!tpu.dma_semaphore, #tpu.memory_space<semaphore_mem>>
      %dma_start3A = arith.constant 0 : i32
      %dma_start3A_15 = tpu.memref_slice %arg5[%arg0, %mul3A_14, %dma_start3A] : memref<2x10112x128xf32, #tpu.memory_space<hbm>> -> memref<1x632x128xf32, #tpu.memory_space<hbm>>
      %dma_start3A_16 = tpu.memref_squeeze %dma_start3A_15 : memref<1x632x128xf32, #tpu.memory_space<hbm>> -> memref<632x128xf32, #tpu.memory_space<hbm>>
      %dma_start3A_17 = arith.constant 0 : i32
      %dma_start3A_18 = tpu.memref_slice %arg8[%mul3A_12, %dma_start3A_17] : memref<10112x128xf32, #tpu.memory_space<vmem_shared>> -> memref<632x128xf32, #tpu.memory_space<vmem_shared>>
      tpu.enqueue_dma source(%dma_start3A_18 : memref<632x128xf32, #tpu.memory_space<vmem_shared>>) target(%dma_start3A_16 : memref<632x128xf32, #tpu.memory_space<hbm>>) target_semaphore(%run_scoped3A : memref<!tpu.dma_semaphore, #tpu.memory_space<semaphore_mem>>)
      %dma_wait3A = arith.constant 0 : i32
      %dma_wait3A_19 = tpu.memref_slice %arg5[%arg0, %mul3A_14, %dma_wait3A] : memref<2x10112x128xf32, #tpu.memory_space<hbm>> -> memref<1x632x128xf32, #tpu.memory_space<hbm>>
      %dma_wait3A_20 = tpu.memref_squeeze %dma_wait3A_19 : memref<1x632x128xf32, #tpu.memory_space<hbm>> -> memref<632x128xf32, #tpu.memory_space<hbm>>
      %dma_wait3A_21 = arith.constant 0 : i32
      %dma_wait3A_22 = tpu.memref_slice %arg8[%mul3A_12, %dma_wait3A_21] : memref<10112x128xf32, #tpu.memory_space<vmem_shared>> -> memref<632x128xf32, #tpu.memory_space<vmem_shared>>
      tpu.wait_dma2 semaphore(%run_scoped3A : memref<!tpu.dma_semaphore, #tpu.memory_space<semaphore_mem>>) src(%dma_wait3A_22 : memref<632x128xf32, #tpu.memory_space<vmem_shared>>) dst(%dma_wait3A_20 : memref<632x128xf32, #tpu.memory_space<hbm>>)
      tpu.yield
    }) : () -> ()
    return
  }
}

module attributes {stable_mosaic.version = 14 : i64} {
  func.func @prologue(%arg0: i32, %arg1: memref<1000x1xf32, #tpu.memory_space<vmem>>, %arg2: memref<1000x1xf32, #tpu.memory_space<vmem>>, %arg3: memref<1000x1xf32, #tpu.memory_space<vmem>>, %arg4: memref<1000x3xf32, #tpu.memory_space<vmem>>, %arg5: memref<1000x3xf32, #tpu.memory_space<vmem>>, %arg6: memref<1000x3xf32, #tpu.memory_space<vmem>>, %arg7: memref<10x64xf32, #tpu.memory_space<vmem>>, %arg8: memref<1x64xf32, #tpu.memory_space<vmem>>, %arg9: memref<64x64xf32, #tpu.memory_space<vmem>>, %arg10: memref<1x64xf32, #tpu.memory_space<vmem>>, %arg11: memref<10x64xf32, #tpu.memory_space<vmem>>, %arg12: memref<1x64xf32, #tpu.memory_space<vmem>>, %arg13: memref<64x64xf32, #tpu.memory_space<vmem>>, %arg14: memref<1x64xf32, #tpu.memory_space<vmem>>, %arg15: memref<10x64xf32, #tpu.memory_space<vmem>>, %arg16: memref<1x64xf32, #tpu.memory_space<vmem>>, %arg17: memref<64x64xf32, #tpu.memory_space<vmem>>, %arg18: memref<1x64xf32, #tpu.memory_space<vmem>>, %arg19: memref<224x64xf32, #tpu.memory_space<vmem>>, %arg20: memref<224x64xf32, #tpu.memory_space<vmem>>, %arg21: memref<1000x224xf32, #tpu.memory_space<vmem>>, %arg22: memref<1000x128xf32, #tpu.memory_space<vmem>>, %arg23: memref<1000x128xf32, #tpu.memory_space<vmem>>) attributes {dimension_semantics = [#tpu.dimension_semantics<arbitrary>], iteration_bounds = array<i64: 10>, scalar_prefetch = 0 : i64, scratch_operands = 0 : i64, tpu.core_type = #tpu.core_type<tc>, window_params = [{transform_indices = @transform_0, window_bounds = array<i64: 1000, 1>}, {transform_indices = @transform_1, window_bounds = array<i64: 1000, 1>}, {transform_indices = @transform_2, window_bounds = array<i64: 1000, 1>}, {transform_indices = @transform_3, window_bounds = array<i64: 1000, 3>}, {transform_indices = @transform_4, window_bounds = array<i64: 1000, 3>}, {transform_indices = @transform_5, window_bounds = array<i64: 1000, 3>}, {pipeline_mode = #tpu.pipeline_mode<synchronous>, transform_indices = @transform_6, window_bounds = array<i64: 10, 64>}, {pipeline_mode = #tpu.pipeline_mode<synchronous>, transform_indices = @transform_7, window_bounds = array<i64: 1, 64>}, {pipeline_mode = #tpu.pipeline_mode<synchronous>, transform_indices = @transform_8, window_bounds = array<i64: 64, 64>}, {pipeline_mode = #tpu.pipeline_mode<synchronous>, transform_indices = @transform_9, window_bounds = array<i64: 1, 64>}, {pipeline_mode = #tpu.pipeline_mode<synchronous>, transform_indices = @transform_10, window_bounds = array<i64: 10, 64>}, {pipeline_mode = #tpu.pipeline_mode<synchronous>, transform_indices = @transform_11, window_bounds = array<i64: 1, 64>}, {pipeline_mode = #tpu.pipeline_mode<synchronous>, transform_indices = @transform_12, window_bounds = array<i64: 64, 64>}, {pipeline_mode = #tpu.pipeline_mode<synchronous>, transform_indices = @transform_13, window_bounds = array<i64: 1, 64>}, {pipeline_mode = #tpu.pipeline_mode<synchronous>, transform_indices = @transform_14, window_bounds = array<i64: 10, 64>}, {pipeline_mode = #tpu.pipeline_mode<synchronous>, transform_indices = @transform_15, window_bounds = array<i64: 1, 64>}, {pipeline_mode = #tpu.pipeline_mode<synchronous>, transform_indices = @transform_16, window_bounds = array<i64: 64, 64>}, {pipeline_mode = #tpu.pipeline_mode<synchronous>, transform_indices = @transform_17, window_bounds = array<i64: 1, 64>}, {pipeline_mode = #tpu.pipeline_mode<synchronous>, transform_indices = @transform_18, window_bounds = array<i64: 224, 64>}, {pipeline_mode = #tpu.pipeline_mode<synchronous>, transform_indices = @transform_19, window_bounds = array<i64: 224, 64>}, {transform_indices = @transform_20, window_bounds = array<i64: 1000, 224>}, {transform_indices = @transform_21, window_bounds = array<i64: 1000, 128>}, {transform_indices = @transform_22, window_bounds = array<i64: 1000, 128>}]} {
    %get3A = arith.constant 0 : index
    %get3A_0 = arith.constant 0 : index
    %get3A_1 = vector.load %arg7[%get3A, %get3A_0] : memref<10x64xf32, #tpu.memory_space<vmem>>, vector<10x64xf32>
    %get3A_2 = arith.constant 0 : index
    %get3A_3 = arith.constant 0 : index
    %get3A_4 = vector.load %arg8[%get3A_2, %get3A_3] : memref<1x64xf32, #tpu.memory_space<vmem>>, vector<1x64xf32>
    %add3A = vector.broadcast %get3A_4 : vector<1x64xf32> to vector<10x64xf32>
    %add3A_5 = arith.addf %get3A_1, %add3A : vector<10x64xf32>
    %integer_pow3A = arith.mulf %add3A_5, %add3A_5 : vector<10x64xf32>
    %integer_pow3A_6 = arith.mulf %add3A_5, %integer_pow3A : vector<10x64xf32>
    %mul3A = arith.constant 4.471500e-02 : f32
    %mul3A_7 = vector.broadcast %mul3A : f32 to vector<10x64xf32>
    %mul3A_8 = arith.mulf %mul3A_7, %integer_pow3A_6 : vector<10x64xf32>
    %add3A_9 = arith.addf %add3A_5, %mul3A_8 : vector<10x64xf32>
    %mul3A_10 = arith.constant 0.797884583 : f32
    %mul3A_11 = vector.broadcast %mul3A_10 : f32 to vector<10x64xf32>
    %mul3A_12 = arith.mulf %mul3A_11, %add3A_9 : vector<10x64xf32>
    %tanh3A = math.tanh %mul3A_12 : vector<10x64xf32>
    %add3A_13 = arith.constant 1.000000e+00 : f32
    %add3A_14 = vector.broadcast %add3A_13 : f32 to vector<10x64xf32>
    %add3A_15 = arith.addf %add3A_14, %tanh3A : vector<10x64xf32>
    %mul3A_16 = arith.constant 5.000000e-01 : f32
    %mul3A_17 = vector.broadcast %mul3A_16 : f32 to vector<10x64xf32>
    %mul3A_18 = arith.mulf %mul3A_17, %add3A_15 : vector<10x64xf32>
    %mul3A_19 = arith.mulf %add3A_5, %mul3A_18 : vector<10x64xf32>
    %get3A_20 = arith.constant 0 : index
    %get3A_21 = arith.constant 0 : index
    %get3A_22 = vector.load %arg9[%get3A_20, %get3A_21] : memref<64x64xf32, #tpu.memory_space<vmem>>, vector<64x64xf32>
    %dot_general3A = arith.constant dense<0.000000e+00> : vector<10x64xf32>
    %dot_general3A_23 = tpu.matmul %mul3A_19, %get3A_22, %dot_general3A {dimension_numbers = #tpu.dot_dimension_numbers<[1], [0], [0], [1], [0, 0, 1, 1], [], []>, transpose_lhs_hint = false} : vector<10x64xf32>, vector<64x64xf32>, vector<10x64xf32> -> vector<10x64xf32>
    %get3A_24 = arith.constant 0 : index
    %get3A_25 = arith.constant 0 : index
    %get3A_26 = vector.load %arg10[%get3A_24, %get3A_25] : memref<1x64xf32, #tpu.memory_space<vmem>>, vector<1x64xf32>
    %add3A_27 = vector.broadcast %get3A_26 : vector<1x64xf32> to vector<10x64xf32>
    %add3A_28 = arith.addf %dot_general3A_23, %add3A_27 : vector<10x64xf32>
    %get3A_29 = arith.constant 0 : index
    %get3A_30 = arith.constant 0 : index
    %get3A_31 = vector.load %arg11[%get3A_29, %get3A_30] : memref<10x64xf32, #tpu.memory_space<vmem>>, vector<10x64xf32>
    %get3A_32 = arith.constant 0 : index
    %get3A_33 = arith.constant 0 : index
    %get3A_34 = vector.load %arg12[%get3A_32, %get3A_33] : memref<1x64xf32, #tpu.memory_space<vmem>>, vector<1x64xf32>
    %add3A_35 = vector.broadcast %get3A_34 : vector<1x64xf32> to vector<10x64xf32>
    %add3A_36 = arith.addf %get3A_31, %add3A_35 : vector<10x64xf32>
    %integer_pow3A_37 = arith.mulf %add3A_36, %add3A_36 : vector<10x64xf32>
    %integer_pow3A_38 = arith.mulf %add3A_36, %integer_pow3A_37 : vector<10x64xf32>
    %mul3A_39 = arith.constant 4.471500e-02 : f32
    %mul3A_40 = vector.broadcast %mul3A_39 : f32 to vector<10x64xf32>
    %mul3A_41 = arith.mulf %mul3A_40, %integer_pow3A_38 : vector<10x64xf32>
    %add3A_42 = arith.addf %add3A_36, %mul3A_41 : vector<10x64xf32>
    %mul3A_43 = arith.constant 0.797884583 : f32
    %mul3A_44 = vector.broadcast %mul3A_43 : f32 to vector<10x64xf32>
    %mul3A_45 = arith.mulf %mul3A_44, %add3A_42 : vector<10x64xf32>
    %tanh3A_46 = math.tanh %mul3A_45 : vector<10x64xf32>
    %add3A_47 = arith.constant 1.000000e+00 : f32
    %add3A_48 = vector.broadcast %add3A_47 : f32 to vector<10x64xf32>
    %add3A_49 = arith.addf %add3A_48, %tanh3A_46 : vector<10x64xf32>
    %mul3A_50 = arith.constant 5.000000e-01 : f32
    %mul3A_51 = vector.broadcast %mul3A_50 : f32 to vector<10x64xf32>
    %mul3A_52 = arith.mulf %mul3A_51, %add3A_49 : vector<10x64xf32>
    %mul3A_53 = arith.mulf %add3A_36, %mul3A_52 : vector<10x64xf32>
    %get3A_54 = arith.constant 0 : index
    %get3A_55 = arith.constant 0 : index
    %get3A_56 = vector.load %arg13[%get3A_54, %get3A_55] : memref<64x64xf32, #tpu.memory_space<vmem>>, vector<64x64xf32>
    %dot_general3A_57 = arith.constant dense<0.000000e+00> : vector<10x64xf32>
    %dot_general3A_58 = tpu.matmul %mul3A_53, %get3A_56, %dot_general3A_57 {dimension_numbers = #tpu.dot_dimension_numbers<[1], [0], [0], [1], [0, 0, 1, 1], [], []>, transpose_lhs_hint = false} : vector<10x64xf32>, vector<64x64xf32>, vector<10x64xf32> -> vector<10x64xf32>
    %get3A_59 = arith.constant 0 : index
    %get3A_60 = arith.constant 0 : index
    %get3A_61 = vector.load %arg14[%get3A_59, %get3A_60] : memref<1x64xf32, #tpu.memory_space<vmem>>, vector<1x64xf32>
    %add3A_62 = vector.broadcast %get3A_61 : vector<1x64xf32> to vector<10x64xf32>
    %add3A_63 = arith.addf %dot_general3A_58, %add3A_62 : vector<10x64xf32>
    %get3A_64 = arith.constant 0 : index
    %get3A_65 = arith.constant 0 : index
    %get3A_66 = vector.load %arg15[%get3A_64, %get3A_65] : memref<10x64xf32, #tpu.memory_space<vmem>>, vector<10x64xf32>
    %get3A_67 = arith.constant 0 : index
    %get3A_68 = arith.constant 0 : index
    %get3A_69 = vector.load %arg16[%get3A_67, %get3A_68] : memref<1x64xf32, #tpu.memory_space<vmem>>, vector<1x64xf32>
    %add3A_70 = vector.broadcast %get3A_69 : vector<1x64xf32> to vector<10x64xf32>
    %add3A_71 = arith.addf %get3A_66, %add3A_70 : vector<10x64xf32>
    %integer_pow3A_72 = arith.mulf %add3A_71, %add3A_71 : vector<10x64xf32>
    %integer_pow3A_73 = arith.mulf %add3A_71, %integer_pow3A_72 : vector<10x64xf32>
    %mul3A_74 = arith.constant 4.471500e-02 : f32
    %mul3A_75 = vector.broadcast %mul3A_74 : f32 to vector<10x64xf32>
    %mul3A_76 = arith.mulf %mul3A_75, %integer_pow3A_73 : vector<10x64xf32>
    %add3A_77 = arith.addf %add3A_71, %mul3A_76 : vector<10x64xf32>
    %mul3A_78 = arith.constant 0.797884583 : f32
    %mul3A_79 = vector.broadcast %mul3A_78 : f32 to vector<10x64xf32>
    %mul3A_80 = arith.mulf %mul3A_79, %add3A_77 : vector<10x64xf32>
    %tanh3A_81 = math.tanh %mul3A_80 : vector<10x64xf32>
    %add3A_82 = arith.constant 1.000000e+00 : f32
    %add3A_83 = vector.broadcast %add3A_82 : f32 to vector<10x64xf32>
    %add3A_84 = arith.addf %add3A_83, %tanh3A_81 : vector<10x64xf32>
    %mul3A_85 = arith.constant 5.000000e-01 : f32
    %mul3A_86 = vector.broadcast %mul3A_85 : f32 to vector<10x64xf32>
    %mul3A_87 = arith.mulf %mul3A_86, %add3A_84 : vector<10x64xf32>
    %mul3A_88 = arith.mulf %add3A_71, %mul3A_87 : vector<10x64xf32>
    %get3A_89 = arith.constant 0 : index
    %get3A_90 = arith.constant 0 : index
    %get3A_91 = vector.load %arg17[%get3A_89, %get3A_90] : memref<64x64xf32, #tpu.memory_space<vmem>>, vector<64x64xf32>
    %dot_general3A_92 = arith.constant dense<0.000000e+00> : vector<10x64xf32>
    %dot_general3A_93 = tpu.matmul %mul3A_88, %get3A_91, %dot_general3A_92 {dimension_numbers = #tpu.dot_dimension_numbers<[1], [0], [0], [1], [0, 0, 1, 1], [], []>, transpose_lhs_hint = false} : vector<10x64xf32>, vector<64x64xf32>, vector<10x64xf32> -> vector<10x64xf32>
    %get3A_94 = arith.constant 0 : index
    %get3A_95 = arith.constant 0 : index
    %get3A_96 = vector.load %arg18[%get3A_94, %get3A_95] : memref<1x64xf32, #tpu.memory_space<vmem>>, vector<1x64xf32>
    %add3A_97 = vector.broadcast %get3A_96 : vector<1x64xf32> to vector<10x64xf32>
    %add3A_98 = arith.addf %dot_general3A_93, %add3A_97 : vector<10x64xf32>
    %concatenate3A = tpu.concatenate %add3A_28, %add3A_63, %add3A_98 in 1 : vector<10x64xf32>, vector<10x64xf32>, vector<10x64xf32> -> vector<10x192xf32>
    %get3A_99 = arith.constant 0 : index
    %get3A_100 = arith.constant 0 : index
    %get3A_101 = vector.load %arg1[%get3A_99, %get3A_100] : memref<1000x1xf32, #tpu.memory_space<vmem>>, vector<1000x1xf32>
    %iota3A = tpu.iota {dimensions = array<i32: 1>} : vector<1000x10xi32>
    %convert_element_type3A = arith.sitofp %iota3A : vector<1000x10xi32> to vector<1000x10xf32>
    %eq3A = vector.broadcast %get3A_101 : vector<1000x1xf32> to vector<1000x10xf32>
    %eq3A_102 = arith.cmpf oeq, %eq3A, %convert_element_type3A : vector<1000x10xf32>
    %convert_element_type3A_103 = arith.extui %eq3A_102 : vector<1000x10xi1> to vector<1000x10xi32>
    %convert_element_type3A_104 = arith.sitofp %convert_element_type3A_103 : vector<1000x10xi32> to vector<1000x10xf32>
    %dot_general3A_105 = arith.constant dense<0.000000e+00> : vector<1000x192xf32>
    %dot_general3A_106 = tpu.matmul %convert_element_type3A_104, %concatenate3A, %dot_general3A_105 {dimension_numbers = #tpu.dot_dimension_numbers<[1], [0], [0], [1], [0, 0, 1, 1], [], []>, transpose_lhs_hint = false} : vector<1000x10xf32>, vector<10x192xf32>, vector<1000x192xf32> -> vector<1000x192xf32>
    %iota3A_107 = tpu.iota {dimensions = array<i32: 1>} : vector<1x8xi32>
    %convert_element_type3A_108 = arith.sitofp %iota3A_107 : vector<1x8xi32> to vector<1x8xf32>
    %exp23A = math.exp2 %convert_element_type3A_108 : vector<1x8xf32>
    %mul3A_109 = arith.constant 3.14159274 : f32
    %mul3A_110 = vector.broadcast %mul3A_109 : f32 to vector<1x8xf32>
    %mul3A_111 = arith.mulf %exp23A, %mul3A_110 : vector<1x8xf32>
    %get3A_112 = arith.constant 0 : index
    %get3A_113 = arith.constant 0 : index
    %get3A_114 = vector.load %arg2[%get3A_112, %get3A_113] : memref<1000x1xf32, #tpu.memory_space<vmem>>, vector<1000x1xf32>
    %mul3A_115 = vector.broadcast %get3A_114 : vector<1000x1xf32> to vector<1000x8xf32>
    %mul3A_116 = vector.broadcast %mul3A_111 : vector<1x8xf32> to vector<1000x8xf32>
    %mul3A_117 = arith.mulf %mul3A_115, %mul3A_116 : vector<1000x8xf32>
    %get3A_118 = arith.constant 0 : index
    %get3A_119 = arith.constant 0 : index
    %get3A_120 = vector.load %arg3[%get3A_118, %get3A_119] : memref<1000x1xf32, #tpu.memory_space<vmem>>, vector<1000x1xf32>
    %mul3A_121 = vector.broadcast %get3A_120 : vector<1000x1xf32> to vector<1000x8xf32>
    %mul3A_122 = vector.broadcast %mul3A_111 : vector<1x8xf32> to vector<1000x8xf32>
    %mul3A_123 = arith.mulf %mul3A_121, %mul3A_122 : vector<1000x8xf32>
    %sin3A = math.sin %mul3A_117 : vector<1000x8xf32>
    %cos3A = math.cos %mul3A_117 : vector<1000x8xf32>
    %sin3A_124 = math.sin %mul3A_123 : vector<1000x8xf32>
    %cos3A_125 = math.cos %mul3A_123 : vector<1000x8xf32>
    %concatenate3A_126 = tpu.concatenate %dot_general3A_106, %sin3A, %cos3A, %sin3A_124, %cos3A_125 in 1 : vector<1000x192xf32>, vector<1000x8xf32>, vector<1000x8xf32>, vector<1000x8xf32>, vector<1000x8xf32> -> vector<1000x224xf32>
    %swap3A = arith.constant 0 : index
    %swap3A_127 = arith.constant 0 : index
    %swap3A_128 = vector.load %arg21[%swap3A, %swap3A_127] : memref<1000x224xf32, #tpu.memory_space<vmem>>, vector<1000x224xf32>
    tpu.vector_store %arg21[%swap3A, %swap3A_127], %concatenate3A_126 {strides = array<i32>} : memref<1000x224xf32, #tpu.memory_space<vmem>>, vector<1000x224xf32>,
    %get3A_129 = arith.constant 0 : index
    %get3A_130 = arith.constant 0 : index
    %get3A_131 = vector.load %arg4[%get3A_129, %get3A_130] : memref<1000x3xf32, #tpu.memory_space<vmem>>, vector<1000x3xf32>
    %get3A_132 = arith.constant 0 : index
    %get3A_133 = arith.constant 0 : index
    %get3A_134 = vector.load %arg5[%get3A_132, %get3A_133] : memref<1000x3xf32, #tpu.memory_space<vmem>>, vector<1000x3xf32>
    %get3A_135 = arith.constant 0 : index
    %get3A_136 = arith.constant 0 : index
    %get3A_137 = vector.load %arg6[%get3A_135, %get3A_136] : memref<1000x3xf32, #tpu.memory_space<vmem>>, vector<1000x3xf32>
    %broadcast_in_dim3A = arith.constant 0.000000e+00 : f32
    %broadcast_in_dim3A_138 = vector.broadcast %broadcast_in_dim3A : f32 to vector<1000x55xf32>
    %concatenate3A_139 = tpu.concatenate %get3A_131, %get3A_134, %get3A_137, %broadcast_in_dim3A_138 in 1 : vector<1000x3xf32>, vector<1000x3xf32>, vector<1000x3xf32>, vector<1000x55xf32> -> vector<1000x64xf32>
    %get3A_140 = arith.constant 0 : index
    %get3A_141 = arith.constant 0 : index
    %get3A_142 = vector.load %arg19[%get3A_140, %get3A_141] : memref<224x64xf32, #tpu.memory_space<vmem>>, vector<224x64xf32>
    %dot_general3A_143 = arith.constant dense<0.000000e+00> : vector<1000x64xf32>
    %dot_general3A_144 = tpu.matmul %concatenate3A_126, %get3A_142, %dot_general3A_143 {dimension_numbers = #tpu.dot_dimension_numbers<[1], [0], [0], [1], [0, 0, 1, 1], [], []>, transpose_lhs_hint = false} : vector<1000x224xf32>, vector<224x64xf32>, vector<1000x64xf32> -> vector<1000x64xf32>
    %concatenate3A_145 = tpu.concatenate %dot_general3A_144, %concatenate3A_139 in 1 : vector<1000x64xf32>, vector<1000x64xf32> -> vector<1000x128xf32>
    %swap3A_146 = arith.constant 0 : index
    %swap3A_147 = arith.constant 0 : index
    %swap3A_148 = vector.load %arg22[%swap3A_146, %swap3A_147] : memref<1000x128xf32, #tpu.memory_space<vmem>>, vector<1000x128xf32>
    tpu.vector_store %arg22[%swap3A_146, %swap3A_147], %concatenate3A_145 {strides = array<i32>} : memref<1000x128xf32, #tpu.memory_space<vmem>>, vector<1000x128xf32>,
    %get3A_149 = arith.constant 0 : index
    %get3A_150 = arith.constant 0 : index
    %get3A_151 = vector.load %arg20[%get3A_149, %get3A_150] : memref<224x64xf32, #tpu.memory_space<vmem>>, vector<224x64xf32>
    %dot_general3A_152 = arith.constant dense<0.000000e+00> : vector<1000x64xf32>
    %dot_general3A_153 = tpu.matmul %concatenate3A_126, %get3A_151, %dot_general3A_152 {dimension_numbers = #tpu.dot_dimension_numbers<[1], [0], [0], [1], [0, 0, 1, 1], [], []>, transpose_lhs_hint = false} : vector<1000x224xf32>, vector<224x64xf32>, vector<1000x64xf32> -> vector<1000x64xf32>
    %concatenate3A_154 = tpu.concatenate %dot_general3A_153, %concatenate3A_139 in 1 : vector<1000x64xf32>, vector<1000x64xf32> -> vector<1000x128xf32>
    %swap3A_155 = arith.constant 0 : index
    %swap3A_156 = arith.constant 0 : index
    %swap3A_157 = vector.load %arg23[%swap3A_155, %swap3A_156] : memref<1000x128xf32, #tpu.memory_space<vmem>>, vector<1000x128xf32>
    tpu.vector_store %arg23[%swap3A_155, %swap3A_156], %concatenate3A_154 {strides = array<i32>} : memref<1000x128xf32, #tpu.memory_space<vmem>>, vector<1000x128xf32>,
    return
  }
  func.func @transform_0(%arg0: i32) -> (i32, i32) {
    %c0_i32 = arith.constant 0 : i32
    %c0_i32_0 = arith.constant 0 : i32
    return %arg0, %c0_i32 : i32, i32
  }
  func.func @transform_1(%arg0: i32) -> (i32, i32) {
    %c0_i32 = arith.constant 0 : i32
    %c0_i32_0 = arith.constant 0 : i32
    return %arg0, %c0_i32 : i32, i32
  }
  func.func @transform_2(%arg0: i32) -> (i32, i32) {
    %c0_i32 = arith.constant 0 : i32
    %c0_i32_0 = arith.constant 0 : i32
    return %arg0, %c0_i32 : i32, i32
  }
  func.func @transform_3(%arg0: i32) -> (i32, i32) {
    %c0_i32 = arith.constant 0 : i32
    %c0_i32_0 = arith.constant 0 : i32
    return %arg0, %c0_i32 : i32, i32
  }
  func.func @transform_4(%arg0: i32) -> (i32, i32) {
    %c0_i32 = arith.constant 0 : i32
    %c0_i32_0 = arith.constant 0 : i32
    return %arg0, %c0_i32 : i32, i32
  }
  func.func @transform_5(%arg0: i32) -> (i32, i32) {
    %c0_i32 = arith.constant 0 : i32
    %c0_i32_0 = arith.constant 0 : i32
    return %arg0, %c0_i32 : i32, i32
  }
  func.func @transform_6(%arg0: i32) -> (i32, i32) {
    %c0_i32 = arith.constant 0 : i32
    %c0_i32_0 = arith.constant 0 : i32
    %c0_i32_1 = arith.constant 0 : i32
    return %c0_i32, %c0_i32_0 : i32, i32
  }
  func.func @transform_7(%arg0: i32) -> (i32, i32) {
    %c0_i32 = arith.constant 0 : i32
    %c0_i32_0 = arith.constant 0 : i32
    %c0_i32_1 = arith.constant 0 : i32
    return %c0_i32, %c0_i32_0 : i32, i32
  }
  func.func @transform_8(%arg0: i32) -> (i32, i32) {
    %c0_i32 = arith.constant 0 : i32
    %c0_i32_0 = arith.constant 0 : i32
    %c0_i32_1 = arith.constant 0 : i32
    return %c0_i32, %c0_i32_0 : i32, i32
  }
  func.func @transform_9(%arg0: i32) -> (i32, i32) {
    %c0_i32 = arith.constant 0 : i32
    %c0_i32_0 = arith.constant 0 : i32
    %c0_i32_1 = arith.constant 0 : i32
    return %c0_i32, %c0_i32_0 : i32, i32
  }
  func.func @transform_10(%arg0: i32) -> (i32, i32) {
    %c0_i32 = arith.constant 0 : i32
    %c0_i32_0 = arith.constant 0 : i32
    %c0_i32_1 = arith.constant 0 : i32
    return %c0_i32, %c0_i32_0 : i32, i32
  }
  func.func @transform_11(%arg0: i32) -> (i32, i32) {
    %c0_i32 = arith.constant 0 : i32
    %c0_i32_0 = arith.constant 0 : i32
    %c0_i32_1 = arith.constant 0 : i32
    return %c0_i32, %c0_i32_0 : i32, i32
  }
  func.func @transform_12(%arg0: i32) -> (i32, i32) {
    %c0_i32 = arith.constant 0 : i32
    %c0_i32_0 = arith.constant 0 : i32
    %c0_i32_1 = arith.constant 0 : i32
    return %c0_i32, %c0_i32_0 : i32, i32
  }
  func.func @transform_13(%arg0: i32) -> (i32, i32) {
    %c0_i32 = arith.constant 0 : i32
    %c0_i32_0 = arith.constant 0 : i32
    %c0_i32_1 = arith.constant 0 : i32
    return %c0_i32, %c0_i32_0 : i32, i32
  }
  func.func @transform_14(%arg0: i32) -> (i32, i32) {
    %c0_i32 = arith.constant 0 : i32
    %c0_i32_0 = arith.constant 0 : i32
    %c0_i32_1 = arith.constant 0 : i32
    return %c0_i32, %c0_i32_0 : i32, i32
  }
  func.func @transform_15(%arg0: i32) -> (i32, i32) {
    %c0_i32 = arith.constant 0 : i32
    %c0_i32_0 = arith.constant 0 : i32
    %c0_i32_1 = arith.constant 0 : i32
    return %c0_i32, %c0_i32_0 : i32, i32
  }
  func.func @transform_16(%arg0: i32) -> (i32, i32) {
    %c0_i32 = arith.constant 0 : i32
    %c0_i32_0 = arith.constant 0 : i32
    %c0_i32_1 = arith.constant 0 : i32
    return %c0_i32, %c0_i32_0 : i32, i32
  }
  func.func @transform_17(%arg0: i32) -> (i32, i32) {
    %c0_i32 = arith.constant 0 : i32
    %c0_i32_0 = arith.constant 0 : i32
    %c0_i32_1 = arith.constant 0 : i32
    return %c0_i32, %c0_i32_0 : i32, i32
  }
  func.func @transform_18(%arg0: i32) -> (i32, i32) {
    %c0_i32 = arith.constant 0 : i32
    %c0_i32_0 = arith.constant 0 : i32
    %c0_i32_1 = arith.constant 0 : i32
    return %c0_i32, %c0_i32_0 : i32, i32
  }
  func.func @transform_19(%arg0: i32) -> (i32, i32) {
    %c0_i32 = arith.constant 0 : i32
    %c0_i32_0 = arith.constant 0 : i32
    %c0_i32_1 = arith.constant 0 : i32
    return %c0_i32, %c0_i32_0 : i32, i32
  }
  func.func @transform_20(%arg0: i32) -> (i32, i32) {
    %c0_i32 = arith.constant 0 : i32
    %c0_i32_0 = arith.constant 0 : i32
    return %arg0, %c0_i32 : i32, i32
  }
  func.func @transform_21(%arg0: i32) -> (i32, i32) {
    %c0_i32 = arith.constant 0 : i32
    %c0_i32_0 = arith.constant 0 : i32
    return %arg0, %c0_i32 : i32, i32
  }
  func.func @transform_22(%arg0: i32) -> (i32, i32) {
    %c0_i32 = arith.constant 0 : i32
    %c0_i32_0 = arith.constant 0 : i32
    return %arg0, %c0_i32 : i32, i32
  }
}

module attributes {stable_mosaic.version = 14 : i64} {
  func.func @edge_msg(%arg0: i32, %arg1: memref<2048x128xf32, #tpu.memory_space<vmem>>, %arg2: memref<2048x128xf32, #tpu.memory_space<vmem>>, %arg3: memref<2048x2xf32, #tpu.memory_space<vmem>>, %arg4: memref<37x64xf32, #tpu.memory_space<vmem>>, %arg5: memref<1x64xf32, #tpu.memory_space<vmem>>, %arg6: memref<64x64xf32, #tpu.memory_space<vmem>>, %arg7: memref<1x64xf32, #tpu.memory_space<vmem>>, %arg8: memref<64x64xf32, #tpu.memory_space<vmem>>, %arg9: memref<1x64xf32, #tpu.memory_space<vmem>>, %arg10: memref<2048x128xf32, #tpu.memory_space<vmem>>, %arg11: memref<2048x40xf32, #tpu.memory_space<vmem>>) attributes {dimension_semantics = [#tpu.dimension_semantics<arbitrary>], iteration_bounds = array<i64: 80>, scalar_prefetch = 0 : i64, scratch_operands = 0 : i64, tpu.core_type = #tpu.core_type<tc>, window_params = [{transform_indices = @transform_0, window_bounds = array<i64: 2048, 128>}, {transform_indices = @transform_1, window_bounds = array<i64: 2048, 128>}, {transform_indices = @transform_2, window_bounds = array<i64: 2048, 2>}, {pipeline_mode = #tpu.pipeline_mode<synchronous>, transform_indices = @transform_3, window_bounds = array<i64: 37, 64>}, {pipeline_mode = #tpu.pipeline_mode<synchronous>, transform_indices = @transform_4, window_bounds = array<i64: 1, 64>}, {pipeline_mode = #tpu.pipeline_mode<synchronous>, transform_indices = @transform_5, window_bounds = array<i64: 64, 64>}, {pipeline_mode = #tpu.pipeline_mode<synchronous>, transform_indices = @transform_6, window_bounds = array<i64: 1, 64>}, {pipeline_mode = #tpu.pipeline_mode<synchronous>, transform_indices = @transform_7, window_bounds = array<i64: 64, 64>}, {pipeline_mode = #tpu.pipeline_mode<synchronous>, transform_indices = @transform_8, window_bounds = array<i64: 1, 64>}, {transform_indices = @transform_9, window_bounds = array<i64: 2048, 128>}, {transform_indices = @transform_10, window_bounds = array<i64: 2048, 40>}]} {
    %get3A = arith.constant 0 : index
    %get3A_0 = arith.constant 0 : index
    %get3A_1 = vector.load %arg1[%get3A, %get3A_0] : memref<2048x128xf32, #tpu.memory_space<vmem>>, vector<2048x128xf32>
    %get3A_2 = arith.constant 0 : index
    %get3A_3 = arith.constant 0 : index
    %get3A_4 = vector.load %arg2[%get3A_2, %get3A_3] : memref<2048x128xf32, #tpu.memory_space<vmem>>, vector<2048x128xf32>
    %get3A_5 = arith.constant 0 : index
    %get3A_6 = arith.constant 0 : index
    %get3A_7 = vector.load %arg3[%get3A_5, %get3A_6] : memref<2048x2xf32, #tpu.memory_space<vmem>>, vector<2048x2xf32>
    %slice3A = vector.extract_strided_slice %get3A_1 {offsets = [0, 64], sizes = [2048, 9], strides = [1, 1]} : vector<2048x128xf32> to vector<2048x9xf32>
    %slice3A_8 = vector.extract_strided_slice %get3A_4 {offsets = [0, 64], sizes = [2048, 9], strides = [1, 1]} : vector<2048x128xf32> to vector<2048x9xf32>
    %sub3A = arith.subf %slice3A, %slice3A_8 : vector<2048x9xf32>
    %slice3A_9 = vector.extract_strided_slice %sub3A {offsets = [0, 0], sizes = [2048, 3], strides = [1, 1]} : vector<2048x9xf32> to vector<2048x3xf32>
    %mul3A = arith.mulf %slice3A_9, %slice3A_9 : vector<2048x3xf32>
    %reduce_sum3A = arith.constant dense<0.000000e+00> : vector<2048xf32>
    %reduce_sum3A_10 = vector.multi_reduction <add>, %mul3A, %reduce_sum3A [1] : vector<2048x3xf32> to vector<2048xf32>
    %broadcast_in_dim3A = vector.shape_cast %reduce_sum3A_10 : vector<2048xf32> to vector<2048x1xf32>
    %add3A = arith.constant 9.99999996E-13 : f32
    %add3A_11 = vector.broadcast %add3A : f32 to vector<2048x1xf32>
    %add3A_12 = arith.addf %broadcast_in_dim3A, %add3A_11 : vector<2048x1xf32>
    %sqrt3A = math.sqrt %add3A_12 : vector<2048x1xf32>
    %slice3A_13 = vector.extract_strided_slice %sub3A {offsets = [0, 3], sizes = [2048, 3], strides = [1, 1]} : vector<2048x9xf32> to vector<2048x3xf32>
    %mul3A_14 = arith.mulf %slice3A_13, %slice3A_13 : vector<2048x3xf32>
    %reduce_sum3A_15 = arith.constant dense<0.000000e+00> : vector<2048xf32>
    %reduce_sum3A_16 = vector.multi_reduction <add>, %mul3A_14, %reduce_sum3A_15 [1] : vector<2048x3xf32> to vector<2048xf32>
    %broadcast_in_dim3A_17 = vector.shape_cast %reduce_sum3A_16 : vector<2048xf32> to vector<2048x1xf32>
    %add3A_18 = arith.constant 9.99999996E-13 : f32
    %add3A_19 = vector.broadcast %add3A_18 : f32 to vector<2048x1xf32>
    %add3A_20 = arith.addf %broadcast_in_dim3A_17, %add3A_19 : vector<2048x1xf32>
    %sqrt3A_21 = math.sqrt %add3A_20 : vector<2048x1xf32>
    %slice3A_22 = vector.extract_strided_slice %sub3A {offsets = [0, 6], sizes = [2048, 3], strides = [1, 1]} : vector<2048x9xf32> to vector<2048x3xf32>
    %mul3A_23 = arith.mulf %slice3A_22, %slice3A_22 : vector<2048x3xf32>
    %reduce_sum3A_24 = arith.constant dense<0.000000e+00> : vector<2048xf32>
    %reduce_sum3A_25 = vector.multi_reduction <add>, %mul3A_23, %reduce_sum3A_24 [1] : vector<2048x3xf32> to vector<2048xf32>
    %broadcast_in_dim3A_26 = vector.shape_cast %reduce_sum3A_25 : vector<2048xf32> to vector<2048x1xf32>
    %add3A_27 = arith.constant 9.99999996E-13 : f32
    %add3A_28 = vector.broadcast %add3A_27 : f32 to vector<2048x1xf32>
    %add3A_29 = arith.addf %broadcast_in_dim3A_26, %add3A_28 : vector<2048x1xf32>
    %sqrt3A_30 = math.sqrt %add3A_29 : vector<2048x1xf32>
    %mul3A_31 = arith.mulf %sqrt3A, %sqrt3A : vector<2048x1xf32>
    %sub3A_32 = arith.subf %sqrt3A_21, %sqrt3A_30 : vector<2048x1xf32>
    %iota3A = tpu.iota {dimensions = array<i32: 1>} : vector<1x10xi32>
    %convert_element_type3A = arith.sitofp %iota3A : vector<1x10xi32> to vector<1x10xf32>
    %mul3A_33 = arith.constant 0.555555582 : f32
    %mul3A_34 = vector.broadcast %mul3A_33 : f32 to vector<1x10xf32>
    %mul3A_35 = arith.mulf %convert_element_type3A, %mul3A_34 : vector<1x10xf32>
    %sub3A_36 = vector.broadcast %sqrt3A : vector<2048x1xf32> to vector<2048x10xf32>
    %sub3A_37 = vector.broadcast %mul3A_35 : vector<1x10xf32> to vector<2048x10xf32>
    %sub3A_38 = arith.subf %sub3A_36, %sub3A_37 : vector<2048x10xf32>
    %integer_pow3A = arith.mulf %sub3A_38, %sub3A_38 : vector<2048x10xf32>
    %neg3A = arith.constant 0.000000e+00 : f32
    %neg3A_39 = vector.broadcast %neg3A : f32 to vector<2048x10xf32>
    %neg3A_40 = arith.subf %neg3A_39, %integer_pow3A : vector<2048x10xf32>
    %mul3A_41 = arith.constant 2.000000e+00 : f32
    %mul3A_42 = vector.broadcast %mul3A_41 : f32 to vector<2048x10xf32>
    %mul3A_43 = arith.mulf %neg3A_40, %mul3A_42 : vector<2048x10xf32>
    %exp3A = math.exp %mul3A_43 : vector<2048x10xf32>
    %iota3A_44 = tpu.iota {dimensions = array<i32: 1>} : vector<1x10xi32>
    %convert_element_type3A_45 = arith.sitofp %iota3A_44 : vector<1x10xi32> to vector<1x10xf32>
    %mul3A_46 = arith.constant 0.555555582 : f32
    %mul3A_47 = vector.broadcast %mul3A_46 : f32 to vector<1x10xf32>
    %mul3A_48 = arith.mulf %convert_element_type3A_45, %mul3A_47 : vector<1x10xf32>
    %sub3A_49 = vector.broadcast %sqrt3A_21 : vector<2048x1xf32> to vector<2048x10xf32>
    %sub3A_50 = vector.broadcast %mul3A_48 : vector<1x10xf32> to vector<2048x10xf32>
    %sub3A_51 = arith.subf %sub3A_49, %sub3A_50 : vector<2048x10xf32>
    %integer_pow3A_52 = arith.mulf %sub3A_51, %sub3A_51 : vector<2048x10xf32>
    %neg3A_53 = arith.constant 0.000000e+00 : f32
    %neg3A_54 = vector.broadcast %neg3A_53 : f32 to vector<2048x10xf32>
    %neg3A_55 = arith.subf %neg3A_54, %integer_pow3A_52 : vector<2048x10xf32>
    %mul3A_56 = arith.constant 2.000000e+00 : f32
    %mul3A_57 = vector.broadcast %mul3A_56 : f32 to vector<2048x10xf32>
    %mul3A_58 = arith.mulf %neg3A_55, %mul3A_57 : vector<2048x10xf32>
    %exp3A_59 = math.exp %mul3A_58 : vector<2048x10xf32>
    %iota3A_60 = tpu.iota {dimensions = array<i32: 1>} : vector<1x10xi32>
    %convert_element_type3A_61 = arith.sitofp %iota3A_60 : vector<1x10xi32> to vector<1x10xf32>
    %mul3A_62 = arith.constant 0.555555582 : f32
    %mul3A_63 = vector.broadcast %mul3A_62 : f32 to vector<1x10xf32>
    %mul3A_64 = arith.mulf %convert_element_type3A_61, %mul3A_63 : vector<1x10xf32>
    %sub3A_65 = vector.broadcast %sqrt3A_30 : vector<2048x1xf32> to vector<2048x10xf32>
    %sub3A_66 = vector.broadcast %mul3A_64 : vector<1x10xf32> to vector<2048x10xf32>
    %sub3A_67 = arith.subf %sub3A_65, %sub3A_66 : vector<2048x10xf32>
    %integer_pow3A_68 = arith.mulf %sub3A_67, %sub3A_67 : vector<2048x10xf32>
    %neg3A_69 = arith.constant 0.000000e+00 : f32
    %neg3A_70 = vector.broadcast %neg3A_69 : f32 to vector<2048x10xf32>
    %neg3A_71 = arith.subf %neg3A_70, %integer_pow3A_68 : vector<2048x10xf32>
    %mul3A_72 = arith.constant 2.000000e+00 : f32
    %mul3A_73 = vector.broadcast %mul3A_72 : f32 to vector<2048x10xf32>
    %mul3A_74 = arith.mulf %neg3A_71, %mul3A_73 : vector<2048x10xf32>
    %exp3A_75 = math.exp %mul3A_74 : vector<2048x10xf32>
    %concatenate3A = tpu.concatenate %get3A_7, %sqrt3A, %mul3A_31, %sqrt3A_21, %sqrt3A_30, %sub3A_32, %exp3A, %exp3A_59, %exp3A_75 in 1 : vector<2048x2xf32>, vector<2048x1xf32>, vector<2048x1xf32>, vector<2048x1xf32>, vector<2048x1xf32>, vector<2048x1xf32>, vector<2048x10xf32>, vector<2048x10xf32>, vector<2048x10xf32> -> vector<2048x37xf32>
    %slice3A_76 = vector.extract_strided_slice %get3A_1 {offsets = [0, 0], sizes = [2048, 64], strides = [1, 1]} : vector<2048x128xf32> to vector<2048x64xf32>
    %slice3A_77 = vector.extract_strided_slice %get3A_4 {offsets = [0, 0], sizes = [2048, 64], strides = [1, 1]} : vector<2048x128xf32> to vector<2048x64xf32>
    %add3A_78 = arith.addf %slice3A_76, %slice3A_77 : vector<2048x64xf32>
    %get3A_79 = arith.constant 0 : index
    %get3A_80 = arith.constant 0 : index
    %get3A_81 = vector.load %arg4[%get3A_79, %get3A_80] : memref<37x64xf32, #tpu.memory_space<vmem>>, vector<37x64xf32>
    %dot_general3A = arith.constant dense<0.000000e+00> : vector<2048x64xf32>
    %dot_general3A_82 = tpu.matmul %concatenate3A, %get3A_81, %dot_general3A {dimension_numbers = #tpu.dot_dimension_numbers<[1], [0], [0], [1], [0, 0, 1, 1], [], []>, transpose_lhs_hint = false} : vector<2048x37xf32>, vector<37x64xf32>, vector<2048x64xf32> -> vector<2048x64xf32>
    %add3A_83 = arith.addf %add3A_78, %dot_general3A_82 : vector<2048x64xf32>
    %get3A_84 = arith.constant 0 : index
    %get3A_85 = arith.constant 0 : index
    %get3A_86 = vector.load %arg5[%get3A_84, %get3A_85] : memref<1x64xf32, #tpu.memory_space<vmem>>, vector<1x64xf32>
    %add3A_87 = vector.broadcast %get3A_86 : vector<1x64xf32> to vector<2048x64xf32>
    %add3A_88 = arith.addf %add3A_83, %add3A_87 : vector<2048x64xf32>
    %integer_pow3A_89 = arith.mulf %add3A_88, %add3A_88 : vector<2048x64xf32>
    %integer_pow3A_90 = arith.mulf %add3A_88, %integer_pow3A_89 : vector<2048x64xf32>
    %mul3A_91 = arith.constant 4.471500e-02 : f32
    %mul3A_92 = vector.broadcast %mul3A_91 : f32 to vector<2048x64xf32>
    %mul3A_93 = arith.mulf %mul3A_92, %integer_pow3A_90 : vector<2048x64xf32>
    %add3A_94 = arith.addf %add3A_88, %mul3A_93 : vector<2048x64xf32>
    %mul3A_95 = arith.constant 0.797884583 : f32
    %mul3A_96 = vector.broadcast %mul3A_95 : f32 to vector<2048x64xf32>
    %mul3A_97 = arith.mulf %mul3A_96, %add3A_94 : vector<2048x64xf32>
    %tanh3A = math.tanh %mul3A_97 : vector<2048x64xf32>
    %add3A_98 = arith.constant 1.000000e+00 : f32
    %add3A_99 = vector.broadcast %add3A_98 : f32 to vector<2048x64xf32>
    %add3A_100 = arith.addf %add3A_99, %tanh3A : vector<2048x64xf32>
    %mul3A_101 = arith.constant 5.000000e-01 : f32
    %mul3A_102 = vector.broadcast %mul3A_101 : f32 to vector<2048x64xf32>
    %mul3A_103 = arith.mulf %mul3A_102, %add3A_100 : vector<2048x64xf32>
    %mul3A_104 = arith.mulf %add3A_88, %mul3A_103 : vector<2048x64xf32>
    %get3A_105 = arith.constant 0 : index
    %get3A_106 = arith.constant 0 : index
    %get3A_107 = vector.load %arg6[%get3A_105, %get3A_106] : memref<64x64xf32, #tpu.memory_space<vmem>>, vector<64x64xf32>
    %dot_general3A_108 = arith.constant dense<0.000000e+00> : vector<2048x64xf32>
    %dot_general3A_109 = tpu.matmul %mul3A_104, %get3A_107, %dot_general3A_108 {dimension_numbers = #tpu.dot_dimension_numbers<[1], [0], [0], [1], [0, 0, 1, 1], [], []>, transpose_lhs_hint = false} : vector<2048x64xf32>, vector<64x64xf32>, vector<2048x64xf32> -> vector<2048x64xf32>
    %get3A_110 = arith.constant 0 : index
    %get3A_111 = arith.constant 0 : index
    %get3A_112 = vector.load %arg7[%get3A_110, %get3A_111] : memref<1x64xf32, #tpu.memory_space<vmem>>, vector<1x64xf32>
    %add3A_113 = vector.broadcast %get3A_112 : vector<1x64xf32> to vector<2048x64xf32>
    %add3A_114 = arith.addf %dot_general3A_109, %add3A_113 : vector<2048x64xf32>
    %integer_pow3A_115 = arith.mulf %add3A_114, %add3A_114 : vector<2048x64xf32>
    %integer_pow3A_116 = arith.mulf %add3A_114, %integer_pow3A_115 : vector<2048x64xf32>
    %mul3A_117 = arith.constant 4.471500e-02 : f32
    %mul3A_118 = vector.broadcast %mul3A_117 : f32 to vector<2048x64xf32>
    %mul3A_119 = arith.mulf %mul3A_118, %integer_pow3A_116 : vector<2048x64xf32>
    %add3A_120 = arith.addf %add3A_114, %mul3A_119 : vector<2048x64xf32>
    %mul3A_121 = arith.constant 0.797884583 : f32
    %mul3A_122 = vector.broadcast %mul3A_121 : f32 to vector<2048x64xf32>
    %mul3A_123 = arith.mulf %mul3A_122, %add3A_120 : vector<2048x64xf32>
    %tanh3A_124 = math.tanh %mul3A_123 : vector<2048x64xf32>
    %add3A_125 = arith.constant 1.000000e+00 : f32
    %add3A_126 = vector.broadcast %add3A_125 : f32 to vector<2048x64xf32>
    %add3A_127 = arith.addf %add3A_126, %tanh3A_124 : vector<2048x64xf32>
    %mul3A_128 = arith.constant 5.000000e-01 : f32
    %mul3A_129 = vector.broadcast %mul3A_128 : f32 to vector<2048x64xf32>
    %mul3A_130 = arith.mulf %mul3A_129, %add3A_127 : vector<2048x64xf32>
    %mul3A_131 = arith.mulf %add3A_114, %mul3A_130 : vector<2048x64xf32>
    %get3A_132 = arith.constant 0 : index
    %get3A_133 = arith.constant 0 : index
    %get3A_134 = vector.load %arg8[%get3A_132, %get3A_133] : memref<64x64xf32, #tpu.memory_space<vmem>>, vector<64x64xf32>
    %dot_general3A_135 = arith.constant dense<0.000000e+00> : vector<2048x64xf32>
    %dot_general3A_136 = tpu.matmul %mul3A_131, %get3A_134, %dot_general3A_135 {dimension_numbers = #tpu.dot_dimension_numbers<[1], [0], [0], [1], [0, 0, 1, 1], [], []>, transpose_lhs_hint = false} : vector<2048x64xf32>, vector<64x64xf32>, vector<2048x64xf32> -> vector<2048x64xf32>
    %get3A_137 = arith.constant 0 : index
    %get3A_138 = arith.constant 0 : index
    %get3A_139 = vector.load %arg9[%get3A_137, %get3A_138] : memref<1x64xf32, #tpu.memory_space<vmem>>, vector<1x64xf32>
    %add3A_140 = vector.broadcast %get3A_139 : vector<1x64xf32> to vector<2048x64xf32>
    %add3A_141 = arith.addf %dot_general3A_136, %add3A_140 : vector<2048x64xf32>
    %broadcast_in_dim3A_142 = arith.constant 0.000000e+00 : f32
    %broadcast_in_dim3A_143 = vector.broadcast %broadcast_in_dim3A_142 : f32 to vector<2048x64xf32>
    %concatenate3A_144 = tpu.concatenate %add3A_141, %broadcast_in_dim3A_143 in 1 : vector<2048x64xf32>, vector<2048x64xf32> -> vector<2048x128xf32>
    %swap3A = arith.constant 0 : index
    %swap3A_145 = arith.constant 0 : index
    %swap3A_146 = vector.load %arg10[%swap3A, %swap3A_145] : memref<2048x128xf32, #tpu.memory_space<vmem>>, vector<2048x128xf32>
    tpu.vector_store %arg10[%swap3A, %swap3A_145], %concatenate3A_144 {strides = array<i32>} : memref<2048x128xf32, #tpu.memory_space<vmem>>, vector<2048x128xf32>,
    %concatenate3A_147 = tpu.concatenate %concatenate3A, %slice3A_9 in 1 : vector<2048x37xf32>, vector<2048x3xf32> -> vector<2048x40xf32>
    %swap3A_148 = arith.constant 0 : index
    %swap3A_149 = arith.constant 0 : index
    %swap3A_150 = vector.load %arg11[%swap3A_148, %swap3A_149] : memref<2048x40xf32, #tpu.memory_space<vmem>>, vector<2048x40xf32>
    tpu.vector_store %arg11[%swap3A_148, %swap3A_149], %concatenate3A_147 {strides = array<i32>} : memref<2048x40xf32, #tpu.memory_space<vmem>>, vector<2048x40xf32>,
    return
  }
  func.func @transform_0(%arg0: i32) -> (i32, i32) {
    %c0_i32 = arith.constant 0 : i32
    %c0_i32_0 = arith.constant 0 : i32
    return %arg0, %c0_i32 : i32, i32
  }
  func.func @transform_1(%arg0: i32) -> (i32, i32) {
    %c0_i32 = arith.constant 0 : i32
    %c0_i32_0 = arith.constant 0 : i32
    return %arg0, %c0_i32 : i32, i32
  }
  func.func @transform_2(%arg0: i32) -> (i32, i32) {
    %c0_i32 = arith.constant 0 : i32
    %c0_i32_0 = arith.constant 0 : i32
    return %arg0, %c0_i32 : i32, i32
  }
  func.func @transform_3(%arg0: i32) -> (i32, i32) {
    %c0_i32 = arith.constant 0 : i32
    %c0_i32_0 = arith.constant 0 : i32
    %c0_i32_1 = arith.constant 0 : i32
    return %c0_i32, %c0_i32_0 : i32, i32
  }
  func.func @transform_4(%arg0: i32) -> (i32, i32) {
    %c0_i32 = arith.constant 0 : i32
    %c0_i32_0 = arith.constant 0 : i32
    %c0_i32_1 = arith.constant 0 : i32
    return %c0_i32, %c0_i32_0 : i32, i32
  }
  func.func @transform_5(%arg0: i32) -> (i32, i32) {
    %c0_i32 = arith.constant 0 : i32
    %c0_i32_0 = arith.constant 0 : i32
    %c0_i32_1 = arith.constant 0 : i32
    return %c0_i32, %c0_i32_0 : i32, i32
  }
  func.func @transform_6(%arg0: i32) -> (i32, i32) {
    %c0_i32 = arith.constant 0 : i32
    %c0_i32_0 = arith.constant 0 : i32
    %c0_i32_1 = arith.constant 0 : i32
    return %c0_i32, %c0_i32_0 : i32, i32
  }
  func.func @transform_7(%arg0: i32) -> (i32, i32) {
    %c0_i32 = arith.constant 0 : i32
    %c0_i32_0 = arith.constant 0 : i32
    %c0_i32_1 = arith.constant 0 : i32
    return %c0_i32, %c0_i32_0 : i32, i32
  }
  func.func @transform_8(%arg0: i32) -> (i32, i32) {
    %c0_i32 = arith.constant 0 : i32
    %c0_i32_0 = arith.constant 0 : i32
    %c0_i32_1 = arith.constant 0 : i32
    return %c0_i32, %c0_i32_0 : i32, i32
  }
  func.func @transform_9(%arg0: i32) -> (i32, i32) {
    %c0_i32 = arith.constant 0 : i32
    %c0_i32_0 = arith.constant 0 : i32
    return %arg0, %c0_i32 : i32, i32
  }
  func.func @transform_10(%arg0: i32) -> (i32, i32) {
    %c0_i32 = arith.constant 0 : i32
    %c0_i32_0 = arith.constant 0 : i32
    return %arg0, %c0_i32 : i32, i32
  }
}

module attributes {stable_mosaic.version = 14 : i64} {
  func.func @node_update0(%arg0: i32, %arg1: memref<1000x224xf32, #tpu.memory_space<vmem>>, %arg2: memref<1000x128xf32, #tpu.memory_space<vmem>>, %arg3: memref<1000x128xf32, #tpu.memory_space<vmem>>, %arg4: memref<224x64xf32, #tpu.memory_space<vmem>>, %arg5: memref<64x64xf32, #tpu.memory_space<vmem>>, %arg6: memref<1x64xf32, #tpu.memory_space<vmem>>, %arg7: memref<64x64xf32, #tpu.memory_space<vmem>>, %arg8: memref<1x64xf32, #tpu.memory_space<vmem>>, %arg9: memref<64x224xf32, #tpu.memory_space<vmem>>, %arg10: memref<1x224xf32, #tpu.memory_space<vmem>>, %arg11: memref<224x64xf32, #tpu.memory_space<vmem>>, %arg12: memref<224x64xf32, #tpu.memory_space<vmem>>, %arg13: memref<224x64xf32, #tpu.memory_space<vmem>>, %arg14: memref<1x64xf32, #tpu.memory_space<vmem>>, %arg15: memref<64x64xf32, #tpu.memory_space<vmem>>, %arg16: memref<1x64xf32, #tpu.memory_space<vmem>>, %arg17: memref<64x1xf32, #tpu.memory_space<vmem>>, %arg18: memref<1x1xf32, #tpu.memory_space<vmem>>, %arg19: memref<224x64xf32, #tpu.memory_space<vmem>>, %arg20: memref<1x64xf32, #tpu.memory_space<vmem>>, %arg21: memref<64x64xf32, #tpu.memory_space<vmem>>, %arg22: memref<1x64xf32, #tpu.memory_space<vmem>>, %arg23: memref<64x1xf32, #tpu.memory_space<vmem>>, %arg24: memref<1x1xf32, #tpu.memory_space<vmem>>, %arg25: memref<224x64xf32, #tpu.memory_space<vmem>>, %arg26: memref<224x64xf32, #tpu.memory_space<vmem>>, %arg27: memref<1000x224xf32, #tpu.memory_space<vmem>>, %arg28: memref<1000x128xf32, #tpu.memory_space<vmem>>, %arg29: memref<1000x2xf32, #tpu.memory_space<vmem>>, %arg30: memref<1000x64xf32, #tpu.memory_space<vmem>>, %arg31: memref<1000x64xf32, #tpu.memory_space<vmem>>) attributes {dimension_semantics = [#tpu.dimension_semantics<arbitrary>], iteration_bounds = array<i64: 10>, scalar_prefetch = 0 : i64, scratch_operands = 0 : i64, tpu.core_type = #tpu.core_type<tc>, window_params = [{transform_indices = @transform_0, window_bounds = array<i64: 1000, 224>}, {transform_indices = @transform_1, window_bounds = array<i64: 1000, 128>}, {transform_indices = @transform_2, window_bounds = array<i64: 1000, 128>}, {pipeline_mode = #tpu.pipeline_mode<synchronous>, transform_indices = @transform_3, window_bounds = array<i64: 224, 64>}, {pipeline_mode = #tpu.pipeline_mode<synchronous>, transform_indices = @transform_4, window_bounds = array<i64: 64, 64>}, {pipeline_mode = #tpu.pipeline_mode<synchronous>, transform_indices = @transform_5, window_bounds = array<i64: 1, 64>}, {pipeline_mode = #tpu.pipeline_mode<synchronous>, transform_indices = @transform_6, window_bounds = array<i64: 64, 64>}, {pipeline_mode = #tpu.pipeline_mode<synchronous>, transform_indices = @transform_7, window_bounds = array<i64: 1, 64>}, {pipeline_mode = #tpu.pipeline_mode<synchronous>, transform_indices = @transform_8, window_bounds = array<i64: 64, 224>}, {pipeline_mode = #tpu.pipeline_mode<synchronous>, transform_indices = @transform_9, window_bounds = array<i64: 1, 224>}, {pipeline_mode = #tpu.pipeline_mode<synchronous>, transform_indices = @transform_10, window_bounds = array<i64: 224, 64>}, {pipeline_mode = #tpu.pipeline_mode<synchronous>, transform_indices = @transform_11, window_bounds = array<i64: 224, 64>}, {pipeline_mode = #tpu.pipeline_mode<synchronous>, transform_indices = @transform_12, window_bounds = array<i64: 224, 64>}, {pipeline_mode = #tpu.pipeline_mode<synchronous>, transform_indices = @transform_13, window_bounds = array<i64: 1, 64>}, {pipeline_mode = #tpu.pipeline_mode<synchronous>, transform_indices = @transform_14, window_bounds = array<i64: 64, 64>}, {pipeline_mode = #tpu.pipeline_mode<synchronous>, transform_indices = @transform_15, window_bounds = array<i64: 1, 64>}, {pipeline_mode = #tpu.pipeline_mode<synchronous>, transform_indices = @transform_16, window_bounds = array<i64: 64, 1>}, {pipeline_mode = #tpu.pipeline_mode<synchronous>, transform_indices = @transform_17, window_bounds = array<i64: 1, 1>}, {pipeline_mode = #tpu.pipeline_mode<synchronous>, transform_indices = @transform_18, window_bounds = array<i64: 224, 64>}, {pipeline_mode = #tpu.pipeline_mode<synchronous>, transform_indices = @transform_19, window_bounds = array<i64: 1, 64>}, {pipeline_mode = #tpu.pipeline_mode<synchronous>, transform_indices = @transform_20, window_bounds = array<i64: 64, 64>}, {pipeline_mode = #tpu.pipeline_mode<synchronous>, transform_indices = @transform_21, window_bounds = array<i64: 1, 64>}, {pipeline_mode = #tpu.pipeline_mode<synchronous>, transform_indices = @transform_22, window_bounds = array<i64: 64, 1>}, {pipeline_mode = #tpu.pipeline_mode<synchronous>, transform_indices = @transform_23, window_bounds = array<i64: 1, 1>}, {pipeline_mode = #tpu.pipeline_mode<synchronous>, transform_indices = @transform_24, window_bounds = array<i64: 224, 64>}, {pipeline_mode = #tpu.pipeline_mode<synchronous>, transform_indices = @transform_25, window_bounds = array<i64: 224, 64>}, {transform_indices = @transform_26, window_bounds = array<i64: 1000, 224>}, {transform_indices = @transform_27, window_bounds = array<i64: 1000, 128>}, {transform_indices = @transform_28, window_bounds = array<i64: 1000, 2>}, {transform_indices = @transform_29, window_bounds = array<i64: 1000, 64>}, {transform_indices = @transform_30, window_bounds = array<i64: 1000, 64>}]} {
    %get3A = arith.constant 0 : index
    %get3A_0 = arith.constant 0 : index
    %get3A_1 = vector.load %arg1[%get3A, %get3A_0] : memref<1000x224xf32, #tpu.memory_space<vmem>>, vector<1000x224xf32>
    %get3A_2 = arith.constant 0 : index
    %get3A_3 = arith.constant 0 : index
    %get3A_4 = vector.load %arg2[%get3A_2, %get3A_3] : memref<1000x128xf32, #tpu.memory_space<vmem>>, vector<1000x64xf32>
    %get3A_5 = arith.constant 0 : index
    %get3A_6 = arith.constant 0 : index
    %get3A_7 = vector.load %arg3[%get3A_5, %get3A_6] : memref<1000x128xf32, #tpu.memory_space<vmem>>, vector<1000x64xf32>
    %add3A = arith.addf %get3A_4, %get3A_7 : vector<1000x64xf32>
    %get3A_8 = arith.constant 0 : index
    %get3A_9 = arith.constant 0 : index
    %get3A_10 = vector.load %arg4[%get3A_8, %get3A_9] : memref<224x64xf32, #tpu.memory_space<vmem>>, vector<224x64xf32>
    %dot_general3A = arith.constant dense<0.000000e+00> : vector<1000x64xf32>
    %dot_general3A_11 = tpu.matmul %get3A_1, %get3A_10, %dot_general3A {dimension_numbers = #tpu.dot_dimension_numbers<[1], [0], [0], [1], [0, 0, 1, 1], [], []>, transpose_lhs_hint = false} : vector<1000x224xf32>, vector<224x64xf32>, vector<1000x64xf32> -> vector<1000x64xf32>
    %get3A_12 = arith.constant 0 : index
    %get3A_13 = arith.constant 0 : index
    %get3A_14 = vector.load %arg5[%get3A_12, %get3A_13] : memref<64x64xf32, #tpu.memory_space<vmem>>, vector<64x64xf32>
    %dot_general3A_15 = arith.constant dense<0.000000e+00> : vector<1000x64xf32>
    %dot_general3A_16 = tpu.matmul %add3A, %get3A_14, %dot_general3A_15 {dimension_numbers = #tpu.dot_dimension_numbers<[1], [0], [0], [1], [0, 0, 1, 1], [], []>, transpose_lhs_hint = false} : vector<1000x64xf32>, vector<64x64xf32>, vector<1000x64xf32> -> vector<1000x64xf32>
    %add3A_17 = arith.addf %dot_general3A_11, %dot_general3A_16 : vector<1000x64xf32>
    %get3A_18 = arith.constant 0 : index
    %get3A_19 = arith.constant 0 : index
    %get3A_20 = vector.load %arg6[%get3A_18, %get3A_19] : memref<1x64xf32, #tpu.memory_space<vmem>>, vector<1x64xf32>
    %add3A_21 = vector.broadcast %get3A_20 : vector<1x64xf32> to vector<1000x64xf32>
    %add3A_22 = arith.addf %add3A_17, %add3A_21 : vector<1000x64xf32>
    %integer_pow3A = arith.mulf %add3A_22, %add3A_22 : vector<1000x64xf32>
    %integer_pow3A_23 = arith.mulf %add3A_22, %integer_pow3A : vector<1000x64xf32>
    %mul3A = arith.constant 4.471500e-02 : f32
    %mul3A_24 = vector.broadcast %mul3A : f32 to vector<1000x64xf32>
    %mul3A_25 = arith.mulf %mul3A_24, %integer_pow3A_23 : vector<1000x64xf32>
    %add3A_26 = arith.addf %add3A_22, %mul3A_25 : vector<1000x64xf32>
    %mul3A_27 = arith.constant 0.797884583 : f32
    %mul3A_28 = vector.broadcast %mul3A_27 : f32 to vector<1000x64xf32>
    %mul3A_29 = arith.mulf %mul3A_28, %add3A_26 : vector<1000x64xf32>
    %tanh3A = math.tanh %mul3A_29 : vector<1000x64xf32>
    %add3A_30 = arith.constant 1.000000e+00 : f32
    %add3A_31 = vector.broadcast %add3A_30 : f32 to vector<1000x64xf32>
    %add3A_32 = arith.addf %add3A_31, %tanh3A : vector<1000x64xf32>
    %mul3A_33 = arith.constant 5.000000e-01 : f32
    %mul3A_34 = vector.broadcast %mul3A_33 : f32 to vector<1000x64xf32>
    %mul3A_35 = arith.mulf %mul3A_34, %add3A_32 : vector<1000x64xf32>
    %mul3A_36 = arith.mulf %add3A_22, %mul3A_35 : vector<1000x64xf32>
    %get3A_37 = arith.constant 0 : index
    %get3A_38 = arith.constant 0 : index
    %get3A_39 = vector.load %arg7[%get3A_37, %get3A_38] : memref<64x64xf32, #tpu.memory_space<vmem>>, vector<64x64xf32>
    %dot_general3A_40 = arith.constant dense<0.000000e+00> : vector<1000x64xf32>
    %dot_general3A_41 = tpu.matmul %mul3A_36, %get3A_39, %dot_general3A_40 {dimension_numbers = #tpu.dot_dimension_numbers<[1], [0], [0], [1], [0, 0, 1, 1], [], []>, transpose_lhs_hint = false} : vector<1000x64xf32>, vector<64x64xf32>, vector<1000x64xf32> -> vector<1000x64xf32>
    %get3A_42 = arith.constant 0 : index
    %get3A_43 = arith.constant 0 : index
    %get3A_44 = vector.load %arg8[%get3A_42, %get3A_43] : memref<1x64xf32, #tpu.memory_space<vmem>>, vector<1x64xf32>
    %add3A_45 = vector.broadcast %get3A_44 : vector<1x64xf32> to vector<1000x64xf32>
    %add3A_46 = arith.addf %dot_general3A_41, %add3A_45 : vector<1000x64xf32>
    %integer_pow3A_47 = arith.mulf %add3A_46, %add3A_46 : vector<1000x64xf32>
    %integer_pow3A_48 = arith.mulf %add3A_46, %integer_pow3A_47 : vector<1000x64xf32>
    %mul3A_49 = arith.constant 4.471500e-02 : f32
    %mul3A_50 = vector.broadcast %mul3A_49 : f32 to vector<1000x64xf32>
    %mul3A_51 = arith.mulf %mul3A_50, %integer_pow3A_48 : vector<1000x64xf32>
    %add3A_52 = arith.addf %add3A_46, %mul3A_51 : vector<1000x64xf32>
    %mul3A_53 = arith.constant 0.797884583 : f32
    %mul3A_54 = vector.broadcast %mul3A_53 : f32 to vector<1000x64xf32>
    %mul3A_55 = arith.mulf %mul3A_54, %add3A_52 : vector<1000x64xf32>
    %tanh3A_56 = math.tanh %mul3A_55 : vector<1000x64xf32>
    %add3A_57 = arith.constant 1.000000e+00 : f32
    %add3A_58 = vector.broadcast %add3A_57 : f32 to vector<1000x64xf32>
    %add3A_59 = arith.addf %add3A_58, %tanh3A_56 : vector<1000x64xf32>
    %mul3A_60 = arith.constant 5.000000e-01 : f32
    %mul3A_61 = vector.broadcast %mul3A_60 : f32 to vector<1000x64xf32>
    %mul3A_62 = arith.mulf %mul3A_61, %add3A_59 : vector<1000x64xf32>
    %mul3A_63 = arith.mulf %add3A_46, %mul3A_62 : vector<1000x64xf32>
    %get3A_64 = arith.constant 0 : index
    %get3A_65 = arith.constant 0 : index
    %get3A_66 = vector.load %arg9[%get3A_64, %get3A_65] : memref<64x224xf32, #tpu.memory_space<vmem>>, vector<64x224xf32>
    %dot_general3A_67 = arith.constant dense<0.000000e+00> : vector<1000x224xf32>
    %dot_general3A_68 = tpu.matmul %mul3A_63, %get3A_66, %dot_general3A_67 {dimension_numbers = #tpu.dot_dimension_numbers<[1], [0], [0], [1], [0, 0, 1, 1], [], []>, transpose_lhs_hint = false} : vector<1000x64xf32>, vector<64x224xf32>, vector<1000x224xf32> -> vector<1000x224xf32>
    %add3A_69 = arith.addf %get3A_1, %dot_general3A_68 : vector<1000x224xf32>
    %get3A_70 = arith.constant 0 : index
    %get3A_71 = arith.constant 0 : index
    %get3A_72 = vector.load %arg10[%get3A_70, %get3A_71] : memref<1x224xf32, #tpu.memory_space<vmem>>, vector<1x224xf32>
    %add3A_73 = vector.broadcast %get3A_72 : vector<1x224xf32> to vector<1000x224xf32>
    %add3A_74 = arith.addf %add3A_69, %add3A_73 : vector<1000x224xf32>
    %swap3A = arith.constant 0 : index
    %swap3A_75 = arith.constant 0 : index
    %swap3A_76 = vector.load %arg27[%swap3A, %swap3A_75] : memref<1000x224xf32, #tpu.memory_space<vmem>>, vector<1000x224xf32>
    tpu.vector_store %arg27[%swap3A, %swap3A_75], %add3A_74 {strides = array<i32>} : memref<1000x224xf32, #tpu.memory_space<vmem>>, vector<1000x224xf32>,
    %get3A_77 = arith.constant 0 : index
    %get3A_78 = arith.constant 0 : index
    %get3A_79 = vector.load %arg11[%get3A_77, %get3A_78] : memref<224x64xf32, #tpu.memory_space<vmem>>, vector<224x64xf32>
    %dot_general3A_80 = arith.constant dense<0.000000e+00> : vector<1000x64xf32>
    %dot_general3A_81 = tpu.matmul %add3A_74, %get3A_79, %dot_general3A_80 {dimension_numbers = #tpu.dot_dimension_numbers<[1], [0], [0], [1], [0, 0, 1, 1], [], []>, transpose_lhs_hint = false} : vector<1000x224xf32>, vector<224x64xf32>, vector<1000x64xf32> -> vector<1000x64xf32>
    %get3A_82 = arith.constant 0 : index
    %get3A_83 = arith.constant 0 : index
    %get3A_84 = vector.load %arg12[%get3A_82, %get3A_83] : memref<224x64xf32, #tpu.memory_space<vmem>>, vector<224x64xf32>
    %dot_general3A_85 = arith.constant dense<0.000000e+00> : vector<1000x64xf32>
    %dot_general3A_86 = tpu.matmul %add3A_74, %get3A_84, %dot_general3A_85 {dimension_numbers = #tpu.dot_dimension_numbers<[1], [0], [0], [1], [0, 0, 1, 1], [], []>, transpose_lhs_hint = false} : vector<1000x224xf32>, vector<224x64xf32>, vector<1000x64xf32> -> vector<1000x64xf32>
    %concatenate3A = tpu.concatenate %dot_general3A_81, %dot_general3A_86 in 1 : vector<1000x64xf32>, vector<1000x64xf32> -> vector<1000x128xf32>
    %swap3A_87 = arith.constant 0 : index
    %swap3A_88 = arith.constant 0 : index
    %swap3A_89 = vector.load %arg28[%swap3A_87, %swap3A_88] : memref<1000x128xf32, #tpu.memory_space<vmem>>, vector<1000x128xf32>
    tpu.vector_store %arg28[%swap3A_87, %swap3A_88], %concatenate3A {strides = array<i32>} : memref<1000x128xf32, #tpu.memory_space<vmem>>, vector<1000x128xf32>,
    %get3A_90 = arith.constant 0 : index
    %get3A_91 = arith.constant 0 : index
    %get3A_92 = vector.load %arg13[%get3A_90, %get3A_91] : memref<224x64xf32, #tpu.memory_space<vmem>>, vector<224x64xf32>
    %dot_general3A_93 = arith.constant dense<0.000000e+00> : vector<1000x64xf32>
    %dot_general3A_94 = tpu.matmul %add3A_74, %get3A_92, %dot_general3A_93 {dimension_numbers = #tpu.dot_dimension_numbers<[1], [0], [0], [1], [0, 0, 1, 1], [], []>, transpose_lhs_hint = false} : vector<1000x224xf32>, vector<224x64xf32>, vector<1000x64xf32> -> vector<1000x64xf32>
    %get3A_95 = arith.constant 0 : index
    %get3A_96 = arith.constant 0 : index
    %get3A_97 = vector.load %arg14[%get3A_95, %get3A_96] : memref<1x64xf32, #tpu.memory_space<vmem>>, vector<1x64xf32>
    %add3A_98 = vector.broadcast %get3A_97 : vector<1x64xf32> to vector<1000x64xf32>
    %add3A_99 = arith.addf %dot_general3A_94, %add3A_98 : vector<1000x64xf32>
    %integer_pow3A_100 = arith.mulf %add3A_99, %add3A_99 : vector<1000x64xf32>
    %integer_pow3A_101 = arith.mulf %add3A_99, %integer_pow3A_100 : vector<1000x64xf32>
    %mul3A_102 = arith.constant 4.471500e-02 : f32
    %mul3A_103 = vector.broadcast %mul3A_102 : f32 to vector<1000x64xf32>
    %mul3A_104 = arith.mulf %mul3A_103, %integer_pow3A_101 : vector<1000x64xf32>
    %add3A_105 = arith.addf %add3A_99, %mul3A_104 : vector<1000x64xf32>
    %mul3A_106 = arith.constant 0.797884583 : f32
    %mul3A_107 = vector.broadcast %mul3A_106 : f32 to vector<1000x64xf32>
    %mul3A_108 = arith.mulf %mul3A_107, %add3A_105 : vector<1000x64xf32>
    %tanh3A_109 = math.tanh %mul3A_108 : vector<1000x64xf32>
    %add3A_110 = arith.constant 1.000000e+00 : f32
    %add3A_111 = vector.broadcast %add3A_110 : f32 to vector<1000x64xf32>
    %add3A_112 = arith.addf %add3A_111, %tanh3A_109 : vector<1000x64xf32>
    %mul3A_113 = arith.constant 5.000000e-01 : f32
    %mul3A_114 = vector.broadcast %mul3A_113 : f32 to vector<1000x64xf32>
    %mul3A_115 = arith.mulf %mul3A_114, %add3A_112 : vector<1000x64xf32>
    %mul3A_116 = arith.mulf %add3A_99, %mul3A_115 : vector<1000x64xf32>
    %get3A_117 = arith.constant 0 : index
    %get3A_118 = arith.constant 0 : index
    %get3A_119 = vector.load %arg15[%get3A_117, %get3A_118] : memref<64x64xf32, #tpu.memory_space<vmem>>, vector<64x64xf32>
    %dot_general3A_120 = arith.constant dense<0.000000e+00> : vector<1000x64xf32>
    %dot_general3A_121 = tpu.matmul %mul3A_116, %get3A_119, %dot_general3A_120 {dimension_numbers = #tpu.dot_dimension_numbers<[1], [0], [0], [1], [0, 0, 1, 1], [], []>, transpose_lhs_hint = false} : vector<1000x64xf32>, vector<64x64xf32>, vector<1000x64xf32> -> vector<1000x64xf32>
    %get3A_122 = arith.constant 0 : index
    %get3A_123 = arith.constant 0 : index
    %get3A_124 = vector.load %arg16[%get3A_122, %get3A_123] : memref<1x64xf32, #tpu.memory_space<vmem>>, vector<1x64xf32>
    %add3A_125 = vector.broadcast %get3A_124 : vector<1x64xf32> to vector<1000x64xf32>
    %add3A_126 = arith.addf %dot_general3A_121, %add3A_125 : vector<1000x64xf32>
    %integer_pow3A_127 = arith.mulf %add3A_126, %add3A_126 : vector<1000x64xf32>
    %integer_pow3A_128 = arith.mulf %add3A_126, %integer_pow3A_127 : vector<1000x64xf32>
    %mul3A_129 = arith.constant 4.471500e-02 : f32
    %mul3A_130 = vector.broadcast %mul3A_129 : f32 to vector<1000x64xf32>
    %mul3A_131 = arith.mulf %mul3A_130, %integer_pow3A_128 : vector<1000x64xf32>
    %add3A_132 = arith.addf %add3A_126, %mul3A_131 : vector<1000x64xf32>
    %mul3A_133 = arith.constant 0.797884583 : f32
    %mul3A_134 = vector.broadcast %mul3A_133 : f32 to vector<1000x64xf32>
    %mul3A_135 = arith.mulf %mul3A_134, %add3A_132 : vector<1000x64xf32>
    %tanh3A_136 = math.tanh %mul3A_135 : vector<1000x64xf32>
    %add3A_137 = arith.constant 1.000000e+00 : f32
    %add3A_138 = vector.broadcast %add3A_137 : f32 to vector<1000x64xf32>
    %add3A_139 = arith.addf %add3A_138, %tanh3A_136 : vector<1000x64xf32>
    %mul3A_140 = arith.constant 5.000000e-01 : f32
    %mul3A_141 = vector.broadcast %mul3A_140 : f32 to vector<1000x64xf32>
    %mul3A_142 = arith.mulf %mul3A_141, %add3A_139 : vector<1000x64xf32>
    %mul3A_143 = arith.mulf %add3A_126, %mul3A_142 : vector<1000x64xf32>
    %get3A_144 = arith.constant 0 : index
    %get3A_145 = arith.constant 0 : index
    %get3A_146 = vector.load %arg17[%get3A_144, %get3A_145] : memref<64x1xf32, #tpu.memory_space<vmem>>, vector<64x1xf32>
    %dot_general3A_147 = arith.constant dense<0.000000e+00> : vector<1000x1xf32>
    %dot_general3A_148 = tpu.matmul %mul3A_143, %get3A_146, %dot_general3A_147 {dimension_numbers = #tpu.dot_dimension_numbers<[1], [0], [0], [1], [0, 0, 1, 1], [], []>, transpose_lhs_hint = false} : vector<1000x64xf32>, vector<64x1xf32>, vector<1000x1xf32> -> vector<1000x1xf32>
    %get3A_149 = arith.constant 0 : index
    %get3A_150 = arith.constant 0 : index
    %get3A_151 = vector.load %arg18[%get3A_149, %get3A_150] : memref<1x1xf32, #tpu.memory_space<vmem>>, vector<1x1xf32>
    %add3A_152 = vector.broadcast %get3A_151 : vector<1x1xf32> to vector<1000x1xf32>
    %add3A_153 = arith.addf %dot_general3A_148, %add3A_152 : vector<1000x1xf32>
    %get3A_154 = arith.constant 0 : index
    %get3A_155 = arith.constant 0 : index
    %get3A_156 = vector.load %arg19[%get3A_154, %get3A_155] : memref<224x64xf32, #tpu.memory_space<vmem>>, vector<224x64xf32>
    %dot_general3A_157 = arith.constant dense<0.000000e+00> : vector<1000x64xf32>
    %dot_general3A_158 = tpu.matmul %add3A_74, %get3A_156, %dot_general3A_157 {dimension_numbers = #tpu.dot_dimension_numbers<[1], [0], [0], [1], [0, 0, 1, 1], [], []>, transpose_lhs_hint = false} : vector<1000x224xf32>, vector<224x64xf32>, vector<1000x64xf32> -> vector<1000x64xf32>
    %get3A_159 = arith.constant 0 : index
    %get3A_160 = arith.constant 0 : index
    %get3A_161 = vector.load %arg20[%get3A_159, %get3A_160] : memref<1x64xf32, #tpu.memory_space<vmem>>, vector<1x64xf32>
    %add3A_162 = vector.broadcast %get3A_161 : vector<1x64xf32> to vector<1000x64xf32>
    %add3A_163 = arith.addf %dot_general3A_158, %add3A_162 : vector<1000x64xf32>
    %integer_pow3A_164 = arith.mulf %add3A_163, %add3A_163 : vector<1000x64xf32>
    %integer_pow3A_165 = arith.mulf %add3A_163, %integer_pow3A_164 : vector<1000x64xf32>
    %mul3A_166 = arith.constant 4.471500e-02 : f32
    %mul3A_167 = vector.broadcast %mul3A_166 : f32 to vector<1000x64xf32>
    %mul3A_168 = arith.mulf %mul3A_167, %integer_pow3A_165 : vector<1000x64xf32>
    %add3A_169 = arith.addf %add3A_163, %mul3A_168 : vector<1000x64xf32>
    %mul3A_170 = arith.constant 0.797884583 : f32
    %mul3A_171 = vector.broadcast %mul3A_170 : f32 to vector<1000x64xf32>
    %mul3A_172 = arith.mulf %mul3A_171, %add3A_169 : vector<1000x64xf32>
    %tanh3A_173 = math.tanh %mul3A_172 : vector<1000x64xf32>
    %add3A_174 = arith.constant 1.000000e+00 : f32
    %add3A_175 = vector.broadcast %add3A_174 : f32 to vector<1000x64xf32>
    %add3A_176 = arith.addf %add3A_175, %tanh3A_173 : vector<1000x64xf32>
    %mul3A_177 = arith.constant 5.000000e-01 : f32
    %mul3A_178 = vector.broadcast %mul3A_177 : f32 to vector<1000x64xf32>
    %mul3A_179 = arith.mulf %mul3A_178, %add3A_176 : vector<1000x64xf32>
    %mul3A_180 = arith.mulf %add3A_163, %mul3A_179 : vector<1000x64xf32>
    %get3A_181 = arith.constant 0 : index
    %get3A_182 = arith.constant 0 : index
    %get3A_183 = vector.load %arg21[%get3A_181, %get3A_182] : memref<64x64xf32, #tpu.memory_space<vmem>>, vector<64x64xf32>
    %dot_general3A_184 = arith.constant dense<0.000000e+00> : vector<1000x64xf32>
    %dot_general3A_185 = tpu.matmul %mul3A_180, %get3A_183, %dot_general3A_184 {dimension_numbers = #tpu.dot_dimension_numbers<[1], [0], [0], [1], [0, 0, 1, 1], [], []>, transpose_lhs_hint = false} : vector<1000x64xf32>, vector<64x64xf32>, vector<1000x64xf32> -> vector<1000x64xf32>
    %get3A_186 = arith.constant 0 : index
    %get3A_187 = arith.constant 0 : index
    %get3A_188 = vector.load %arg22[%get3A_186, %get3A_187] : memref<1x64xf32, #tpu.memory_space<vmem>>, vector<1x64xf32>
    %add3A_189 = vector.broadcast %get3A_188 : vector<1x64xf32> to vector<1000x64xf32>
    %add3A_190 = arith.addf %dot_general3A_185, %add3A_189 : vector<1000x64xf32>
    %integer_pow3A_191 = arith.mulf %add3A_190, %add3A_190 : vector<1000x64xf32>
    %integer_pow3A_192 = arith.mulf %add3A_190, %integer_pow3A_191 : vector<1000x64xf32>
    %mul3A_193 = arith.constant 4.471500e-02 : f32
    %mul3A_194 = vector.broadcast %mul3A_193 : f32 to vector<1000x64xf32>
    %mul3A_195 = arith.mulf %mul3A_194, %integer_pow3A_192 : vector<1000x64xf32>
    %add3A_196 = arith.addf %add3A_190, %mul3A_195 : vector<1000x64xf32>
    %mul3A_197 = arith.constant 0.797884583 : f32
    %mul3A_198 = vector.broadcast %mul3A_197 : f32 to vector<1000x64xf32>
    %mul3A_199 = arith.mulf %mul3A_198, %add3A_196 : vector<1000x64xf32>
    %tanh3A_200 = math.tanh %mul3A_199 : vector<1000x64xf32>
    %add3A_201 = arith.constant 1.000000e+00 : f32
    %add3A_202 = vector.broadcast %add3A_201 : f32 to vector<1000x64xf32>
    %add3A_203 = arith.addf %add3A_202, %tanh3A_200 : vector<1000x64xf32>
    %mul3A_204 = arith.constant 5.000000e-01 : f32
    %mul3A_205 = vector.broadcast %mul3A_204 : f32 to vector<1000x64xf32>
    %mul3A_206 = arith.mulf %mul3A_205, %add3A_203 : vector<1000x64xf32>
    %mul3A_207 = arith.mulf %add3A_190, %mul3A_206 : vector<1000x64xf32>
    %get3A_208 = arith.constant 0 : index
    %get3A_209 = arith.constant 0 : index
    %get3A_210 = vector.load %arg23[%get3A_208, %get3A_209] : memref<64x1xf32, #tpu.memory_space<vmem>>, vector<64x1xf32>
    %dot_general3A_211 = arith.constant dense<0.000000e+00> : vector<1000x1xf32>
    %dot_general3A_212 = tpu.matmul %mul3A_207, %get3A_210, %dot_general3A_211 {dimension_numbers = #tpu.dot_dimension_numbers<[1], [0], [0], [1], [0, 0, 1, 1], [], []>, transpose_lhs_hint = false} : vector<1000x64xf32>, vector<64x1xf32>, vector<1000x1xf32> -> vector<1000x1xf32>
    %get3A_213 = arith.constant 0 : index
    %get3A_214 = arith.constant 0 : index
    %get3A_215 = vector.load %arg24[%get3A_213, %get3A_214] : memref<1x1xf32, #tpu.memory_space<vmem>>, vector<1x1xf32>
    %add3A_216 = vector.broadcast %get3A_215 : vector<1x1xf32> to vector<1000x1xf32>
    %add3A_217 = arith.addf %dot_general3A_212, %add3A_216 : vector<1000x1xf32>
    %concatenate3A_218 = tpu.concatenate %add3A_153, %add3A_217 in 1 : vector<1000x1xf32>, vector<1000x1xf32> -> vector<1000x2xf32>
    %swap3A_219 = arith.constant 0 : index
    %swap3A_220 = arith.constant 0 : index
    %swap3A_221 = vector.load %arg29[%swap3A_219, %swap3A_220] : memref<1000x2xf32, #tpu.memory_space<vmem>>, vector<1000x2xf32>
    tpu.vector_store %arg29[%swap3A_219, %swap3A_220], %concatenate3A_218 {strides = array<i32>} : memref<1000x2xf32, #tpu.memory_space<vmem>>, vector<1000x2xf32>,
    %get3A_222 = arith.constant 0 : index
    %get3A_223 = arith.constant 0 : index
    %get3A_224 = vector.load %arg25[%get3A_222, %get3A_223] : memref<224x64xf32, #tpu.memory_space<vmem>>, vector<224x64xf32>
    %dot_general3A_225 = arith.constant dense<0.000000e+00> : vector<1000x64xf32>
    %dot_general3A_226 = tpu.matmul %add3A_74, %get3A_224, %dot_general3A_225 {dimension_numbers = #tpu.dot_dimension_numbers<[1], [0], [0], [1], [0, 0, 1, 1], [], []>, transpose_lhs_hint = false} : vector<1000x224xf32>, vector<224x64xf32>, vector<1000x64xf32> -> vector<1000x64xf32>
    %swap3A_227 = arith.constant 0 : index
    %swap3A_228 = arith.constant 0 : index
    %swap3A_229 = vector.load %arg30[%swap3A_227, %swap3A_228] : memref<1000x64xf32, #tpu.memory_space<vmem>>, vector<1000x64xf32>
    tpu.vector_store %arg30[%swap3A_227, %swap3A_228], %dot_general3A_226 {strides = array<i32>} : memref<1000x64xf32, #tpu.memory_space<vmem>>, vector<1000x64xf32>,
    %get3A_230 = arith.constant 0 : index
    %get3A_231 = arith.constant 0 : index
    %get3A_232 = vector.load %arg26[%get3A_230, %get3A_231] : memref<224x64xf32, #tpu.memory_space<vmem>>, vector<224x64xf32>
    %dot_general3A_233 = arith.constant dense<0.000000e+00> : vector<1000x64xf32>
    %dot_general3A_234 = tpu.matmul %add3A_74, %get3A_232, %dot_general3A_233 {dimension_numbers = #tpu.dot_dimension_numbers<[1], [0], [0], [1], [0, 0, 1, 1], [], []>, transpose_lhs_hint = false} : vector<1000x224xf32>, vector<224x64xf32>, vector<1000x64xf32> -> vector<1000x64xf32>
    %swap3A_235 = arith.constant 0 : index
    %swap3A_236 = arith.constant 0 : index
    %swap3A_237 = vector.load %arg31[%swap3A_235, %swap3A_236] : memref<1000x64xf32, #tpu.memory_space<vmem>>, vector<1000x64xf32>
    tpu.vector_store %arg31[%swap3A_235, %swap3A_236], %dot_general3A_234 {strides = array<i32>} : memref<1000x64xf32, #tpu.memory_space<vmem>>, vector<1000x64xf32>,
    return
  }
  func.func @transform_0(%arg0: i32) -> (i32, i32) {
    %c0_i32 = arith.constant 0 : i32
    %c0_i32_0 = arith.constant 0 : i32
    return %arg0, %c0_i32 : i32, i32
  }
  func.func @transform_1(%arg0: i32) -> (i32, i32) {
    %c0_i32 = arith.constant 0 : i32
    %c0_i32_0 = arith.constant 0 : i32
    return %arg0, %c0_i32 : i32, i32
  }
  func.func @transform_2(%arg0: i32) -> (i32, i32) {
    %c0_i32 = arith.constant 0 : i32
    %c0_i32_0 = arith.constant 0 : i32
    return %arg0, %c0_i32 : i32, i32
  }
  func.func @transform_3(%arg0: i32) -> (i32, i32) {
    %c0_i32 = arith.constant 0 : i32
    %c0_i32_0 = arith.constant 0 : i32
    %c0_i32_1 = arith.constant 0 : i32
    return %c0_i32, %c0_i32_0 : i32, i32
  }
  func.func @transform_4(%arg0: i32) -> (i32, i32) {
    %c0_i32 = arith.constant 0 : i32
    %c0_i32_0 = arith.constant 0 : i32
    %c0_i32_1 = arith.constant 0 : i32
    return %c0_i32, %c0_i32_0 : i32, i32
  }
  func.func @transform_5(%arg0: i32) -> (i32, i32) {
    %c0_i32 = arith.constant 0 : i32
    %c0_i32_0 = arith.constant 0 : i32
    %c0_i32_1 = arith.constant 0 : i32
    return %c0_i32, %c0_i32_0 : i32, i32
  }
  func.func @transform_6(%arg0: i32) -> (i32, i32) {
    %c0_i32 = arith.constant 0 : i32
    %c0_i32_0 = arith.constant 0 : i32
    %c0_i32_1 = arith.constant 0 : i32
    return %c0_i32, %c0_i32_0 : i32, i32
  }
  func.func @transform_7(%arg0: i32) -> (i32, i32) {
    %c0_i32 = arith.constant 0 : i32
    %c0_i32_0 = arith.constant 0 : i32
    %c0_i32_1 = arith.constant 0 : i32
    return %c0_i32, %c0_i32_0 : i32, i32
  }
  func.func @transform_8(%arg0: i32) -> (i32, i32) {
    %c0_i32 = arith.constant 0 : i32
    %c0_i32_0 = arith.constant 0 : i32
    %c0_i32_1 = arith.constant 0 : i32
    return %c0_i32, %c0_i32_0 : i32, i32
  }
  func.func @transform_9(%arg0: i32) -> (i32, i32) {
    %c0_i32 = arith.constant 0 : i32
    %c0_i32_0 = arith.constant 0 : i32
    %c0_i32_1 = arith.constant 0 : i32
    return %c0_i32, %c0_i32_0 : i32, i32
  }
  func.func @transform_10(%arg0: i32) -> (i32, i32) {
    %c0_i32 = arith.constant 0 : i32
    %c0_i32_0 = arith.constant 0 : i32
    %c0_i32_1 = arith.constant 0 : i32
    return %c0_i32, %c0_i32_0 : i32, i32
  }
  func.func @transform_11(%arg0: i32) -> (i32, i32) {
    %c0_i32 = arith.constant 0 : i32
    %c0_i32_0 = arith.constant 0 : i32
    %c0_i32_1 = arith.constant 0 : i32
    return %c0_i32, %c0_i32_0 : i32, i32
  }
  func.func @transform_12(%arg0: i32) -> (i32, i32) {
    %c0_i32 = arith.constant 0 : i32
    %c0_i32_0 = arith.constant 0 : i32
    %c0_i32_1 = arith.constant 0 : i32
    return %c0_i32, %c0_i32_0 : i32, i32
  }
  func.func @transform_13(%arg0: i32) -> (i32, i32) {
    %c0_i32 = arith.constant 0 : i32
    %c0_i32_0 = arith.constant 0 : i32
    %c0_i32_1 = arith.constant 0 : i32
    return %c0_i32, %c0_i32_0 : i32, i32
  }
  func.func @transform_14(%arg0: i32) -> (i32, i32) {
    %c0_i32 = arith.constant 0 : i32
    %c0_i32_0 = arith.constant 0 : i32
    %c0_i32_1 = arith.constant 0 : i32
    return %c0_i32, %c0_i32_0 : i32, i32
  }
  func.func @transform_15(%arg0: i32) -> (i32, i32) {
    %c0_i32 = arith.constant 0 : i32
    %c0_i32_0 = arith.constant 0 : i32
    %c0_i32_1 = arith.constant 0 : i32
    return %c0_i32, %c0_i32_0 : i32, i32
  }
  func.func @transform_16(%arg0: i32) -> (i32, i32) {
    %c0_i32 = arith.constant 0 : i32
    %c0_i32_0 = arith.constant 0 : i32
    %c0_i32_1 = arith.constant 0 : i32
    return %c0_i32, %c0_i32_0 : i32, i32
  }
  func.func @transform_17(%arg0: i32) -> (i32, i32) {
    %c0_i32 = arith.constant 0 : i32
    %c0_i32_0 = arith.constant 0 : i32
    %c0_i32_1 = arith.constant 0 : i32
    return %c0_i32, %c0_i32_0 : i32, i32
  }
  func.func @transform_18(%arg0: i32) -> (i32, i32) {
    %c0_i32 = arith.constant 0 : i32
    %c0_i32_0 = arith.constant 0 : i32
    %c0_i32_1 = arith.constant 0 : i32
    return %c0_i32, %c0_i32_0 : i32, i32
  }
  func.func @transform_19(%arg0: i32) -> (i32, i32) {
    %c0_i32 = arith.constant 0 : i32
    %c0_i32_0 = arith.constant 0 : i32
    %c0_i32_1 = arith.constant 0 : i32
    return %c0_i32, %c0_i32_0 : i32, i32
  }
  func.func @transform_20(%arg0: i32) -> (i32, i32) {
    %c0_i32 = arith.constant 0 : i32
    %c0_i32_0 = arith.constant 0 : i32
    %c0_i32_1 = arith.constant 0 : i32
    return %c0_i32, %c0_i32_0 : i32, i32
  }
  func.func @transform_21(%arg0: i32) -> (i32, i32) {
    %c0_i32 = arith.constant 0 : i32
    %c0_i32_0 = arith.constant 0 : i32
    %c0_i32_1 = arith.constant 0 : i32
    return %c0_i32, %c0_i32_0 : i32, i32
  }
  func.func @transform_22(%arg0: i32) -> (i32, i32) {
    %c0_i32 = arith.constant 0 : i32
    %c0_i32_0 = arith.constant 0 : i32
    %c0_i32_1 = arith.constant 0 : i32
    return %c0_i32, %c0_i32_0 : i32, i32
  }
  func.func @transform_23(%arg0: i32) -> (i32, i32) {
    %c0_i32 = arith.constant 0 : i32
    %c0_i32_0 = arith.constant 0 : i32
    %c0_i32_1 = arith.constant 0 : i32
    return %c0_i32, %c0_i32_0 : i32, i32
  }
  func.func @transform_24(%arg0: i32) -> (i32, i32) {
    %c0_i32 = arith.constant 0 : i32
    %c0_i32_0 = arith.constant 0 : i32
    %c0_i32_1 = arith.constant 0 : i32
    return %c0_i32, %c0_i32_0 : i32, i32
  }
  func.func @transform_25(%arg0: i32) -> (i32, i32) {
    %c0_i32 = arith.constant 0 : i32
    %c0_i32_0 = arith.constant 0 : i32
    %c0_i32_1 = arith.constant 0 : i32
    return %c0_i32, %c0_i32_0 : i32, i32
  }
  func.func @transform_26(%arg0: i32) -> (i32, i32) {
    %c0_i32 = arith.constant 0 : i32
    %c0_i32_0 = arith.constant 0 : i32
    return %arg0, %c0_i32 : i32, i32
  }
  func.func @transform_27(%arg0: i32) -> (i32, i32) {
    %c0_i32 = arith.constant 0 : i32
    %c0_i32_0 = arith.constant 0 : i32
    return %arg0, %c0_i32 : i32, i32
  }
  func.func @transform_28(%arg0: i32) -> (i32, i32) {
    %c0_i32 = arith.constant 0 : i32
    %c0_i32_0 = arith.constant 0 : i32
    return %arg0, %c0_i32 : i32, i32
  }
  func.func @transform_29(%arg0: i32) -> (i32, i32) {
    %c0_i32 = arith.constant 0 : i32
    %c0_i32_0 = arith.constant 0 : i32
    return %arg0, %c0_i32 : i32, i32
  }
  func.func @transform_30(%arg0: i32) -> (i32, i32) {
    %c0_i32 = arith.constant 0 : i32
    %c0_i32_0 = arith.constant 0 : i32
    return %arg0, %c0_i32 : i32, i32
  }
}

module attributes {stable_mosaic.version = 14 : i64} {
  func.func @edge_alpha(%arg0: i32, %arg1: memref<2048x128xf32, #tpu.memory_space<vmem>>, %arg2: memref<2048x128xf32, #tpu.memory_space<vmem>>, %arg3: memref<2048x40xf32, #tpu.memory_space<vmem>>, %arg4: memref<37x64xf32, #tpu.memory_space<vmem>>, %arg5: memref<1x64xf32, #tpu.memory_space<vmem>>, %arg6: memref<64x64xf32, #tpu.memory_space<vmem>>, %arg7: memref<1x64xf32, #tpu.memory_space<vmem>>, %arg8: memref<64x1xf32, #tpu.memory_space<vmem>>, %arg9: memref<1x1xf32, #tpu.memory_space<vmem>>, %arg10: memref<2048x128xf32, #tpu.memory_space<vmem>>) attributes {dimension_semantics = [#tpu.dimension_semantics<arbitrary>], iteration_bounds = array<i64: 80>, scalar_prefetch = 0 : i64, scratch_operands = 0 : i64, tpu.core_type = #tpu.core_type<tc>, window_params = [{transform_indices = @transform_0, window_bounds = array<i64: 2048, 128>}, {transform_indices = @transform_1, window_bounds = array<i64: 2048, 128>}, {transform_indices = @transform_2, window_bounds = array<i64: 2048, 40>}, {pipeline_mode = #tpu.pipeline_mode<synchronous>, transform_indices = @transform_3, window_bounds = array<i64: 37, 64>}, {pipeline_mode = #tpu.pipeline_mode<synchronous>, transform_indices = @transform_4, window_bounds = array<i64: 1, 64>}, {pipeline_mode = #tpu.pipeline_mode<synchronous>, transform_indices = @transform_5, window_bounds = array<i64: 64, 64>}, {pipeline_mode = #tpu.pipeline_mode<synchronous>, transform_indices = @transform_6, window_bounds = array<i64: 1, 64>}, {pipeline_mode = #tpu.pipeline_mode<synchronous>, transform_indices = @transform_7, window_bounds = array<i64: 64, 1>}, {pipeline_mode = #tpu.pipeline_mode<synchronous>, transform_indices = @transform_8, window_bounds = array<i64: 1, 1>}, {transform_indices = @transform_9, window_bounds = array<i64: 2048, 128>}]} {
    %get3A = arith.constant 0 : index
    %get3A_0 = arith.constant 0 : index
    %get3A_1 = vector.load %arg3[%get3A, %get3A_0] : memref<2048x40xf32, #tpu.memory_space<vmem>>, vector<2048x40xf32>
    %slice3A = vector.extract_strided_slice %get3A_1 {offsets = [0, 0], sizes = [2048, 37], strides = [1, 1]} : vector<2048x40xf32> to vector<2048x37xf32>
    %slice3A_2 = vector.extract_strided_slice %get3A_1 {offsets = [0, 37], sizes = [2048, 3], strides = [1, 1]} : vector<2048x40xf32> to vector<2048x3xf32>
    %get3A_3 = arith.constant 0 : index
    %get3A_4 = arith.constant 0 : index
    %get3A_5 = vector.load %arg1[%get3A_3, %get3A_4] : memref<2048x128xf32, #tpu.memory_space<vmem>>, vector<2048x64xf32>
    %get3A_6 = arith.constant 0 : index
    %get3A_7 = arith.constant 64 : index
    %get3A_8 = vector.load %arg2[%get3A_6, %get3A_7] : memref<2048x128xf32, #tpu.memory_space<vmem>>, vector<2048x64xf32>
    %add3A = arith.addf %get3A_5, %get3A_8 : vector<2048x64xf32>
    %get3A_9 = arith.constant 0 : index
    %get3A_10 = arith.constant 0 : index
    %get3A_11 = vector.load %arg4[%get3A_9, %get3A_10] : memref<37x64xf32, #tpu.memory_space<vmem>>, vector<37x64xf32>
    %dot_general3A = arith.constant dense<0.000000e+00> : vector<2048x64xf32>
    %dot_general3A_12 = tpu.matmul %slice3A, %get3A_11, %dot_general3A {dimension_numbers = #tpu.dot_dimension_numbers<[1], [0], [0], [1], [0, 0, 1, 1], [], []>, transpose_lhs_hint = false} : vector<2048x37xf32>, vector<37x64xf32>, vector<2048x64xf32> -> vector<2048x64xf32>
    %add3A_13 = arith.addf %add3A, %dot_general3A_12 : vector<2048x64xf32>
    %get3A_14 = arith.constant 0 : index
    %get3A_15 = arith.constant 0 : index
    %get3A_16 = vector.load %arg5[%get3A_14, %get3A_15] : memref<1x64xf32, #tpu.memory_space<vmem>>, vector<1x64xf32>
    %add3A_17 = vector.broadcast %get3A_16 : vector<1x64xf32> to vector<2048x64xf32>
    %add3A_18 = arith.addf %add3A_13, %add3A_17 : vector<2048x64xf32>
    %integer_pow3A = arith.mulf %add3A_18, %add3A_18 : vector<2048x64xf32>
    %integer_pow3A_19 = arith.mulf %add3A_18, %integer_pow3A : vector<2048x64xf32>
    %mul3A = arith.constant 4.471500e-02 : f32
    %mul3A_20 = vector.broadcast %mul3A : f32 to vector<2048x64xf32>
    %mul3A_21 = arith.mulf %mul3A_20, %integer_pow3A_19 : vector<2048x64xf32>
    %add3A_22 = arith.addf %add3A_18, %mul3A_21 : vector<2048x64xf32>
    %mul3A_23 = arith.constant 0.797884583 : f32
    %mul3A_24 = vector.broadcast %mul3A_23 : f32 to vector<2048x64xf32>
    %mul3A_25 = arith.mulf %mul3A_24, %add3A_22 : vector<2048x64xf32>
    %tanh3A = math.tanh %mul3A_25 : vector<2048x64xf32>
    %add3A_26 = arith.constant 1.000000e+00 : f32
    %add3A_27 = vector.broadcast %add3A_26 : f32 to vector<2048x64xf32>
    %add3A_28 = arith.addf %add3A_27, %tanh3A : vector<2048x64xf32>
    %mul3A_29 = arith.constant 5.000000e-01 : f32
    %mul3A_30 = vector.broadcast %mul3A_29 : f32 to vector<2048x64xf32>
    %mul3A_31 = arith.mulf %mul3A_30, %add3A_28 : vector<2048x64xf32>
    %mul3A_32 = arith.mulf %add3A_18, %mul3A_31 : vector<2048x64xf32>
    %get3A_33 = arith.constant 0 : index
    %get3A_34 = arith.constant 0 : index
    %get3A_35 = vector.load %arg6[%get3A_33, %get3A_34] : memref<64x64xf32, #tpu.memory_space<vmem>>, vector<64x64xf32>
    %dot_general3A_36 = arith.constant dense<0.000000e+00> : vector<2048x64xf32>
    %dot_general3A_37 = tpu.matmul %mul3A_32, %get3A_35, %dot_general3A_36 {dimension_numbers = #tpu.dot_dimension_numbers<[1], [0], [0], [1], [0, 0, 1, 1], [], []>, transpose_lhs_hint = false} : vector<2048x64xf32>, vector<64x64xf32>, vector<2048x64xf32> -> vector<2048x64xf32>
    %get3A_38 = arith.constant 0 : index
    %get3A_39 = arith.constant 0 : index
    %get3A_40 = vector.load %arg7[%get3A_38, %get3A_39] : memref<1x64xf32, #tpu.memory_space<vmem>>, vector<1x64xf32>
    %add3A_41 = vector.broadcast %get3A_40 : vector<1x64xf32> to vector<2048x64xf32>
    %add3A_42 = arith.addf %dot_general3A_37, %add3A_41 : vector<2048x64xf32>
    %integer_pow3A_43 = arith.mulf %add3A_42, %add3A_42 : vector<2048x64xf32>
    %integer_pow3A_44 = arith.mulf %add3A_42, %integer_pow3A_43 : vector<2048x64xf32>
    %mul3A_45 = arith.constant 4.471500e-02 : f32
    %mul3A_46 = vector.broadcast %mul3A_45 : f32 to vector<2048x64xf32>
    %mul3A_47 = arith.mulf %mul3A_46, %integer_pow3A_44 : vector<2048x64xf32>
    %add3A_48 = arith.addf %add3A_42, %mul3A_47 : vector<2048x64xf32>
    %mul3A_49 = arith.constant 0.797884583 : f32
    %mul3A_50 = vector.broadcast %mul3A_49 : f32 to vector<2048x64xf32>
    %mul3A_51 = arith.mulf %mul3A_50, %add3A_48 : vector<2048x64xf32>
    %tanh3A_52 = math.tanh %mul3A_51 : vector<2048x64xf32>
    %add3A_53 = arith.constant 1.000000e+00 : f32
    %add3A_54 = vector.broadcast %add3A_53 : f32 to vector<2048x64xf32>
    %add3A_55 = arith.addf %add3A_54, %tanh3A_52 : vector<2048x64xf32>
    %mul3A_56 = arith.constant 5.000000e-01 : f32
    %mul3A_57 = vector.broadcast %mul3A_56 : f32 to vector<2048x64xf32>
    %mul3A_58 = arith.mulf %mul3A_57, %add3A_55 : vector<2048x64xf32>
    %mul3A_59 = arith.mulf %add3A_42, %mul3A_58 : vector<2048x64xf32>
    %get3A_60 = arith.constant 0 : index
    %get3A_61 = arith.constant 0 : index
    %get3A_62 = vector.load %arg8[%get3A_60, %get3A_61] : memref<64x1xf32, #tpu.memory_space<vmem>>, vector<64x1xf32>
    %dot_general3A_63 = arith.constant dense<0.000000e+00> : vector<2048x1xf32>
    %dot_general3A_64 = tpu.matmul %mul3A_59, %get3A_62, %dot_general3A_63 {dimension_numbers = #tpu.dot_dimension_numbers<[1], [0], [0], [1], [0, 0, 1, 1], [], []>, transpose_lhs_hint = false} : vector<2048x64xf32>, vector<64x1xf32>, vector<2048x1xf32> -> vector<2048x1xf32>
    %get3A_65 = arith.constant 0 : index
    %get3A_66 = arith.constant 0 : index
    %get3A_67 = vector.load %arg9[%get3A_65, %get3A_66] : memref<1x1xf32, #tpu.memory_space<vmem>>, vector<1x1xf32>
    %add3A_68 = vector.broadcast %get3A_67 : vector<1x1xf32> to vector<2048x1xf32>
    %add3A_69 = arith.addf %dot_general3A_64, %add3A_68 : vector<2048x1xf32>
    %mul3A_70 = vector.broadcast %add3A_69 : vector<2048x1xf32> to vector<2048x3xf32>
    %mul3A_71 = arith.mulf %mul3A_70, %slice3A_2 : vector<2048x3xf32>
    %broadcast_in_dim3A = arith.constant 0.000000e+00 : f32
    %broadcast_in_dim3A_72 = vector.broadcast %broadcast_in_dim3A : f32 to vector<2048x125xf32>
    %concatenate3A = tpu.concatenate %mul3A_71, %broadcast_in_dim3A_72 in 1 : vector<2048x3xf32>, vector<2048x125xf32> -> vector<2048x128xf32>
    %swap3A = arith.constant 0 : index
    %swap3A_73 = arith.constant 0 : index
    %swap3A_74 = vector.load %arg10[%swap3A, %swap3A_73] : memref<2048x128xf32, #tpu.memory_space<vmem>>, vector<2048x128xf32>
    tpu.vector_store %arg10[%swap3A, %swap3A_73], %concatenate3A {strides = array<i32>} : memref<2048x128xf32, #tpu.memory_space<vmem>>, vector<2048x128xf32>,
    return
  }
  func.func @transform_0(%arg0: i32) -> (i32, i32) {
    %c0_i32 = arith.constant 0 : i32
    %c0_i32_0 = arith.constant 0 : i32
    return %arg0, %c0_i32 : i32, i32
  }
  func.func @transform_1(%arg0: i32) -> (i32, i32) {
    %c0_i32 = arith.constant 0 : i32
    %c0_i32_0 = arith.constant 0 : i32
    return %arg0, %c0_i32 : i32, i32
  }
  func.func @transform_2(%arg0: i32) -> (i32, i32) {
    %c0_i32 = arith.constant 0 : i32
    %c0_i32_0 = arith.constant 0 : i32
    return %arg0, %c0_i32 : i32, i32
  }
  func.func @transform_3(%arg0: i32) -> (i32, i32) {
    %c0_i32 = arith.constant 0 : i32
    %c0_i32_0 = arith.constant 0 : i32
    %c0_i32_1 = arith.constant 0 : i32
    return %c0_i32, %c0_i32_0 : i32, i32
  }
  func.func @transform_4(%arg0: i32) -> (i32, i32) {
    %c0_i32 = arith.constant 0 : i32
    %c0_i32_0 = arith.constant 0 : i32
    %c0_i32_1 = arith.constant 0 : i32
    return %c0_i32, %c0_i32_0 : i32, i32
  }
  func.func @transform_5(%arg0: i32) -> (i32, i32) {
    %c0_i32 = arith.constant 0 : i32
    %c0_i32_0 = arith.constant 0 : i32
    %c0_i32_1 = arith.constant 0 : i32
    return %c0_i32, %c0_i32_0 : i32, i32
  }
  func.func @transform_6(%arg0: i32) -> (i32, i32) {
    %c0_i32 = arith.constant 0 : i32
    %c0_i32_0 = arith.constant 0 : i32
    %c0_i32_1 = arith.constant 0 : i32
    return %c0_i32, %c0_i32_0 : i32, i32
  }
  func.func @transform_7(%arg0: i32) -> (i32, i32) {
    %c0_i32 = arith.constant 0 : i32
    %c0_i32_0 = arith.constant 0 : i32
    %c0_i32_1 = arith.constant 0 : i32
    return %c0_i32, %c0_i32_0 : i32, i32
  }
  func.func @transform_8(%arg0: i32) -> (i32, i32) {
    %c0_i32 = arith.constant 0 : i32
    %c0_i32_0 = arith.constant 0 : i32
    %c0_i32_1 = arith.constant 0 : i32
    return %c0_i32, %c0_i32_0 : i32, i32
  }
  func.func @transform_9(%arg0: i32) -> (i32, i32) {
    %c0_i32 = arith.constant 0 : i32
    %c0_i32_0 = arith.constant 0 : i32
    return %arg0, %c0_i32 : i32, i32
  }
}

module attributes {stable_mosaic.version = 14 : i64} {
  func.func @transition(%arg0: i32, %arg1: memref<1000x3xf32, #tpu.memory_space<vmem>>, %arg2: memref<1000x3xf32, #tpu.memory_space<vmem>>, %arg3: memref<1000x3xf32, #tpu.memory_space<vmem>>, %arg4: memref<1000x1xf32, #tpu.memory_space<vmem>>, %arg5: memref<1000x2xf32, #tpu.memory_space<vmem>>, %arg6: memref<1000x128xf32, #tpu.memory_space<vmem>>, %arg7: memref<1000x128xf32, #tpu.memory_space<vmem>>, %arg8: memref<1000x64xf32, #tpu.memory_space<vmem>>, %arg9: memref<1000x64xf32, #tpu.memory_space<vmem>>, %arg10: memref<1000x128xf32, #tpu.memory_space<vmem>>, %arg11: memref<1000x128xf32, #tpu.memory_space<vmem>>, %arg12: memref<1000x3xf32, #tpu.memory_space<vmem>>) attributes {dimension_semantics = [#tpu.dimension_semantics<arbitrary>], iteration_bounds = array<i64: 10>, scalar_prefetch = 0 : i64, scratch_operands = 0 : i64, tpu.core_type = #tpu.core_type<tc>, window_params = [{transform_indices = @transform_0, window_bounds = array<i64: 1000, 3>}, {transform_indices = @transform_1, window_bounds = array<i64: 1000, 3>}, {transform_indices = @transform_2, window_bounds = array<i64: 1000, 3>}, {transform_indices = @transform_3, window_bounds = array<i64: 1000, 1>}, {transform_indices = @transform_4, window_bounds = array<i64: 1000, 2>}, {transform_indices = @transform_5, window_bounds = array<i64: 1000, 128>}, {transform_indices = @transform_6, window_bounds = array<i64: 1000, 128>}, {transform_indices = @transform_7, window_bounds = array<i64: 1000, 64>}, {transform_indices = @transform_8, window_bounds = array<i64: 1000, 64>}, {transform_indices = @transform_9, window_bounds = array<i64: 1000, 128>}, {transform_indices = @transform_10, window_bounds = array<i64: 1000, 128>}, {transform_indices = @transform_11, window_bounds = array<i64: 1000, 3>}]} {
    %get3A = arith.constant 0 : index
    %get3A_0 = arith.constant 0 : index
    %get3A_1 = vector.load %arg6[%get3A, %get3A_0] : memref<1000x128xf32, #tpu.memory_space<vmem>>, vector<1000x3xf32>
    %get3A_2 = arith.constant 0 : index
    %get3A_3 = arith.constant 0 : index
    %get3A_4 = vector.load %arg7[%get3A_2, %get3A_3] : memref<1000x128xf32, #tpu.memory_space<vmem>>, vector<1000x3xf32>
    %add3A = arith.addf %get3A_1, %get3A_4 : vector<1000x3xf32>
    %get3A_5 = arith.constant 0 : index
    %get3A_6 = arith.constant 0 : index
    %get3A_7 = vector.load %arg1[%get3A_5, %get3A_6] : memref<1000x3xf32, #tpu.memory_space<vmem>>, vector<1000x3xf32>
    %get3A_8 = arith.constant 0 : index
    %get3A_9 = arith.constant 0 : index
    %get3A_10 = vector.load %arg2[%get3A_8, %get3A_9] : memref<1000x3xf32, #tpu.memory_space<vmem>>, vector<1000x3xf32>
    %get3A_11 = arith.constant 0 : index
    %get3A_12 = arith.constant 0 : index
    %get3A_13 = vector.load %arg3[%get3A_11, %get3A_12] : memref<1000x3xf32, #tpu.memory_space<vmem>>, vector<1000x3xf32>
    %get3A_14 = arith.constant 0 : index
    %get3A_15 = arith.constant 0 : index
    %get3A_16 = vector.load %arg4[%get3A_14, %get3A_15] : memref<1000x1xf32, #tpu.memory_space<vmem>>, vector<1000x1xf32>
    %get3A_17 = arith.constant 0 : index
    %get3A_18 = arith.constant 0 : index
    %get3A_19 = vector.load %arg5[%get3A_17, %get3A_18] : memref<1000x2xf32, #tpu.memory_space<vmem>>, vector<1000x2xf32>
    %slice3A = vector.extract_strided_slice %get3A_19 {offsets = [0, 0], sizes = [1000, 1], strides = [1, 1]} : vector<1000x2xf32> to vector<1000x1xf32>
    %slice3A_20 = vector.extract_strided_slice %get3A_19 {offsets = [0, 1], sizes = [1000, 1], strides = [1, 1]} : vector<1000x2xf32> to vector<1000x1xf32>
    %add3A_21 = arith.addf %get3A_7, %add3A : vector<1000x3xf32>
    %sub3A = arith.constant 1.000000e+00 : f32
    %sub3A_22 = vector.broadcast %sub3A : f32 to vector<1000x1xf32>
    %sub3A_23 = arith.subf %sub3A_22, %get3A_16 : vector<1000x1xf32>
    %mul3A = arith.mulf %slice3A, %sub3A_23 : vector<1000x1xf32>
    %sub3A_24 = arith.subf %get3A_10, %get3A_7 : vector<1000x3xf32>
    %mul3A_25 = vector.broadcast %mul3A : vector<1000x1xf32> to vector<1000x3xf32>
    %mul3A_26 = arith.mulf %mul3A_25, %sub3A_24 : vector<1000x3xf32>
    %add3A_27 = arith.addf %add3A_21, %mul3A_26 : vector<1000x3xf32>
    %mul3A_28 = arith.mulf %slice3A_20, %get3A_16 : vector<1000x1xf32>
    %sub3A_29 = arith.subf %get3A_13, %get3A_7 : vector<1000x3xf32>
    %mul3A_30 = vector.broadcast %mul3A_28 : vector<1000x1xf32> to vector<1000x3xf32>
    %mul3A_31 = arith.mulf %mul3A_30, %sub3A_29 : vector<1000x3xf32>
    %add3A_32 = arith.addf %add3A_27, %mul3A_31 : vector<1000x3xf32>
    %swap3A = arith.constant 0 : index
    %swap3A_33 = arith.constant 0 : index
    %swap3A_34 = vector.load %arg12[%swap3A, %swap3A_33] : memref<1000x3xf32, #tpu.memory_space<vmem>>, vector<1000x3xf32>
    tpu.vector_store %arg12[%swap3A, %swap3A_33], %add3A_32 {strides = array<i32>} : memref<1000x3xf32, #tpu.memory_space<vmem>>, vector<1000x3xf32>,
    %get3A_35 = arith.constant 0 : index
    %get3A_36 = arith.constant 0 : index
    %get3A_37 = vector.load %arg2[%get3A_35, %get3A_36] : memref<1000x3xf32, #tpu.memory_space<vmem>>, vector<1000x3xf32>
    %get3A_38 = arith.constant 0 : index
    %get3A_39 = arith.constant 0 : index
    %get3A_40 = vector.load %arg3[%get3A_38, %get3A_39] : memref<1000x3xf32, #tpu.memory_space<vmem>>, vector<1000x3xf32>
    %broadcast_in_dim3A = arith.constant 0.000000e+00 : f32
    %broadcast_in_dim3A_41 = vector.broadcast %broadcast_in_dim3A : f32 to vector<1000x55xf32>
    %concatenate3A = tpu.concatenate %add3A_32, %get3A_37, %get3A_40, %broadcast_in_dim3A_41 in 1 : vector<1000x3xf32>, vector<1000x3xf32>, vector<1000x3xf32>, vector<1000x55xf32> -> vector<1000x64xf32>
    %get3A_42 = arith.constant 0 : index
    %get3A_43 = arith.constant 0 : index
    %get3A_44 = vector.load %arg8[%get3A_42, %get3A_43] : memref<1000x64xf32, #tpu.memory_space<vmem>>, vector<1000x64xf32>
    %concatenate3A_45 = tpu.concatenate %get3A_44, %concatenate3A in 1 : vector<1000x64xf32>, vector<1000x64xf32> -> vector<1000x128xf32>
    %swap3A_46 = arith.constant 0 : index
    %swap3A_47 = arith.constant 0 : index
    %swap3A_48 = vector.load %arg10[%swap3A_46, %swap3A_47] : memref<1000x128xf32, #tpu.memory_space<vmem>>, vector<1000x128xf32>
    tpu.vector_store %arg10[%swap3A_46, %swap3A_47], %concatenate3A_45 {strides = array<i32>} : memref<1000x128xf32, #tpu.memory_space<vmem>>, vector<1000x128xf32>,
    %get3A_49 = arith.constant 0 : index
    %get3A_50 = arith.constant 0 : index
    %get3A_51 = vector.load %arg9[%get3A_49, %get3A_50] : memref<1000x64xf32, #tpu.memory_space<vmem>>, vector<1000x64xf32>
    %concatenate3A_52 = tpu.concatenate %get3A_51, %concatenate3A in 1 : vector<1000x64xf32>, vector<1000x64xf32> -> vector<1000x128xf32>
    %swap3A_53 = arith.constant 0 : index
    %swap3A_54 = arith.constant 0 : index
    %swap3A_55 = vector.load %arg11[%swap3A_53, %swap3A_54] : memref<1000x128xf32, #tpu.memory_space<vmem>>, vector<1000x128xf32>
    tpu.vector_store %arg11[%swap3A_53, %swap3A_54], %concatenate3A_52 {strides = array<i32>} : memref<1000x128xf32, #tpu.memory_space<vmem>>, vector<1000x128xf32>,
    return
  }
  func.func @transform_0(%arg0: i32) -> (i32, i32) {
    %c0_i32 = arith.constant 0 : i32
    %c0_i32_0 = arith.constant 0 : i32
    return %arg0, %c0_i32 : i32, i32
  }
  func.func @transform_1(%arg0: i32) -> (i32, i32) {
    %c0_i32 = arith.constant 0 : i32
    %c0_i32_0 = arith.constant 0 : i32
    return %arg0, %c0_i32 : i32, i32
  }
  func.func @transform_2(%arg0: i32) -> (i32, i32) {
    %c0_i32 = arith.constant 0 : i32
    %c0_i32_0 = arith.constant 0 : i32
    return %arg0, %c0_i32 : i32, i32
  }
  func.func @transform_3(%arg0: i32) -> (i32, i32) {
    %c0_i32 = arith.constant 0 : i32
    %c0_i32_0 = arith.constant 0 : i32
    return %arg0, %c0_i32 : i32, i32
  }
  func.func @transform_4(%arg0: i32) -> (i32, i32) {
    %c0_i32 = arith.constant 0 : i32
    %c0_i32_0 = arith.constant 0 : i32
    return %arg0, %c0_i32 : i32, i32
  }
  func.func @transform_5(%arg0: i32) -> (i32, i32) {
    %c0_i32 = arith.constant 0 : i32
    %c0_i32_0 = arith.constant 0 : i32
    return %arg0, %c0_i32 : i32, i32
  }
  func.func @transform_6(%arg0: i32) -> (i32, i32) {
    %c0_i32 = arith.constant 0 : i32
    %c0_i32_0 = arith.constant 0 : i32
    return %arg0, %c0_i32 : i32, i32
  }
  func.func @transform_7(%arg0: i32) -> (i32, i32) {
    %c0_i32 = arith.constant 0 : i32
    %c0_i32_0 = arith.constant 0 : i32
    return %arg0, %c0_i32 : i32, i32
  }
  func.func @transform_8(%arg0: i32) -> (i32, i32) {
    %c0_i32 = arith.constant 0 : i32
    %c0_i32_0 = arith.constant 0 : i32
    return %arg0, %c0_i32 : i32, i32
  }
  func.func @transform_9(%arg0: i32) -> (i32, i32) {
    %c0_i32 = arith.constant 0 : i32
    %c0_i32_0 = arith.constant 0 : i32
    return %arg0, %c0_i32 : i32, i32
  }
  func.func @transform_10(%arg0: i32) -> (i32, i32) {
    %c0_i32 = arith.constant 0 : i32
    %c0_i32_0 = arith.constant 0 : i32
    return %arg0, %c0_i32 : i32, i32
  }
  func.func @transform_11(%arg0: i32) -> (i32, i32) {
    %c0_i32 = arith.constant 0 : i32
    %c0_i32_0 = arith.constant 0 : i32
    return %arg0, %c0_i32 : i32, i32
  }
}

module attributes {stable_mosaic.version = 14 : i64} {
  func.func @node_update1(%arg0: i32, %arg1: memref<1000x224xf32, #tpu.memory_space<vmem>>, %arg2: memref<1000x128xf32, #tpu.memory_space<vmem>>, %arg3: memref<1000x128xf32, #tpu.memory_space<vmem>>, %arg4: memref<224x64xf32, #tpu.memory_space<vmem>>, %arg5: memref<64x64xf32, #tpu.memory_space<vmem>>, %arg6: memref<1x64xf32, #tpu.memory_space<vmem>>, %arg7: memref<64x64xf32, #tpu.memory_space<vmem>>, %arg8: memref<1x64xf32, #tpu.memory_space<vmem>>, %arg9: memref<64x224xf32, #tpu.memory_space<vmem>>, %arg10: memref<1x224xf32, #tpu.memory_space<vmem>>, %arg11: memref<224x64xf32, #tpu.memory_space<vmem>>, %arg12: memref<224x64xf32, #tpu.memory_space<vmem>>, %arg13: memref<224x64xf32, #tpu.memory_space<vmem>>, %arg14: memref<1x64xf32, #tpu.memory_space<vmem>>, %arg15: memref<64x64xf32, #tpu.memory_space<vmem>>, %arg16: memref<1x64xf32, #tpu.memory_space<vmem>>, %arg17: memref<64x1xf32, #tpu.memory_space<vmem>>, %arg18: memref<1x1xf32, #tpu.memory_space<vmem>>, %arg19: memref<224x64xf32, #tpu.memory_space<vmem>>, %arg20: memref<1x64xf32, #tpu.memory_space<vmem>>, %arg21: memref<64x64xf32, #tpu.memory_space<vmem>>, %arg22: memref<1x64xf32, #tpu.memory_space<vmem>>, %arg23: memref<64x1xf32, #tpu.memory_space<vmem>>, %arg24: memref<1x1xf32, #tpu.memory_space<vmem>>, %arg25: memref<1000x224xf32, #tpu.memory_space<vmem>>, %arg26: memref<1000x128xf32, #tpu.memory_space<vmem>>, %arg27: memref<1000x2xf32, #tpu.memory_space<vmem>>) attributes {dimension_semantics = [#tpu.dimension_semantics<arbitrary>], iteration_bounds = array<i64: 10>, scalar_prefetch = 0 : i64, scratch_operands = 0 : i64, tpu.core_type = #tpu.core_type<tc>, window_params = [{transform_indices = @transform_0, window_bounds = array<i64: 1000, 224>}, {transform_indices = @transform_1, window_bounds = array<i64: 1000, 128>}, {transform_indices = @transform_2, window_bounds = array<i64: 1000, 128>}, {pipeline_mode = #tpu.pipeline_mode<synchronous>, transform_indices = @transform_3, window_bounds = array<i64: 224, 64>}, {pipeline_mode = #tpu.pipeline_mode<synchronous>, transform_indices = @transform_4, window_bounds = array<i64: 64, 64>}, {pipeline_mode = #tpu.pipeline_mode<synchronous>, transform_indices = @transform_5, window_bounds = array<i64: 1, 64>}, {pipeline_mode = #tpu.pipeline_mode<synchronous>, transform_indices = @transform_6, window_bounds = array<i64: 64, 64>}, {pipeline_mode = #tpu.pipeline_mode<synchronous>, transform_indices = @transform_7, window_bounds = array<i64: 1, 64>}, {pipeline_mode = #tpu.pipeline_mode<synchronous>, transform_indices = @transform_8, window_bounds = array<i64: 64, 224>}, {pipeline_mode = #tpu.pipeline_mode<synchronous>, transform_indices = @transform_9, window_bounds = array<i64: 1, 224>}, {pipeline_mode = #tpu.pipeline_mode<synchronous>, transform_indices = @transform_10, window_bounds = array<i64: 224, 64>}, {pipeline_mode = #tpu.pipeline_mode<synchronous>, transform_indices = @transform_11, window_bounds = array<i64: 224, 64>}, {pipeline_mode = #tpu.pipeline_mode<synchronous>, transform_indices = @transform_12, window_bounds = array<i64: 224, 64>}, {pipeline_mode = #tpu.pipeline_mode<synchronous>, transform_indices = @transform_13, window_bounds = array<i64: 1, 64>}, {pipeline_mode = #tpu.pipeline_mode<synchronous>, transform_indices = @transform_14, window_bounds = array<i64: 64, 64>}, {pipeline_mode = #tpu.pipeline_mode<synchronous>, transform_indices = @transform_15, window_bounds = array<i64: 1, 64>}, {pipeline_mode = #tpu.pipeline_mode<synchronous>, transform_indices = @transform_16, window_bounds = array<i64: 64, 1>}, {pipeline_mode = #tpu.pipeline_mode<synchronous>, transform_indices = @transform_17, window_bounds = array<i64: 1, 1>}, {pipeline_mode = #tpu.pipeline_mode<synchronous>, transform_indices = @transform_18, window_bounds = array<i64: 224, 64>}, {pipeline_mode = #tpu.pipeline_mode<synchronous>, transform_indices = @transform_19, window_bounds = array<i64: 1, 64>}, {pipeline_mode = #tpu.pipeline_mode<synchronous>, transform_indices = @transform_20, window_bounds = array<i64: 64, 64>}, {pipeline_mode = #tpu.pipeline_mode<synchronous>, transform_indices = @transform_21, window_bounds = array<i64: 1, 64>}, {pipeline_mode = #tpu.pipeline_mode<synchronous>, transform_indices = @transform_22, window_bounds = array<i64: 64, 1>}, {pipeline_mode = #tpu.pipeline_mode<synchronous>, transform_indices = @transform_23, window_bounds = array<i64: 1, 1>}, {transform_indices = @transform_24, window_bounds = array<i64: 1000, 224>}, {transform_indices = @transform_25, window_bounds = array<i64: 1000, 128>}, {transform_indices = @transform_26, window_bounds = array<i64: 1000, 2>}]} {
    %get3A = arith.constant 0 : index
    %get3A_0 = arith.constant 0 : index
    %get3A_1 = vector.load %arg1[%get3A, %get3A_0] : memref<1000x224xf32, #tpu.memory_space<vmem>>, vector<1000x224xf32>
    %get3A_2 = arith.constant 0 : index
    %get3A_3 = arith.constant 0 : index
    %get3A_4 = vector.load %arg2[%get3A_2, %get3A_3] : memref<1000x128xf32, #tpu.memory_space<vmem>>, vector<1000x64xf32>
    %get3A_5 = arith.constant 0 : index
    %get3A_6 = arith.constant 0 : index
    %get3A_7 = vector.load %arg3[%get3A_5, %get3A_6] : memref<1000x128xf32, #tpu.memory_space<vmem>>, vector<1000x64xf32>
    %add3A = arith.addf %get3A_4, %get3A_7 : vector<1000x64xf32>
    %get3A_8 = arith.constant 0 : index
    %get3A_9 = arith.constant 0 : index
    %get3A_10 = vector.load %arg4[%get3A_8, %get3A_9] : memref<224x64xf32, #tpu.memory_space<vmem>>, vector<224x64xf32>
    %dot_general3A = arith.constant dense<0.000000e+00> : vector<1000x64xf32>
    %dot_general3A_11 = tpu.matmul %get3A_1, %get3A_10, %dot_general3A {dimension_numbers = #tpu.dot_dimension_numbers<[1], [0], [0], [1], [0, 0, 1, 1], [], []>, transpose_lhs_hint = false} : vector<1000x224xf32>, vector<224x64xf32>, vector<1000x64xf32> -> vector<1000x64xf32>
    %get3A_12 = arith.constant 0 : index
    %get3A_13 = arith.constant 0 : index
    %get3A_14 = vector.load %arg5[%get3A_12, %get3A_13] : memref<64x64xf32, #tpu.memory_space<vmem>>, vector<64x64xf32>
    %dot_general3A_15 = arith.constant dense<0.000000e+00> : vector<1000x64xf32>
    %dot_general3A_16 = tpu.matmul %add3A, %get3A_14, %dot_general3A_15 {dimension_numbers = #tpu.dot_dimension_numbers<[1], [0], [0], [1], [0, 0, 1, 1], [], []>, transpose_lhs_hint = false} : vector<1000x64xf32>, vector<64x64xf32>, vector<1000x64xf32> -> vector<1000x64xf32>
    %add3A_17 = arith.addf %dot_general3A_11, %dot_general3A_16 : vector<1000x64xf32>
    %get3A_18 = arith.constant 0 : index
    %get3A_19 = arith.constant 0 : index
    %get3A_20 = vector.load %arg6[%get3A_18, %get3A_19] : memref<1x64xf32, #tpu.memory_space<vmem>>, vector<1x64xf32>
    %add3A_21 = vector.broadcast %get3A_20 : vector<1x64xf32> to vector<1000x64xf32>
    %add3A_22 = arith.addf %add3A_17, %add3A_21 : vector<1000x64xf32>
    %integer_pow3A = arith.mulf %add3A_22, %add3A_22 : vector<1000x64xf32>
    %integer_pow3A_23 = arith.mulf %add3A_22, %integer_pow3A : vector<1000x64xf32>
    %mul3A = arith.constant 4.471500e-02 : f32
    %mul3A_24 = vector.broadcast %mul3A : f32 to vector<1000x64xf32>
    %mul3A_25 = arith.mulf %mul3A_24, %integer_pow3A_23 : vector<1000x64xf32>
    %add3A_26 = arith.addf %add3A_22, %mul3A_25 : vector<1000x64xf32>
    %mul3A_27 = arith.constant 0.797884583 : f32
    %mul3A_28 = vector.broadcast %mul3A_27 : f32 to vector<1000x64xf32>
    %mul3A_29 = arith.mulf %mul3A_28, %add3A_26 : vector<1000x64xf32>
    %tanh3A = math.tanh %mul3A_29 : vector<1000x64xf32>
    %add3A_30 = arith.constant 1.000000e+00 : f32
    %add3A_31 = vector.broadcast %add3A_30 : f32 to vector<1000x64xf32>
    %add3A_32 = arith.addf %add3A_31, %tanh3A : vector<1000x64xf32>
    %mul3A_33 = arith.constant 5.000000e-01 : f32
    %mul3A_34 = vector.broadcast %mul3A_33 : f32 to vector<1000x64xf32>
    %mul3A_35 = arith.mulf %mul3A_34, %add3A_32 : vector<1000x64xf32>
    %mul3A_36 = arith.mulf %add3A_22, %mul3A_35 : vector<1000x64xf32>
    %get3A_37 = arith.constant 0 : index
    %get3A_38 = arith.constant 0 : index
    %get3A_39 = vector.load %arg7[%get3A_37, %get3A_38] : memref<64x64xf32, #tpu.memory_space<vmem>>, vector<64x64xf32>
    %dot_general3A_40 = arith.constant dense<0.000000e+00> : vector<1000x64xf32>
    %dot_general3A_41 = tpu.matmul %mul3A_36, %get3A_39, %dot_general3A_40 {dimension_numbers = #tpu.dot_dimension_numbers<[1], [0], [0], [1], [0, 0, 1, 1], [], []>, transpose_lhs_hint = false} : vector<1000x64xf32>, vector<64x64xf32>, vector<1000x64xf32> -> vector<1000x64xf32>
    %get3A_42 = arith.constant 0 : index
    %get3A_43 = arith.constant 0 : index
    %get3A_44 = vector.load %arg8[%get3A_42, %get3A_43] : memref<1x64xf32, #tpu.memory_space<vmem>>, vector<1x64xf32>
    %add3A_45 = vector.broadcast %get3A_44 : vector<1x64xf32> to vector<1000x64xf32>
    %add3A_46 = arith.addf %dot_general3A_41, %add3A_45 : vector<1000x64xf32>
    %integer_pow3A_47 = arith.mulf %add3A_46, %add3A_46 : vector<1000x64xf32>
    %integer_pow3A_48 = arith.mulf %add3A_46, %integer_pow3A_47 : vector<1000x64xf32>
    %mul3A_49 = arith.constant 4.471500e-02 : f32
    %mul3A_50 = vector.broadcast %mul3A_49 : f32 to vector<1000x64xf32>
    %mul3A_51 = arith.mulf %mul3A_50, %integer_pow3A_48 : vector<1000x64xf32>
    %add3A_52 = arith.addf %add3A_46, %mul3A_51 : vector<1000x64xf32>
    %mul3A_53 = arith.constant 0.797884583 : f32
    %mul3A_54 = vector.broadcast %mul3A_53 : f32 to vector<1000x64xf32>
    %mul3A_55 = arith.mulf %mul3A_54, %add3A_52 : vector<1000x64xf32>
    %tanh3A_56 = math.tanh %mul3A_55 : vector<1000x64xf32>
    %add3A_57 = arith.constant 1.000000e+00 : f32
    %add3A_58 = vector.broadcast %add3A_57 : f32 to vector<1000x64xf32>
    %add3A_59 = arith.addf %add3A_58, %tanh3A_56 : vector<1000x64xf32>
    %mul3A_60 = arith.constant 5.000000e-01 : f32
    %mul3A_61 = vector.broadcast %mul3A_60 : f32 to vector<1000x64xf32>
    %mul3A_62 = arith.mulf %mul3A_61, %add3A_59 : vector<1000x64xf32>
    %mul3A_63 = arith.mulf %add3A_46, %mul3A_62 : vector<1000x64xf32>
    %get3A_64 = arith.constant 0 : index
    %get3A_65 = arith.constant 0 : index
    %get3A_66 = vector.load %arg9[%get3A_64, %get3A_65] : memref<64x224xf32, #tpu.memory_space<vmem>>, vector<64x224xf32>
    %dot_general3A_67 = arith.constant dense<0.000000e+00> : vector<1000x224xf32>
    %dot_general3A_68 = tpu.matmul %mul3A_63, %get3A_66, %dot_general3A_67 {dimension_numbers = #tpu.dot_dimension_numbers<[1], [0], [0], [1], [0, 0, 1, 1], [], []>, transpose_lhs_hint = false} : vector<1000x64xf32>, vector<64x224xf32>, vector<1000x224xf32> -> vector<1000x224xf32>
    %add3A_69 = arith.addf %get3A_1, %dot_general3A_68 : vector<1000x224xf32>
    %get3A_70 = arith.constant 0 : index
    %get3A_71 = arith.constant 0 : index
    %get3A_72 = vector.load %arg10[%get3A_70, %get3A_71] : memref<1x224xf32, #tpu.memory_space<vmem>>, vector<1x224xf32>
    %add3A_73 = vector.broadcast %get3A_72 : vector<1x224xf32> to vector<1000x224xf32>
    %add3A_74 = arith.addf %add3A_69, %add3A_73 : vector<1000x224xf32>
    %swap3A = arith.constant 0 : index
    %swap3A_75 = arith.constant 0 : index
    %swap3A_76 = vector.load %arg25[%swap3A, %swap3A_75] : memref<1000x224xf32, #tpu.memory_space<vmem>>, vector<1000x224xf32>
    tpu.vector_store %arg25[%swap3A, %swap3A_75], %add3A_74 {strides = array<i32>} : memref<1000x224xf32, #tpu.memory_space<vmem>>, vector<1000x224xf32>,
    %get3A_77 = arith.constant 0 : index
    %get3A_78 = arith.constant 0 : index
    %get3A_79 = vector.load %arg11[%get3A_77, %get3A_78] : memref<224x64xf32, #tpu.memory_space<vmem>>, vector<224x64xf32>
    %dot_general3A_80 = arith.constant dense<0.000000e+00> : vector<1000x64xf32>
    %dot_general3A_81 = tpu.matmul %add3A_74, %get3A_79, %dot_general3A_80 {dimension_numbers = #tpu.dot_dimension_numbers<[1], [0], [0], [1], [0, 0, 1, 1], [], []>, transpose_lhs_hint = false} : vector<1000x224xf32>, vector<224x64xf32>, vector<1000x64xf32> -> vector<1000x64xf32>
    %get3A_82 = arith.constant 0 : index
    %get3A_83 = arith.constant 0 : index
    %get3A_84 = vector.load %arg12[%get3A_82, %get3A_83] : memref<224x64xf32, #tpu.memory_space<vmem>>, vector<224x64xf32>
    %dot_general3A_85 = arith.constant dense<0.000000e+00> : vector<1000x64xf32>
    %dot_general3A_86 = tpu.matmul %add3A_74, %get3A_84, %dot_general3A_85 {dimension_numbers = #tpu.dot_dimension_numbers<[1], [0], [0], [1], [0, 0, 1, 1], [], []>, transpose_lhs_hint = false} : vector<1000x224xf32>, vector<224x64xf32>, vector<1000x64xf32> -> vector<1000x64xf32>
    %concatenate3A = tpu.concatenate %dot_general3A_81, %dot_general3A_86 in 1 : vector<1000x64xf32>, vector<1000x64xf32> -> vector<1000x128xf32>
    %swap3A_87 = arith.constant 0 : index
    %swap3A_88 = arith.constant 0 : index
    %swap3A_89 = vector.load %arg26[%swap3A_87, %swap3A_88] : memref<1000x128xf32, #tpu.memory_space<vmem>>, vector<1000x128xf32>
    tpu.vector_store %arg26[%swap3A_87, %swap3A_88], %concatenate3A {strides = array<i32>} : memref<1000x128xf32, #tpu.memory_space<vmem>>, vector<1000x128xf32>,
    %get3A_90 = arith.constant 0 : index
    %get3A_91 = arith.constant 0 : index
    %get3A_92 = vector.load %arg13[%get3A_90, %get3A_91] : memref<224x64xf32, #tpu.memory_space<vmem>>, vector<224x64xf32>
    %dot_general3A_93 = arith.constant dense<0.000000e+00> : vector<1000x64xf32>
    %dot_general3A_94 = tpu.matmul %add3A_74, %get3A_92, %dot_general3A_93 {dimension_numbers = #tpu.dot_dimension_numbers<[1], [0], [0], [1], [0, 0, 1, 1], [], []>, transpose_lhs_hint = false} : vector<1000x224xf32>, vector<224x64xf32>, vector<1000x64xf32> -> vector<1000x64xf32>
    %get3A_95 = arith.constant 0 : index
    %get3A_96 = arith.constant 0 : index
    %get3A_97 = vector.load %arg14[%get3A_95, %get3A_96] : memref<1x64xf32, #tpu.memory_space<vmem>>, vector<1x64xf32>
    %add3A_98 = vector.broadcast %get3A_97 : vector<1x64xf32> to vector<1000x64xf32>
    %add3A_99 = arith.addf %dot_general3A_94, %add3A_98 : vector<1000x64xf32>
    %integer_pow3A_100 = arith.mulf %add3A_99, %add3A_99 : vector<1000x64xf32>
    %integer_pow3A_101 = arith.mulf %add3A_99, %integer_pow3A_100 : vector<1000x64xf32>
    %mul3A_102 = arith.constant 4.471500e-02 : f32
    %mul3A_103 = vector.broadcast %mul3A_102 : f32 to vector<1000x64xf32>
    %mul3A_104 = arith.mulf %mul3A_103, %integer_pow3A_101 : vector<1000x64xf32>
    %add3A_105 = arith.addf %add3A_99, %mul3A_104 : vector<1000x64xf32>
    %mul3A_106 = arith.constant 0.797884583 : f32
    %mul3A_107 = vector.broadcast %mul3A_106 : f32 to vector<1000x64xf32>
    %mul3A_108 = arith.mulf %mul3A_107, %add3A_105 : vector<1000x64xf32>
    %tanh3A_109 = math.tanh %mul3A_108 : vector<1000x64xf32>
    %add3A_110 = arith.constant 1.000000e+00 : f32
    %add3A_111 = vector.broadcast %add3A_110 : f32 to vector<1000x64xf32>
    %add3A_112 = arith.addf %add3A_111, %tanh3A_109 : vector<1000x64xf32>
    %mul3A_113 = arith.constant 5.000000e-01 : f32
    %mul3A_114 = vector.broadcast %mul3A_113 : f32 to vector<1000x64xf32>
    %mul3A_115 = arith.mulf %mul3A_114, %add3A_112 : vector<1000x64xf32>
    %mul3A_116 = arith.mulf %add3A_99, %mul3A_115 : vector<1000x64xf32>
    %get3A_117 = arith.constant 0 : index
    %get3A_118 = arith.constant 0 : index
    %get3A_119 = vector.load %arg15[%get3A_117, %get3A_118] : memref<64x64xf32, #tpu.memory_space<vmem>>, vector<64x64xf32>
    %dot_general3A_120 = arith.constant dense<0.000000e+00> : vector<1000x64xf32>
    %dot_general3A_121 = tpu.matmul %mul3A_116, %get3A_119, %dot_general3A_120 {dimension_numbers = #tpu.dot_dimension_numbers<[1], [0], [0], [1], [0, 0, 1, 1], [], []>, transpose_lhs_hint = false} : vector<1000x64xf32>, vector<64x64xf32>, vector<1000x64xf32> -> vector<1000x64xf32>
    %get3A_122 = arith.constant 0 : index
    %get3A_123 = arith.constant 0 : index
    %get3A_124 = vector.load %arg16[%get3A_122, %get3A_123] : memref<1x64xf32, #tpu.memory_space<vmem>>, vector<1x64xf32>
    %add3A_125 = vector.broadcast %get3A_124 : vector<1x64xf32> to vector<1000x64xf32>
    %add3A_126 = arith.addf %dot_general3A_121, %add3A_125 : vector<1000x64xf32>
    %integer_pow3A_127 = arith.mulf %add3A_126, %add3A_126 : vector<1000x64xf32>
    %integer_pow3A_128 = arith.mulf %add3A_126, %integer_pow3A_127 : vector<1000x64xf32>
    %mul3A_129 = arith.constant 4.471500e-02 : f32
    %mul3A_130 = vector.broadcast %mul3A_129 : f32 to vector<1000x64xf32>
    %mul3A_131 = arith.mulf %mul3A_130, %integer_pow3A_128 : vector<1000x64xf32>
    %add3A_132 = arith.addf %add3A_126, %mul3A_131 : vector<1000x64xf32>
    %mul3A_133 = arith.constant 0.797884583 : f32
    %mul3A_134 = vector.broadcast %mul3A_133 : f32 to vector<1000x64xf32>
    %mul3A_135 = arith.mulf %mul3A_134, %add3A_132 : vector<1000x64xf32>
    %tanh3A_136 = math.tanh %mul3A_135 : vector<1000x64xf32>
    %add3A_137 = arith.constant 1.000000e+00 : f32
    %add3A_138 = vector.broadcast %add3A_137 : f32 to vector<1000x64xf32>
    %add3A_139 = arith.addf %add3A_138, %tanh3A_136 : vector<1000x64xf32>
    %mul3A_140 = arith.constant 5.000000e-01 : f32
    %mul3A_141 = vector.broadcast %mul3A_140 : f32 to vector<1000x64xf32>
    %mul3A_142 = arith.mulf %mul3A_141, %add3A_139 : vector<1000x64xf32>
    %mul3A_143 = arith.mulf %add3A_126, %mul3A_142 : vector<1000x64xf32>
    %get3A_144 = arith.constant 0 : index
    %get3A_145 = arith.constant 0 : index
    %get3A_146 = vector.load %arg17[%get3A_144, %get3A_145] : memref<64x1xf32, #tpu.memory_space<vmem>>, vector<64x1xf32>
    %dot_general3A_147 = arith.constant dense<0.000000e+00> : vector<1000x1xf32>
    %dot_general3A_148 = tpu.matmul %mul3A_143, %get3A_146, %dot_general3A_147 {dimension_numbers = #tpu.dot_dimension_numbers<[1], [0], [0], [1], [0, 0, 1, 1], [], []>, transpose_lhs_hint = false} : vector<1000x64xf32>, vector<64x1xf32>, vector<1000x1xf32> -> vector<1000x1xf32>
    %get3A_149 = arith.constant 0 : index
    %get3A_150 = arith.constant 0 : index
    %get3A_151 = vector.load %arg18[%get3A_149, %get3A_150] : memref<1x1xf32, #tpu.memory_space<vmem>>, vector<1x1xf32>
    %add3A_152 = vector.broadcast %get3A_151 : vector<1x1xf32> to vector<1000x1xf32>
    %add3A_153 = arith.addf %dot_general3A_148, %add3A_152 : vector<1000x1xf32>
    %get3A_154 = arith.constant 0 : index
    %get3A_155 = arith.constant 0 : index
    %get3A_156 = vector.load %arg19[%get3A_154, %get3A_155] : memref<224x64xf32, #tpu.memory_space<vmem>>, vector<224x64xf32>
    %dot_general3A_157 = arith.constant dense<0.000000e+00> : vector<1000x64xf32>
    %dot_general3A_158 = tpu.matmul %add3A_74, %get3A_156, %dot_general3A_157 {dimension_numbers = #tpu.dot_dimension_numbers<[1], [0], [0], [1], [0, 0, 1, 1], [], []>, transpose_lhs_hint = false} : vector<1000x224xf32>, vector<224x64xf32>, vector<1000x64xf32> -> vector<1000x64xf32>
    %get3A_159 = arith.constant 0 : index
    %get3A_160 = arith.constant 0 : index
    %get3A_161 = vector.load %arg20[%get3A_159, %get3A_160] : memref<1x64xf32, #tpu.memory_space<vmem>>, vector<1x64xf32>
    %add3A_162 = vector.broadcast %get3A_161 : vector<1x64xf32> to vector<1000x64xf32>
    %add3A_163 = arith.addf %dot_general3A_158, %add3A_162 : vector<1000x64xf32>
    %integer_pow3A_164 = arith.mulf %add3A_163, %add3A_163 : vector<1000x64xf32>
    %integer_pow3A_165 = arith.mulf %add3A_163, %integer_pow3A_164 : vector<1000x64xf32>
    %mul3A_166 = arith.constant 4.471500e-02 : f32
    %mul3A_167 = vector.broadcast %mul3A_166 : f32 to vector<1000x64xf32>
    %mul3A_168 = arith.mulf %mul3A_167, %integer_pow3A_165 : vector<1000x64xf32>
    %add3A_169 = arith.addf %add3A_163, %mul3A_168 : vector<1000x64xf32>
    %mul3A_170 = arith.constant 0.797884583 : f32
    %mul3A_171 = vector.broadcast %mul3A_170 : f32 to vector<1000x64xf32>
    %mul3A_172 = arith.mulf %mul3A_171, %add3A_169 : vector<1000x64xf32>
    %tanh3A_173 = math.tanh %mul3A_172 : vector<1000x64xf32>
    %add3A_174 = arith.constant 1.000000e+00 : f32
    %add3A_175 = vector.broadcast %add3A_174 : f32 to vector<1000x64xf32>
    %add3A_176 = arith.addf %add3A_175, %tanh3A_173 : vector<1000x64xf32>
    %mul3A_177 = arith.constant 5.000000e-01 : f32
    %mul3A_178 = vector.broadcast %mul3A_177 : f32 to vector<1000x64xf32>
    %mul3A_179 = arith.mulf %mul3A_178, %add3A_176 : vector<1000x64xf32>
    %mul3A_180 = arith.mulf %add3A_163, %mul3A_179 : vector<1000x64xf32>
    %get3A_181 = arith.constant 0 : index
    %get3A_182 = arith.constant 0 : index
    %get3A_183 = vector.load %arg21[%get3A_181, %get3A_182] : memref<64x64xf32, #tpu.memory_space<vmem>>, vector<64x64xf32>
    %dot_general3A_184 = arith.constant dense<0.000000e+00> : vector<1000x64xf32>
    %dot_general3A_185 = tpu.matmul %mul3A_180, %get3A_183, %dot_general3A_184 {dimension_numbers = #tpu.dot_dimension_numbers<[1], [0], [0], [1], [0, 0, 1, 1], [], []>, transpose_lhs_hint = false} : vector<1000x64xf32>, vector<64x64xf32>, vector<1000x64xf32> -> vector<1000x64xf32>
    %get3A_186 = arith.constant 0 : index
    %get3A_187 = arith.constant 0 : index
    %get3A_188 = vector.load %arg22[%get3A_186, %get3A_187] : memref<1x64xf32, #tpu.memory_space<vmem>>, vector<1x64xf32>
    %add3A_189 = vector.broadcast %get3A_188 : vector<1x64xf32> to vector<1000x64xf32>
    %add3A_190 = arith.addf %dot_general3A_185, %add3A_189 : vector<1000x64xf32>
    %integer_pow3A_191 = arith.mulf %add3A_190, %add3A_190 : vector<1000x64xf32>
    %integer_pow3A_192 = arith.mulf %add3A_190, %integer_pow3A_191 : vector<1000x64xf32>
    %mul3A_193 = arith.constant 4.471500e-02 : f32
    %mul3A_194 = vector.broadcast %mul3A_193 : f32 to vector<1000x64xf32>
    %mul3A_195 = arith.mulf %mul3A_194, %integer_pow3A_192 : vector<1000x64xf32>
    %add3A_196 = arith.addf %add3A_190, %mul3A_195 : vector<1000x64xf32>
    %mul3A_197 = arith.constant 0.797884583 : f32
    %mul3A_198 = vector.broadcast %mul3A_197 : f32 to vector<1000x64xf32>
    %mul3A_199 = arith.mulf %mul3A_198, %add3A_196 : vector<1000x64xf32>
    %tanh3A_200 = math.tanh %mul3A_199 : vector<1000x64xf32>
    %add3A_201 = arith.constant 1.000000e+00 : f32
    %add3A_202 = vector.broadcast %add3A_201 : f32 to vector<1000x64xf32>
    %add3A_203 = arith.addf %add3A_202, %tanh3A_200 : vector<1000x64xf32>
    %mul3A_204 = arith.constant 5.000000e-01 : f32
    %mul3A_205 = vector.broadcast %mul3A_204 : f32 to vector<1000x64xf32>
    %mul3A_206 = arith.mulf %mul3A_205, %add3A_203 : vector<1000x64xf32>
    %mul3A_207 = arith.mulf %add3A_190, %mul3A_206 : vector<1000x64xf32>
    %get3A_208 = arith.constant 0 : index
    %get3A_209 = arith.constant 0 : index
    %get3A_210 = vector.load %arg23[%get3A_208, %get3A_209] : memref<64x1xf32, #tpu.memory_space<vmem>>, vector<64x1xf32>
    %dot_general3A_211 = arith.constant dense<0.000000e+00> : vector<1000x1xf32>
    %dot_general3A_212 = tpu.matmul %mul3A_207, %get3A_210, %dot_general3A_211 {dimension_numbers = #tpu.dot_dimension_numbers<[1], [0], [0], [1], [0, 0, 1, 1], [], []>, transpose_lhs_hint = false} : vector<1000x64xf32>, vector<64x1xf32>, vector<1000x1xf32> -> vector<1000x1xf32>
    %get3A_213 = arith.constant 0 : index
    %get3A_214 = arith.constant 0 : index
    %get3A_215 = vector.load %arg24[%get3A_213, %get3A_214] : memref<1x1xf32, #tpu.memory_space<vmem>>, vector<1x1xf32>
    %add3A_216 = vector.broadcast %get3A_215 : vector<1x1xf32> to vector<1000x1xf32>
    %add3A_217 = arith.addf %dot_general3A_212, %add3A_216 : vector<1000x1xf32>
    %concatenate3A_218 = tpu.concatenate %add3A_153, %add3A_217 in 1 : vector<1000x1xf32>, vector<1000x1xf32> -> vector<1000x2xf32>
    %swap3A_219 = arith.constant 0 : index
    %swap3A_220 = arith.constant 0 : index
    %swap3A_221 = vector.load %arg27[%swap3A_219, %swap3A_220] : memref<1000x2xf32, #tpu.memory_space<vmem>>, vector<1000x2xf32>
    tpu.vector_store %arg27[%swap3A_219, %swap3A_220], %concatenate3A_218 {strides = array<i32>} : memref<1000x2xf32, #tpu.memory_space<vmem>>, vector<1000x2xf32>,
    return
  }
  func.func @transform_0(%arg0: i32) -> (i32, i32) {
    %c0_i32 = arith.constant 0 : i32
    %c0_i32_0 = arith.constant 0 : i32
    return %arg0, %c0_i32 : i32, i32
  }
  func.func @transform_1(%arg0: i32) -> (i32, i32) {
    %c0_i32 = arith.constant 0 : i32
    %c0_i32_0 = arith.constant 0 : i32
    return %arg0, %c0_i32 : i32, i32
  }
  func.func @transform_2(%arg0: i32) -> (i32, i32) {
    %c0_i32 = arith.constant 0 : i32
    %c0_i32_0 = arith.constant 0 : i32
    return %arg0, %c0_i32 : i32, i32
  }
  func.func @transform_3(%arg0: i32) -> (i32, i32) {
    %c0_i32 = arith.constant 0 : i32
    %c0_i32_0 = arith.constant 0 : i32
    %c0_i32_1 = arith.constant 0 : i32
    return %c0_i32, %c0_i32_0 : i32, i32
  }
  func.func @transform_4(%arg0: i32) -> (i32, i32) {
    %c0_i32 = arith.constant 0 : i32
    %c0_i32_0 = arith.constant 0 : i32
    %c0_i32_1 = arith.constant 0 : i32
    return %c0_i32, %c0_i32_0 : i32, i32
  }
  func.func @transform_5(%arg0: i32) -> (i32, i32) {
    %c0_i32 = arith.constant 0 : i32
    %c0_i32_0 = arith.constant 0 : i32
    %c0_i32_1 = arith.constant 0 : i32
    return %c0_i32, %c0_i32_0 : i32, i32
  }
  func.func @transform_6(%arg0: i32) -> (i32, i32) {
    %c0_i32 = arith.constant 0 : i32
    %c0_i32_0 = arith.constant 0 : i32
    %c0_i32_1 = arith.constant 0 : i32
    return %c0_i32, %c0_i32_0 : i32, i32
  }
  func.func @transform_7(%arg0: i32) -> (i32, i32) {
    %c0_i32 = arith.constant 0 : i32
    %c0_i32_0 = arith.constant 0 : i32
    %c0_i32_1 = arith.constant 0 : i32
    return %c0_i32, %c0_i32_0 : i32, i32
  }
  func.func @transform_8(%arg0: i32) -> (i32, i32) {
    %c0_i32 = arith.constant 0 : i32
    %c0_i32_0 = arith.constant 0 : i32
    %c0_i32_1 = arith.constant 0 : i32
    return %c0_i32, %c0_i32_0 : i32, i32
  }
  func.func @transform_9(%arg0: i32) -> (i32, i32) {
    %c0_i32 = arith.constant 0 : i32
    %c0_i32_0 = arith.constant 0 : i32
    %c0_i32_1 = arith.constant 0 : i32
    return %c0_i32, %c0_i32_0 : i32, i32
  }
  func.func @transform_10(%arg0: i32) -> (i32, i32) {
    %c0_i32 = arith.constant 0 : i32
    %c0_i32_0 = arith.constant 0 : i32
    %c0_i32_1 = arith.constant 0 : i32
    return %c0_i32, %c0_i32_0 : i32, i32
  }
  func.func @transform_11(%arg0: i32) -> (i32, i32) {
    %c0_i32 = arith.constant 0 : i32
    %c0_i32_0 = arith.constant 0 : i32
    %c0_i32_1 = arith.constant 0 : i32
    return %c0_i32, %c0_i32_0 : i32, i32
  }
  func.func @transform_12(%arg0: i32) -> (i32, i32) {
    %c0_i32 = arith.constant 0 : i32
    %c0_i32_0 = arith.constant 0 : i32
    %c0_i32_1 = arith.constant 0 : i32
    return %c0_i32, %c0_i32_0 : i32, i32
  }
  func.func @transform_13(%arg0: i32) -> (i32, i32) {
    %c0_i32 = arith.constant 0 : i32
    %c0_i32_0 = arith.constant 0 : i32
    %c0_i32_1 = arith.constant 0 : i32
    return %c0_i32, %c0_i32_0 : i32, i32
  }
  func.func @transform_14(%arg0: i32) -> (i32, i32) {
    %c0_i32 = arith.constant 0 : i32
    %c0_i32_0 = arith.constant 0 : i32
    %c0_i32_1 = arith.constant 0 : i32
    return %c0_i32, %c0_i32_0 : i32, i32
  }
  func.func @transform_15(%arg0: i32) -> (i32, i32) {
    %c0_i32 = arith.constant 0 : i32
    %c0_i32_0 = arith.constant 0 : i32
    %c0_i32_1 = arith.constant 0 : i32
    return %c0_i32, %c0_i32_0 : i32, i32
  }
  func.func @transform_16(%arg0: i32) -> (i32, i32) {
    %c0_i32 = arith.constant 0 : i32
    %c0_i32_0 = arith.constant 0 : i32
    %c0_i32_1 = arith.constant 0 : i32
    return %c0_i32, %c0_i32_0 : i32, i32
  }
  func.func @transform_17(%arg0: i32) -> (i32, i32) {
    %c0_i32 = arith.constant 0 : i32
    %c0_i32_0 = arith.constant 0 : i32
    %c0_i32_1 = arith.constant 0 : i32
    return %c0_i32, %c0_i32_0 : i32, i32
  }
  func.func @transform_18(%arg0: i32) -> (i32, i32) {
    %c0_i32 = arith.constant 0 : i32
    %c0_i32_0 = arith.constant 0 : i32
    %c0_i32_1 = arith.constant 0 : i32
    return %c0_i32, %c0_i32_0 : i32, i32
  }
  func.func @transform_19(%arg0: i32) -> (i32, i32) {
    %c0_i32 = arith.constant 0 : i32
    %c0_i32_0 = arith.constant 0 : i32
    %c0_i32_1 = arith.constant 0 : i32
    return %c0_i32, %c0_i32_0 : i32, i32
  }
  func.func @transform_20(%arg0: i32) -> (i32, i32) {
    %c0_i32 = arith.constant 0 : i32
    %c0_i32_0 = arith.constant 0 : i32
    %c0_i32_1 = arith.constant 0 : i32
    return %c0_i32, %c0_i32_0 : i32, i32
  }
  func.func @transform_21(%arg0: i32) -> (i32, i32) {
    %c0_i32 = arith.constant 0 : i32
    %c0_i32_0 = arith.constant 0 : i32
    %c0_i32_1 = arith.constant 0 : i32
    return %c0_i32, %c0_i32_0 : i32, i32
  }
  func.func @transform_22(%arg0: i32) -> (i32, i32) {
    %c0_i32 = arith.constant 0 : i32
    %c0_i32_0 = arith.constant 0 : i32
    %c0_i32_1 = arith.constant 0 : i32
    return %c0_i32, %c0_i32_0 : i32, i32
  }
  func.func @transform_23(%arg0: i32) -> (i32, i32) {
    %c0_i32 = arith.constant 0 : i32
    %c0_i32_0 = arith.constant 0 : i32
    %c0_i32_1 = arith.constant 0 : i32
    return %c0_i32, %c0_i32_0 : i32, i32
  }
  func.func @transform_24(%arg0: i32) -> (i32, i32) {
    %c0_i32 = arith.constant 0 : i32
    %c0_i32_0 = arith.constant 0 : i32
    return %arg0, %c0_i32 : i32, i32
  }
  func.func @transform_25(%arg0: i32) -> (i32, i32) {
    %c0_i32 = arith.constant 0 : i32
    %c0_i32_0 = arith.constant 0 : i32
    return %arg0, %c0_i32 : i32, i32
  }
  func.func @transform_26(%arg0: i32) -> (i32, i32) {
    %c0_i32 = arith.constant 0 : i32
    %c0_i32_0 = arith.constant 0 : i32
    return %arg0, %c0_i32 : i32, i32
  }
}

module attributes {stable_mosaic.version = 14 : i64} {
  func.func @final(%arg0: i32, %arg1: memref<10000x3xf32, #tpu.memory_space<vmem>>, %arg2: memref<10000x3xf32, #tpu.memory_space<vmem>>, %arg3: memref<10000x3xf32, #tpu.memory_space<vmem>>, %arg4: memref<10000x1xf32, #tpu.memory_space<vmem>>, %arg5: memref<10000x2xf32, #tpu.memory_space<vmem>>, %arg6: memref<10000x128xf32, #tpu.memory_space<vmem>>, %arg7: memref<10000x128xf32, #tpu.memory_space<vmem>>, %arg8: memref<10000x3xf32, #tpu.memory_space<vmem>>) attributes {dimension_semantics = [#tpu.dimension_semantics<arbitrary>], iteration_bounds = array<i64: 1>, scalar_prefetch = 0 : i64, scratch_operands = 0 : i64, tpu.core_type = #tpu.core_type<tc>, window_params = [{pipeline_mode = #tpu.pipeline_mode<synchronous>, transform_indices = @transform_0, window_bounds = array<i64: 10000, 3>}, {pipeline_mode = #tpu.pipeline_mode<synchronous>, transform_indices = @transform_1, window_bounds = array<i64: 10000, 3>}, {pipeline_mode = #tpu.pipeline_mode<synchronous>, transform_indices = @transform_2, window_bounds = array<i64: 10000, 3>}, {pipeline_mode = #tpu.pipeline_mode<synchronous>, transform_indices = @transform_3, window_bounds = array<i64: 10000, 1>}, {pipeline_mode = #tpu.pipeline_mode<synchronous>, transform_indices = @transform_4, window_bounds = array<i64: 10000, 2>}, {transform_indices = @transform_5, window_bounds = array<i64: 10000, 128>}, {transform_indices = @transform_6, window_bounds = array<i64: 10000, 128>}, {pipeline_mode = #tpu.pipeline_mode<synchronous>, transform_indices = @transform_7, window_bounds = array<i64: 10000, 3>}]} {
    %get3A = arith.constant 0 : index
    %get3A_0 = arith.constant 0 : index
    %get3A_1 = vector.load %arg6[%get3A, %get3A_0] : memref<10000x128xf32, #tpu.memory_space<vmem>>, vector<10000x3xf32>
    %get3A_2 = arith.constant 0 : index
    %get3A_3 = arith.constant 0 : index
    %get3A_4 = vector.load %arg7[%get3A_2, %get3A_3] : memref<10000x128xf32, #tpu.memory_space<vmem>>, vector<10000x3xf32>
    %add3A = arith.addf %get3A_1, %get3A_4 : vector<10000x3xf32>
    %get3A_5 = arith.constant 0 : index
    %get3A_6 = arith.constant 0 : index
    %get3A_7 = vector.load %arg1[%get3A_5, %get3A_6] : memref<10000x3xf32, #tpu.memory_space<vmem>>, vector<10000x3xf32>
    %get3A_8 = arith.constant 0 : index
    %get3A_9 = arith.constant 0 : index
    %get3A_10 = vector.load %arg2[%get3A_8, %get3A_9] : memref<10000x3xf32, #tpu.memory_space<vmem>>, vector<10000x3xf32>
    %get3A_11 = arith.constant 0 : index
    %get3A_12 = arith.constant 0 : index
    %get3A_13 = vector.load %arg3[%get3A_11, %get3A_12] : memref<10000x3xf32, #tpu.memory_space<vmem>>, vector<10000x3xf32>
    %get3A_14 = arith.constant 0 : index
    %get3A_15 = arith.constant 0 : index
    %get3A_16 = vector.load %arg4[%get3A_14, %get3A_15] : memref<10000x1xf32, #tpu.memory_space<vmem>>, vector<10000x1xf32>
    %get3A_17 = arith.constant 0 : index
    %get3A_18 = arith.constant 0 : index
    %get3A_19 = vector.load %arg5[%get3A_17, %get3A_18] : memref<10000x2xf32, #tpu.memory_space<vmem>>, vector<10000x2xf32>
    %slice3A = vector.extract_strided_slice %get3A_19 {offsets = [0, 0], sizes = [10000, 1], strides = [1, 1]} : vector<10000x2xf32> to vector<10000x1xf32>
    %slice3A_20 = vector.extract_strided_slice %get3A_19 {offsets = [0, 1], sizes = [10000, 1], strides = [1, 1]} : vector<10000x2xf32> to vector<10000x1xf32>
    %add3A_21 = arith.addf %get3A_7, %add3A : vector<10000x3xf32>
    %sub3A = arith.constant 1.000000e+00 : f32
    %sub3A_22 = vector.broadcast %sub3A : f32 to vector<10000x1xf32>
    %sub3A_23 = arith.subf %sub3A_22, %get3A_16 : vector<10000x1xf32>
    %mul3A = arith.mulf %slice3A, %sub3A_23 : vector<10000x1xf32>
    %sub3A_24 = arith.subf %get3A_10, %get3A_7 : vector<10000x3xf32>
    %mul3A_25 = vector.broadcast %mul3A : vector<10000x1xf32> to vector<10000x3xf32>
    %mul3A_26 = arith.mulf %mul3A_25, %sub3A_24 : vector<10000x3xf32>
    %add3A_27 = arith.addf %add3A_21, %mul3A_26 : vector<10000x3xf32>
    %mul3A_28 = arith.mulf %slice3A_20, %get3A_16 : vector<10000x1xf32>
    %sub3A_29 = arith.subf %get3A_13, %get3A_7 : vector<10000x3xf32>
    %mul3A_30 = vector.broadcast %mul3A_28 : vector<10000x1xf32> to vector<10000x3xf32>
    %mul3A_31 = arith.mulf %mul3A_30, %sub3A_29 : vector<10000x3xf32>
    %add3A_32 = arith.addf %add3A_27, %mul3A_31 : vector<10000x3xf32>
    %reduce_sum3A = arith.constant dense<0.000000e+00> : vector<3xf32>
    %reduce_sum3A_33 = vector.multi_reduction <add>, %add3A_32, %reduce_sum3A [0] : vector<10000x3xf32> to vector<3xf32>
    %broadcast_in_dim3A = vector.shape_cast %reduce_sum3A_33 : vector<3xf32> to vector<1x3xf32>
    %div3A = arith.constant 1.000000e+04 : f32
    %div3A_34 = vector.broadcast %div3A : f32 to vector<1x3xf32>
    %div3A_35 = arith.divf %broadcast_in_dim3A, %div3A_34 : vector<1x3xf32>
    %sub3A_36 = vector.broadcast %div3A_35 : vector<1x3xf32> to vector<10000x3xf32>
    %sub3A_37 = arith.subf %add3A_32, %sub3A_36 : vector<10000x3xf32>
    %swap3A = arith.constant 0 : index
    %swap3A_38 = arith.constant 0 : index
    %swap3A_39 = vector.load %arg8[%swap3A, %swap3A_38] : memref<10000x3xf32, #tpu.memory_space<vmem>>, vector<10000x3xf32>
    tpu.vector_store %arg8[%swap3A, %swap3A_38], %sub3A_37 {strides = array<i32>} : memref<10000x3xf32, #tpu.memory_space<vmem>>, vector<10000x3xf32>,
    return
  }
  func.func @transform_0(%arg0: i32) -> (i32, i32) {
    %c0_i32 = arith.constant 0 : i32
    %c0_i32_0 = arith.constant 0 : i32
    %c0_i32_1 = arith.constant 0 : i32
    return %c0_i32, %c0_i32_0 : i32, i32
  }
  func.func @transform_1(%arg0: i32) -> (i32, i32) {
    %c0_i32 = arith.constant 0 : i32
    %c0_i32_0 = arith.constant 0 : i32
    %c0_i32_1 = arith.constant 0 : i32
    return %c0_i32, %c0_i32_0 : i32, i32
  }
  func.func @transform_2(%arg0: i32) -> (i32, i32) {
    %c0_i32 = arith.constant 0 : i32
    %c0_i32_0 = arith.constant 0 : i32
    %c0_i32_1 = arith.constant 0 : i32
    return %c0_i32, %c0_i32_0 : i32, i32
  }
  func.func @transform_3(%arg0: i32) -> (i32, i32) {
    %c0_i32 = arith.constant 0 : i32
    %c0_i32_0 = arith.constant 0 : i32
    %c0_i32_1 = arith.constant 0 : i32
    return %c0_i32, %c0_i32_0 : i32, i32
  }
  func.func @transform_4(%arg0: i32) -> (i32, i32) {
    %c0_i32 = arith.constant 0 : i32
    %c0_i32_0 = arith.constant 0 : i32
    %c0_i32_1 = arith.constant 0 : i32
    return %c0_i32, %c0_i32_0 : i32, i32
  }
  func.func @transform_5(%arg0: i32) -> (i32, i32) {
    %c0_i32 = arith.constant 0 : i32
    %c0_i32_0 = arith.constant 0 : i32
    %c0_i32_1 = arith.constant 0 : i32
    return %c0_i32, %c0_i32_0 : i32, i32
  }
  func.func @transform_6(%arg0: i32) -> (i32, i32) {
    %c0_i32 = arith.constant 0 : i32
    %c0_i32_0 = arith.constant 0 : i32
    %c0_i32_1 = arith.constant 0 : i32
    return %c0_i32, %c0_i32_0 : i32, i32
  }
  func.func @transform_7(%arg0: i32) -> (i32, i32) {
    %c0_i32 = arith.constant 0 : i32
    %c0_i32_0 = arith.constant 0 : i32
    %c0_i32_1 = arith.constant 0 : i32
    return %c0_i32, %c0_i32_0 : i32, i32
  }
}

</mosaic_0001>

<sc_bundles>
// kernel: sc_gather_spmem.12.cloned.1.call-start
scs
__scs_entry_jumppad:
0x0: {  	(pc) =	sbr.rel $0x88, $3  }
0x1: {  	(tag) =	ssettag $0x0;
	lr =	simm.s32 $0x1  }
0x2: {  	[smem:$0x3F50] =	sst lr;
	_ =	strace $0xD0000000  }
0x3: {  	_ = 	snop  }
0x4: {  	_ = 	snop  }
0x5: {  	_ = 	snop  }
0x6: {  	_ = 	snop  }
0x7: {  	_ = 	snop  }
__scs_overlays_trampoline_lowered:
0x8: {  	[smem:$0x3F5F] =	sst s0  }
0x9: {  	[smem:$0x3F60] =	sst s1  }
0xa: {  	[smem:$0x3F61] =	sst s2  }
0xb: {  	[smem:$0x3F62] =	sst s3  }
0xc: {  	[smem:$0x3F63] =	sst s4  }
0xd: {  	[smem:$0x3F64] =	sst s5  }
0xe: {  	[smem:$0x3F65] =	sst s6  }
0xf: {  	[smem:$0x3F66] =	sst s7  }
0x10: {  	[smem:$0x3F67] =	sst s8  }
0x11: {  	[smem:$0x3F68] =	sst s9;
	s0 =	simm.s32 @!p0 $0x0  }
0x12: {  	s1 =	sld [smem:$0x3F4E];
	s0 =	simm.s32 @p0 $0x1  }
0x13: {  	[smem:$0x3F69] =	sst s0;
	s0 =	simm.s32 @!p1 $0x0  }
0x14: {  	s2 =	sld [smem:$0x3F4D];
	s0 =	simm.s32 @p1 $0x1  }
0x15: {  	[smem:$0x3F6A] =	sst s0;
	s0 =	simm.s32 @!p2 $0x0  }
0x16: {  	s3 =	sld [smem:$0x3FDB];
	s0 =	simm.s32 @p2 $0x1  }
0x17: {  	s4 =	simm.s32 $0x1BF5;
	[smem:$0x3F6C] =	sst s0  }
0x18: {  	s0 =	sld [smem:$0x3F4F];
	_ =	swait.ge [sflag:s4], $0x0  }
0x19: {  	s7 =	sld [smem:$0x3F50]  }
0x1a: {  	s8 =	sadd.s32 $0xFFFFE003, lr  }
0x1b: {  	s9 =	sadd.s32 $0xFFFFFEF7, lr;
	s5 =	simm.s32 $0xFFFFFFFF;
	p2 =	slt.u32 s8, $0xFFFFF086  }
0x1c: {  	p1 =	slt.u32 s9, $0xF7A;
	s5 =	simm.s32 @!p2 $0x0  }
0x1d: {  	s5 =	simm.s32 @p1 $0x1;
	p0 =	seq.s32 s7, s2  }
0x1e: {  	s7 =	smul.u32 @!p0 $0xF7A, s2;
	p2 =	seq.s32 @!p0 s5, $0x0  }
0x1f: {  	s9 =	smul.u32 $0xF7A, s1;
	s8 =	simm.s32 @!p0 $0x1BF5;
	p2 =	por !p2, p0  }
0x20: {  	[sflag:s8] =	ssyncset.s32 @!p0 $0xFFFFF086;
	s6 =	sadd.s32 @!p0 s3, s7;
	s7 =	simm.s32 @!p0 $0x108  }
0x21: {  	s3 =	sadd.s32 s3, s9;
	s6 =	sadd.s32 @!p0 $0x88, s6;
	s7 =	simm.s32 @p2 $0x1082  }
0x22: {  	[simem:s7], [sflag:s8] =	dma.local @!p0 [hbm:s6], $0xF7A  }
0x23: {  	s9 =	sor.u32 $0xD0000000, s2;
	s6 =	simm.s32 $0x108;
	_ =	swait.ge @!p0 [sflag:s8], $0x0  }
0x24: {  	s3 =	sadd.s32 $0x88, s3;
	s6 =	simm.s32 @!p1 $0x1082;
	[sflag:s4] =	ssyncset.s32 $0xFFFFF086  }
0x25: {  	[simem:s6], [sflag:s4] =	dma.local [hbm:s3], $0xF7A  }
0x26: {  	[smem:$0x3F50] =	sst s1;
	(tag) =	ssettag s2;
	_ =	strace s9  }
0x27: {  	s1 =	sld [smem:$0x3F60]  }
0x28: {  	s2 =	sld [smem:$0x3F61]  }
0x29: {  	s4 =	sld [smem:$0x3F63]  }
0x2a: {  	p0 =	seq.s32 s5, $0x0;
	s5 =	sld [smem:$0x3F64]  }
0x2b: {  	s6 =	sld [smem:$0x3F65]  }
0x2c: {  	s7 =	sld [smem:$0x3F66]  }
0x2d: {  	s3 =	simm.s32 $0x108;
	s8 =	sld [smem:$0x3F67]  }
0x2e: {  	s3 =	simm.s32 @!p0 $0x1082;
	s9 =	sld [smem:$0x3F68]  }
0x2f: {  	lr =	sadd.s32 s0, s3;
	s0 =	sld [smem:$0x3F5F]  }
0x30: {  	s3 =	sld [smem:$0x3F62]  }
0x31: {  	[smem:$0x3F6B] =	sst s10  }
0x32: {  	s10 =	sld [smem:$0x3F69];
	_ =	sdelay $0x3  }
0x33: {  	p0 =	seq.s32 s10, $0x1;
	s10 =	sld [smem:$0x3F6B];
	_ =	sdelay $0x3  }
0x34: {  	[smem:$0x3F6B] =	sst s10  }
0x35: {  	s10 =	sld [smem:$0x3F6A];
	_ =	sdelay $0x3  }
0x36: {  	p1 =	seq.s32 s10, $0x1;
	s10 =	sld [smem:$0x3F6B];
	_ =	sdelay $0x3  }
0x37: {  	[smem:$0x3F6B] =	sst s10  }
0x38: {  	s10 =	sld [smem:$0x3F6C]  }
0x39: {  	_ = 	snop;
	(pc) =	sbr.ind lr, $3  }
0x3a: {  	_ = 	snop  }
0x3b: {  	_ = 	snop  }
0x3c: {  	p2 =	seq.s32 s10, $0x1;
	s10 =	sld [smem:$0x3F6B]  }
0x3d: {  	_ =	shalt  }
0x3e: {  	_ =	shalt  }
0x3f: {  	_ =	shalt  }
0x40: {  	_ =	shalt  }
0x41: {  	_ =	shalt  }
0x42: {  	_ =	shalt  }
0x43: {  	_ =	shalt  }
0x44: {  	_ =	shalt  }
0x45: {  	_ =	shalt  }
0x46: {  	_ =	shalt  }
0x47: {  	_ =	shalt  }
0x48: {  	_ =	shalt  }
0x49: {  	_ =	shalt  }
0x4a: {  	_ =	shalt  }
0x4b: {  	_ =	shalt  }
0x4c: {  	_ =	shalt  }
0x4d: {  	_ =	shalt  }
0x4e: {  	_ =	shalt  }
0x4f: {  	_ =	shalt  }
0x50: {  	_ =	shalt  }
0x51: {  	_ =	shalt  }
0x52: {  	_ =	shalt  }
0x53: {  	_ =	shalt  }
0x54: {  	_ =	shalt  }
0x55: {  	_ =	shalt  }
0x56: {  	_ =	shalt  }
0x57: {  	_ =	shalt  }
0x58: {  	_ =	shalt  }
0x59: {  	_ =	shalt  }
0x5a: {  	_ =	shalt  }
0x5b: {  	_ =	shalt  }
0x5c: {  	_ =	shalt  }
0x5d: {  	_ =	shalt  }
0x5e: {  	_ =	shalt  }
0x5f: {  	_ =	shalt  }
0x60: {  	_ =	shalt  }
0x61: {  	_ =	shalt  }
0x62: {  	_ =	shalt  }
0x63: {  	_ =	shalt  }
0x64: {  	_ =	shalt  }
0x65: {  	_ =	shalt  }
0x66: {  	_ =	shalt  }
0x67: {  	_ =	shalt  }
0x68: {  	_ =	shalt  }
0x69: {  	_ =	shalt  }
0x6a: {  	_ =	shalt  }
0x6b: {  	_ =	shalt  }
0x6c: {  	_ =	shalt  }
0x6d: {  	_ =	shalt  }
0x6e: {  	_ =	shalt  }
0x6f: {  	_ =	shalt  }
0x70: {  	_ =	shalt  }
0x71: {  	_ =	shalt  }
0x72: {  	_ =	shalt  }
0x73: {  	_ =	shalt  }
0x74: {  	_ =	shalt  }
0x75: {  	_ =	shalt  }
0x76: {  	_ =	shalt  }
0x77: {  	_ =	shalt  }
0x78: {  	_ =	shalt  }
0x79: {  	_ =	shalt  }
0x7a: {  	_ =	shalt  }
0x7b: {  	_ =	shalt  }
0x7c: {  	_ =	shalt  }
0x7d: {  	_ =	shalt  }
0x7e: {  	_ =	shalt  }
0x7f: {  	_ =	shalt  }
0x80: {  	_ =	shalt  }
0x81: {  	_ =	shalt  }
0x82: {  	_ =	shalt  }
0x83: {  	_ =	shalt  }
0x84: {  	_ =	shalt  }
0x85: {  	_ =	shalt  }
0x86: {  	_ =	shalt  }
0x87: {  	_ =	shalt  }
.Lfunc_end0:
.L_simem_size_0:
called_computation.4_lowered:
.L_overlay_start_0:
0x88: {  	s2 =	sld [smem:$0x3FD9]  }
0x89: {  	s3 =	sld [smem:$0x3FFE];
	_ =	sdelay $0x1  }
0x8a: {  	s1 =	srdreg.scid  }
0x8b: {  	s0 =	sand.u32 $0x1, s1  }
0x8c: {  	s16 =	sshll.u32 s0, $0xA;
	s2 =	sadd.s32 s3, s2  }
0x8d: {  	s2 =	sadd.s32 s2, s16  }
0x8e: {  	[smem:$0x3F77] =	sst s2  }
0x8f: {  	_ = 	snop  }
0x90: {  	(tm) =	ssettm $0x1  }
0x91: {  	s17 =	sld [smem:$0x3FFB];
	_ =	sdelay $0x3  }
0x92: {  	_ =	strace s17  }
0x93: {  	s2 =	sld [smem:$0x3FFC];
	_ =	sdelay $0x3  }
0x94: {  	_ =	strace s2  }
0x95: {  	s2 =	sld [smem:$0x3FFD];
	_ =	sdelay $0x3  }
0x96: {  	_ =	strace s2  }
0x97: {  	_ =	strace $0x8FFFFFFF  }
0x98: {  	s18 =	sld [smem:$0x3FDB];
	_ =	sdelay $0x1  }
0x99: {  	s19 =	simm.s32 $_scs_section_size  }
0x9a: {  	s4 =	simm.s32 $_size__tile_overlayer_lowered;
	s5 =	simm.s32 $_tile_overlayer_lowered  }
0x9b: {  	s22 =	simm.s32 $0x1BFF;
	s21 =	sshll.u32 s5, $0x1;
	s2 =	sadd.s32 s19, s18  }
0x9c: {  	s6 =	simm.s32 $0x0;
	s20 =	sshll.u32 s4, $0x1;
	s4 =	sadd.s32 s21, s2  }
0x9d: {  	[timem:s6], [sflag:s22] =	dma.local [hbm:s4], s20  }
0x9e: {  	_ =	swait.ge [sflag:s22], s20  }
0x9f: {  	s3 =	ssub.s32 $0x0, s20;
	[sflag:s22] =	ssyncset.done $0x0  }
0xa0: {  	[sflag:s22] =	ssyncadd.s32 s3;
	_ =	sdelay $0x1  }
0xa1: {  	s23 =	simm.s32 $0x1B8B  }
0xa2: {  	_ =	swait.ge [sflag:s23], $0x1  }
0xa3: {  	[sflag:s23] =	ssyncset.done $0x0  }
0xa4: {  	s25 =	simm.s32 $0x1B8E;
	s24 =	sld [smem:$0x3FFE];
	[sflag:s23] =	ssyncadd.s32 $0xFFFFFFFF  }
0xa5: {  	s26 =	simm.s32 $execute0_lowered;
	[smem:$0x3FD2] =	sst s25  }
0xa6: {  	s4 =	sshll.u32 s26, $0x1;
	_ =	strace $0x80000052;
	[dreg:$0x1] =	wrdreg $0xFFFFFFFF  }
0xa7: {  	s28 =	simm.s32 $_size_execute0_lowered;
	s2 =	sadd.s32 s2, s4;
	[dreg:$0x0] =	wrdreg $0x0  }
0xa8: {  	s4 =	sshll.u32 s28, $0x1;
	[dreg:$0x2] =	wrdreg s2  }
0xa9: {  	[dreg:$0x3] =	wrdreg s4  }
0xaa: {  	[dreg:$0x4] =	wrdreg $0xC0  }
0xab: {  	_ =	task [dreg:s6], $0x5FFFF  }
0xac: {  	[dreg:$0x1] =	wrdreg $0xFFFFFFFF  }
0xad: {  	[dreg:$0x0] =	wrdreg $0x60  }
0xae: {  	[dreg:$0x2] =	wrdreg s24  }
0xaf: {  	[dreg:$0x3] =	wrdreg $0xA8000  }
0xb0: {  	[dreg:$0x4] =	wrdreg $0x9  }
0xb1: {  	_ =	task.clear_ibuf [dreg:s6], $0x5FFFF;
	_ =	strace $0x90000052  }
0xb2: {  	s29 =	simm.s32 $0x9;
	_ =	strace $0x80000054  }
0xb3: {  	_ =	swait.ge [sflag:s29], $0x1  }
0xb4: {  	[sflag:s29] =	ssyncadd.s32 $0xFFFFFFFF  }
0xb5: {  	_ =	strace $0x90000054  }
0xb6: {  	_ =	sfence  }
0xb7: {  	s30 =	sld [smem:$0x0];
	_ =	sdelay $0x2  }
0xb8: {  	s31 =	sshll.u32 s1, $0xD;
	s1 =	sshrl.u32 s1, $0x2  }
0xb9: {  	s3 =	sand.u32 $0x4000, s31;
	s1 =	sadd.s32 s1, s30  }
0xba: {  	s0 =	sor.u32 s3, s0;
	s1 =	sshll.u32 s1, $0x11  }
0xbb: {  	s0 =	sor.u32 s1, s0  }
0xbc: {  	s0 =	sadd.s32 $0x8F2B, s0  }
0xbd: {  	[sflag:s0] =	ssyncadd.remote.s32 $0x1  }
0xbe: {  	_ =	sfence.sel $0xFFFF  }
0xbf: {  	[dreg:$0x0] =	wrdreg $0xFFFFFFFF;
	(pc) =	sbr.abs _section_cstart, $3  }
0xc0: {  	[dreg:$0x1] =	wrdreg $0xFFFFFFFF  }
0xc1: {  	_ =	task.clear_ibuf [dreg:s6], $0x2FFFF;
	_ =	strace $0x9FFFFFFF  }
0xc2: {  	(tm) =	ssettm $0x7FFFFFFF  }
0xc3: {  	_ =	shalt  }
tec
execute0_lowered:
.L_overlay_start_1:
0x0: {  	(tag) =	ssettag $0x1  }
0x1: {  	s4 =	rddreg [dreg:$0x0]  }
0x2: {  	s1 =	rddreg [dreg:$0x1]  }
0x3: {  	s0 =	rddreg [dreg:$0x2];
	s2 =	simm.s32 $0x0  }
0x4: {  	s3 =	srdreg.scid;
	s15 =	simm.s32 $0x6800;
	s16 =	simm.s32 $0x1  }
0x5: {  	s17 =	simm.s32 $0x3;
	s18 =	simm.s32 $0x2;
	s19 =	simm.s32 $0x4  }
0x6: {  	s20 =	simm.s32 $0x0;
	[smem:$0x7FF] =	sst s2;
	s5 =	sadd.s32 $0x10BA00, s4  }
0x7: {  	s6 =	sadd.s32 $0x133200, s4;
	s7 =	sand.u32 $0x1, s3;
	s3 =	stileid.u32  }
0x8: {  	s8 =	sadd.s32 $0xB7A00, s4;
	s13 =	sadd.s32 $0x15AA00, s4;
	s12 =	smul.u32 $0x4F000, s3  }
0x9: {  	s10 =	sadd.s32 $0xADA00, s4;
	s14 =	sadd.s32 $0x3DAA00, s4;
	s26 =	smul.u32 $0x2780, s3  }
0xa: {  	_ =	strace $0x80000053;
	s9 =	ssub.s32 $0x2, s7;
	s29 =	smul.u32 $0x500, s3  }
0xb: {  	p0 =	seq.s32 s7, $0x0;
	s30 =	smul.u32 $0x28000, s3;
	s31 =	sshll.u32 s3, $0x6  }
0xc: {  	s11 =	sshrl.u32 s9, $0x1;
	s6 =	smov.u32 @p0 s5;
	s10 =	smov.u32 @p0 s8  }
0xd: {  	s14 =	smov.u32 @p0 s13;
	s7 =	sor.u32 $0x1C05, s31;
	s13 =	simm.s32 $0x80  }
0xe: {  	s24 =	ssub.s32 s9, s11;
	s25 =	sshrl.u32 s12, $0x2;
	s5 =	sadd.s32 s6, s26  }
0xf: {  	s6 =	sadd.s32 s10, s29;
	s8 =	sadd.s32 s30, s14;
	s12 =	simm.s32 $0x5  }
0x10: {  	s14 =	simm.s32 $0x2800;
	s28 =	sadd.s32 s25, s1;
	s4 =	smax.u32 s24, $0x1  }
0x11: {  	s9 =	sadd.s32 $0x27000, s8;
	s10 =	sadd.s32 $0x27800, s8;
	s11 =	sshrl.u32 s28, $0x3  }
.LBB2_1:
0x12: {  	[spmem:s11], [sflag:s7] =	dma.local [hbm:s5], $0x2780  }
0x13: {  	_ =	swait.ge [sflag:s12], $0x2780  }
0x14: {  	[sflag:s12] =	ssyncset.done $0x0  }
0x15: {  	[sflag:s12] =	ssyncadd.s32 $0xFFFFD880  }
0x16: {  	[tilespmem:s2], [sflag:$0x5] =	stream.linear.gather [hbm4b:s6+s2], $0x2800, $0x38;
	[tilespmem:$0x1E400] =	vst v63  }
0x17: {  	_ =	swait.ge [sflag:s12], $0x2800  }
0x18: {  	[sflag:s12] =	ssyncset.done $0x0  }
0x19: {  	[sflag:s12] =	ssyncadd.s32 $0xFFFFD800  }
0x1a: {  	[bflag:$0x0] =	sbarrier.arrive $0xFFFF  }
0x1b: {  	[tilespmem:s14], [sflag:$0x1] =	stream.indirect.gather [spmem:s1], $0x80, s2, s13, $0xb8;
	[tilespmem:$0x1E400] =	vst v63  }
0x1c: {  	_ = 	snop  }
0x1d: {  	[tilespmem:s15], [sflag:$0x2] =	stream.indirect.gather [spmem:s1], $0x80, s13, s13, $0xb8;
	[tilespmem:$0x1E400] =	vst v63  }
0x1e: {  	_ =	swait.ge [sflag:s16], $0x4000  }
0x1f: {  	[sflag:s16] =	ssyncset.done $0x0  }
0x20: {  	s21 =	sadd.s32 $0x0, s8;
	[sflag:s16] =	ssyncadd.s32 $0xFFFFC000  }
0x21: {  	[hbm4b:s21+s2] =	stream.linear.scatter [tilespmem:s14], [sflag:$0x3], $0x4000, $0x38;
	[tilespmem:$0x1E400] =	vst v63  }
0x22: {  	_ =	swait.ge [sflag:s17], $0x4000  }
0x23: {  	[sflag:s17] =	ssyncset.done $0x0  }
0x24: {  	s22 =	simm.s32 $0x100;
	[sflag:s17] =	ssyncadd.s32 $0xFFFFC000  }
0x25: {  	[tilespmem:s14], [sflag:$0x1] =	stream.indirect.gather [spmem:s1], $0x80, s22, s13, $0xb8;
	[tilespmem:$0x1E400] =	vst v63  }
0x26: {  	_ =	swait.ge [sflag:s18], $0x4000  }
0x27: {  	[sflag:s18] =	ssyncset.done $0x0  }
0x28: {  	s21 =	sadd.s32 $0x800, s21;
	[sflag:s18] =	ssyncadd.s32 $0xFFFFC000  }
0x29: {  	[hbm4b:s21+s2] =	stream.linear.scatter [tilespmem:s15], [sflag:$0x4], $0x4000, $0x38;
	[tilespmem:$0x1E400] =	vst v63  }
0x2a: {  	_ =	swait.ge [sflag:s19], $0x4000  }
0x2b: {  	s23 =	simm.s32 $0x280;
	[sflag:s19] =	ssyncset.done $0x0  }
0x2c: {  	s22 =	simm.s32 $0x1000;
	s21 =	simm.s32 $0x180;
	[sflag:s19] =	ssyncadd.s32 $0xFFFFC000  }
.LBB2_2:
0x2d: {  	[tilespmem:s15], [sflag:$0x2] =	stream.indirect.gather [spmem:s1], $0x80, s21, s13, $0xb8;
	[tilespmem:$0x1E400] =	vst v63  }
0x2e: {  	s24 =	smov.u32 s22;
	s21 =	smov.u32 s23  }
0x2f: {  	p0 =	sne.s32 s22, $0x26000;
	s22 =	sadd.s32 $0x1000, s22;
	_ =	swait.ge [sflag:s16], $0x4000  }
0x30: {  	[sflag:s16] =	ssyncset.done $0x0  }
0x31: {  	s24 =	sadd.s32 s24, s8;
	[sflag:s16] =	ssyncadd.s32 $0xFFFFC000  }
0x32: {  	[hbm4b:s24+s2] =	stream.linear.scatter [tilespmem:s14], [sflag:$0x3], $0x4000, $0x38;
	[tilespmem:$0x1E400] =	vst v63  }
0x33: {  	_ =	swait.ge [sflag:s17], $0x4000  }
0x34: {  	[sflag:s17] =	ssyncset.done $0x0  }
0x35: {  	s25 =	sadd.s32 $0xFFFFFF80, s23;
	[sflag:s17] =	ssyncadd.s32 $0xFFFFC000  }
0x36: {  	[tilespmem:s14], [sflag:$0x1] =	stream.indirect.gather [spmem:s1], $0x80, s25, s13, $0xb8;
	[tilespmem:$0x1E400] =	vst v63  }
0x37: {  	_ =	swait.ge [sflag:s18], $0x4000  }
0x38: {  	[sflag:s18] =	ssyncset.done $0x0  }
.Ltmp0:
0x39: {  	s24 =	sadd.s32 $0x800, s24;
	[sflag:s18] =	ssyncadd.s32 $0xFFFFC000;
	(pc) =	sbr.rel @p0 .LBB2_2-.Ltmp0, $4  }
0x3a: {  	[hbm4b:s24+s2] =	stream.linear.scatter [tilespmem:s15], [sflag:$0x4], $0x4000, $0x38;
	[tilespmem:$0x1E400] =	vst v63  }
0x3b: {  	_ =	swait.ge [sflag:s19], $0x4000  }
0x3c: {  	[sflag:s19] =	ssyncset.done $0x0  }
0x3d: {  	s23 =	sadd.s32 $0x100, s23;
	[sflag:s19] =	ssyncadd.s32 $0xFFFFC000  }
0x3e: {  	[tilespmem:s15], [sflag:$0x2] =	stream.indirect.gather [spmem:s1], $0x80, s21, s13, $0xb8;
	[tilespmem:$0x1E400] =	vst v63  }
0x3f: {  	_ =	swait.ge [sflag:s16], $0x4000  }
0x40: {  	[sflag:s16] =	ssyncset.done $0x0  }
0x41: {  	[sflag:s16] =	ssyncadd.s32 $0xFFFFC000  }
0x42: {  	[hbm4b:s9+s2] =	stream.linear.scatter [tilespmem:s14], [sflag:$0x3], $0x4000, $0x38;
	[tilespmem:$0x1E400] =	vst v63  }
0x43: {  	_ =	swait.ge [sflag:s18], $0x4000  }
0x44: {  	[sflag:s18] =	ssyncset.done $0x0  }
0x45: {  	s20 =	sadd.s32 $0x1, s20;
	[sflag:s18] =	ssyncadd.s32 $0xFFFFC000  }
0x46: {  	[hbm4b:s10+s2] =	stream.linear.scatter [tilespmem:s15], [sflag:$0x4], $0x4000, $0x38;
	[tilespmem:$0x1E400] =	vst v63  }
0x47: {  	p0 =	sne.s32 s20, s4;
	_ =	swait.ge [sflag:s17], $0x4000  }
.Ltmp1:
0x48: {  	[sflag:s17] =	ssyncset.done $0x0;
	(pc) =	sbr.rel @p0 .LBB2_1-.Ltmp1, $4  }
0x49: {  	[sflag:s17] =	ssyncadd.s32 $0xFFFFC000  }
0x4a: {  	_ =	swait.ge [sflag:s19], $0x4000  }
0x4b: {  	[sflag:s19] =	ssyncset.done $0x0  }
0x4c: {  	[sflag:s19] =	ssyncadd.s32 $0xFFFFC000  }
0x4d: {  	_ =	sfence.sel $0x180000  }
0x4e: {  	[bflag:$0x0] =	sbarrier.arrive $0xFFFF  }
0x4f: {  	p0 =	sne.s32 s3, $0x0;
	_ =	strace $0x90000053  }
0x50: {  	s0 =	sadd.s32 @!p0 $0x100000, s0;
	[bflag:$0x2] =	sbarrier.arrive $0xFFFF  }
0x51: {  	[sflag:s0] =	ssyncadd.tile.s32 @!p0 $0x1;
	_ =	shalt  }
.Lfunc_end2:
_tile_overlayer_lowered:
.L_overlay_start_2:
0x52: {  	(tag) =	ssettag $0x2  }
0x53: {  	s0 =	rddreg [dreg:$0x0];
	s2 =	stileid.u32  }
0x54: {  	s1 =	rddreg [dreg:$0x1];
	p0 =	sne.s32 s2, $0x0  }
0x55: {  	s3 =	rddreg [dreg:$0x2];
	[bflag:$0x3] =	sbarrier.arrive $0xFFFF;
	s2 =	simm.s32 @!p0 $0x1C05  }
0x56: {  	[timem:s3], [sflag:s2] =	dma.local @!p0 [hbm:s0], s1  }
0x57: {  	s0 =	simm.s32 @!p0 $0x5  }
0x58: {  	_ =	swait.ge @!p0 [sflag:s0], s1  }
0x59: {  	s1 =	ssub.s32 @!p0 $0x0, s1;
	[sflag:s0] =	ssyncset.done @!p0 $0x0  }
0x5a: {  	[sflag:s0] =	ssyncadd.s32 @!p0 s1  }
0x5b: {  	[bflag:$0x3] =	sbarrier.arrive $0xFFFF  }
0x5c: {  	_ =	shalt  }

// kernel: sc_gather_spmem.15.cloned.1.call-start
scs
__scs_entry_jumppad:
0x0: {  	(pc) =	sbr.rel $0x88, $3  }
0x1: {  	(tag) =	ssettag $0x0;
	lr =	simm.s32 $0x1  }
0x2: {  	[smem:$0x3F50] =	sst lr;
	_ =	strace $0xD0000000  }
0x3: {  	_ = 	snop  }
0x4: {  	_ = 	snop  }
0x5: {  	_ = 	snop  }
0x6: {  	_ = 	snop  }
0x7: {  	_ = 	snop  }
__scs_overlays_trampoline_lowered:
0x8: {  	[smem:$0x3F5F] =	sst s0  }
0x9: {  	[smem:$0x3F60] =	sst s1  }
0xa: {  	[smem:$0x3F61] =	sst s2  }
0xb: {  	[smem:$0x3F62] =	sst s3  }
0xc: {  	[smem:$0x3F63] =	sst s4  }
0xd: {  	[smem:$0x3F64] =	sst s5  }
0xe: {  	[smem:$0x3F65] =	sst s6  }
0xf: {  	[smem:$0x3F66] =	sst s7  }
0x10: {  	[smem:$0x3F67] =	sst s8  }
0x11: {  	[smem:$0x3F68] =	sst s9;
	s0 =	simm.s32 @!p0 $0x0  }
0x12: {  	s1 =	sld [smem:$0x3F4E];
	s0 =	simm.s32 @p0 $0x1  }
0x13: {  	[smem:$0x3F69] =	sst s0;
	s0 =	simm.s32 @!p1 $0x0  }
0x14: {  	s2 =	sld [smem:$0x3F4D];
	s0 =	simm.s32 @p1 $0x1  }
0x15: {  	[smem:$0x3F6A] =	sst s0;
	s0 =	simm.s32 @!p2 $0x0  }
0x16: {  	s3 =	sld [smem:$0x3FDB];
	s0 =	simm.s32 @p2 $0x1  }
0x17: {  	s4 =	simm.s32 $0x1BF5;
	[smem:$0x3F6C] =	sst s0  }
0x18: {  	s0 =	sld [smem:$0x3F4F];
	_ =	swait.ge [sflag:s4], $0x0  }
0x19: {  	s7 =	sld [smem:$0x3F50]  }
0x1a: {  	s8 =	sadd.s32 $0xFFFFE003, lr  }
0x1b: {  	s9 =	sadd.s32 $0xFFFFFEF7, lr;
	s5 =	simm.s32 $0xFFFFFFFF;
	p2 =	slt.u32 s8, $0xFFFFF086  }
0x1c: {  	p1 =	slt.u32 s9, $0xF7A;
	s5 =	simm.s32 @!p2 $0x0  }
0x1d: {  	s5 =	simm.s32 @p1 $0x1;
	p0 =	seq.s32 s7, s2  }
0x1e: {  	s7 =	smul.u32 @!p0 $0xF7A, s2;
	p2 =	seq.s32 @!p0 s5, $0x0  }
0x1f: {  	s9 =	smul.u32 $0xF7A, s1;
	s8 =	simm.s32 @!p0 $0x1BF5;
	p2 =	por !p2, p0  }
0x20: {  	[sflag:s8] =	ssyncset.s32 @!p0 $0xFFFFF086;
	s6 =	sadd.s32 @!p0 s3, s7;
	s7 =	simm.s32 @!p0 $0x108  }
0x21: {  	s3 =	sadd.s32 s3, s9;
	s6 =	sadd.s32 @!p0 $0x88, s6;
	s7 =	simm.s32 @p2 $0x1082  }
0x22: {  	[simem:s7], [sflag:s8] =	dma.local @!p0 [hbm:s6], $0xF7A  }
0x23: {  	s9 =	sor.u32 $0xD0000000, s2;
	s6 =	simm.s32 $0x108;
	_ =	swait.ge @!p0 [sflag:s8], $0x0  }
0x24: {  	s3 =	sadd.s32 $0x88, s3;
	s6 =	simm.s32 @!p1 $0x1082;
	[sflag:s4] =	ssyncset.s32 $0xFFFFF086  }
0x25: {  	[simem:s6], [sflag:s4] =	dma.local [hbm:s3], $0xF7A  }
0x26: {  	[smem:$0x3F50] =	sst s1;
	(tag) =	ssettag s2;
	_ =	strace s9  }
0x27: {  	s1 =	sld [smem:$0x3F60]  }
0x28: {  	s2 =	sld [smem:$0x3F61]  }
0x29: {  	s4 =	sld [smem:$0x3F63]  }
0x2a: {  	p0 =	seq.s32 s5, $0x0;
	s5 =	sld [smem:$0x3F64]  }
0x2b: {  	s6 =	sld [smem:$0x3F65]  }
0x2c: {  	s7 =	sld [smem:$0x3F66]  }
0x2d: {  	s3 =	simm.s32 $0x108;
	s8 =	sld [smem:$0x3F67]  }
0x2e: {  	s3 =	simm.s32 @!p0 $0x1082;
	s9 =	sld [smem:$0x3F68]  }
0x2f: {  	lr =	sadd.s32 s0, s3;
	s0 =	sld [smem:$0x3F5F]  }
0x30: {  	s3 =	sld [smem:$0x3F62]  }
0x31: {  	[smem:$0x3F6B] =	sst s10  }
0x32: {  	s10 =	sld [smem:$0x3F69];
	_ =	sdelay $0x3  }
0x33: {  	p0 =	seq.s32 s10, $0x1;
	s10 =	sld [smem:$0x3F6B];
	_ =	sdelay $0x3  }
0x34: {  	[smem:$0x3F6B] =	sst s10  }
0x35: {  	s10 =	sld [smem:$0x3F6A];
	_ =	sdelay $0x3  }
0x36: {  	p1 =	seq.s32 s10, $0x1;
	s10 =	sld [smem:$0x3F6B];
	_ =	sdelay $0x3  }
0x37: {  	[smem:$0x3F6B] =	sst s10  }
0x38: {  	s10 =	sld [smem:$0x3F6C]  }
0x39: {  	_ = 	snop;
	(pc) =	sbr.ind lr, $3  }
0x3a: {  	_ = 	snop  }
0x3b: {  	_ = 	snop  }
0x3c: {  	p2 =	seq.s32 s10, $0x1;
	s10 =	sld [smem:$0x3F6B]  }
0x3d: {  	_ =	shalt  }
0x3e: {  	_ =	shalt  }
0x3f: {  	_ =	shalt  }
0x40: {  	_ =	shalt  }
0x41: {  	_ =	shalt  }
0x42: {  	_ =	shalt  }
0x43: {  	_ =	shalt  }
0x44: {  	_ =	shalt  }
0x45: {  	_ =	shalt  }
0x46: {  	_ =	shalt  }
0x47: {  	_ =	shalt  }
0x48: {  	_ =	shalt  }
0x49: {  	_ =	shalt  }
0x4a: {  	_ =	shalt  }
0x4b: {  	_ =	shalt  }
0x4c: {  	_ =	shalt  }
0x4d: {  	_ =	shalt  }
0x4e: {  	_ =	shalt  }
0x4f: {  	_ =	shalt  }
0x50: {  	_ =	shalt  }
0x51: {  	_ =	shalt  }
0x52: {  	_ =	shalt  }
0x53: {  	_ =	shalt  }
0x54: {  	_ =	shalt  }
0x55: {  	_ =	shalt  }
0x56: {  	_ =	shalt  }
0x57: {  	_ =	shalt  }
0x58: {  	_ =	shalt  }
0x59: {  	_ =	shalt  }
0x5a: {  	_ =	shalt  }
0x5b: {  	_ =	shalt  }
0x5c: {  	_ =	shalt  }
0x5d: {  	_ =	shalt  }
0x5e: {  	_ =	shalt  }
0x5f: {  	_ =	shalt  }
0x60: {  	_ =	shalt  }
0x61: {  	_ =	shalt  }
0x62: {  	_ =	shalt  }
0x63: {  	_ =	shalt  }
0x64: {  	_ =	shalt  }
0x65: {  	_ =	shalt  }
0x66: {  	_ =	shalt  }
0x67: {  	_ =	shalt  }
0x68: {  	_ =	shalt  }
0x69: {  	_ =	shalt  }
0x6a: {  	_ =	shalt  }
0x6b: {  	_ =	shalt  }
0x6c: {  	_ =	shalt  }
0x6d: {  	_ =	shalt  }
0x6e: {  	_ =	shalt  }
0x6f: {  	_ =	shalt  }
0x70: {  	_ =	shalt  }
0x71: {  	_ =	shalt  }
0x72: {  	_ =	shalt  }
0x73: {  	_ =	shalt  }
0x74: {  	_ =	shalt  }
0x75: {  	_ =	shalt  }
0x76: {  	_ =	shalt  }
0x77: {  	_ =	shalt  }
0x78: {  	_ =	shalt  }
0x79: {  	_ =	shalt  }
0x7a: {  	_ =	shalt  }
0x7b: {  	_ =	shalt  }
0x7c: {  	_ =	shalt  }
0x7d: {  	_ =	shalt  }
0x7e: {  	_ =	shalt  }
0x7f: {  	_ =	shalt  }
0x80: {  	_ =	shalt  }
0x81: {  	_ =	shalt  }
0x82: {  	_ =	shalt  }
0x83: {  	_ =	shalt  }
0x84: {  	_ =	shalt  }
0x85: {  	_ =	shalt  }
0x86: {  	_ =	shalt  }
0x87: {  	_ =	shalt  }
.Lfunc_end0:
.L_simem_size_0:
called_computation.6_lowered:
.L_overlay_start_0:
0x88: {  	s2 =	sld [smem:$0x3FD9]  }
0x89: {  	s3 =	sld [smem:$0x3FFE];
	_ =	sdelay $0x1  }
0x8a: {  	s1 =	srdreg.scid  }
0x8b: {  	s0 =	sand.u32 $0x1, s1  }
0x8c: {  	s16 =	sshll.u32 s0, $0xA;
	s2 =	sadd.s32 s3, s2  }
0x8d: {  	s2 =	sadd.s32 s2, s16  }
0x8e: {  	[smem:$0x3F77] =	sst s2  }
0x8f: {  	_ = 	snop  }
0x90: {  	(tm) =	ssettm $0x1  }
0x91: {  	s17 =	sld [smem:$0x3FFB];
	_ =	sdelay $0x3  }
0x92: {  	_ =	strace s17  }
0x93: {  	s2 =	sld [smem:$0x3FFC];
	_ =	sdelay $0x3  }
0x94: {  	_ =	strace s2  }
0x95: {  	s2 =	sld [smem:$0x3FFD];
	_ =	sdelay $0x3  }
0x96: {  	_ =	strace s2  }
0x97: {  	_ =	strace $0x8FFFFFFF  }
0x98: {  	s18 =	sld [smem:$0x3FDB];
	_ =	sdelay $0x1  }
0x99: {  	s19 =	simm.s32 $_scs_section_size  }
0x9a: {  	s4 =	simm.s32 $_size__tile_overlayer_lowered;
	s5 =	simm.s32 $_tile_overlayer_lowered  }
0x9b: {  	s22 =	simm.s32 $0x1BFF;
	s21 =	sshll.u32 s5, $0x1;
	s2 =	sadd.s32 s19, s18  }
0x9c: {  	s6 =	simm.s32 $0x0;
	s20 =	sshll.u32 s4, $0x1;
	s4 =	sadd.s32 s21, s2  }
0x9d: {  	[timem:s6], [sflag:s22] =	dma.local [hbm:s4], s20  }
0x9e: {  	_ =	swait.ge [sflag:s22], s20  }
0x9f: {  	s3 =	ssub.s32 $0x0, s20;
	[sflag:s22] =	ssyncset.done $0x0  }
0xa0: {  	[sflag:s22] =	ssyncadd.s32 s3;
	_ =	sdelay $0x1  }
0xa1: {  	s23 =	simm.s32 $0x1B8B  }
0xa2: {  	_ =	swait.ge [sflag:s23], $0x1  }
0xa3: {  	[sflag:s23] =	ssyncset.done $0x0  }
0xa4: {  	s25 =	simm.s32 $0x1B8E;
	s24 =	sld [smem:$0x3FFE];
	[sflag:s23] =	ssyncadd.s32 $0xFFFFFFFF  }
0xa5: {  	s26 =	simm.s32 $execute0_lowered;
	[smem:$0x3FD2] =	sst s25  }
0xa6: {  	s4 =	sshll.u32 s26, $0x1;
	_ =	strace $0x80000058;
	[dreg:$0x1] =	wrdreg $0xFFFFFFFF  }
0xa7: {  	s28 =	simm.s32 $_size_execute0_lowered;
	s2 =	sadd.s32 s2, s4;
	[dreg:$0x0] =	wrdreg $0x0  }
0xa8: {  	s4 =	sshll.u32 s28, $0x1;
	[dreg:$0x2] =	wrdreg s2  }
0xa9: {  	[dreg:$0x3] =	wrdreg s4  }
0xaa: {  	[dreg:$0x4] =	wrdreg $0xC0  }
0xab: {  	_ =	task [dreg:s6], $0x5FFFF  }
0xac: {  	[dreg:$0x1] =	wrdreg $0xFFFFFFFF  }
0xad: {  	[dreg:$0x0] =	wrdreg $0x60  }
0xae: {  	[dreg:$0x2] =	wrdreg s24  }
0xaf: {  	[dreg:$0x3] =	wrdreg $0xA8000  }
0xb0: {  	[dreg:$0x4] =	wrdreg $0x9  }
0xb1: {  	_ =	task.clear_ibuf [dreg:s6], $0x5FFFF;
	_ =	strace $0x90000058  }
0xb2: {  	s29 =	simm.s32 $0x9;
	_ =	strace $0x8000005A  }
0xb3: {  	_ =	swait.ge [sflag:s29], $0x1  }
0xb4: {  	[sflag:s29] =	ssyncadd.s32 $0xFFFFFFFF  }
0xb5: {  	_ =	strace $0x9000005A  }
0xb6: {  	_ =	sfence  }
0xb7: {  	s30 =	sld [smem:$0x0];
	_ =	sdelay $0x2  }
0xb8: {  	s31 =	sshll.u32 s1, $0xD;
	s1 =	sshrl.u32 s1, $0x2  }
0xb9: {  	s3 =	sand.u32 $0x4000, s31;
	s1 =	sadd.s32 s1, s30  }
0xba: {  	s0 =	sor.u32 s3, s0;
	s1 =	sshll.u32 s1, $0x11  }
0xbb: {  	s0 =	sor.u32 s1, s0  }
0xbc: {  	s0 =	sadd.s32 $0x8F2B, s0  }
0xbd: {  	[sflag:s0] =	ssyncadd.remote.s32 $0x1  }
0xbe: {  	_ =	sfence.sel $0xFFFF  }
0xbf: {  	[dreg:$0x0] =	wrdreg $0xFFFFFFFF;
	(pc) =	sbr.abs _section_cstart, $3  }
0xc0: {  	[dreg:$0x1] =	wrdreg $0xFFFFFFFF  }
0xc1: {  	_ =	task.clear_ibuf [dreg:s6], $0x2FFFF;
	_ =	strace $0x9FFFFFFF  }
0xc2: {  	(tm) =	ssettm $0x7FFFFFFF  }
0xc3: {  	_ =	shalt  }
tec
execute0_lowered:
.L_overlay_start_1:
0x0: {  	(tag) =	ssettag $0x1  }
0x1: {  	s4 =	rddreg [dreg:$0x0]  }
0x2: {  	s2 =	rddreg [dreg:$0x1]  }
0x3: {  	s1 =	stileid.u32;
	s0 =	rddreg [dreg:$0x2];
	s3 =	simm.s32 $0x0  }
0x4: {  	s6 =	srdreg.scid;
	s14 =	simm.s32 $0x2800;
	s15 =	simm.s32 $0x6800  }
0x5: {  	s16 =	simm.s32 $0x1;
	s17 =	simm.s32 $0x3;
	s18 =	simm.s32 $0x2  }
0x6: {  	s19 =	simm.s32 $0x4;
	s20 =	simm.s32 $0x0;
	s5 =	smul.u32 $0x2780, s1  }
0x7: {  	[smem:$0x7FF] =	sst s3;
	s6 =	sand.u32 $0x1, s6;
	s9 =	smul.u32 $0x4F000, s1  }
0x8: {  	s7 =	sadd.s32 $0xB7A00, s4;
	s11 =	sadd.s32 $0x132C00, s4;
	s29 =	smul.u32 $0x500, s1  }
0x9: {  	s10 =	sadd.s32 $0xADA00, s4;
	s13 =	sadd.s32 $0x3B2C00, s4;
	s30 =	smul.u32 $0x28000, s1  }
0xa: {  	s31 =	sshll.u32 s1, $0x6;
	_ =	strace $0x80000059;
	s8 =	ssub.s32 $0x2, s6  }
0xb: {  	p0 =	seq.s32 s6, $0x0;
	s6 =	sor.u32 $0x1C05, s31;
	s5 =	sadd.s32 s5, s4  }
0xc: {  	s12 =	sshrl.u32 s8, $0x1;
	s26 =	sshrl.u32 s9, $0x2;
	s10 =	smov.u32 @p0 s7  }
0xd: {  	s13 =	smov.u32 @p0 s11;
	s8 =	ssub.s32 s8, s12;
	s28 =	sadd.s32 s26, s2  }
0xe: {  	s4 =	sadd.s32 $0xE4200, s5;
	s7 =	sadd.s32 s10, s29;
	s12 =	simm.s32 $0x5  }
0xf: {  	s5 =	smax.u32 s8, $0x1;
	s8 =	sadd.s32 s30, s13;
	s11 =	sshrl.u32 s28, $0x3  }
0x10: {  	s13 =	simm.s32 $0x80;
	s9 =	sadd.s32 $0x27000, s8;
	s10 =	sadd.s32 $0x27800, s8  }
.LBB2_1:
0x11: {  	[spmem:s11], [sflag:s6] =	dma.local [hbm:s4], $0x2780  }
0x12: {  	_ =	swait.ge [sflag:s12], $0x2780  }
0x13: {  	[sflag:s12] =	ssyncset.done $0x0  }
0x14: {  	[sflag:s12] =	ssyncadd.s32 $0xFFFFD880  }
0x15: {  	[tilespmem:s3], [sflag:$0x5] =	stream.linear.gather [hbm4b:s7+s3], $0x2800, $0x38;
	[tilespmem:$0x1E400] =	vst v63  }
0x16: {  	_ =	swait.ge [sflag:s12], $0x2800  }
0x17: {  	[sflag:s12] =	ssyncset.done $0x0  }
0x18: {  	[sflag:s12] =	ssyncadd.s32 $0xFFFFD800  }
0x19: {  	[bflag:$0x0] =	sbarrier.arrive $0xFFFF  }
0x1a: {  	[tilespmem:s14], [sflag:$0x1] =	stream.indirect.gather [spmem:s2], $0x80, s3, s13, $0xb8;
	[tilespmem:$0x1E400] =	vst v63  }
0x1b: {  	_ = 	snop  }
0x1c: {  	[tilespmem:s15], [sflag:$0x2] =	stream.indirect.gather [spmem:s2], $0x80, s13, s13, $0xb8;
	[tilespmem:$0x1E400] =	vst v63  }
0x1d: {  	_ =	swait.ge [sflag:s16], $0x4000  }
0x1e: {  	[sflag:s16] =	ssyncset.done $0x0  }
0x1f: {  	s21 =	sadd.s32 $0x0, s8;
	[sflag:s16] =	ssyncadd.s32 $0xFFFFC000  }
0x20: {  	[hbm4b:s21+s3] =	stream.linear.scatter [tilespmem:s14], [sflag:$0x3], $0x4000, $0x38;
	[tilespmem:$0x1E400] =	vst v63  }
0x21: {  	_ =	swait.ge [sflag:s17], $0x4000  }
0x22: {  	[sflag:s17] =	ssyncset.done $0x0  }
0x23: {  	s22 =	simm.s32 $0x100;
	[sflag:s17] =	ssyncadd.s32 $0xFFFFC000  }
0x24: {  	[tilespmem:s14], [sflag:$0x1] =	stream.indirect.gather [spmem:s2], $0x80, s22, s13, $0xb8;
	[tilespmem:$0x1E400] =	vst v63  }
0x25: {  	_ =	swait.ge [sflag:s18], $0x4000  }
0x26: {  	[sflag:s18] =	ssyncset.done $0x0  }
0x27: {  	s21 =	sadd.s32 $0x800, s21;
	[sflag:s18] =	ssyncadd.s32 $0xFFFFC000  }
0x28: {  	[hbm4b:s21+s3] =	stream.linear.scatter [tilespmem:s15], [sflag:$0x4], $0x4000, $0x38;
	[tilespmem:$0x1E400] =	vst v63  }
0x29: {  	_ =	swait.ge [sflag:s19], $0x4000  }
0x2a: {  	s23 =	simm.s32 $0x280;
	[sflag:s19] =	ssyncset.done $0x0  }
0x2b: {  	s22 =	simm.s32 $0x1000;
	s21 =	simm.s32 $0x180;
	[sflag:s19] =	ssyncadd.s32 $0xFFFFC000  }
.LBB2_2:
0x2c: {  	[tilespmem:s15], [sflag:$0x2] =	stream.indirect.gather [spmem:s2], $0x80, s21, s13, $0xb8;
	[tilespmem:$0x1E400] =	vst v63  }
0x2d: {  	s24 =	smov.u32 s22;
	s21 =	smov.u32 s23  }
0x2e: {  	p0 =	sne.s32 s22, $0x26000;
	s22 =	sadd.s32 $0x1000, s22;
	_ =	swait.ge [sflag:s16], $0x4000  }
0x2f: {  	[sflag:s16] =	ssyncset.done $0x0  }
0x30: {  	s24 =	sadd.s32 s24, s8;
	[sflag:s16] =	ssyncadd.s32 $0xFFFFC000  }
0x31: {  	[hbm4b:s24+s3] =	stream.linear.scatter [tilespmem:s14], [sflag:$0x3], $0x4000, $0x38;
	[tilespmem:$0x1E400] =	vst v63  }
0x32: {  	_ =	swait.ge [sflag:s17], $0x4000  }
0x33: {  	[sflag:s17] =	ssyncset.done $0x0  }
0x34: {  	s25 =	sadd.s32 $0xFFFFFF80, s23;
	[sflag:s17] =	ssyncadd.s32 $0xFFFFC000  }
0x35: {  	[tilespmem:s14], [sflag:$0x1] =	stream.indirect.gather [spmem:s2], $0x80, s25, s13, $0xb8;
	[tilespmem:$0x1E400] =	vst v63  }
0x36: {  	_ =	swait.ge [sflag:s18], $0x4000  }
0x37: {  	[sflag:s18] =	ssyncset.done $0x0  }
.Ltmp0:
0x38: {  	s24 =	sadd.s32 $0x800, s24;
	[sflag:s18] =	ssyncadd.s32 $0xFFFFC000;
	(pc) =	sbr.rel @p0 .LBB2_2-.Ltmp0, $4  }
0x39: {  	[hbm4b:s24+s3] =	stream.linear.scatter [tilespmem:s15], [sflag:$0x4], $0x4000, $0x38;
	[tilespmem:$0x1E400] =	vst v63  }
0x3a: {  	_ =	swait.ge [sflag:s19], $0x4000  }
0x3b: {  	[sflag:s19] =	ssyncset.done $0x0  }
0x3c: {  	s23 =	sadd.s32 $0x100, s23;
	[sflag:s19] =	ssyncadd.s32 $0xFFFFC000  }
0x3d: {  	[tilespmem:s15], [sflag:$0x2] =	stream.indirect.gather [spmem:s2], $0x80, s21, s13, $0xb8;
	[tilespmem:$0x1E400] =	vst v63  }
0x3e: {  	_ =	swait.ge [sflag:s16], $0x4000  }
0x3f: {  	[sflag:s16] =	ssyncset.done $0x0  }
0x40: {  	[sflag:s16] =	ssyncadd.s32 $0xFFFFC000  }
0x41: {  	[hbm4b:s9+s3] =	stream.linear.scatter [tilespmem:s14], [sflag:$0x3], $0x4000, $0x38;
	[tilespmem:$0x1E400] =	vst v63  }
0x42: {  	_ =	swait.ge [sflag:s18], $0x4000  }
0x43: {  	[sflag:s18] =	ssyncset.done $0x0  }
0x44: {  	s20 =	sadd.s32 $0x1, s20;
	[sflag:s18] =	ssyncadd.s32 $0xFFFFC000  }
0x45: {  	[hbm4b:s10+s3] =	stream.linear.scatter [tilespmem:s15], [sflag:$0x4], $0x4000, $0x38;
	[tilespmem:$0x1E400] =	vst v63  }
0x46: {  	p0 =	sne.s32 s20, s5;
	_ =	swait.ge [sflag:s17], $0x4000  }
.Ltmp1:
0x47: {  	[sflag:s17] =	ssyncset.done $0x0;
	(pc) =	sbr.rel @p0 .LBB2_1-.Ltmp1, $4  }
0x48: {  	[sflag:s17] =	ssyncadd.s32 $0xFFFFC000  }
0x49: {  	_ =	swait.ge [sflag:s19], $0x4000  }
0x4a: {  	[sflag:s19] =	ssyncset.done $0x0  }
0x4b: {  	[sflag:s19] =	ssyncadd.s32 $0xFFFFC000  }
0x4c: {  	_ =	sfence.sel $0x180000  }
0x4d: {  	[bflag:$0x0] =	sbarrier.arrive $0xFFFF  }
0x4e: {  	p0 =	sne.s32 s1, $0x0;
	_ =	strace $0x90000059  }
0x4f: {  	s0 =	sadd.s32 @!p0 $0x100000, s0;
	[bflag:$0x2] =	sbarrier.arrive $0xFFFF  }
0x50: {  	[sflag:s0] =	ssyncadd.tile.s32 @!p0 $0x1;
	_ =	shalt  }
.Lfunc_end2:
_tile_overlayer_lowered:
.L_overlay_start_2:
0x51: {  	(tag) =	ssettag $0x2  }
0x52: {  	s0 =	rddreg [dreg:$0x0];
	s2 =	stileid.u32  }
0x53: {  	s1 =	rddreg [dreg:$0x1];
	p0 =	sne.s32 s2, $0x0  }
0x54: {  	s3 =	rddreg [dreg:$0x2];
	[bflag:$0x3] =	sbarrier.arrive $0xFFFF;
	s2 =	simm.s32 @!p0 $0x1C05  }
0x55: {  	[timem:s3], [sflag:s2] =	dma.local @!p0 [hbm:s0], s1  }
0x56: {  	s0 =	simm.s32 @!p0 $0x5  }
0x57: {  	_ =	swait.ge @!p0 [sflag:s0], s1  }
0x58: {  	s1 =	ssub.s32 @!p0 $0x0, s1;
	[sflag:s0] =	ssyncset.done @!p0 $0x0  }
0x59: {  	[sflag:s0] =	ssyncadd.s32 @!p0 s1  }
0x5a: {  	[bflag:$0x3] =	sbarrier.arrive $0xFFFF  }
0x5b: {  	_ =	shalt  }

// kernel: sc_gather_spmem.6.cloned.1.call-start
scs
__scs_entry_jumppad:
0x0: {  	(pc) =	sbr.rel $0x88, $3  }
0x1: {  	(tag) =	ssettag $0x0;
	lr =	simm.s32 $0x1  }
0x2: {  	[smem:$0x3F50] =	sst lr;
	_ =	strace $0xD0000000  }
0x3: {  	_ = 	snop  }
0x4: {  	_ = 	snop  }
0x5: {  	_ = 	snop  }
0x6: {  	_ = 	snop  }
0x7: {  	_ = 	snop  }
__scs_overlays_trampoline_lowered:
0x8: {  	[smem:$0x3F5F] =	sst s0  }
0x9: {  	[smem:$0x3F60] =	sst s1  }
0xa: {  	[smem:$0x3F61] =	sst s2  }
0xb: {  	[smem:$0x3F62] =	sst s3  }
0xc: {  	[smem:$0x3F63] =	sst s4  }
0xd: {  	[smem:$0x3F64] =	sst s5  }
0xe: {  	[smem:$0x3F65] =	sst s6  }
0xf: {  	[smem:$0x3F66] =	sst s7  }
0x10: {  	[smem:$0x3F67] =	sst s8  }
0x11: {  	[smem:$0x3F68] =	sst s9;
	s0 =	simm.s32 @!p0 $0x0  }
0x12: {  	s1 =	sld [smem:$0x3F4E];
	s0 =	simm.s32 @p0 $0x1  }
0x13: {  	[smem:$0x3F69] =	sst s0;
	s0 =	simm.s32 @!p1 $0x0  }
0x14: {  	s2 =	sld [smem:$0x3F4D];
	s0 =	simm.s32 @p1 $0x1  }
0x15: {  	[smem:$0x3F6A] =	sst s0;
	s0 =	simm.s32 @!p2 $0x0  }
0x16: {  	s3 =	sld [smem:$0x3FDB];
	s0 =	simm.s32 @p2 $0x1  }
0x17: {  	s4 =	simm.s32 $0x1BF5;
	[smem:$0x3F6C] =	sst s0  }
0x18: {  	s0 =	sld [smem:$0x3F4F];
	_ =	swait.ge [sflag:s4], $0x0  }
0x19: {  	s7 =	sld [smem:$0x3F50]  }
0x1a: {  	s8 =	sadd.s32 $0xFFFFE003, lr  }
0x1b: {  	s9 =	sadd.s32 $0xFFFFFEF7, lr;
	s5 =	simm.s32 $0xFFFFFFFF;
	p2 =	slt.u32 s8, $0xFFFFF086  }
0x1c: {  	p1 =	slt.u32 s9, $0xF7A;
	s5 =	simm.s32 @!p2 $0x0  }
0x1d: {  	s5 =	simm.s32 @p1 $0x1;
	p0 =	seq.s32 s7, s2  }
0x1e: {  	s7 =	smul.u32 @!p0 $0xF7A, s2;
	p2 =	seq.s32 @!p0 s5, $0x0  }
0x1f: {  	s9 =	smul.u32 $0xF7A, s1;
	s8 =	simm.s32 @!p0 $0x1BF5;
	p2 =	por !p2, p0  }
0x20: {  	[sflag:s8] =	ssyncset.s32 @!p0 $0xFFFFF086;
	s6 =	sadd.s32 @!p0 s3, s7;
	s7 =	simm.s32 @!p0 $0x108  }
0x21: {  	s3 =	sadd.s32 s3, s9;
	s6 =	sadd.s32 @!p0 $0x88, s6;
	s7 =	simm.s32 @p2 $0x1082  }
0x22: {  	[simem:s7], [sflag:s8] =	dma.local @!p0 [hbm:s6], $0xF7A  }
0x23: {  	s9 =	sor.u32 $0xD0000000, s2;
	s6 =	simm.s32 $0x108;
	_ =	swait.ge @!p0 [sflag:s8], $0x0  }
0x24: {  	s3 =	sadd.s32 $0x88, s3;
	s6 =	simm.s32 @!p1 $0x1082;
	[sflag:s4] =	ssyncset.s32 $0xFFFFF086  }
0x25: {  	[simem:s6], [sflag:s4] =	dma.local [hbm:s3], $0xF7A  }
0x26: {  	[smem:$0x3F50] =	sst s1;
	(tag) =	ssettag s2;
	_ =	strace s9  }
0x27: {  	s1 =	sld [smem:$0x3F60]  }
0x28: {  	s2 =	sld [smem:$0x3F61]  }
0x29: {  	s4 =	sld [smem:$0x3F63]  }
0x2a: {  	p0 =	seq.s32 s5, $0x0;
	s5 =	sld [smem:$0x3F64]  }
0x2b: {  	s6 =	sld [smem:$0x3F65]  }
0x2c: {  	s7 =	sld [smem:$0x3F66]  }
0x2d: {  	s3 =	simm.s32 $0x108;
	s8 =	sld [smem:$0x3F67]  }
0x2e: {  	s3 =	simm.s32 @!p0 $0x1082;
	s9 =	sld [smem:$0x3F68]  }
0x2f: {  	lr =	sadd.s32 s0, s3;
	s0 =	sld [smem:$0x3F5F]  }
0x30: {  	s3 =	sld [smem:$0x3F62]  }
0x31: {  	[smem:$0x3F6B] =	sst s10  }
0x32: {  	s10 =	sld [smem:$0x3F69];
	_ =	sdelay $0x3  }
0x33: {  	p0 =	seq.s32 s10, $0x1;
	s10 =	sld [smem:$0x3F6B];
	_ =	sdelay $0x3  }
0x34: {  	[smem:$0x3F6B] =	sst s10  }
0x35: {  	s10 =	sld [smem:$0x3F6A];
	_ =	sdelay $0x3  }
0x36: {  	p1 =	seq.s32 s10, $0x1;
	s10 =	sld [smem:$0x3F6B];
	_ =	sdelay $0x3  }
0x37: {  	[smem:$0x3F6B] =	sst s10  }
0x38: {  	s10 =	sld [smem:$0x3F6C]  }
0x39: {  	_ = 	snop;
	(pc) =	sbr.ind lr, $3  }
0x3a: {  	_ = 	snop  }
0x3b: {  	_ = 	snop  }
0x3c: {  	p2 =	seq.s32 s10, $0x1;
	s10 =	sld [smem:$0x3F6B]  }
0x3d: {  	_ =	shalt  }
0x3e: {  	_ =	shalt  }
0x3f: {  	_ =	shalt  }
0x40: {  	_ =	shalt  }
0x41: {  	_ =	shalt  }
0x42: {  	_ =	shalt  }
0x43: {  	_ =	shalt  }
0x44: {  	_ =	shalt  }
0x45: {  	_ =	shalt  }
0x46: {  	_ =	shalt  }
0x47: {  	_ =	shalt  }
0x48: {  	_ =	shalt  }
0x49: {  	_ =	shalt  }
0x4a: {  	_ =	shalt  }
0x4b: {  	_ =	shalt  }
0x4c: {  	_ =	shalt  }
0x4d: {  	_ =	shalt  }
0x4e: {  	_ =	shalt  }
0x4f: {  	_ =	shalt  }
0x50: {  	_ =	shalt  }
0x51: {  	_ =	shalt  }
0x52: {  	_ =	shalt  }
0x53: {  	_ =	shalt  }
0x54: {  	_ =	shalt  }
0x55: {  	_ =	shalt  }
0x56: {  	_ =	shalt  }
0x57: {  	_ =	shalt  }
0x58: {  	_ =	shalt  }
0x59: {  	_ =	shalt  }
0x5a: {  	_ =	shalt  }
0x5b: {  	_ =	shalt  }
0x5c: {  	_ =	shalt  }
0x5d: {  	_ =	shalt  }
0x5e: {  	_ =	shalt  }
0x5f: {  	_ =	shalt  }
0x60: {  	_ =	shalt  }
0x61: {  	_ =	shalt  }
0x62: {  	_ =	shalt  }
0x63: {  	_ =	shalt  }
0x64: {  	_ =	shalt  }
0x65: {  	_ =	shalt  }
0x66: {  	_ =	shalt  }
0x67: {  	_ =	shalt  }
0x68: {  	_ =	shalt  }
0x69: {  	_ =	shalt  }
0x6a: {  	_ =	shalt  }
0x6b: {  	_ =	shalt  }
0x6c: {  	_ =	shalt  }
0x6d: {  	_ =	shalt  }
0x6e: {  	_ =	shalt  }
0x6f: {  	_ =	shalt  }
0x70: {  	_ =	shalt  }
0x71: {  	_ =	shalt  }
0x72: {  	_ =	shalt  }
0x73: {  	_ =	shalt  }
0x74: {  	_ =	shalt  }
0x75: {  	_ =	shalt  }
0x76: {  	_ =	shalt  }
0x77: {  	_ =	shalt  }
0x78: {  	_ =	shalt  }
0x79: {  	_ =	shalt  }
0x7a: {  	_ =	shalt  }
0x7b: {  	_ =	shalt  }
0x7c: {  	_ =	shalt  }
0x7d: {  	_ =	shalt  }
0x7e: {  	_ =	shalt  }
0x7f: {  	_ =	shalt  }
0x80: {  	_ =	shalt  }
0x81: {  	_ =	shalt  }
0x82: {  	_ =	shalt  }
0x83: {  	_ =	shalt  }
0x84: {  	_ =	shalt  }
0x85: {  	_ =	shalt  }
0x86: {  	_ =	shalt  }
0x87: {  	_ =	shalt  }
.Lfunc_end0:
.L_simem_size_0:
called_computation_lowered:
.L_overlay_start_0:
0x88: {  	s2 =	sld [smem:$0x3FD9]  }
0x89: {  	s3 =	sld [smem:$0x3FFE];
	_ =	sdelay $0x1  }
0x8a: {  	s1 =	srdreg.scid  }
0x8b: {  	s0 =	sand.u32 $0x1, s1  }
0x8c: {  	s16 =	sshll.u32 s0, $0xA;
	s2 =	sadd.s32 s3, s2  }
0x8d: {  	s2 =	sadd.s32 s2, s16  }
0x8e: {  	[smem:$0x3F77] =	sst s2  }
0x8f: {  	_ = 	snop  }
0x90: {  	(tm) =	ssettm $0x1  }
0x91: {  	s17 =	sld [smem:$0x3FFB];
	_ =	sdelay $0x3  }
0x92: {  	_ =	strace s17  }
0x93: {  	s2 =	sld [smem:$0x3FFC];
	_ =	sdelay $0x3  }
0x94: {  	_ =	strace s2  }
0x95: {  	s2 =	sld [smem:$0x3FFD];
	_ =	sdelay $0x3  }
0x96: {  	_ =	strace s2  }
0x97: {  	_ =	strace $0x8FFFFFFF  }
0x98: {  	s18 =	sld [smem:$0x3FDB];
	_ =	sdelay $0x1  }
0x99: {  	s19 =	simm.s32 $_scs_section_size  }
0x9a: {  	s4 =	simm.s32 $_size__tile_overlayer_lowered;
	s5 =	simm.s32 $_tile_overlayer_lowered  }
0x9b: {  	s22 =	simm.s32 $0x1BFF;
	s21 =	sshll.u32 s5, $0x1;
	s2 =	sadd.s32 s19, s18  }
0x9c: {  	s6 =	simm.s32 $0x0;
	s20 =	sshll.u32 s4, $0x1;
	s4 =	sadd.s32 s21, s2  }
0x9d: {  	[timem:s6], [sflag:s22] =	dma.local [hbm:s4], s20  }
0x9e: {  	_ =	swait.ge [sflag:s22], s20  }
0x9f: {  	s3 =	ssub.s32 $0x0, s20;
	[sflag:s22] =	ssyncset.done $0x0  }
0xa0: {  	[sflag:s22] =	ssyncadd.s32 s3;
	_ =	sdelay $0x1  }
0xa1: {  	s23 =	simm.s32 $0x1B8B  }
0xa2: {  	_ =	swait.ge [sflag:s23], $0x1  }
0xa3: {  	[sflag:s23] =	ssyncset.done $0x0  }
0xa4: {  	s25 =	simm.s32 $0x1B8E;
	s24 =	sld [smem:$0x3FFE];
	[sflag:s23] =	ssyncadd.s32 $0xFFFFFFFF  }
0xa5: {  	s26 =	simm.s32 $execute0_lowered;
	[smem:$0x3FD2] =	sst s25  }
0xa6: {  	s4 =	sshll.u32 s26, $0x1;
	_ =	strace $0x80000046;
	[dreg:$0x1] =	wrdreg $0xFFFFFFFF  }
0xa7: {  	s28 =	simm.s32 $_size_execute0_lowered;
	s2 =	sadd.s32 s2, s4;
	[dreg:$0x0] =	wrdreg $0x0  }
0xa8: {  	s4 =	sshll.u32 s28, $0x1;
	[dreg:$0x2] =	wrdreg s2  }
0xa9: {  	[dreg:$0x3] =	wrdreg s4  }
0xaa: {  	[dreg:$0x4] =	wrdreg $0xC0  }
0xab: {  	_ =	task [dreg:s6], $0x5FFFF  }
0xac: {  	[dreg:$0x1] =	wrdreg $0xFFFFFFFF  }
0xad: {  	[dreg:$0x0] =	wrdreg $0x60  }
0xae: {  	[dreg:$0x2] =	wrdreg s24  }
0xaf: {  	[dreg:$0x3] =	wrdreg $0xA8000  }
0xb0: {  	[dreg:$0x4] =	wrdreg $0x9  }
0xb1: {  	_ =	task.clear_ibuf [dreg:s6], $0x5FFFF;
	_ =	strace $0x90000046  }
0xb2: {  	s29 =	simm.s32 $0x9;
	_ =	strace $0x80000048  }
0xb3: {  	_ =	swait.ge [sflag:s29], $0x1  }
0xb4: {  	[sflag:s29] =	ssyncadd.s32 $0xFFFFFFFF  }
0xb5: {  	_ =	strace $0x90000048  }
0xb6: {  	_ =	sfence  }
0xb7: {  	s30 =	sld [smem:$0x0];
	_ =	sdelay $0x2  }
0xb8: {  	s31 =	sshll.u32 s1, $0xD;
	s1 =	sshrl.u32 s1, $0x2  }
0xb9: {  	s3 =	sand.u32 $0x4000, s31;
	s1 =	sadd.s32 s1, s30  }
0xba: {  	s0 =	sor.u32 s3, s0;
	s1 =	sshll.u32 s1, $0x11  }
0xbb: {  	s0 =	sor.u32 s1, s0  }
0xbc: {  	s0 =	sadd.s32 $0x8F2B, s0  }
0xbd: {  	[sflag:s0] =	ssyncadd.remote.s32 $0x1  }
0xbe: {  	_ =	sfence.sel $0xFFFF  }
0xbf: {  	[dreg:$0x0] =	wrdreg $0xFFFFFFFF;
	(pc) =	sbr.abs _section_cstart, $3  }
0xc0: {  	[dreg:$0x1] =	wrdreg $0xFFFFFFFF  }
0xc1: {  	_ =	task.clear_ibuf [dreg:s6], $0x2FFFF;
	_ =	strace $0x9FFFFFFF  }
0xc2: {  	(tm) =	ssettm $0x7FFFFFFF  }
0xc3: {  	_ =	shalt  }
tec
execute0_lowered:
.L_overlay_start_1:
0x0: {  	(tag) =	ssettag $0x1  }
0x1: {  	s4 =	rddreg [dreg:$0x0]  }
0x2: {  	s1 =	rddreg [dreg:$0x1]  }
0x3: {  	s0 =	rddreg [dreg:$0x2];
	s2 =	simm.s32 $0x0  }
0x4: {  	s3 =	srdreg.scid;
	s15 =	simm.s32 $0x6800;
	s16 =	simm.s32 $0x1  }
0x5: {  	s17 =	simm.s32 $0x3;
	s18 =	simm.s32 $0x2;
	s19 =	simm.s32 $0x4  }
0x6: {  	s20 =	simm.s32 $0x0;
	[smem:$0x7FF] =	sst s2;
	s5 =	sadd.s32 $0xBCA00, s4  }
0x7: {  	s6 =	sadd.s32 $0xE4200, s4;
	s7 =	sand.u32 $0x1, s3;
	s3 =	stileid.u32  }
0x8: {  	s8 =	sadd.s32 $0xB7A00, s4;
	s13 =	sadd.s32 $0x159C00, s4;
	s12 =	smul.u32 $0x4F000, s3  }
0x9: {  	s10 =	sadd.s32 $0xADA00, s4;
	s14 =	sadd.s32 $0x3D9C00, s4;
	s26 =	smul.u32 $0x2780, s3  }
0xa: {  	_ =	strace $0x80000047;
	s9 =	ssub.s32 $0x2, s7;
	s29 =	smul.u32 $0x500, s3  }
0xb: {  	p0 =	seq.s32 s7, $0x0;
	s30 =	smul.u32 $0x28000, s3;
	s31 =	sshll.u32 s3, $0x6  }
0xc: {  	s11 =	sshrl.u32 s9, $0x1;
	s6 =	smov.u32 @p0 s5;
	s10 =	smov.u32 @p0 s8  }
0xd: {  	s14 =	smov.u32 @p0 s13;
	s7 =	sor.u32 $0x1C05, s31;
	s13 =	simm.s32 $0x80  }
0xe: {  	s24 =	ssub.s32 s9, s11;
	s25 =	sshrl.u32 s12, $0x2;
	s5 =	sadd.s32 s6, s26  }
0xf: {  	s6 =	sadd.s32 s10, s29;
	s8 =	sadd.s32 s30, s14;
	s12 =	simm.s32 $0x5  }
0x10: {  	s14 =	simm.s32 $0x2800;
	s28 =	sadd.s32 s25, s1;
	s4 =	smax.u32 s24, $0x1  }
0x11: {  	s9 =	sadd.s32 $0x27000, s8;
	s10 =	sadd.s32 $0x27800, s8;
	s11 =	sshrl.u32 s28, $0x3  }
.LBB2_1:
0x12: {  	[spmem:s11], [sflag:s7] =	dma.local [hbm:s5], $0x2780  }
0x13: {  	_ =	swait.ge [sflag:s12], $0x2780  }
0x14: {  	[sflag:s12] =	ssyncset.done $0x0  }
0x15: {  	[sflag:s12] =	ssyncadd.s32 $0xFFFFD880  }
0x16: {  	[tilespmem:s2], [sflag:$0x5] =	stream.linear.gather [hbm4b:s6+s2], $0x2800, $0x38;
	[tilespmem:$0x1E400] =	vst v63  }
0x17: {  	_ =	swait.ge [sflag:s12], $0x2800  }
0x18: {  	[sflag:s12] =	ssyncset.done $0x0  }
0x19: {  	[sflag:s12] =	ssyncadd.s32 $0xFFFFD800  }
0x1a: {  	[bflag:$0x0] =	sbarrier.arrive $0xFFFF  }
0x1b: {  	[tilespmem:s14], [sflag:$0x1] =	stream.indirect.gather [spmem:s1], $0x80, s2, s13, $0xb8;
	[tilespmem:$0x1E400] =	vst v63  }
0x1c: {  	_ = 	snop  }
0x1d: {  	[tilespmem:s15], [sflag:$0x2] =	stream.indirect.gather [spmem:s1], $0x80, s13, s13, $0xb8;
	[tilespmem:$0x1E400] =	vst v63  }
0x1e: {  	_ =	swait.ge [sflag:s16], $0x4000  }
0x1f: {  	[sflag:s16] =	ssyncset.done $0x0  }
0x20: {  	s21 =	sadd.s32 $0x0, s8;
	[sflag:s16] =	ssyncadd.s32 $0xFFFFC000  }
0x21: {  	[hbm4b:s21+s2] =	stream.linear.scatter [tilespmem:s14], [sflag:$0x3], $0x4000, $0x38;
	[tilespmem:$0x1E400] =	vst v63  }
0x22: {  	_ =	swait.ge [sflag:s17], $0x4000  }
0x23: {  	[sflag:s17] =	ssyncset.done $0x0  }
0x24: {  	s22 =	simm.s32 $0x100;
	[sflag:s17] =	ssyncadd.s32 $0xFFFFC000  }
0x25: {  	[tilespmem:s14], [sflag:$0x1] =	stream.indirect.gather [spmem:s1], $0x80, s22, s13, $0xb8;
	[tilespmem:$0x1E400] =	vst v63  }
0x26: {  	_ =	swait.ge [sflag:s18], $0x4000  }
0x27: {  	[sflag:s18] =	ssyncset.done $0x0  }
0x28: {  	s21 =	sadd.s32 $0x800, s21;
	[sflag:s18] =	ssyncadd.s32 $0xFFFFC000  }
0x29: {  	[hbm4b:s21+s2] =	stream.linear.scatter [tilespmem:s15], [sflag:$0x4], $0x4000, $0x38;
	[tilespmem:$0x1E400] =	vst v63  }
0x2a: {  	_ =	swait.ge [sflag:s19], $0x4000  }
0x2b: {  	s23 =	simm.s32 $0x280;
	[sflag:s19] =	ssyncset.done $0x0  }
0x2c: {  	s22 =	simm.s32 $0x1000;
	s21 =	simm.s32 $0x180;
	[sflag:s19] =	ssyncadd.s32 $0xFFFFC000  }
.LBB2_2:
0x2d: {  	[tilespmem:s15], [sflag:$0x2] =	stream.indirect.gather [spmem:s1], $0x80, s21, s13, $0xb8;
	[tilespmem:$0x1E400] =	vst v63  }
0x2e: {  	s24 =	smov.u32 s22;
	s21 =	smov.u32 s23  }
0x2f: {  	p0 =	sne.s32 s22, $0x26000;
	s22 =	sadd.s32 $0x1000, s22;
	_ =	swait.ge [sflag:s16], $0x4000  }
0x30: {  	[sflag:s16] =	ssyncset.done $0x0  }
0x31: {  	s24 =	sadd.s32 s24, s8;
	[sflag:s16] =	ssyncadd.s32 $0xFFFFC000  }
0x32: {  	[hbm4b:s24+s2] =	stream.linear.scatter [tilespmem:s14], [sflag:$0x3], $0x4000, $0x38;
	[tilespmem:$0x1E400] =	vst v63  }
0x33: {  	_ =	swait.ge [sflag:s17], $0x4000  }
0x34: {  	[sflag:s17] =	ssyncset.done $0x0  }
0x35: {  	s25 =	sadd.s32 $0xFFFFFF80, s23;
	[sflag:s17] =	ssyncadd.s32 $0xFFFFC000  }
0x36: {  	[tilespmem:s14], [sflag:$0x1] =	stream.indirect.gather [spmem:s1], $0x80, s25, s13, $0xb8;
	[tilespmem:$0x1E400] =	vst v63  }
0x37: {  	_ =	swait.ge [sflag:s18], $0x4000  }
0x38: {  	[sflag:s18] =	ssyncset.done $0x0  }
.Ltmp0:
0x39: {  	s24 =	sadd.s32 $0x800, s24;
	[sflag:s18] =	ssyncadd.s32 $0xFFFFC000;
	(pc) =	sbr.rel @p0 .LBB2_2-.Ltmp0, $4  }
0x3a: {  	[hbm4b:s24+s2] =	stream.linear.scatter [tilespmem:s15], [sflag:$0x4], $0x4000, $0x38;
	[tilespmem:$0x1E400] =	vst v63  }
0x3b: {  	_ =	swait.ge [sflag:s19], $0x4000  }
0x3c: {  	[sflag:s19] =	ssyncset.done $0x0  }
0x3d: {  	s23 =	sadd.s32 $0x100, s23;
	[sflag:s19] =	ssyncadd.s32 $0xFFFFC000  }
0x3e: {  	[tilespmem:s15], [sflag:$0x2] =	stream.indirect.gather [spmem:s1], $0x80, s21, s13, $0xb8;
	[tilespmem:$0x1E400] =	vst v63  }
0x3f: {  	_ =	swait.ge [sflag:s16], $0x4000  }
0x40: {  	[sflag:s16] =	ssyncset.done $0x0  }
0x41: {  	[sflag:s16] =	ssyncadd.s32 $0xFFFFC000  }
0x42: {  	[hbm4b:s9+s2] =	stream.linear.scatter [tilespmem:s14], [sflag:$0x3], $0x4000, $0x38;
	[tilespmem:$0x1E400] =	vst v63  }
0x43: {  	_ =	swait.ge [sflag:s18], $0x4000  }
0x44: {  	[sflag:s18] =	ssyncset.done $0x0  }
0x45: {  	s20 =	sadd.s32 $0x1, s20;
	[sflag:s18] =	ssyncadd.s32 $0xFFFFC000  }
0x46: {  	[hbm4b:s10+s2] =	stream.linear.scatter [tilespmem:s15], [sflag:$0x4], $0x4000, $0x38;
	[tilespmem:$0x1E400] =	vst v63  }
0x47: {  	p0 =	sne.s32 s20, s4;
	_ =	swait.ge [sflag:s17], $0x4000  }
.Ltmp1:
0x48: {  	[sflag:s17] =	ssyncset.done $0x0;
	(pc) =	sbr.rel @p0 .LBB2_1-.Ltmp1, $4  }
0x49: {  	[sflag:s17] =	ssyncadd.s32 $0xFFFFC000  }
0x4a: {  	_ =	swait.ge [sflag:s19], $0x4000  }
0x4b: {  	[sflag:s19] =	ssyncset.done $0x0  }
0x4c: {  	[sflag:s19] =	ssyncadd.s32 $0xFFFFC000  }
0x4d: {  	_ =	sfence.sel $0x180000  }
0x4e: {  	[bflag:$0x0] =	sbarrier.arrive $0xFFFF  }
0x4f: {  	p0 =	sne.s32 s3, $0x0;
	_ =	strace $0x90000047  }
0x50: {  	s0 =	sadd.s32 @!p0 $0x100000, s0;
	[bflag:$0x2] =	sbarrier.arrive $0xFFFF  }
0x51: {  	[sflag:s0] =	ssyncadd.tile.s32 @!p0 $0x1;
	_ =	shalt  }
.Lfunc_end2:
_tile_overlayer_lowered:
.L_overlay_start_2:
0x52: {  	(tag) =	ssettag $0x2  }
0x53: {  	s0 =	rddreg [dreg:$0x0];
	s2 =	stileid.u32  }
0x54: {  	s1 =	rddreg [dreg:$0x1];
	p0 =	sne.s32 s2, $0x0  }
0x55: {  	s3 =	rddreg [dreg:$0x2];
	[bflag:$0x3] =	sbarrier.arrive $0xFFFF;
	s2 =	simm.s32 @!p0 $0x1C05  }
0x56: {  	[timem:s3], [sflag:s2] =	dma.local @!p0 [hbm:s0], s1  }
0x57: {  	s0 =	simm.s32 @!p0 $0x5  }
0x58: {  	_ =	swait.ge @!p0 [sflag:s0], s1  }
0x59: {  	s1 =	ssub.s32 @!p0 $0x0, s1;
	[sflag:s0] =	ssyncset.done @!p0 $0x0  }
0x5a: {  	[sflag:s0] =	ssyncadd.s32 @!p0 s1  }
0x5b: {  	[bflag:$0x3] =	sbarrier.arrive $0xFFFF  }
0x5c: {  	_ =	shalt  }

// kernel: sc_gather_spmem.9.cloned.1.call-start
scs
__scs_entry_jumppad:
0x0: {  	(pc) =	sbr.rel $0x88, $3  }
0x1: {  	(tag) =	ssettag $0x0;
	lr =	simm.s32 $0x1  }
0x2: {  	[smem:$0x3F50] =	sst lr;
	_ =	strace $0xD0000000  }
0x3: {  	_ = 	snop  }
0x4: {  	_ = 	snop  }
0x5: {  	_ = 	snop  }
0x6: {  	_ = 	snop  }
0x7: {  	_ = 	snop  }
__scs_overlays_trampoline_lowered:
0x8: {  	[smem:$0x3F5F] =	sst s0  }
0x9: {  	[smem:$0x3F60] =	sst s1  }
0xa: {  	[smem:$0x3F61] =	sst s2  }
0xb: {  	[smem:$0x3F62] =	sst s3  }
0xc: {  	[smem:$0x3F63] =	sst s4  }
0xd: {  	[smem:$0x3F64] =	sst s5  }
0xe: {  	[smem:$0x3F65] =	sst s6  }
0xf: {  	[smem:$0x3F66] =	sst s7  }
0x10: {  	[smem:$0x3F67] =	sst s8  }
0x11: {  	[smem:$0x3F68] =	sst s9;
	s0 =	simm.s32 @!p0 $0x0  }
0x12: {  	s1 =	sld [smem:$0x3F4E];
	s0 =	simm.s32 @p0 $0x1  }
0x13: {  	[smem:$0x3F69] =	sst s0;
	s0 =	simm.s32 @!p1 $0x0  }
0x14: {  	s2 =	sld [smem:$0x3F4D];
	s0 =	simm.s32 @p1 $0x1  }
0x15: {  	[smem:$0x3F6A] =	sst s0;
	s0 =	simm.s32 @!p2 $0x0  }
0x16: {  	s3 =	sld [smem:$0x3FDB];
	s0 =	simm.s32 @p2 $0x1  }
0x17: {  	s4 =	simm.s32 $0x1BF5;
	[smem:$0x3F6C] =	sst s0  }
0x18: {  	s0 =	sld [smem:$0x3F4F];
	_ =	swait.ge [sflag:s4], $0x0  }
0x19: {  	s7 =	sld [smem:$0x3F50]  }
0x1a: {  	s8 =	sadd.s32 $0xFFFFE003, lr  }
0x1b: {  	s9 =	sadd.s32 $0xFFFFFEF7, lr;
	s5 =	simm.s32 $0xFFFFFFFF;
	p2 =	slt.u32 s8, $0xFFFFF086  }
0x1c: {  	p1 =	slt.u32 s9, $0xF7A;
	s5 =	simm.s32 @!p2 $0x0  }
0x1d: {  	s5 =	simm.s32 @p1 $0x1;
	p0 =	seq.s32 s7, s2  }
0x1e: {  	s7 =	smul.u32 @!p0 $0xF7A, s2;
	p2 =	seq.s32 @!p0 s5, $0x0  }
0x1f: {  	s9 =	smul.u32 $0xF7A, s1;
	s8 =	simm.s32 @!p0 $0x1BF5;
	p2 =	por !p2, p0  }
0x20: {  	[sflag:s8] =	ssyncset.s32 @!p0 $0xFFFFF086;
	s6 =	sadd.s32 @!p0 s3, s7;
	s7 =	simm.s32 @!p0 $0x108  }
0x21: {  	s3 =	sadd.s32 s3, s9;
	s6 =	sadd.s32 @!p0 $0x88, s6;
	s7 =	simm.s32 @p2 $0x1082  }
0x22: {  	[simem:s7], [sflag:s8] =	dma.local @!p0 [hbm:s6], $0xF7A  }
0x23: {  	s9 =	sor.u32 $0xD0000000, s2;
	s6 =	simm.s32 $0x108;
	_ =	swait.ge @!p0 [sflag:s8], $0x0  }
0x24: {  	s3 =	sadd.s32 $0x88, s3;
	s6 =	simm.s32 @!p1 $0x1082;
	[sflag:s4] =	ssyncset.s32 $0xFFFFF086  }
0x25: {  	[simem:s6], [sflag:s4] =	dma.local [hbm:s3], $0xF7A  }
0x26: {  	[smem:$0x3F50] =	sst s1;
	(tag) =	ssettag s2;
	_ =	strace s9  }
0x27: {  	s1 =	sld [smem:$0x3F60]  }
0x28: {  	s2 =	sld [smem:$0x3F61]  }
0x29: {  	s4 =	sld [smem:$0x3F63]  }
0x2a: {  	p0 =	seq.s32 s5, $0x0;
	s5 =	sld [smem:$0x3F64]  }
0x2b: {  	s6 =	sld [smem:$0x3F65]  }
0x2c: {  	s7 =	sld [smem:$0x3F66]  }
0x2d: {  	s3 =	simm.s32 $0x108;
	s8 =	sld [smem:$0x3F67]  }
0x2e: {  	s3 =	simm.s32 @!p0 $0x1082;
	s9 =	sld [smem:$0x3F68]  }
0x2f: {  	lr =	sadd.s32 s0, s3;
	s0 =	sld [smem:$0x3F5F]  }
0x30: {  	s3 =	sld [smem:$0x3F62]  }
0x31: {  	[smem:$0x3F6B] =	sst s10  }
0x32: {  	s10 =	sld [smem:$0x3F69];
	_ =	sdelay $0x3  }
0x33: {  	p0 =	seq.s32 s10, $0x1;
	s10 =	sld [smem:$0x3F6B];
	_ =	sdelay $0x3  }
0x34: {  	[smem:$0x3F6B] =	sst s10  }
0x35: {  	s10 =	sld [smem:$0x3F6A];
	_ =	sdelay $0x3  }
0x36: {  	p1 =	seq.s32 s10, $0x1;
	s10 =	sld [smem:$0x3F6B];
	_ =	sdelay $0x3  }
0x37: {  	[smem:$0x3F6B] =	sst s10  }
0x38: {  	s10 =	sld [smem:$0x3F6C]  }
0x39: {  	_ = 	snop;
	(pc) =	sbr.ind lr, $3  }
0x3a: {  	_ = 	snop  }
0x3b: {  	_ = 	snop  }
0x3c: {  	p2 =	seq.s32 s10, $0x1;
	s10 =	sld [smem:$0x3F6B]  }
0x3d: {  	_ =	shalt  }
0x3e: {  	_ =	shalt  }
0x3f: {  	_ =	shalt  }
0x40: {  	_ =	shalt  }
0x41: {  	_ =	shalt  }
0x42: {  	_ =	shalt  }
0x43: {  	_ =	shalt  }
0x44: {  	_ =	shalt  }
0x45: {  	_ =	shalt  }
0x46: {  	_ =	shalt  }
0x47: {  	_ =	shalt  }
0x48: {  	_ =	shalt  }
0x49: {  	_ =	shalt  }
0x4a: {  	_ =	shalt  }
0x4b: {  	_ =	shalt  }
0x4c: {  	_ =	shalt  }
0x4d: {  	_ =	shalt  }
0x4e: {  	_ =	shalt  }
0x4f: {  	_ =	shalt  }
0x50: {  	_ =	shalt  }
0x51: {  	_ =	shalt  }
0x52: {  	_ =	shalt  }
0x53: {  	_ =	shalt  }
0x54: {  	_ =	shalt  }
0x55: {  	_ =	shalt  }
0x56: {  	_ =	shalt  }
0x57: {  	_ =	shalt  }
0x58: {  	_ =	shalt  }
0x59: {  	_ =	shalt  }
0x5a: {  	_ =	shalt  }
0x5b: {  	_ =	shalt  }
0x5c: {  	_ =	shalt  }
0x5d: {  	_ =	shalt  }
0x5e: {  	_ =	shalt  }
0x5f: {  	_ =	shalt  }
0x60: {  	_ =	shalt  }
0x61: {  	_ =	shalt  }
0x62: {  	_ =	shalt  }
0x63: {  	_ =	shalt  }
0x64: {  	_ =	shalt  }
0x65: {  	_ =	shalt  }
0x66: {  	_ =	shalt  }
0x67: {  	_ =	shalt  }
0x68: {  	_ =	shalt  }
0x69: {  	_ =	shalt  }
0x6a: {  	_ =	shalt  }
0x6b: {  	_ =	shalt  }
0x6c: {  	_ =	shalt  }
0x6d: {  	_ =	shalt  }
0x6e: {  	_ =	shalt  }
0x6f: {  	_ =	shalt  }
0x70: {  	_ =	shalt  }
0x71: {  	_ =	shalt  }
0x72: {  	_ =	shalt  }
0x73: {  	_ =	shalt  }
0x74: {  	_ =	shalt  }
0x75: {  	_ =	shalt  }
0x76: {  	_ =	shalt  }
0x77: {  	_ =	shalt  }
0x78: {  	_ =	shalt  }
0x79: {  	_ =	shalt  }
0x7a: {  	_ =	shalt  }
0x7b: {  	_ =	shalt  }
0x7c: {  	_ =	shalt  }
0x7d: {  	_ =	shalt  }
0x7e: {  	_ =	shalt  }
0x7f: {  	_ =	shalt  }
0x80: {  	_ =	shalt  }
0x81: {  	_ =	shalt  }
0x82: {  	_ =	shalt  }
0x83: {  	_ =	shalt  }
0x84: {  	_ =	shalt  }
0x85: {  	_ =	shalt  }
0x86: {  	_ =	shalt  }
0x87: {  	_ =	shalt  }
.Lfunc_end0:
.L_simem_size_0:
called_computation.2_lowered:
.L_overlay_start_0:
0x88: {  	s2 =	sld [smem:$0x3FD9]  }
0x89: {  	s3 =	sld [smem:$0x3FFE];
	_ =	sdelay $0x1  }
0x8a: {  	s1 =	srdreg.scid  }
0x8b: {  	s0 =	sand.u32 $0x1, s1  }
0x8c: {  	s16 =	sshll.u32 s0, $0xA;
	s2 =	sadd.s32 s3, s2  }
0x8d: {  	s2 =	sadd.s32 s2, s16  }
0x8e: {  	[smem:$0x3F77] =	sst s2  }
0x8f: {  	_ = 	snop  }
0x90: {  	(tm) =	ssettm $0x1  }
0x91: {  	s17 =	sld [smem:$0x3FFB];
	_ =	sdelay $0x3  }
0x92: {  	_ =	strace s17  }
0x93: {  	s2 =	sld [smem:$0x3FFC];
	_ =	sdelay $0x3  }
0x94: {  	_ =	strace s2  }
0x95: {  	s2 =	sld [smem:$0x3FFD];
	_ =	sdelay $0x3  }
0x96: {  	_ =	strace s2  }
0x97: {  	_ =	strace $0x8FFFFFFF  }
0x98: {  	s18 =	sld [smem:$0x3FDB];
	_ =	sdelay $0x1  }
0x99: {  	s19 =	simm.s32 $_scs_section_size  }
0x9a: {  	s4 =	simm.s32 $_size__tile_overlayer_lowered;
	s5 =	simm.s32 $_tile_overlayer_lowered  }
0x9b: {  	s22 =	simm.s32 $0x1BFF;
	s21 =	sshll.u32 s5, $0x1;
	s2 =	sadd.s32 s19, s18  }
0x9c: {  	s6 =	simm.s32 $0x0;
	s20 =	sshll.u32 s4, $0x1;
	s4 =	sadd.s32 s21, s2  }
0x9d: {  	[timem:s6], [sflag:s22] =	dma.local [hbm:s4], s20  }
0x9e: {  	_ =	swait.ge [sflag:s22], s20  }
0x9f: {  	s3 =	ssub.s32 $0x0, s20;
	[sflag:s22] =	ssyncset.done $0x0  }
0xa0: {  	[sflag:s22] =	ssyncadd.s32 s3;
	_ =	sdelay $0x1  }
0xa1: {  	s23 =	simm.s32 $0x1B8B  }
0xa2: {  	_ =	swait.ge [sflag:s23], $0x1  }
0xa3: {  	[sflag:s23] =	ssyncset.done $0x0  }
0xa4: {  	s25 =	simm.s32 $0x1B8E;
	s24 =	sld [smem:$0x3FFE];
	[sflag:s23] =	ssyncadd.s32 $0xFFFFFFFF  }
0xa5: {  	s26 =	simm.s32 $execute0_lowered;
	[smem:$0x3FD2] =	sst s25  }
0xa6: {  	s4 =	sshll.u32 s26, $0x1;
	_ =	strace $0x8000004C;
	[dreg:$0x1] =	wrdreg $0xFFFFFFFF  }
0xa7: {  	s28 =	simm.s32 $_size_execute0_lowered;
	s2 =	sadd.s32 s2, s4;
	[dreg:$0x0] =	wrdreg $0x0  }
0xa8: {  	s4 =	sshll.u32 s28, $0x1;
	[dreg:$0x2] =	wrdreg s2  }
0xa9: {  	[dreg:$0x3] =	wrdreg s4  }
0xaa: {  	[dreg:$0x4] =	wrdreg $0xC0  }
0xab: {  	_ =	task [dreg:s6], $0x5FFFF  }
0xac: {  	[dreg:$0x1] =	wrdreg $0xFFFFFFFF  }
0xad: {  	[dreg:$0x0] =	wrdreg $0x60  }
0xae: {  	[dreg:$0x2] =	wrdreg s24  }
0xaf: {  	[dreg:$0x3] =	wrdreg $0xA8000  }
0xb0: {  	[dreg:$0x4] =	wrdreg $0x9  }
0xb1: {  	_ =	task.clear_ibuf [dreg:s6], $0x5FFFF;
	_ =	strace $0x9000004C  }
0xb2: {  	s29 =	simm.s32 $0x9;
	_ =	strace $0x8000004E  }
0xb3: {  	_ =	swait.ge [sflag:s29], $0x1  }
0xb4: {  	[sflag:s29] =	ssyncadd.s32 $0xFFFFFFFF  }
0xb5: {  	_ =	strace $0x9000004E  }
0xb6: {  	_ =	sfence  }
0xb7: {  	s30 =	sld [smem:$0x0];
	_ =	sdelay $0x2  }
0xb8: {  	s31 =	sshll.u32 s1, $0xD;
	s1 =	sshrl.u32 s1, $0x2  }
0xb9: {  	s3 =	sand.u32 $0x4000, s31;
	s1 =	sadd.s32 s1, s30  }
0xba: {  	s0 =	sor.u32 s3, s0;
	s1 =	sshll.u32 s1, $0x11  }
0xbb: {  	s0 =	sor.u32 s1, s0  }
0xbc: {  	s0 =	sadd.s32 $0x8F2B, s0  }
0xbd: {  	[sflag:s0] =	ssyncadd.remote.s32 $0x1  }
0xbe: {  	_ =	sfence.sel $0xFFFF  }
0xbf: {  	[dreg:$0x0] =	wrdreg $0xFFFFFFFF;
	(pc) =	sbr.abs _section_cstart, $3  }
0xc0: {  	[dreg:$0x1] =	wrdreg $0xFFFFFFFF  }
0xc1: {  	_ =	task.clear_ibuf [dreg:s6], $0x2FFFF;
	_ =	strace $0x9FFFFFFF  }
0xc2: {  	(tm) =	ssettm $0x7FFFFFFF  }
0xc3: {  	_ =	shalt  }
tec
execute0_lowered:
.L_overlay_start_1:
0x0: {  	(tag) =	ssettag $0x1  }
0x1: {  	s4 =	rddreg [dreg:$0x0]  }
0x2: {  	s2 =	rddreg [dreg:$0x1]  }
0x3: {  	s1 =	stileid.u32;
	s0 =	rddreg [dreg:$0x2];
	s3 =	simm.s32 $0x0  }
0x4: {  	s6 =	srdreg.scid;
	s14 =	simm.s32 $0x2800;
	s15 =	simm.s32 $0x6800  }
0x5: {  	s16 =	simm.s32 $0x1;
	s17 =	simm.s32 $0x3;
	s18 =	simm.s32 $0x2  }
0x6: {  	s19 =	simm.s32 $0x4;
	s20 =	simm.s32 $0x0;
	s5 =	smul.u32 $0x2780, s1  }
0x7: {  	[smem:$0x7FF] =	sst s3;
	s6 =	sand.u32 $0x1, s6;
	s9 =	smul.u32 $0x4F000, s1  }
0x8: {  	s7 =	sadd.s32 $0xB7A00, s4;
	s10 =	sadd.s32 $0xADA00, s4;
	s29 =	smul.u32 $0x500, s1  }
0x9: {  	s11 =	sadd.s32 $0xE4200, s4;
	s13 =	sadd.s32 $0x364200, s4;
	s30 =	smul.u32 $0x28000, s1  }
0xa: {  	s31 =	sshll.u32 s1, $0x6;
	_ =	strace $0x8000004D;
	s8 =	ssub.s32 $0x2, s6  }
0xb: {  	p0 =	seq.s32 s6, $0x0;
	s6 =	sor.u32 $0x1C05, s31;
	s5 =	sadd.s32 s5, s4  }
0xc: {  	s12 =	sshrl.u32 s8, $0x1;
	s26 =	sshrl.u32 s9, $0x2;
	s10 =	smov.u32 @p0 s7  }
0xd: {  	s13 =	smov.u32 @p0 s11;
	s8 =	ssub.s32 s8, s12;
	s28 =	sadd.s32 s26, s2  }
0xe: {  	s4 =	sadd.s32 $0xB4AC00, s5;
	s7 =	sadd.s32 s10, s29;
	s12 =	simm.s32 $0x5  }
0xf: {  	s5 =	smax.u32 s8, $0x1;
	s8 =	sadd.s32 s30, s13;
	s11 =	sshrl.u32 s28, $0x3  }
0x10: {  	s13 =	simm.s32 $0x80;
	s9 =	sadd.s32 $0x27000, s8;
	s10 =	sadd.s32 $0x27800, s8  }
.LBB2_1:
0x11: {  	[spmem:s11], [sflag:s6] =	dma.local [hbm:s4], $0x2780  }
0x12: {  	_ =	swait.ge [sflag:s12], $0x2780  }
0x13: {  	[sflag:s12] =	ssyncset.done $0x0  }
0x14: {  	[sflag:s12] =	ssyncadd.s32 $0xFFFFD880  }
0x15: {  	[tilespmem:s3], [sflag:$0x5] =	stream.linear.gather [hbm4b:s7+s3], $0x2800, $0x38;
	[tilespmem:$0x1E400] =	vst v63  }
0x16: {  	_ =	swait.ge [sflag:s12], $0x2800  }
0x17: {  	[sflag:s12] =	ssyncset.done $0x0  }
0x18: {  	[sflag:s12] =	ssyncadd.s32 $0xFFFFD800  }
0x19: {  	[bflag:$0x0] =	sbarrier.arrive $0xFFFF  }
0x1a: {  	[tilespmem:s14], [sflag:$0x1] =	stream.indirect.gather [spmem:s2], $0x80, s3, s13, $0xb8;
	[tilespmem:$0x1E400] =	vst v63  }
0x1b: {  	_ = 	snop  }
0x1c: {  	[tilespmem:s15], [sflag:$0x2] =	stream.indirect.gather [spmem:s2], $0x80, s13, s13, $0xb8;
	[tilespmem:$0x1E400] =	vst v63  }
0x1d: {  	_ =	swait.ge [sflag:s16], $0x4000  }
0x1e: {  	[sflag:s16] =	ssyncset.done $0x0  }
0x1f: {  	s21 =	sadd.s32 $0x0, s8;
	[sflag:s16] =	ssyncadd.s32 $0xFFFFC000  }
0x20: {  	[hbm4b:s21+s3] =	stream.linear.scatter [tilespmem:s14], [sflag:$0x3], $0x4000, $0x38;
	[tilespmem:$0x1E400] =	vst v63  }
0x21: {  	_ =	swait.ge [sflag:s17], $0x4000  }
0x22: {  	[sflag:s17] =	ssyncset.done $0x0  }
0x23: {  	s22 =	simm.s32 $0x100;
	[sflag:s17] =	ssyncadd.s32 $0xFFFFC000  }
0x24: {  	[tilespmem:s14], [sflag:$0x1] =	stream.indirect.gather [spmem:s2], $0x80, s22, s13, $0xb8;
	[tilespmem:$0x1E400] =	vst v63  }
0x25: {  	_ =	swait.ge [sflag:s18], $0x4000  }
0x26: {  	[sflag:s18] =	ssyncset.done $0x0  }
0x27: {  	s21 =	sadd.s32 $0x800, s21;
	[sflag:s18] =	ssyncadd.s32 $0xFFFFC000  }
0x28: {  	[hbm4b:s21+s3] =	stream.linear.scatter [tilespmem:s15], [sflag:$0x4], $0x4000, $0x38;
	[tilespmem:$0x1E400] =	vst v63  }
0x29: {  	_ =	swait.ge [sflag:s19], $0x4000  }
0x2a: {  	s23 =	simm.s32 $0x280;
	[sflag:s19] =	ssyncset.done $0x0  }
0x2b: {  	s22 =	simm.s32 $0x1000;
	s21 =	simm.s32 $0x180;
	[sflag:s19] =	ssyncadd.s32 $0xFFFFC000  }
.LBB2_2:
0x2c: {  	[tilespmem:s15], [sflag:$0x2] =	stream.indirect.gather [spmem:s2], $0x80, s21, s13, $0xb8;
	[tilespmem:$0x1E400] =	vst v63  }
0x2d: {  	s24 =	smov.u32 s22;
	s21 =	smov.u32 s23  }
0x2e: {  	p0 =	sne.s32 s22, $0x26000;
	s22 =	sadd.s32 $0x1000, s22;
	_ =	swait.ge [sflag:s16], $0x4000  }
0x2f: {  	[sflag:s16] =	ssyncset.done $0x0  }
0x30: {  	s24 =	sadd.s32 s24, s8;
	[sflag:s16] =	ssyncadd.s32 $0xFFFFC000  }
0x31: {  	[hbm4b:s24+s3] =	stream.linear.scatter [tilespmem:s14], [sflag:$0x3], $0x4000, $0x38;
	[tilespmem:$0x1E400] =	vst v63  }
0x32: {  	_ =	swait.ge [sflag:s17], $0x4000  }
0x33: {  	[sflag:s17] =	ssyncset.done $0x0  }
0x34: {  	s25 =	sadd.s32 $0xFFFFFF80, s23;
	[sflag:s17] =	ssyncadd.s32 $0xFFFFC000  }
0x35: {  	[tilespmem:s14], [sflag:$0x1] =	stream.indirect.gather [spmem:s2], $0x80, s25, s13, $0xb8;
	[tilespmem:$0x1E400] =	vst v63  }
0x36: {  	_ =	swait.ge [sflag:s18], $0x4000  }
0x37: {  	[sflag:s18] =	ssyncset.done $0x0  }
.Ltmp0:
0x38: {  	s24 =	sadd.s32 $0x800, s24;
	[sflag:s18] =	ssyncadd.s32 $0xFFFFC000;
	(pc) =	sbr.rel @p0 .LBB2_2-.Ltmp0, $4  }
0x39: {  	[hbm4b:s24+s3] =	stream.linear.scatter [tilespmem:s15], [sflag:$0x4], $0x4000, $0x38;
	[tilespmem:$0x1E400] =	vst v63  }
0x3a: {  	_ =	swait.ge [sflag:s19], $0x4000  }
0x3b: {  	[sflag:s19] =	ssyncset.done $0x0  }
0x3c: {  	s23 =	sadd.s32 $0x100, s23;
	[sflag:s19] =	ssyncadd.s32 $0xFFFFC000  }
0x3d: {  	[tilespmem:s15], [sflag:$0x2] =	stream.indirect.gather [spmem:s2], $0x80, s21, s13, $0xb8;
	[tilespmem:$0x1E400] =	vst v63  }
0x3e: {  	_ =	swait.ge [sflag:s16], $0x4000  }
0x3f: {  	[sflag:s16] =	ssyncset.done $0x0  }
0x40: {  	[sflag:s16] =	ssyncadd.s32 $0xFFFFC000  }
0x41: {  	[hbm4b:s9+s3] =	stream.linear.scatter [tilespmem:s14], [sflag:$0x3], $0x4000, $0x38;
	[tilespmem:$0x1E400] =	vst v63  }
0x42: {  	_ =	swait.ge [sflag:s18], $0x4000  }
0x43: {  	[sflag:s18] =	ssyncset.done $0x0  }
0x44: {  	s20 =	sadd.s32 $0x1, s20;
	[sflag:s18] =	ssyncadd.s32 $0xFFFFC000  }
0x45: {  	[hbm4b:s10+s3] =	stream.linear.scatter [tilespmem:s15], [sflag:$0x4], $0x4000, $0x38;
	[tilespmem:$0x1E400] =	vst v63  }
0x46: {  	p0 =	sne.s32 s20, s5;
	_ =	swait.ge [sflag:s17], $0x4000  }
.Ltmp1:
0x47: {  	[sflag:s17] =	ssyncset.done $0x0;
	(pc) =	sbr.rel @p0 .LBB2_1-.Ltmp1, $4  }
0x48: {  	[sflag:s17] =	ssyncadd.s32 $0xFFFFC000  }
0x49: {  	_ =	swait.ge [sflag:s19], $0x4000  }
0x4a: {  	[sflag:s19] =	ssyncset.done $0x0  }
0x4b: {  	[sflag:s19] =	ssyncadd.s32 $0xFFFFC000  }
0x4c: {  	_ =	sfence.sel $0x180000  }
0x4d: {  	[bflag:$0x0] =	sbarrier.arrive $0xFFFF  }
0x4e: {  	p0 =	sne.s32 s1, $0x0;
	_ =	strace $0x9000004D  }
0x4f: {  	s0 =	sadd.s32 @!p0 $0x100000, s0;
	[bflag:$0x2] =	sbarrier.arrive $0xFFFF  }
0x50: {  	[sflag:s0] =	ssyncadd.tile.s32 @!p0 $0x1;
	_ =	shalt  }
.Lfunc_end2:
_tile_overlayer_lowered:
.L_overlay_start_2:
0x51: {  	(tag) =	ssettag $0x2  }
0x52: {  	s0 =	rddreg [dreg:$0x0];
	s2 =	stileid.u32  }
0x53: {  	s1 =	rddreg [dreg:$0x1];
	p0 =	sne.s32 s2, $0x0  }
0x54: {  	s3 =	rddreg [dreg:$0x2];
	[bflag:$0x3] =	sbarrier.arrive $0xFFFF;
	s2 =	simm.s32 @!p0 $0x1C05  }
0x55: {  	[timem:s3], [sflag:s2] =	dma.local @!p0 [hbm:s0], s1  }
0x56: {  	s0 =	simm.s32 @!p0 $0x5  }
0x57: {  	_ =	swait.ge @!p0 [sflag:s0], s1  }
0x58: {  	s1 =	ssub.s32 @!p0 $0x0, s1;
	[sflag:s0] =	ssyncset.done @!p0 $0x0  }
0x59: {  	[sflag:s0] =	ssyncadd.s32 @!p0 s1  }
0x5a: {  	[bflag:$0x3] =	sbarrier.arrive $0xFFFF  }
0x5b: {  	_ =	shalt  }

// kernel: sc_scatter128.12.cloned.1.call-start
scs
__scs_entry_jumppad:
0x0: {  	(pc) =	sbr.rel $0x88, $3  }
0x1: {  	(tag) =	ssettag $0x0;
	lr =	simm.s32 $0x1  }
0x2: {  	[smem:$0x3F50] =	sst lr;
	_ =	strace $0xD0000000  }
0x3: {  	_ = 	snop  }
0x4: {  	_ = 	snop  }
0x5: {  	_ = 	snop  }
0x6: {  	_ = 	snop  }
0x7: {  	_ = 	snop  }
__scs_overlays_trampoline_lowered:
0x8: {  	[smem:$0x3F5F] =	sst s0  }
0x9: {  	[smem:$0x3F60] =	sst s1  }
0xa: {  	[smem:$0x3F61] =	sst s2  }
0xb: {  	[smem:$0x3F62] =	sst s3  }
0xc: {  	[smem:$0x3F63] =	sst s4  }
0xd: {  	[smem:$0x3F64] =	sst s5  }
0xe: {  	[smem:$0x3F65] =	sst s6  }
0xf: {  	[smem:$0x3F66] =	sst s7  }
0x10: {  	[smem:$0x3F67] =	sst s8  }
0x11: {  	[smem:$0x3F68] =	sst s9;
	s0 =	simm.s32 @!p0 $0x0  }
0x12: {  	s1 =	sld [smem:$0x3F4E];
	s0 =	simm.s32 @p0 $0x1  }
0x13: {  	[smem:$0x3F69] =	sst s0;
	s0 =	simm.s32 @!p1 $0x0  }
0x14: {  	s2 =	sld [smem:$0x3F4D];
	s0 =	simm.s32 @p1 $0x1  }
0x15: {  	[smem:$0x3F6A] =	sst s0;
	s0 =	simm.s32 @!p2 $0x0  }
0x16: {  	s3 =	sld [smem:$0x3FDB];
	s0 =	simm.s32 @p2 $0x1  }
0x17: {  	s4 =	simm.s32 $0x1BF5;
	[smem:$0x3F6C] =	sst s0  }
0x18: {  	s0 =	sld [smem:$0x3F4F];
	_ =	swait.ge [sflag:s4], $0x0  }
0x19: {  	s7 =	sld [smem:$0x3F50]  }
0x1a: {  	s8 =	sadd.s32 $0xFFFFE003, lr  }
0x1b: {  	s9 =	sadd.s32 $0xFFFFFEF7, lr;
	s5 =	simm.s32 $0xFFFFFFFF;
	p2 =	slt.u32 s8, $0xFFFFF086  }
0x1c: {  	p1 =	slt.u32 s9, $0xF7A;
	s5 =	simm.s32 @!p2 $0x0  }
0x1d: {  	s5 =	simm.s32 @p1 $0x1;
	p0 =	seq.s32 s7, s2  }
0x1e: {  	s7 =	smul.u32 @!p0 $0xF7A, s2;
	p2 =	seq.s32 @!p0 s5, $0x0  }
0x1f: {  	s9 =	smul.u32 $0xF7A, s1;
	s8 =	simm.s32 @!p0 $0x1BF5;
	p2 =	por !p2, p0  }
0x20: {  	[sflag:s8] =	ssyncset.s32 @!p0 $0xFFFFF086;
	s6 =	sadd.s32 @!p0 s3, s7;
	s7 =	simm.s32 @!p0 $0x108  }
0x21: {  	s3 =	sadd.s32 s3, s9;
	s6 =	sadd.s32 @!p0 $0x88, s6;
	s7 =	simm.s32 @p2 $0x1082  }
0x22: {  	[simem:s7], [sflag:s8] =	dma.local @!p0 [hbm:s6], $0xF7A  }
0x23: {  	s9 =	sor.u32 $0xD0000000, s2;
	s6 =	simm.s32 $0x108;
	_ =	swait.ge @!p0 [sflag:s8], $0x0  }
0x24: {  	s3 =	sadd.s32 $0x88, s3;
	s6 =	simm.s32 @!p1 $0x1082;
	[sflag:s4] =	ssyncset.s32 $0xFFFFF086  }
0x25: {  	[simem:s6], [sflag:s4] =	dma.local [hbm:s3], $0xF7A  }
0x26: {  	[smem:$0x3F50] =	sst s1;
	(tag) =	ssettag s2;
	_ =	strace s9  }
0x27: {  	s1 =	sld [smem:$0x3F60]  }
0x28: {  	s2 =	sld [smem:$0x3F61]  }
0x29: {  	s4 =	sld [smem:$0x3F63]  }
0x2a: {  	p0 =	seq.s32 s5, $0x0;
	s5 =	sld [smem:$0x3F64]  }
0x2b: {  	s6 =	sld [smem:$0x3F65]  }
0x2c: {  	s7 =	sld [smem:$0x3F66]  }
0x2d: {  	s3 =	simm.s32 $0x108;
	s8 =	sld [smem:$0x3F67]  }
0x2e: {  	s3 =	simm.s32 @!p0 $0x1082;
	s9 =	sld [smem:$0x3F68]  }
0x2f: {  	lr =	sadd.s32 s0, s3;
	s0 =	sld [smem:$0x3F5F]  }
0x30: {  	s3 =	sld [smem:$0x3F62]  }
0x31: {  	[smem:$0x3F6B] =	sst s10  }
0x32: {  	s10 =	sld [smem:$0x3F69];
	_ =	sdelay $0x3  }
0x33: {  	p0 =	seq.s32 s10, $0x1;
	s10 =	sld [smem:$0x3F6B];
	_ =	sdelay $0x3  }
0x34: {  	[smem:$0x3F6B] =	sst s10  }
0x35: {  	s10 =	sld [smem:$0x3F6A];
	_ =	sdelay $0x3  }
0x36: {  	p1 =	seq.s32 s10, $0x1;
	s10 =	sld [smem:$0x3F6B];
	_ =	sdelay $0x3  }
0x37: {  	[smem:$0x3F6B] =	sst s10  }
0x38: {  	s10 =	sld [smem:$0x3F6C]  }
0x39: {  	_ = 	snop;
	(pc) =	sbr.ind lr, $3  }
0x3a: {  	_ = 	snop  }
0x3b: {  	_ = 	snop  }
0x3c: {  	p2 =	seq.s32 s10, $0x1;
	s10 =	sld [smem:$0x3F6B]  }
0x3d: {  	_ =	shalt  }
0x3e: {  	_ =	shalt  }
0x3f: {  	_ =	shalt  }
0x40: {  	_ =	shalt  }
0x41: {  	_ =	shalt  }
0x42: {  	_ =	shalt  }
0x43: {  	_ =	shalt  }
0x44: {  	_ =	shalt  }
0x45: {  	_ =	shalt  }
0x46: {  	_ =	shalt  }
0x47: {  	_ =	shalt  }
0x48: {  	_ =	shalt  }
0x49: {  	_ =	shalt  }
0x4a: {  	_ =	shalt  }
0x4b: {  	_ =	shalt  }
0x4c: {  	_ =	shalt  }
0x4d: {  	_ =	shalt  }
0x4e: {  	_ =	shalt  }
0x4f: {  	_ =	shalt  }
0x50: {  	_ =	shalt  }
0x51: {  	_ =	shalt  }
0x52: {  	_ =	shalt  }
0x53: {  	_ =	shalt  }
0x54: {  	_ =	shalt  }
0x55: {  	_ =	shalt  }
0x56: {  	_ =	shalt  }
0x57: {  	_ =	shalt  }
0x58: {  	_ =	shalt  }
0x59: {  	_ =	shalt  }
0x5a: {  	_ =	shalt  }
0x5b: {  	_ =	shalt  }
0x5c: {  	_ =	shalt  }
0x5d: {  	_ =	shalt  }
0x5e: {  	_ =	shalt  }
0x5f: {  	_ =	shalt  }
0x60: {  	_ =	shalt  }
0x61: {  	_ =	shalt  }
0x62: {  	_ =	shalt  }
0x63: {  	_ =	shalt  }
0x64: {  	_ =	shalt  }
0x65: {  	_ =	shalt  }
0x66: {  	_ =	shalt  }
0x67: {  	_ =	shalt  }
0x68: {  	_ =	shalt  }
0x69: {  	_ =	shalt  }
0x6a: {  	_ =	shalt  }
0x6b: {  	_ =	shalt  }
0x6c: {  	_ =	shalt  }
0x6d: {  	_ =	shalt  }
0x6e: {  	_ =	shalt  }
0x6f: {  	_ =	shalt  }
0x70: {  	_ =	shalt  }
0x71: {  	_ =	shalt  }
0x72: {  	_ =	shalt  }
0x73: {  	_ =	shalt  }
0x74: {  	_ =	shalt  }
0x75: {  	_ =	shalt  }
0x76: {  	_ =	shalt  }
0x77: {  	_ =	shalt  }
0x78: {  	_ =	shalt  }
0x79: {  	_ =	shalt  }
0x7a: {  	_ =	shalt  }
0x7b: {  	_ =	shalt  }
0x7c: {  	_ =	shalt  }
0x7d: {  	_ =	shalt  }
0x7e: {  	_ =	shalt  }
0x7f: {  	_ =	shalt  }
0x80: {  	_ =	shalt  }
0x81: {  	_ =	shalt  }
0x82: {  	_ =	shalt  }
0x83: {  	_ =	shalt  }
0x84: {  	_ =	shalt  }
0x85: {  	_ =	shalt  }
0x86: {  	_ =	shalt  }
0x87: {  	_ =	shalt  }
.Lfunc_end0:
.L_simem_size_0:
called_computation.5_lowered:
.L_overlay_start_0:
0x88: {  	s2 =	sld [smem:$0x3FD9]  }
0x89: {  	s3 =	sld [smem:$0x3FFE];
	_ =	sdelay $0x1  }
0x8a: {  	s1 =	srdreg.scid  }
0x8b: {  	s0 =	sand.u32 $0x1, s1  }
0x8c: {  	s16 =	sshll.u32 s0, $0xA;
	s2 =	sadd.s32 s3, s2  }
0x8d: {  	s2 =	sadd.s32 s2, s16  }
0x8e: {  	[smem:$0x3F77] =	sst s2  }
0x8f: {  	_ = 	snop  }
0x90: {  	(tm) =	ssettm $0x1  }
0x91: {  	s17 =	sld [smem:$0x3FFB];
	_ =	sdelay $0x3  }
0x92: {  	_ =	strace s17  }
0x93: {  	s2 =	sld [smem:$0x3FFC];
	_ =	sdelay $0x3  }
0x94: {  	_ =	strace s2  }
0x95: {  	s2 =	sld [smem:$0x3FFD];
	_ =	sdelay $0x3  }
0x96: {  	_ =	strace s2  }
0x97: {  	_ =	strace $0x8FFFFFFF  }
0x98: {  	s18 =	sld [smem:$0x3FDB];
	_ =	sdelay $0x1  }
0x99: {  	s19 =	simm.s32 $_scs_section_size  }
0x9a: {  	s4 =	simm.s32 $_size__tile_overlayer_lowered;
	s5 =	simm.s32 $_tile_overlayer_lowered  }
0x9b: {  	s22 =	simm.s32 $0x1BFF;
	s21 =	sshll.u32 s5, $0x1;
	s2 =	sadd.s32 s19, s18  }
0x9c: {  	s6 =	simm.s32 $0x0;
	s20 =	sshll.u32 s4, $0x1;
	s4 =	sadd.s32 s21, s2  }
0x9d: {  	[timem:s6], [sflag:s22] =	dma.local [hbm:s4], s20  }
0x9e: {  	_ =	swait.ge [sflag:s22], s20  }
0x9f: {  	s3 =	ssub.s32 $0x0, s20;
	[sflag:s22] =	ssyncset.done $0x0  }
0xa0: {  	[sflag:s22] =	ssyncadd.s32 s3;
	_ =	sdelay $0x1  }
0xa1: {  	s23 =	simm.s32 $0x1B8B  }
0xa2: {  	_ =	swait.ge [sflag:s23], $0x1  }
0xa3: {  	[sflag:s23] =	ssyncset.done $0x0  }
0xa4: {  	s25 =	simm.s32 $0x1B8E;
	s24 =	sld [smem:$0x3FFE];
	[sflag:s23] =	ssyncadd.s32 $0xFFFFFFFF  }
0xa5: {  	s26 =	simm.s32 $execute0_lowered;
	[smem:$0x3FD2] =	sst s25  }
0xa6: {  	s4 =	sshll.u32 s26, $0x1;
	_ =	strace $0x80000055;
	[dreg:$0x1] =	wrdreg $0xFFFFFFFF  }
0xa7: {  	s28 =	simm.s32 $_size_execute0_lowered;
	s2 =	sadd.s32 s2, s4;
	[dreg:$0x0] =	wrdreg $0x0  }
0xa8: {  	s4 =	sshll.u32 s28, $0x1;
	[dreg:$0x2] =	wrdreg s2  }
0xa9: {  	[dreg:$0x3] =	wrdreg s4  }
0xaa: {  	[dreg:$0x4] =	wrdreg $0xC0  }
0xab: {  	_ =	task [dreg:s6], $0x5FFFF  }
0xac: {  	[dreg:$0x1] =	wrdreg $0xFFFFFFFF  }
0xad: {  	[dreg:$0x0] =	wrdreg $0x60  }
0xae: {  	[dreg:$0x2] =	wrdreg s24  }
0xaf: {  	[dreg:$0x3] =	wrdreg $0x40800  }
0xb0: {  	[dreg:$0x4] =	wrdreg $0x9  }
0xb1: {  	_ =	task.clear_ibuf [dreg:s6], $0x5FFFF;
	_ =	strace $0x90000055  }
0xb2: {  	s29 =	simm.s32 $0x9;
	_ =	strace $0x80000057  }
0xb3: {  	_ =	swait.ge [sflag:s29], $0x1  }
0xb4: {  	[sflag:s29] =	ssyncadd.s32 $0xFFFFFFFF  }
0xb5: {  	_ =	strace $0x90000057  }
0xb6: {  	_ =	sfence  }
0xb7: {  	s30 =	sld [smem:$0x0];
	_ =	sdelay $0x2  }
0xb8: {  	s31 =	sshll.u32 s1, $0xD;
	s1 =	sshrl.u32 s1, $0x2  }
0xb9: {  	s3 =	sand.u32 $0x4000, s31;
	s1 =	sadd.s32 s1, s30  }
0xba: {  	s0 =	sor.u32 s3, s0;
	s1 =	sshll.u32 s1, $0x11  }
0xbb: {  	s0 =	sor.u32 s1, s0  }
0xbc: {  	s0 =	sadd.s32 $0x8F2B, s0  }
0xbd: {  	[sflag:s0] =	ssyncadd.remote.s32 $0x1  }
0xbe: {  	_ =	sfence.sel $0xFFFF  }
0xbf: {  	[dreg:$0x0] =	wrdreg $0xFFFFFFFF;
	(pc) =	sbr.abs _section_cstart, $3  }
0xc0: {  	[dreg:$0x1] =	wrdreg $0xFFFFFFFF  }
0xc1: {  	_ =	task.clear_ibuf [dreg:s6], $0x2FFFF;
	_ =	strace $0x9FFFFFFF  }
0xc2: {  	(tm) =	ssettm $0x7FFFFFFF  }
0xc3: {  	_ =	shalt  }
tec
execute0_lowered:
.L_overlay_start_1:
0x0: {  	(tag) =	ssettag $0x1  }
0x1: {  	s5 =	rddreg [dreg:$0x0]  }
0x2: {  	s2 =	rddreg [dreg:$0x1]  }
0x3: {  	s0 =	rddreg [dreg:$0x2];
	s1 =	stileid.u32  }
0x4: {  	s6 =	srdreg.scid;
	s3 =	simm.s32 $0x0;
	s4 =	smul.u32 $0x28000, s1  }
0x5: {  	s7 =	smul.u32 $0x13C00, s1;
	s6 =	sand.u32 $0x1, s6;
	[smem:$0x7FF] =	sst s3  }
0x6: {  	s12 =	sshll.u32 s1, $0x1;
	s13 =	smul.u32 $0x4F000, s1;
	s29 =	sshll.u32 s1, $0x6  }
0x7: {  	s8 =	smul.u32 $0x13C000, s6;
	_ =	strace $0x80000056;
	s25 =	ssub.s32 $0x2, s6  }
0x8: {  	s26 =	sor.u32 s6, s12;
	s30 =	smul.u32 $0x14000, s6;
	s6 =	sor.u32 $0x1C01, s29  }
0x9: {  	s12 =	simm.s32 $0x1;
	s9 =	sadd.s32 s4, s5;
	s4 =	sadd.s32 $0xB2A00, s5  }
0xa: {  	s10 =	sshrl.u32 s7, $0x3;
	s11 =	sshrl.u32 s25, $0x1;
	s28 =	sshrl.u32 s13, $0x2  }
0xb: {  	s7 =	sadd.s32 s7, s8;
	s24 =	sadd.s32 s10, s5;
	s10 =	ssub.s32 s25, s11  }
0xc: {  	s13 =	sadd.s32 s28, s2;
	s31 =	sadd.s32 s30, s9;
	s7 =	sshrl.u32 s7, $0x3  }
0xd: {  	s9 =	smax.u32 s10, $0x1;
	s10 =	sadd.s32 $0xBE7E00, s31;
	s11 =	sshrl.u32 s13, $0x3  }
0xe: {  	s13 =	simm.s32 $0x80;
	s14 =	sadd.s32 s7, s5;
	s5 =	sadd.s32 $0xBCA00, s24  }
0xf: {  	s7 =	smul.u32 $0x1400, s26;
	s8 =	sadd.s32 $0xE4200, s14;
	s14 =	simm.s32 $0x0  }
.LBB2_1:
0x10: {  	[spmem:s11], [sflag:s6] =	dma.local [hbm:s5], $0x2780  }
0x11: {  	s15 =	sand.u32 $0x1C00, s3  }
0x12: {  	s16 =	sand.u32 $0x380, s3;
	_ =	swait.ge [sflag:s12], $0x2780;
	s15 =	sadd.s32 s7, s15  }
0x13: {  	[sflag:s12] =	ssyncset.done $0x0;
	s15 =	sor.u32 s16, s15  }
0x14: {  	[sflag:s12] =	ssyncadd.s32 $0xFFFFD880;
	s15 =	sshrl.u32 s15, $0x3  }
0x15: {  	[bflag:$0x0] =	sbarrier.arrive $0xFFFF;
	s15 =	sadd.s32 s4, s15  }
0x16: {  	[tilespmem:s3], [sflag:$0x1] =	stream.linear.gather [hbm4b:s15+s3], $0x80, $0x38;
	[tilespmem:$0x17C80] =	vst v63  }
0x17: {  	_ =	swait.ge [sflag:s12], $0x80  }
0x18: {  	[sflag:s12] =	ssyncset.done $0x0  }
0x19: {  	[sflag:s12] =	ssyncadd.s32 $0xFFFFFF80  }
0x1a: {  	[tilespmem:s13], [sflag:$0x1] =	stream.linear.gather [hbm4b:s10+s3], $0x4000, $0x38;
	[tilespmem:$0x17C80] =	vst v63  }
0x1b: {  	_ =	swait.ge [sflag:s12], $0x4000  }
0x1c: {  	s31 =	simm.s32 $0x80;
	[sflag:s12] =	ssyncset.done $0x0  }
0x1d: {  	s17 =	sand.u32 $0x1C00, s31;
	s16 =	simm.s32 $0x100;
	[sflag:s12] =	ssyncadd.s32 $0xFFFFC000  }
0x1e: {  	[spmem:s2] =	stream.indirect.scatter.add.f32 [tilespmem:s13], [sflag:$0x1], $0x80, s3, s13, $0xb8;
	[tilespmem:$0x17C80] =	vst v63  }
0x1f: {  	s17 =	sadd.s32 s7, s17;
	s15 =	sand.u32 $0x380, s31;
	_ =	swait.ge [sflag:s12], $0x4000  }
0x20: {  	s17 =	sor.u32 s15, s17;
	s15 =	sadd.s32 $0x800, s10;
	[sflag:s12] =	ssyncset.done $0x0  }
.LBB2_2:
0x21: {  	s17 =	sshrl.u32 s17, $0x3  }
0x22: {  	[sflag:s12] =	ssyncadd.s32 $0xFFFFC000;
	s18 =	smov.u32 s16;
	s19 =	sadd.s32 $0x80, s16  }
0x23: {  	p0 =	sne.s32 s16, $0x1380;
	s16 =	sadd.s32 s4, s17  }
0x24: {  	[tilespmem:s3], [sflag:$0x1] =	stream.linear.gather [hbm4b:s16+s3], $0x80, $0x38;
	[tilespmem:$0x17C80] =	vst v63  }
0x25: {  	_ =	swait.ge [sflag:s12], $0x80  }
0x26: {  	[sflag:s12] =	ssyncset.done $0x0  }
0x27: {  	[sflag:s12] =	ssyncadd.s32 $0xFFFFFF80  }
0x28: {  	[tilespmem:s13], [sflag:$0x1] =	stream.linear.gather [hbm4b:s15+s3], $0x4000, $0x38;
	[tilespmem:$0x17C80] =	vst v63  }
0x29: {  	_ =	swait.ge [sflag:s12], $0x4000  }
.Ltmp0:
0x2a: {  	s16 =	sand.u32 $0x1C00, s18;
	[sflag:s12] =	ssyncset.done $0x0;
	(pc) =	sbr.rel @p0 .LBB2_2-.Ltmp0, $4  }
0x2b: {  	s17 =	sand.u32 $0x380, s18;
	s16 =	sadd.s32 s7, s16;
	[sflag:s12] =	ssyncadd.s32 $0xFFFFC000  }
0x2c: {  	[spmem:s2] =	stream.indirect.scatter.add.f32 [tilespmem:s13], [sflag:$0x1], $0x80, s3, s13, $0xb8;
	[tilespmem:$0x17C80] =	vst v63  }
0x2d: {  	s17 =	sor.u32 s17, s16;
	_ =	swait.ge [sflag:s12], $0x4000  }
0x2e: {  	s16 =	smov.u32 s19;
	s15 =	sadd.s32 $0x800, s15;
	[sflag:s12] =	ssyncset.done $0x0  }
0x2f: {  	s16 =	sshrl.u32 s17, $0x3  }
0x30: {  	[sflag:s12] =	ssyncadd.s32 $0xFFFFC000;
	s16 =	sadd.s32 s4, s16  }
0x31: {  	[tilespmem:s3], [sflag:$0x1] =	stream.linear.gather [hbm4b:s16+s3], $0x80, $0x38;
	[tilespmem:$0x17C80] =	vst v63  }
0x32: {  	_ =	swait.ge [sflag:s12], $0x80  }
0x33: {  	[sflag:s12] =	ssyncset.done $0x0  }
0x34: {  	[sflag:s12] =	ssyncadd.s32 $0xFFFFFF80  }
0x35: {  	[tilespmem:s13], [sflag:$0x1] =	stream.linear.gather [hbm4b:s15+s3], $0x4000, $0x38;
	[tilespmem:$0x17C80] =	vst v63  }
0x36: {  	_ =	swait.ge [sflag:s12], $0x4000  }
0x37: {  	[sflag:s12] =	ssyncset.done $0x0  }
0x38: {  	[sflag:s12] =	ssyncadd.s32 $0xFFFFC000  }
0x39: {  	[spmem:s2] =	stream.indirect.scatter.add.f32 [tilespmem:s13], [sflag:$0x1], $0x80, s3, s13, $0xb8;
	[tilespmem:$0x17C80] =	vst v63  }
0x3a: {  	_ =	swait.ge [sflag:s12], $0x4000  }
0x3b: {  	s14 =	sadd.s32 $0x1, s14;
	[sflag:s12] =	ssyncset.done $0x0  }
0x3c: {  	p0 =	sne.s32 s14, s9;
	[sflag:s12] =	ssyncadd.s32 $0xFFFFC000  }
.Ltmp1:
0x3d: {  	[bflag:$0x0] =	sbarrier.arrive $0xFFFF;
	(pc) =	sbr.rel @p0 .LBB2_1-.Ltmp1, $4  }
0x3e: {  	[hbm:s8], [sflag:s6] =	dma.local [spmem:s11], $0x2780  }
0x3f: {  	_ =	swait.ge [sflag:s12], $0x2780  }
0x40: {  	[sflag:s12] =	ssyncset.done $0x0  }
0x41: {  	[sflag:s12] =	ssyncadd.s32 $0xFFFFD880  }
0x42: {  	_ =	sfence.sel $0x180000  }
0x43: {  	[bflag:$0x0] =	sbarrier.arrive $0xFFFF  }
0x44: {  	p0 =	sne.s32 s1, $0x0;
	_ =	strace $0x90000056  }
0x45: {  	s0 =	sadd.s32 @!p0 $0x100000, s0;
	[bflag:$0x2] =	sbarrier.arrive $0xFFFF  }
0x46: {  	[sflag:s0] =	ssyncadd.tile.s32 @!p0 $0x1;
	_ =	shalt  }
.Lfunc_end2:
_tile_overlayer_lowered:
.L_overlay_start_2:
0x47: {  	(tag) =	ssettag $0x2  }
0x48: {  	s0 =	rddreg [dreg:$0x0];
	s2 =	stileid.u32  }
0x49: {  	s1 =	rddreg [dreg:$0x1];
	p0 =	sne.s32 s2, $0x0  }
0x4a: {  	s3 =	rddreg [dreg:$0x2];
	[bflag:$0x3] =	sbarrier.arrive $0xFFFF;
	s2 =	simm.s32 @!p0 $0x1C01  }
0x4b: {  	[timem:s3], [sflag:s2] =	dma.local @!p0 [hbm:s0], s1  }
0x4c: {  	s0 =	simm.s32 @!p0 $0x1  }
0x4d: {  	_ =	swait.ge @!p0 [sflag:s0], s1  }
0x4e: {  	s1 =	ssub.s32 @!p0 $0x0, s1;
	[sflag:s0] =	ssyncset.done @!p0 $0x0  }
0x4f: {  	[sflag:s0] =	ssyncadd.s32 @!p0 s1  }
0x50: {  	[bflag:$0x3] =	sbarrier.arrive $0xFFFF  }
0x51: {  	_ =	shalt  }

// kernel: sc_scatter128.15.cloned.1.call-start
scs
__scs_entry_jumppad:
0x0: {  	(pc) =	sbr.rel $0x88, $3  }
0x1: {  	(tag) =	ssettag $0x0;
	lr =	simm.s32 $0x1  }
0x2: {  	[smem:$0x3F50] =	sst lr;
	_ =	strace $0xD0000000  }
0x3: {  	_ = 	snop  }
0x4: {  	_ = 	snop  }
0x5: {  	_ = 	snop  }
0x6: {  	_ = 	snop  }
0x7: {  	_ = 	snop  }
__scs_overlays_trampoline_lowered:
0x8: {  	[smem:$0x3F5F] =	sst s0  }
0x9: {  	[smem:$0x3F60] =	sst s1  }
0xa: {  	[smem:$0x3F61] =	sst s2  }
0xb: {  	[smem:$0x3F62] =	sst s3  }
0xc: {  	[smem:$0x3F63] =	sst s4  }
0xd: {  	[smem:$0x3F64] =	sst s5  }
0xe: {  	[smem:$0x3F65] =	sst s6  }
0xf: {  	[smem:$0x3F66] =	sst s7  }
0x10: {  	[smem:$0x3F67] =	sst s8  }
0x11: {  	[smem:$0x3F68] =	sst s9;
	s0 =	simm.s32 @!p0 $0x0  }
0x12: {  	s1 =	sld [smem:$0x3F4E];
	s0 =	simm.s32 @p0 $0x1  }
0x13: {  	[smem:$0x3F69] =	sst s0;
	s0 =	simm.s32 @!p1 $0x0  }
0x14: {  	s2 =	sld [smem:$0x3F4D];
	s0 =	simm.s32 @p1 $0x1  }
0x15: {  	[smem:$0x3F6A] =	sst s0;
	s0 =	simm.s32 @!p2 $0x0  }
0x16: {  	s3 =	sld [smem:$0x3FDB];
	s0 =	simm.s32 @p2 $0x1  }
0x17: {  	s4 =	simm.s32 $0x1BF5;
	[smem:$0x3F6C] =	sst s0  }
0x18: {  	s0 =	sld [smem:$0x3F4F];
	_ =	swait.ge [sflag:s4], $0x0  }
0x19: {  	s7 =	sld [smem:$0x3F50]  }
0x1a: {  	s8 =	sadd.s32 $0xFFFFE003, lr  }
0x1b: {  	s9 =	sadd.s32 $0xFFFFFEF7, lr;
	s5 =	simm.s32 $0xFFFFFFFF;
	p2 =	slt.u32 s8, $0xFFFFF086  }
0x1c: {  	p1 =	slt.u32 s9, $0xF7A;
	s5 =	simm.s32 @!p2 $0x0  }
0x1d: {  	s5 =	simm.s32 @p1 $0x1;
	p0 =	seq.s32 s7, s2  }
0x1e: {  	s7 =	smul.u32 @!p0 $0xF7A, s2;
	p2 =	seq.s32 @!p0 s5, $0x0  }
0x1f: {  	s9 =	smul.u32 $0xF7A, s1;
	s8 =	simm.s32 @!p0 $0x1BF5;
	p2 =	por !p2, p0  }
0x20: {  	[sflag:s8] =	ssyncset.s32 @!p0 $0xFFFFF086;
	s6 =	sadd.s32 @!p0 s3, s7;
	s7 =	simm.s32 @!p0 $0x108  }
0x21: {  	s3 =	sadd.s32 s3, s9;
	s6 =	sadd.s32 @!p0 $0x88, s6;
	s7 =	simm.s32 @p2 $0x1082  }
0x22: {  	[simem:s7], [sflag:s8] =	dma.local @!p0 [hbm:s6], $0xF7A  }
0x23: {  	s9 =	sor.u32 $0xD0000000, s2;
	s6 =	simm.s32 $0x108;
	_ =	swait.ge @!p0 [sflag:s8], $0x0  }
0x24: {  	s3 =	sadd.s32 $0x88, s3;
	s6 =	simm.s32 @!p1 $0x1082;
	[sflag:s4] =	ssyncset.s32 $0xFFFFF086  }
0x25: {  	[simem:s6], [sflag:s4] =	dma.local [hbm:s3], $0xF7A  }
0x26: {  	[smem:$0x3F50] =	sst s1;
	(tag) =	ssettag s2;
	_ =	strace s9  }
0x27: {  	s1 =	sld [smem:$0x3F60]  }
0x28: {  	s2 =	sld [smem:$0x3F61]  }
0x29: {  	s4 =	sld [smem:$0x3F63]  }
0x2a: {  	p0 =	seq.s32 s5, $0x0;
	s5 =	sld [smem:$0x3F64]  }
0x2b: {  	s6 =	sld [smem:$0x3F65]  }
0x2c: {  	s7 =	sld [smem:$0x3F66]  }
0x2d: {  	s3 =	simm.s32 $0x108;
	s8 =	sld [smem:$0x3F67]  }
0x2e: {  	s3 =	simm.s32 @!p0 $0x1082;
	s9 =	sld [smem:$0x3F68]  }
0x2f: {  	lr =	sadd.s32 s0, s3;
	s0 =	sld [smem:$0x3F5F]  }
0x30: {  	s3 =	sld [smem:$0x3F62]  }
0x31: {  	[smem:$0x3F6B] =	sst s10  }
0x32: {  	s10 =	sld [smem:$0x3F69];
	_ =	sdelay $0x3  }
0x33: {  	p0 =	seq.s32 s10, $0x1;
	s10 =	sld [smem:$0x3F6B];
	_ =	sdelay $0x3  }
0x34: {  	[smem:$0x3F6B] =	sst s10  }
0x35: {  	s10 =	sld [smem:$0x3F6A];
	_ =	sdelay $0x3  }
0x36: {  	p1 =	seq.s32 s10, $0x1;
	s10 =	sld [smem:$0x3F6B];
	_ =	sdelay $0x3  }
0x37: {  	[smem:$0x3F6B] =	sst s10  }
0x38: {  	s10 =	sld [smem:$0x3F6C]  }
0x39: {  	_ = 	snop;
	(pc) =	sbr.ind lr, $3  }
0x3a: {  	_ = 	snop  }
0x3b: {  	_ = 	snop  }
0x3c: {  	p2 =	seq.s32 s10, $0x1;
	s10 =	sld [smem:$0x3F6B]  }
0x3d: {  	_ =	shalt  }
0x3e: {  	_ =	shalt  }
0x3f: {  	_ =	shalt  }
0x40: {  	_ =	shalt  }
0x41: {  	_ =	shalt  }
0x42: {  	_ =	shalt  }
0x43: {  	_ =	shalt  }
0x44: {  	_ =	shalt  }
0x45: {  	_ =	shalt  }
0x46: {  	_ =	shalt  }
0x47: {  	_ =	shalt  }
0x48: {  	_ =	shalt  }
0x49: {  	_ =	shalt  }
0x4a: {  	_ =	shalt  }
0x4b: {  	_ =	shalt  }
0x4c: {  	_ =	shalt  }
0x4d: {  	_ =	shalt  }
0x4e: {  	_ =	shalt  }
0x4f: {  	_ =	shalt  }
0x50: {  	_ =	shalt  }
0x51: {  	_ =	shalt  }
0x52: {  	_ =	shalt  }
0x53: {  	_ =	shalt  }
0x54: {  	_ =	shalt  }
0x55: {  	_ =	shalt  }
0x56: {  	_ =	shalt  }
0x57: {  	_ =	shalt  }
0x58: {  	_ =	shalt  }
0x59: {  	_ =	shalt  }
0x5a: {  	_ =	shalt  }
0x5b: {  	_ =	shalt  }
0x5c: {  	_ =	shalt  }
0x5d: {  	_ =	shalt  }
0x5e: {  	_ =	shalt  }
0x5f: {  	_ =	shalt  }
0x60: {  	_ =	shalt  }
0x61: {  	_ =	shalt  }
0x62: {  	_ =	shalt  }
0x63: {  	_ =	shalt  }
0x64: {  	_ =	shalt  }
0x65: {  	_ =	shalt  }
0x66: {  	_ =	shalt  }
0x67: {  	_ =	shalt  }
0x68: {  	_ =	shalt  }
0x69: {  	_ =	shalt  }
0x6a: {  	_ =	shalt  }
0x6b: {  	_ =	shalt  }
0x6c: {  	_ =	shalt  }
0x6d: {  	_ =	shalt  }
0x6e: {  	_ =	shalt  }
0x6f: {  	_ =	shalt  }
0x70: {  	_ =	shalt  }
0x71: {  	_ =	shalt  }
0x72: {  	_ =	shalt  }
0x73: {  	_ =	shalt  }
0x74: {  	_ =	shalt  }
0x75: {  	_ =	shalt  }
0x76: {  	_ =	shalt  }
0x77: {  	_ =	shalt  }
0x78: {  	_ =	shalt  }
0x79: {  	_ =	shalt  }
0x7a: {  	_ =	shalt  }
0x7b: {  	_ =	shalt  }
0x7c: {  	_ =	shalt  }
0x7d: {  	_ =	shalt  }
0x7e: {  	_ =	shalt  }
0x7f: {  	_ =	shalt  }
0x80: {  	_ =	shalt  }
0x81: {  	_ =	shalt  }
0x82: {  	_ =	shalt  }
0x83: {  	_ =	shalt  }
0x84: {  	_ =	shalt  }
0x85: {  	_ =	shalt  }
0x86: {  	_ =	shalt  }
0x87: {  	_ =	shalt  }
.Lfunc_end0:
.L_simem_size_0:
called_computation.7_lowered:
.L_overlay_start_0:
0x88: {  	s2 =	sld [smem:$0x3FD9]  }
0x89: {  	s3 =	sld [smem:$0x3FFE];
	_ =	sdelay $0x1  }
0x8a: {  	s1 =	srdreg.scid  }
0x8b: {  	s0 =	sand.u32 $0x1, s1  }
0x8c: {  	s16 =	sshll.u32 s0, $0xA;
	s2 =	sadd.s32 s3, s2  }
0x8d: {  	s2 =	sadd.s32 s2, s16  }
0x8e: {  	[smem:$0x3F77] =	sst s2  }
0x8f: {  	_ = 	snop  }
0x90: {  	(tm) =	ssettm $0x1  }
0x91: {  	s17 =	sld [smem:$0x3FFB];
	_ =	sdelay $0x3  }
0x92: {  	_ =	strace s17  }
0x93: {  	s2 =	sld [smem:$0x3FFC];
	_ =	sdelay $0x3  }
0x94: {  	_ =	strace s2  }
0x95: {  	s2 =	sld [smem:$0x3FFD];
	_ =	sdelay $0x3  }
0x96: {  	_ =	strace s2  }
0x97: {  	_ =	strace $0x8FFFFFFF  }
0x98: {  	s18 =	sld [smem:$0x3FDB];
	_ =	sdelay $0x1  }
0x99: {  	s19 =	simm.s32 $_scs_section_size  }
0x9a: {  	s4 =	simm.s32 $_size__tile_overlayer_lowered;
	s5 =	simm.s32 $_tile_overlayer_lowered  }
0x9b: {  	s22 =	simm.s32 $0x1BFF;
	s21 =	sshll.u32 s5, $0x1;
	s2 =	sadd.s32 s19, s18  }
0x9c: {  	s6 =	simm.s32 $0x0;
	s20 =	sshll.u32 s4, $0x1;
	s4 =	sadd.s32 s21, s2  }
0x9d: {  	[timem:s6], [sflag:s22] =	dma.local [hbm:s4], s20  }
0x9e: {  	_ =	swait.ge [sflag:s22], s20  }
0x9f: {  	s3 =	ssub.s32 $0x0, s20;
	[sflag:s22] =	ssyncset.done $0x0  }
0xa0: {  	[sflag:s22] =	ssyncadd.s32 s3;
	_ =	sdelay $0x1  }
0xa1: {  	s23 =	simm.s32 $0x1B8B  }
0xa2: {  	_ =	swait.ge [sflag:s23], $0x1  }
0xa3: {  	[sflag:s23] =	ssyncset.done $0x0  }
0xa4: {  	s25 =	simm.s32 $0x1B8E;
	s24 =	sld [smem:$0x3FFE];
	[sflag:s23] =	ssyncadd.s32 $0xFFFFFFFF  }
0xa5: {  	s26 =	simm.s32 $execute0_lowered;
	[smem:$0x3FD2] =	sst s25  }
0xa6: {  	s4 =	sshll.u32 s26, $0x1;
	_ =	strace $0x8000005B;
	[dreg:$0x1] =	wrdreg $0xFFFFFFFF  }
0xa7: {  	s28 =	simm.s32 $_size_execute0_lowered;
	s2 =	sadd.s32 s2, s4;
	[dreg:$0x0] =	wrdreg $0x0  }
0xa8: {  	s4 =	sshll.u32 s28, $0x1;
	[dreg:$0x2] =	wrdreg s2  }
0xa9: {  	[dreg:$0x3] =	wrdreg s4  }
0xaa: {  	[dreg:$0x4] =	wrdreg $0xC0  }
0xab: {  	_ =	task [dreg:s6], $0x5FFFF  }
0xac: {  	[dreg:$0x1] =	wrdreg $0xFFFFFFFF  }
0xad: {  	[dreg:$0x0] =	wrdreg $0x60  }
0xae: {  	[dreg:$0x2] =	wrdreg s24  }
0xaf: {  	[dreg:$0x3] =	wrdreg $0x40800  }
0xb0: {  	[dreg:$0x4] =	wrdreg $0x9  }
0xb1: {  	_ =	task.clear_ibuf [dreg:s6], $0x5FFFF;
	_ =	strace $0x9000005B  }
0xb2: {  	s29 =	simm.s32 $0x9;
	_ =	strace $0x8000005D  }
0xb3: {  	_ =	swait.ge [sflag:s29], $0x1  }
0xb4: {  	[sflag:s29] =	ssyncadd.s32 $0xFFFFFFFF  }
0xb5: {  	_ =	strace $0x9000005D  }
0xb6: {  	_ =	sfence  }
0xb7: {  	s30 =	sld [smem:$0x0];
	_ =	sdelay $0x2  }
0xb8: {  	s31 =	sshll.u32 s1, $0xD;
	s1 =	sshrl.u32 s1, $0x2  }
0xb9: {  	s3 =	sand.u32 $0x4000, s31;
	s1 =	sadd.s32 s1, s30  }
0xba: {  	s0 =	sor.u32 s3, s0;
	s1 =	sshll.u32 s1, $0x11  }
0xbb: {  	s0 =	sor.u32 s1, s0  }
0xbc: {  	s0 =	sadd.s32 $0x8F2B, s0  }
0xbd: {  	[sflag:s0] =	ssyncadd.remote.s32 $0x1  }
0xbe: {  	_ =	sfence.sel $0xFFFF  }
0xbf: {  	[dreg:$0x0] =	wrdreg $0xFFFFFFFF;
	(pc) =	sbr.abs _section_cstart, $3  }
0xc0: {  	[dreg:$0x1] =	wrdreg $0xFFFFFFFF  }
0xc1: {  	_ =	task.clear_ibuf [dreg:s6], $0x2FFFF;
	_ =	strace $0x9FFFFFFF  }
0xc2: {  	(tm) =	ssettm $0x7FFFFFFF  }
0xc3: {  	_ =	shalt  }
tec
execute0_lowered:
.L_overlay_start_1:
0x0: {  	(tag) =	ssettag $0x1  }
0x1: {  	s5 =	rddreg [dreg:$0x0]  }
0x2: {  	s2 =	rddreg [dreg:$0x1]  }
0x3: {  	s0 =	rddreg [dreg:$0x2];
	s1 =	stileid.u32  }
0x4: {  	s6 =	srdreg.scid;
	s3 =	simm.s32 $0x0;
	s4 =	smul.u32 $0x28000, s1  }
0x5: {  	s7 =	smul.u32 $0x13C00, s1;
	s6 =	sand.u32 $0x1, s6;
	[smem:$0x7FF] =	sst s3  }
0x6: {  	s12 =	sshll.u32 s1, $0x1;
	s13 =	smul.u32 $0x4F000, s1;
	s29 =	sshll.u32 s1, $0x6  }
0x7: {  	s8 =	smul.u32 $0x13C000, s6;
	_ =	strace $0x8000005C;
	s25 =	ssub.s32 $0x2, s6  }
0x8: {  	s26 =	sor.u32 s6, s12;
	s30 =	smul.u32 $0x14000, s6;
	s6 =	sor.u32 $0x1C01, s29  }
0x9: {  	s12 =	simm.s32 $0x1;
	s9 =	sadd.s32 s4, s5;
	s4 =	sadd.s32 $0xB2A00, s5  }
0xa: {  	s10 =	sshrl.u32 s7, $0x3;
	s11 =	sshrl.u32 s25, $0x1;
	s28 =	sshrl.u32 s13, $0x2  }
0xb: {  	s7 =	sadd.s32 s7, s8;
	s24 =	sadd.s32 s10, s5;
	s10 =	ssub.s32 s25, s11  }
0xc: {  	s13 =	sadd.s32 s28, s2;
	s31 =	sadd.s32 s30, s9;
	s7 =	sshrl.u32 s7, $0x3  }
0xd: {  	s9 =	smax.u32 s10, $0x1;
	s10 =	sadd.s32 $0x632C00, s31;
	s11 =	sshrl.u32 s13, $0x3  }
0xe: {  	s13 =	simm.s32 $0x80;
	s14 =	sadd.s32 s7, s5;
	s5 =	sadd.s32 $0xBCA00, s24  }
0xf: {  	s7 =	smul.u32 $0x1400, s26;
	s8 =	sadd.s32 $0x132C00, s14;
	s14 =	simm.s32 $0x0  }
.LBB2_1:
0x10: {  	[spmem:s11], [sflag:s6] =	dma.local [hbm:s5], $0x2780  }
0x11: {  	s15 =	sand.u32 $0x1C00, s3  }
0x12: {  	s16 =	sand.u32 $0x380, s3;
	_ =	swait.ge [sflag:s12], $0x2780;
	s15 =	sadd.s32 s7, s15  }
0x13: {  	[sflag:s12] =	ssyncset.done $0x0;
	s15 =	sor.u32 s16, s15  }
0x14: {  	[sflag:s12] =	ssyncadd.s32 $0xFFFFD880;
	s15 =	sshrl.u32 s15, $0x3  }
0x15: {  	[bflag:$0x0] =	sbarrier.arrive $0xFFFF;
	s15 =	sadd.s32 s4, s15  }
0x16: {  	[tilespmem:s3], [sflag:$0x1] =	stream.linear.gather [hbm4b:s15+s3], $0x80, $0x38;
	[tilespmem:$0x17C80] =	vst v63  }
0x17: {  	_ =	swait.ge [sflag:s12], $0x80  }
0x18: {  	[sflag:s12] =	ssyncset.done $0x0  }
0x19: {  	[sflag:s12] =	ssyncadd.s32 $0xFFFFFF80  }
0x1a: {  	[tilespmem:s13], [sflag:$0x1] =	stream.linear.gather [hbm4b:s10+s3], $0x4000, $0x38;
	[tilespmem:$0x17C80] =	vst v63  }
0x1b: {  	_ =	swait.ge [sflag:s12], $0x4000  }
0x1c: {  	s31 =	simm.s32 $0x80;
	[sflag:s12] =	ssyncset.done $0x0  }
0x1d: {  	s17 =	sand.u32 $0x1C00, s31;
	s16 =	simm.s32 $0x100;
	[sflag:s12] =	ssyncadd.s32 $0xFFFFC000  }
0x1e: {  	[spmem:s2] =	stream.indirect.scatter.add.f32 [tilespmem:s13], [sflag:$0x1], $0x80, s3, s13, $0xb8;
	[tilespmem:$0x17C80] =	vst v63  }
0x1f: {  	s17 =	sadd.s32 s7, s17;
	s15 =	sand.u32 $0x380, s31;
	_ =	swait.ge [sflag:s12], $0x4000  }
0x20: {  	s17 =	sor.u32 s15, s17;
	s15 =	sadd.s32 $0x800, s10;
	[sflag:s12] =	ssyncset.done $0x0  }
.LBB2_2:
0x21: {  	s17 =	sshrl.u32 s17, $0x3  }
0x22: {  	[sflag:s12] =	ssyncadd.s32 $0xFFFFC000;
	s18 =	smov.u32 s16;
	s19 =	sadd.s32 $0x80, s16  }
0x23: {  	p0 =	sne.s32 s16, $0x1380;
	s16 =	sadd.s32 s4, s17  }
0x24: {  	[tilespmem:s3], [sflag:$0x1] =	stream.linear.gather [hbm4b:s16+s3], $0x80, $0x38;
	[tilespmem:$0x17C80] =	vst v63  }
0x25: {  	_ =	swait.ge [sflag:s12], $0x80  }
0x26: {  	[sflag:s12] =	ssyncset.done $0x0  }
0x27: {  	[sflag:s12] =	ssyncadd.s32 $0xFFFFFF80  }
0x28: {  	[tilespmem:s13], [sflag:$0x1] =	stream.linear.gather [hbm4b:s15+s3], $0x4000, $0x38;
	[tilespmem:$0x17C80] =	vst v63  }
0x29: {  	_ =	swait.ge [sflag:s12], $0x4000  }
.Ltmp0:
0x2a: {  	s16 =	sand.u32 $0x1C00, s18;
	[sflag:s12] =	ssyncset.done $0x0;
	(pc) =	sbr.rel @p0 .LBB2_2-.Ltmp0, $4  }
0x2b: {  	s17 =	sand.u32 $0x380, s18;
	s16 =	sadd.s32 s7, s16;
	[sflag:s12] =	ssyncadd.s32 $0xFFFFC000  }
0x2c: {  	[spmem:s2] =	stream.indirect.scatter.add.f32 [tilespmem:s13], [sflag:$0x1], $0x80, s3, s13, $0xb8;
	[tilespmem:$0x17C80] =	vst v63  }
0x2d: {  	s17 =	sor.u32 s17, s16;
	_ =	swait.ge [sflag:s12], $0x4000  }
0x2e: {  	s16 =	smov.u32 s19;
	s15 =	sadd.s32 $0x800, s15;
	[sflag:s12] =	ssyncset.done $0x0  }
0x2f: {  	s16 =	sshrl.u32 s17, $0x3  }
0x30: {  	[sflag:s12] =	ssyncadd.s32 $0xFFFFC000;
	s16 =	sadd.s32 s4, s16  }
0x31: {  	[tilespmem:s3], [sflag:$0x1] =	stream.linear.gather [hbm4b:s16+s3], $0x80, $0x38;
	[tilespmem:$0x17C80] =	vst v63  }
0x32: {  	_ =	swait.ge [sflag:s12], $0x80  }
0x33: {  	[sflag:s12] =	ssyncset.done $0x0  }
0x34: {  	[sflag:s12] =	ssyncadd.s32 $0xFFFFFF80  }
0x35: {  	[tilespmem:s13], [sflag:$0x1] =	stream.linear.gather [hbm4b:s15+s3], $0x4000, $0x38;
	[tilespmem:$0x17C80] =	vst v63  }
0x36: {  	_ =	swait.ge [sflag:s12], $0x4000  }
0x37: {  	[sflag:s12] =	ssyncset.done $0x0  }
0x38: {  	[sflag:s12] =	ssyncadd.s32 $0xFFFFC000  }
0x39: {  	[spmem:s2] =	stream.indirect.scatter.add.f32 [tilespmem:s13], [sflag:$0x1], $0x80, s3, s13, $0xb8;
	[tilespmem:$0x17C80] =	vst v63  }
0x3a: {  	_ =	swait.ge [sflag:s12], $0x4000  }
0x3b: {  	s14 =	sadd.s32 $0x1, s14;
	[sflag:s12] =	ssyncset.done $0x0  }
0x3c: {  	p0 =	sne.s32 s14, s9;
	[sflag:s12] =	ssyncadd.s32 $0xFFFFC000  }
.Ltmp1:
0x3d: {  	[bflag:$0x0] =	sbarrier.arrive $0xFFFF;
	(pc) =	sbr.rel @p0 .LBB2_1-.Ltmp1, $4  }
0x3e: {  	[hbm:s8], [sflag:s6] =	dma.local [spmem:s11], $0x2780  }
0x3f: {  	_ =	swait.ge [sflag:s12], $0x2780  }
0x40: {  	[sflag:s12] =	ssyncset.done $0x0  }
0x41: {  	[sflag:s12] =	ssyncadd.s32 $0xFFFFD880  }
0x42: {  	_ =	sfence.sel $0x180000  }
0x43: {  	[bflag:$0x0] =	sbarrier.arrive $0xFFFF  }
0x44: {  	p0 =	sne.s32 s1, $0x0;
	_ =	strace $0x9000005C  }
0x45: {  	s0 =	sadd.s32 @!p0 $0x100000, s0;
	[bflag:$0x2] =	sbarrier.arrive $0xFFFF  }
0x46: {  	[sflag:s0] =	ssyncadd.tile.s32 @!p0 $0x1;
	_ =	shalt  }
.Lfunc_end2:
_tile_overlayer_lowered:
.L_overlay_start_2:
0x47: {  	(tag) =	ssettag $0x2  }
0x48: {  	s0 =	rddreg [dreg:$0x0];
	s2 =	stileid.u32  }
0x49: {  	s1 =	rddreg [dreg:$0x1];
	p0 =	sne.s32 s2, $0x0  }
0x4a: {  	s3 =	rddreg [dreg:$0x2];
	[bflag:$0x3] =	sbarrier.arrive $0xFFFF;
	s2 =	simm.s32 @!p0 $0x1C01  }
0x4b: {  	[timem:s3], [sflag:s2] =	dma.local @!p0 [hbm:s0], s1  }
0x4c: {  	s0 =	simm.s32 @!p0 $0x1  }
0x4d: {  	_ =	swait.ge @!p0 [sflag:s0], s1  }
0x4e: {  	s1 =	ssub.s32 @!p0 $0x0, s1;
	[sflag:s0] =	ssyncset.done @!p0 $0x0  }
0x4f: {  	[sflag:s0] =	ssyncadd.s32 @!p0 s1  }
0x50: {  	[bflag:$0x3] =	sbarrier.arrive $0xFFFF  }
0x51: {  	_ =	shalt  }

// kernel: sc_scatter128.6.cloned.1.call-start
scs
__scs_entry_jumppad:
0x0: {  	(pc) =	sbr.rel $0x88, $3  }
0x1: {  	(tag) =	ssettag $0x0;
	lr =	simm.s32 $0x1  }
0x2: {  	[smem:$0x3F50] =	sst lr;
	_ =	strace $0xD0000000  }
0x3: {  	_ = 	snop  }
0x4: {  	_ = 	snop  }
0x5: {  	_ = 	snop  }
0x6: {  	_ = 	snop  }
0x7: {  	_ = 	snop  }
__scs_overlays_trampoline_lowered:
0x8: {  	[smem:$0x3F5F] =	sst s0  }
0x9: {  	[smem:$0x3F60] =	sst s1  }
0xa: {  	[smem:$0x3F61] =	sst s2  }
0xb: {  	[smem:$0x3F62] =	sst s3  }
0xc: {  	[smem:$0x3F63] =	sst s4  }
0xd: {  	[smem:$0x3F64] =	sst s5  }
0xe: {  	[smem:$0x3F65] =	sst s6  }
0xf: {  	[smem:$0x3F66] =	sst s7  }
0x10: {  	[smem:$0x3F67] =	sst s8  }
0x11: {  	[smem:$0x3F68] =	sst s9;
	s0 =	simm.s32 @!p0 $0x0  }
0x12: {  	s1 =	sld [smem:$0x3F4E];
	s0 =	simm.s32 @p0 $0x1  }
0x13: {  	[smem:$0x3F69] =	sst s0;
	s0 =	simm.s32 @!p1 $0x0  }
0x14: {  	s2 =	sld [smem:$0x3F4D];
	s0 =	simm.s32 @p1 $0x1  }
0x15: {  	[smem:$0x3F6A] =	sst s0;
	s0 =	simm.s32 @!p2 $0x0  }
0x16: {  	s3 =	sld [smem:$0x3FDB];
	s0 =	simm.s32 @p2 $0x1  }
0x17: {  	s4 =	simm.s32 $0x1BF5;
	[smem:$0x3F6C] =	sst s0  }
0x18: {  	s0 =	sld [smem:$0x3F4F];
	_ =	swait.ge [sflag:s4], $0x0  }
0x19: {  	s7 =	sld [smem:$0x3F50]  }
0x1a: {  	s8 =	sadd.s32 $0xFFFFE003, lr  }
0x1b: {  	s9 =	sadd.s32 $0xFFFFFEF7, lr;
	s5 =	simm.s32 $0xFFFFFFFF;
	p2 =	slt.u32 s8, $0xFFFFF086  }
0x1c: {  	p1 =	slt.u32 s9, $0xF7A;
	s5 =	simm.s32 @!p2 $0x0  }
0x1d: {  	s5 =	simm.s32 @p1 $0x1;
	p0 =	seq.s32 s7, s2  }
0x1e: {  	s7 =	smul.u32 @!p0 $0xF7A, s2;
	p2 =	seq.s32 @!p0 s5, $0x0  }
0x1f: {  	s9 =	smul.u32 $0xF7A, s1;
	s8 =	simm.s32 @!p0 $0x1BF5;
	p2 =	por !p2, p0  }
0x20: {  	[sflag:s8] =	ssyncset.s32 @!p0 $0xFFFFF086;
	s6 =	sadd.s32 @!p0 s3, s7;
	s7 =	simm.s32 @!p0 $0x108  }
0x21: {  	s3 =	sadd.s32 s3, s9;
	s6 =	sadd.s32 @!p0 $0x88, s6;
	s7 =	simm.s32 @p2 $0x1082  }
0x22: {  	[simem:s7], [sflag:s8] =	dma.local @!p0 [hbm:s6], $0xF7A  }
0x23: {  	s9 =	sor.u32 $0xD0000000, s2;
	s6 =	simm.s32 $0x108;
	_ =	swait.ge @!p0 [sflag:s8], $0x0  }
0x24: {  	s3 =	sadd.s32 $0x88, s3;
	s6 =	simm.s32 @!p1 $0x1082;
	[sflag:s4] =	ssyncset.s32 $0xFFFFF086  }
0x25: {  	[simem:s6], [sflag:s4] =	dma.local [hbm:s3], $0xF7A  }
0x26: {  	[smem:$0x3F50] =	sst s1;
	(tag) =	ssettag s2;
	_ =	strace s9  }
0x27: {  	s1 =	sld [smem:$0x3F60]  }
0x28: {  	s2 =	sld [smem:$0x3F61]  }
0x29: {  	s4 =	sld [smem:$0x3F63]  }
0x2a: {  	p0 =	seq.s32 s5, $0x0;
	s5 =	sld [smem:$0x3F64]  }
0x2b: {  	s6 =	sld [smem:$0x3F65]  }
0x2c: {  	s7 =	sld [smem:$0x3F66]  }
0x2d: {  	s3 =	simm.s32 $0x108;
	s8 =	sld [smem:$0x3F67]  }
0x2e: {  	s3 =	simm.s32 @!p0 $0x1082;
	s9 =	sld [smem:$0x3F68]  }
0x2f: {  	lr =	sadd.s32 s0, s3;
	s0 =	sld [smem:$0x3F5F]  }
0x30: {  	s3 =	sld [smem:$0x3F62]  }
0x31: {  	[smem:$0x3F6B] =	sst s10  }
0x32: {  	s10 =	sld [smem:$0x3F69];
	_ =	sdelay $0x3  }
0x33: {  	p0 =	seq.s32 s10, $0x1;
	s10 =	sld [smem:$0x3F6B];
	_ =	sdelay $0x3  }
0x34: {  	[smem:$0x3F6B] =	sst s10  }
0x35: {  	s10 =	sld [smem:$0x3F6A];
	_ =	sdelay $0x3  }
0x36: {  	p1 =	seq.s32 s10, $0x1;
	s10 =	sld [smem:$0x3F6B];
	_ =	sdelay $0x3  }
0x37: {  	[smem:$0x3F6B] =	sst s10  }
0x38: {  	s10 =	sld [smem:$0x3F6C]  }
0x39: {  	_ = 	snop;
	(pc) =	sbr.ind lr, $3  }
0x3a: {  	_ = 	snop  }
0x3b: {  	_ = 	snop  }
0x3c: {  	p2 =	seq.s32 s10, $0x1;
	s10 =	sld [smem:$0x3F6B]  }
0x3d: {  	_ =	shalt  }
0x3e: {  	_ =	shalt  }
0x3f: {  	_ =	shalt  }
0x40: {  	_ =	shalt  }
0x41: {  	_ =	shalt  }
0x42: {  	_ =	shalt  }
0x43: {  	_ =	shalt  }
0x44: {  	_ =	shalt  }
0x45: {  	_ =	shalt  }
0x46: {  	_ =	shalt  }
0x47: {  	_ =	shalt  }
0x48: {  	_ =	shalt  }
0x49: {  	_ =	shalt  }
0x4a: {  	_ =	shalt  }
0x4b: {  	_ =	shalt  }
0x4c: {  	_ =	shalt  }
0x4d: {  	_ =	shalt  }
0x4e: {  	_ =	shalt  }
0x4f: {  	_ =	shalt  }
0x50: {  	_ =	shalt  }
0x51: {  	_ =	shalt  }
0x52: {  	_ =	shalt  }
0x53: {  	_ =	shalt  }
0x54: {  	_ =	shalt  }
0x55: {  	_ =	shalt  }
0x56: {  	_ =	shalt  }
0x57: {  	_ =	shalt  }
0x58: {  	_ =	shalt  }
0x59: {  	_ =	shalt  }
0x5a: {  	_ =	shalt  }
0x5b: {  	_ =	shalt  }
0x5c: {  	_ =	shalt  }
0x5d: {  	_ =	shalt  }
0x5e: {  	_ =	shalt  }
0x5f: {  	_ =	shalt  }
0x60: {  	_ =	shalt  }
0x61: {  	_ =	shalt  }
0x62: {  	_ =	shalt  }
0x63: {  	_ =	shalt  }
0x64: {  	_ =	shalt  }
0x65: {  	_ =	shalt  }
0x66: {  	_ =	shalt  }
0x67: {  	_ =	shalt  }
0x68: {  	_ =	shalt  }
0x69: {  	_ =	shalt  }
0x6a: {  	_ =	shalt  }
0x6b: {  	_ =	shalt  }
0x6c: {  	_ =	shalt  }
0x6d: {  	_ =	shalt  }
0x6e: {  	_ =	shalt  }
0x6f: {  	_ =	shalt  }
0x70: {  	_ =	shalt  }
0x71: {  	_ =	shalt  }
0x72: {  	_ =	shalt  }
0x73: {  	_ =	shalt  }
0x74: {  	_ =	shalt  }
0x75: {  	_ =	shalt  }
0x76: {  	_ =	shalt  }
0x77: {  	_ =	shalt  }
0x78: {  	_ =	shalt  }
0x79: {  	_ =	shalt  }
0x7a: {  	_ =	shalt  }
0x7b: {  	_ =	shalt  }
0x7c: {  	_ =	shalt  }
0x7d: {  	_ =	shalt  }
0x7e: {  	_ =	shalt  }
0x7f: {  	_ =	shalt  }
0x80: {  	_ =	shalt  }
0x81: {  	_ =	shalt  }
0x82: {  	_ =	shalt  }
0x83: {  	_ =	shalt  }
0x84: {  	_ =	shalt  }
0x85: {  	_ =	shalt  }
0x86: {  	_ =	shalt  }
0x87: {  	_ =	shalt  }
.Lfunc_end0:
.L_simem_size_0:
called_computation.1_lowered:
.L_overlay_start_0:
0x88: {  	s2 =	sld [smem:$0x3FD9]  }
0x89: {  	s3 =	sld [smem:$0x3FFE];
	_ =	sdelay $0x1  }
0x8a: {  	s1 =	srdreg.scid  }
0x8b: {  	s0 =	sand.u32 $0x1, s1  }
0x8c: {  	s16 =	sshll.u32 s0, $0xA;
	s2 =	sadd.s32 s3, s2  }
0x8d: {  	s2 =	sadd.s32 s2, s16  }
0x8e: {  	[smem:$0x3F77] =	sst s2  }
0x8f: {  	_ = 	snop  }
0x90: {  	(tm) =	ssettm $0x1  }
0x91: {  	s17 =	sld [smem:$0x3FFB];
	_ =	sdelay $0x3  }
0x92: {  	_ =	strace s17  }
0x93: {  	s2 =	sld [smem:$0x3FFC];
	_ =	sdelay $0x3  }
0x94: {  	_ =	strace s2  }
0x95: {  	s2 =	sld [smem:$0x3FFD];
	_ =	sdelay $0x3  }
0x96: {  	_ =	strace s2  }
0x97: {  	_ =	strace $0x8FFFFFFF  }
0x98: {  	s18 =	sld [smem:$0x3FDB];
	_ =	sdelay $0x1  }
0x99: {  	s19 =	simm.s32 $_scs_section_size  }
0x9a: {  	s4 =	simm.s32 $_size__tile_overlayer_lowered;
	s5 =	simm.s32 $_tile_overlayer_lowered  }
0x9b: {  	s22 =	simm.s32 $0x1BFF;
	s21 =	sshll.u32 s5, $0x1;
	s2 =	sadd.s32 s19, s18  }
0x9c: {  	s6 =	simm.s32 $0x0;
	s20 =	sshll.u32 s4, $0x1;
	s4 =	sadd.s32 s21, s2  }
0x9d: {  	[timem:s6], [sflag:s22] =	dma.local [hbm:s4], s20  }
0x9e: {  	_ =	swait.ge [sflag:s22], s20  }
0x9f: {  	s3 =	ssub.s32 $0x0, s20;
	[sflag:s22] =	ssyncset.done $0x0  }
0xa0: {  	[sflag:s22] =	ssyncadd.s32 s3;
	_ =	sdelay $0x1  }
0xa1: {  	s23 =	simm.s32 $0x1B8B  }
0xa2: {  	_ =	swait.ge [sflag:s23], $0x1  }
0xa3: {  	[sflag:s23] =	ssyncset.done $0x0  }
0xa4: {  	s25 =	simm.s32 $0x1B8E;
	s24 =	sld [smem:$0x3FFE];
	[sflag:s23] =	ssyncadd.s32 $0xFFFFFFFF  }
0xa5: {  	s26 =	simm.s32 $execute0_lowered;
	[smem:$0x3FD2] =	sst s25  }
0xa6: {  	s4 =	sshll.u32 s26, $0x1;
	_ =	strace $0x80000049;
	[dreg:$0x1] =	wrdreg $0xFFFFFFFF  }
0xa7: {  	s28 =	simm.s32 $_size_execute0_lowered;
	s2 =	sadd.s32 s2, s4;
	[dreg:$0x0] =	wrdreg $0x0  }
0xa8: {  	s4 =	sshll.u32 s28, $0x1;
	[dreg:$0x2] =	wrdreg s2  }
0xa9: {  	[dreg:$0x3] =	wrdreg s4  }
0xaa: {  	[dreg:$0x4] =	wrdreg $0xC0  }
0xab: {  	_ =	task [dreg:s6], $0x5FFFF  }
0xac: {  	[dreg:$0x1] =	wrdreg $0xFFFFFFFF  }
0xad: {  	[dreg:$0x0] =	wrdreg $0x60  }
0xae: {  	[dreg:$0x2] =	wrdreg s24  }
0xaf: {  	[dreg:$0x3] =	wrdreg $0x40800  }
0xb0: {  	[dreg:$0x4] =	wrdreg $0x9  }
0xb1: {  	_ =	task.clear_ibuf [dreg:s6], $0x5FFFF;
	_ =	strace $0x90000049  }
0xb2: {  	s29 =	simm.s32 $0x9;
	_ =	strace $0x8000004B  }
0xb3: {  	_ =	swait.ge [sflag:s29], $0x1  }
0xb4: {  	[sflag:s29] =	ssyncadd.s32 $0xFFFFFFFF  }
0xb5: {  	_ =	strace $0x9000004B  }
0xb6: {  	_ =	sfence  }
0xb7: {  	s30 =	sld [smem:$0x0];
	_ =	sdelay $0x2  }
0xb8: {  	s31 =	sshll.u32 s1, $0xD;
	s1 =	sshrl.u32 s1, $0x2  }
0xb9: {  	s3 =	sand.u32 $0x4000, s31;
	s1 =	sadd.s32 s1, s30  }
0xba: {  	s0 =	sor.u32 s3, s0;
	s1 =	sshll.u32 s1, $0x11  }
0xbb: {  	s0 =	sor.u32 s1, s0  }
0xbc: {  	s0 =	sadd.s32 $0x8F2B, s0  }
0xbd: {  	[sflag:s0] =	ssyncadd.remote.s32 $0x1  }
0xbe: {  	_ =	sfence.sel $0xFFFF  }
0xbf: {  	[dreg:$0x0] =	wrdreg $0xFFFFFFFF;
	(pc) =	sbr.abs _section_cstart, $3  }
0xc0: {  	[dreg:$0x1] =	wrdreg $0xFFFFFFFF  }
0xc1: {  	_ =	task.clear_ibuf [dreg:s6], $0x2FFFF;
	_ =	strace $0x9FFFFFFF  }
0xc2: {  	(tm) =	ssettm $0x7FFFFFFF  }
0xc3: {  	_ =	shalt  }
tec
execute0_lowered:
.L_overlay_start_1:
0x0: {  	(tag) =	ssettag $0x1  }
0x1: {  	s5 =	rddreg [dreg:$0x0]  }
0x2: {  	s2 =	rddreg [dreg:$0x1]  }
0x3: {  	s0 =	rddreg [dreg:$0x2];
	s1 =	stileid.u32  }
0x4: {  	s6 =	srdreg.scid;
	s3 =	simm.s32 $0x0;
	s4 =	smul.u32 $0x28000, s1  }
0x5: {  	s7 =	smul.u32 $0x13C00, s1;
	s6 =	sand.u32 $0x1, s6;
	[smem:$0x7FF] =	sst s3  }
0x6: {  	s12 =	sshll.u32 s1, $0x1;
	s13 =	smul.u32 $0x4F000, s1;
	s29 =	sshll.u32 s1, $0x6  }
0x7: {  	s8 =	smul.u32 $0x13C000, s6;
	_ =	strace $0x8000004A;
	s25 =	ssub.s32 $0x2, s6  }
0x8: {  	s26 =	sor.u32 s6, s12;
	s30 =	smul.u32 $0x14000, s6;
	s6 =	sor.u32 $0x1C01, s29  }
0x9: {  	s12 =	simm.s32 $0x1;
	s9 =	sadd.s32 s4, s5;
	s4 =	sadd.s32 $0xB2A00, s5  }
0xa: {  	s10 =	sshrl.u32 s7, $0x3;
	s11 =	sshrl.u32 s25, $0x1;
	s28 =	sshrl.u32 s13, $0x2  }
0xb: {  	s7 =	sadd.s32 s7, s8;
	s24 =	sadd.s32 s10, s5;
	s10 =	ssub.s32 s25, s11  }
0xc: {  	s13 =	sadd.s32 s28, s2;
	s31 =	sadd.s32 s30, s9;
	s7 =	sshrl.u32 s7, $0x3  }
0xd: {  	s9 =	smax.u32 s10, $0x1;
	s10 =	sadd.s32 $0xB4AC00, s31;
	s11 =	sshrl.u32 s13, $0x3  }
0xe: {  	s13 =	simm.s32 $0x80;
	s14 =	sadd.s32 s7, s5;
	s5 =	sadd.s32 $0xBCA00, s24  }
0xf: {  	s7 =	smul.u32 $0x1400, s26;
	s8 =	sadd.s32 $0x159C00, s14;
	s14 =	simm.s32 $0x0  }
.LBB2_1:
0x10: {  	[spmem:s11], [sflag:s6] =	dma.local [hbm:s5], $0x2780  }
0x11: {  	s15 =	sand.u32 $0x1C00, s3  }
0x12: {  	s16 =	sand.u32 $0x380, s3;
	_ =	swait.ge [sflag:s12], $0x2780;
	s15 =	sadd.s32 s7, s15  }
0x13: {  	[sflag:s12] =	ssyncset.done $0x0;
	s15 =	sor.u32 s16, s15  }
0x14: {  	[sflag:s12] =	ssyncadd.s32 $0xFFFFD880;
	s15 =	sshrl.u32 s15, $0x3  }
0x15: {  	[bflag:$0x0] =	sbarrier.arrive $0xFFFF;
	s15 =	sadd.s32 s4, s15  }
0x16: {  	[tilespmem:s3], [sflag:$0x1] =	stream.linear.gather [hbm4b:s15+s3], $0x80, $0x38;
	[tilespmem:$0x17C80] =	vst v63  }
0x17: {  	_ =	swait.ge [sflag:s12], $0x80  }
0x18: {  	[sflag:s12] =	ssyncset.done $0x0  }
0x19: {  	[sflag:s12] =	ssyncadd.s32 $0xFFFFFF80  }
0x1a: {  	[tilespmem:s13], [sflag:$0x1] =	stream.linear.gather [hbm4b:s10+s3], $0x4000, $0x38;
	[tilespmem:$0x17C80] =	vst v63  }
0x1b: {  	_ =	swait.ge [sflag:s12], $0x4000  }
0x1c: {  	s31 =	simm.s32 $0x80;
	[sflag:s12] =	ssyncset.done $0x0  }
0x1d: {  	s17 =	sand.u32 $0x1C00, s31;
	s16 =	simm.s32 $0x100;
	[sflag:s12] =	ssyncadd.s32 $0xFFFFC000  }
0x1e: {  	[spmem:s2] =	stream.indirect.scatter.add.f32 [tilespmem:s13], [sflag:$0x1], $0x80, s3, s13, $0xb8;
	[tilespmem:$0x17C80] =	vst v63  }
0x1f: {  	s17 =	sadd.s32 s7, s17;
	s15 =	sand.u32 $0x380, s31;
	_ =	swait.ge [sflag:s12], $0x4000  }
0x20: {  	s17 =	sor.u32 s15, s17;
	s15 =	sadd.s32 $0x800, s10;
	[sflag:s12] =	ssyncset.done $0x0  }
.LBB2_2:
0x21: {  	s17 =	sshrl.u32 s17, $0x3  }
0x22: {  	[sflag:s12] =	ssyncadd.s32 $0xFFFFC000;
	s18 =	smov.u32 s16;
	s19 =	sadd.s32 $0x80, s16  }
0x23: {  	p0 =	sne.s32 s16, $0x1380;
	s16 =	sadd.s32 s4, s17  }
0x24: {  	[tilespmem:s3], [sflag:$0x1] =	stream.linear.gather [hbm4b:s16+s3], $0x80, $0x38;
	[tilespmem:$0x17C80] =	vst v63  }
0x25: {  	_ =	swait.ge [sflag:s12], $0x80  }
0x26: {  	[sflag:s12] =	ssyncset.done $0x0  }
0x27: {  	[sflag:s12] =	ssyncadd.s32 $0xFFFFFF80  }
0x28: {  	[tilespmem:s13], [sflag:$0x1] =	stream.linear.gather [hbm4b:s15+s3], $0x4000, $0x38;
	[tilespmem:$0x17C80] =	vst v63  }
0x29: {  	_ =	swait.ge [sflag:s12], $0x4000  }
.Ltmp0:
0x2a: {  	s16 =	sand.u32 $0x1C00, s18;
	[sflag:s12] =	ssyncset.done $0x0;
	(pc) =	sbr.rel @p0 .LBB2_2-.Ltmp0, $4  }
0x2b: {  	s17 =	sand.u32 $0x380, s18;
	s16 =	sadd.s32 s7, s16;
	[sflag:s12] =	ssyncadd.s32 $0xFFFFC000  }
0x2c: {  	[spmem:s2] =	stream.indirect.scatter.add.f32 [tilespmem:s13], [sflag:$0x1], $0x80, s3, s13, $0xb8;
	[tilespmem:$0x17C80] =	vst v63  }
0x2d: {  	s17 =	sor.u32 s17, s16;
	_ =	swait.ge [sflag:s12], $0x4000  }
0x2e: {  	s16 =	smov.u32 s19;
	s15 =	sadd.s32 $0x800, s15;
	[sflag:s12] =	ssyncset.done $0x0  }
0x2f: {  	s16 =	sshrl.u32 s17, $0x3  }
0x30: {  	[sflag:s12] =	ssyncadd.s32 $0xFFFFC000;
	s16 =	sadd.s32 s4, s16  }
0x31: {  	[tilespmem:s3], [sflag:$0x1] =	stream.linear.gather [hbm4b:s16+s3], $0x80, $0x38;
	[tilespmem:$0x17C80] =	vst v63  }
0x32: {  	_ =	swait.ge [sflag:s12], $0x80  }
0x33: {  	[sflag:s12] =	ssyncset.done $0x0  }
0x34: {  	[sflag:s12] =	ssyncadd.s32 $0xFFFFFF80  }
0x35: {  	[tilespmem:s13], [sflag:$0x1] =	stream.linear.gather [hbm4b:s15+s3], $0x4000, $0x38;
	[tilespmem:$0x17C80] =	vst v63  }
0x36: {  	_ =	swait.ge [sflag:s12], $0x4000  }
0x37: {  	[sflag:s12] =	ssyncset.done $0x0  }
0x38: {  	[sflag:s12] =	ssyncadd.s32 $0xFFFFC000  }
0x39: {  	[spmem:s2] =	stream.indirect.scatter.add.f32 [tilespmem:s13], [sflag:$0x1], $0x80, s3, s13, $0xb8;
	[tilespmem:$0x17C80] =	vst v63  }
0x3a: {  	_ =	swait.ge [sflag:s12], $0x4000  }
0x3b: {  	s14 =	sadd.s32 $0x1, s14;
	[sflag:s12] =	ssyncset.done $0x0  }
0x3c: {  	p0 =	sne.s32 s14, s9;
	[sflag:s12] =	ssyncadd.s32 $0xFFFFC000  }
.Ltmp1:
0x3d: {  	[bflag:$0x0] =	sbarrier.arrive $0xFFFF;
	(pc) =	sbr.rel @p0 .LBB2_1-.Ltmp1, $4  }
0x3e: {  	[hbm:s8], [sflag:s6] =	dma.local [spmem:s11], $0x2780  }
0x3f: {  	_ =	swait.ge [sflag:s12], $0x2780  }
0x40: {  	[sflag:s12] =	ssyncset.done $0x0  }
0x41: {  	[sflag:s12] =	ssyncadd.s32 $0xFFFFD880  }
0x42: {  	_ =	sfence.sel $0x180000  }
0x43: {  	[bflag:$0x0] =	sbarrier.arrive $0xFFFF  }
0x44: {  	p0 =	sne.s32 s1, $0x0;
	_ =	strace $0x9000004A  }
0x45: {  	s0 =	sadd.s32 @!p0 $0x100000, s0;
	[bflag:$0x2] =	sbarrier.arrive $0xFFFF  }
0x46: {  	[sflag:s0] =	ssyncadd.tile.s32 @!p0 $0x1;
	_ =	shalt  }
.Lfunc_end2:
_tile_overlayer_lowered:
.L_overlay_start_2:
0x47: {  	(tag) =	ssettag $0x2  }
0x48: {  	s0 =	rddreg [dreg:$0x0];
	s2 =	stileid.u32  }
0x49: {  	s1 =	rddreg [dreg:$0x1];
	p0 =	sne.s32 s2, $0x0  }
0x4a: {  	s3 =	rddreg [dreg:$0x2];
	[bflag:$0x3] =	sbarrier.arrive $0xFFFF;
	s2 =	simm.s32 @!p0 $0x1C01  }
0x4b: {  	[timem:s3], [sflag:s2] =	dma.local @!p0 [hbm:s0], s1  }
0x4c: {  	s0 =	simm.s32 @!p0 $0x1  }
0x4d: {  	_ =	swait.ge @!p0 [sflag:s0], s1  }
0x4e: {  	s1 =	ssub.s32 @!p0 $0x0, s1;
	[sflag:s0] =	ssyncset.done @!p0 $0x0  }
0x4f: {  	[sflag:s0] =	ssyncadd.s32 @!p0 s1  }
0x50: {  	[bflag:$0x3] =	sbarrier.arrive $0xFFFF  }
0x51: {  	_ =	shalt  }

// kernel: sc_scatter128.9.cloned.1.call-start
scs
__scs_entry_jumppad:
0x0: {  	(pc) =	sbr.rel $0x88, $3  }
0x1: {  	(tag) =	ssettag $0x0;
	lr =	simm.s32 $0x1  }
0x2: {  	[smem:$0x3F50] =	sst lr;
	_ =	strace $0xD0000000  }
0x3: {  	_ = 	snop  }
0x4: {  	_ = 	snop  }
0x5: {  	_ = 	snop  }
0x6: {  	_ = 	snop  }
0x7: {  	_ = 	snop  }
__scs_overlays_trampoline_lowered:
0x8: {  	[smem:$0x3F5F] =	sst s0  }
0x9: {  	[smem:$0x3F60] =	sst s1  }
0xa: {  	[smem:$0x3F61] =	sst s2  }
0xb: {  	[smem:$0x3F62] =	sst s3  }
0xc: {  	[smem:$0x3F63] =	sst s4  }
0xd: {  	[smem:$0x3F64] =	sst s5  }
0xe: {  	[smem:$0x3F65] =	sst s6  }
0xf: {  	[smem:$0x3F66] =	sst s7  }
0x10: {  	[smem:$0x3F67] =	sst s8  }
0x11: {  	[smem:$0x3F68] =	sst s9;
	s0 =	simm.s32 @!p0 $0x0  }
0x12: {  	s1 =	sld [smem:$0x3F4E];
	s0 =	simm.s32 @p0 $0x1  }
0x13: {  	[smem:$0x3F69] =	sst s0;
	s0 =	simm.s32 @!p1 $0x0  }
0x14: {  	s2 =	sld [smem:$0x3F4D];
	s0 =	simm.s32 @p1 $0x1  }
0x15: {  	[smem:$0x3F6A] =	sst s0;
	s0 =	simm.s32 @!p2 $0x0  }
0x16: {  	s3 =	sld [smem:$0x3FDB];
	s0 =	simm.s32 @p2 $0x1  }
0x17: {  	s4 =	simm.s32 $0x1BF5;
	[smem:$0x3F6C] =	sst s0  }
0x18: {  	s0 =	sld [smem:$0x3F4F];
	_ =	swait.ge [sflag:s4], $0x0  }
0x19: {  	s7 =	sld [smem:$0x3F50]  }
0x1a: {  	s8 =	sadd.s32 $0xFFFFE003, lr  }
0x1b: {  	s9 =	sadd.s32 $0xFFFFFEF7, lr;
	s5 =	simm.s32 $0xFFFFFFFF;
	p2 =	slt.u32 s8, $0xFFFFF086  }
0x1c: {  	p1 =	slt.u32 s9, $0xF7A;
	s5 =	simm.s32 @!p2 $0x0  }
0x1d: {  	s5 =	simm.s32 @p1 $0x1;
	p0 =	seq.s32 s7, s2  }
0x1e: {  	s7 =	smul.u32 @!p0 $0xF7A, s2;
	p2 =	seq.s32 @!p0 s5, $0x0  }
0x1f: {  	s9 =	smul.u32 $0xF7A, s1;
	s8 =	simm.s32 @!p0 $0x1BF5;
	p2 =	por !p2, p0  }
0x20: {  	[sflag:s8] =	ssyncset.s32 @!p0 $0xFFFFF086;
	s6 =	sadd.s32 @!p0 s3, s7;
	s7 =	simm.s32 @!p0 $0x108  }
0x21: {  	s3 =	sadd.s32 s3, s9;
	s6 =	sadd.s32 @!p0 $0x88, s6;
	s7 =	simm.s32 @p2 $0x1082  }
0x22: {  	[simem:s7], [sflag:s8] =	dma.local @!p0 [hbm:s6], $0xF7A  }
0x23: {  	s9 =	sor.u32 $0xD0000000, s2;
	s6 =	simm.s32 $0x108;
	_ =	swait.ge @!p0 [sflag:s8], $0x0  }
0x24: {  	s3 =	sadd.s32 $0x88, s3;
	s6 =	simm.s32 @!p1 $0x1082;
	[sflag:s4] =	ssyncset.s32 $0xFFFFF086  }
0x25: {  	[simem:s6], [sflag:s4] =	dma.local [hbm:s3], $0xF7A  }
0x26: {  	[smem:$0x3F50] =	sst s1;
	(tag) =	ssettag s2;
	_ =	strace s9  }
0x27: {  	s1 =	sld [smem:$0x3F60]  }
0x28: {  	s2 =	sld [smem:$0x3F61]  }
0x29: {  	s4 =	sld [smem:$0x3F63]  }
0x2a: {  	p0 =	seq.s32 s5, $0x0;
	s5 =	sld [smem:$0x3F64]  }
0x2b: {  	s6 =	sld [smem:$0x3F65]  }
0x2c: {  	s7 =	sld [smem:$0x3F66]  }
0x2d: {  	s3 =	simm.s32 $0x108;
	s8 =	sld [smem:$0x3F67]  }
0x2e: {  	s3 =	simm.s32 @!p0 $0x1082;
	s9 =	sld [smem:$0x3F68]  }
0x2f: {  	lr =	sadd.s32 s0, s3;
	s0 =	sld [smem:$0x3F5F]  }
0x30: {  	s3 =	sld [smem:$0x3F62]  }
0x31: {  	[smem:$0x3F6B] =	sst s10  }
0x32: {  	s10 =	sld [smem:$0x3F69];
	_ =	sdelay $0x3  }
0x33: {  	p0 =	seq.s32 s10, $0x1;
	s10 =	sld [smem:$0x3F6B];
	_ =	sdelay $0x3  }
0x34: {  	[smem:$0x3F6B] =	sst s10  }
0x35: {  	s10 =	sld [smem:$0x3F6A];
	_ =	sdelay $0x3  }
0x36: {  	p1 =	seq.s32 s10, $0x1;
	s10 =	sld [smem:$0x3F6B];
	_ =	sdelay $0x3  }
0x37: {  	[smem:$0x3F6B] =	sst s10  }
0x38: {  	s10 =	sld [smem:$0x3F6C]  }
0x39: {  	_ = 	snop;
	(pc) =	sbr.ind lr, $3  }
0x3a: {  	_ = 	snop  }
0x3b: {  	_ = 	snop  }
0x3c: {  	p2 =	seq.s32 s10, $0x1;
	s10 =	sld [smem:$0x3F6B]  }
0x3d: {  	_ =	shalt  }
0x3e: {  	_ =	shalt  }
0x3f: {  	_ =	shalt  }
0x40: {  	_ =	shalt  }
0x41: {  	_ =	shalt  }
0x42: {  	_ =	shalt  }
0x43: {  	_ =	shalt  }
0x44: {  	_ =	shalt  }
0x45: {  	_ =	shalt  }
0x46: {  	_ =	shalt  }
0x47: {  	_ =	shalt  }
0x48: {  	_ =	shalt  }
0x49: {  	_ =	shalt  }
0x4a: {  	_ =	shalt  }
0x4b: {  	_ =	shalt  }
0x4c: {  	_ =	shalt  }
0x4d: {  	_ =	shalt  }
0x4e: {  	_ =	shalt  }
0x4f: {  	_ =	shalt  }
0x50: {  	_ =	shalt  }
0x51: {  	_ =	shalt  }
0x52: {  	_ =	shalt  }
0x53: {  	_ =	shalt  }
0x54: {  	_ =	shalt  }
0x55: {  	_ =	shalt  }
0x56: {  	_ =	shalt  }
0x57: {  	_ =	shalt  }
0x58: {  	_ =	shalt  }
0x59: {  	_ =	shalt  }
0x5a: {  	_ =	shalt  }
0x5b: {  	_ =	shalt  }
0x5c: {  	_ =	shalt  }
0x5d: {  	_ =	shalt  }
0x5e: {  	_ =	shalt  }
0x5f: {  	_ =	shalt  }
0x60: {  	_ =	shalt  }
0x61: {  	_ =	shalt  }
0x62: {  	_ =	shalt  }
0x63: {  	_ =	shalt  }
0x64: {  	_ =	shalt  }
0x65: {  	_ =	shalt  }
0x66: {  	_ =	shalt  }
0x67: {  	_ =	shalt  }
0x68: {  	_ =	shalt  }
0x69: {  	_ =	shalt  }
0x6a: {  	_ =	shalt  }
0x6b: {  	_ =	shalt  }
0x6c: {  	_ =	shalt  }
0x6d: {  	_ =	shalt  }
0x6e: {  	_ =	shalt  }
0x6f: {  	_ =	shalt  }
0x70: {  	_ =	shalt  }
0x71: {  	_ =	shalt  }
0x72: {  	_ =	shalt  }
0x73: {  	_ =	shalt  }
0x74: {  	_ =	shalt  }
0x75: {  	_ =	shalt  }
0x76: {  	_ =	shalt  }
0x77: {  	_ =	shalt  }
0x78: {  	_ =	shalt  }
0x79: {  	_ =	shalt  }
0x7a: {  	_ =	shalt  }
0x7b: {  	_ =	shalt  }
0x7c: {  	_ =	shalt  }
0x7d: {  	_ =	shalt  }
0x7e: {  	_ =	shalt  }
0x7f: {  	_ =	shalt  }
0x80: {  	_ =	shalt  }
0x81: {  	_ =	shalt  }
0x82: {  	_ =	shalt  }
0x83: {  	_ =	shalt  }
0x84: {  	_ =	shalt  }
0x85: {  	_ =	shalt  }
0x86: {  	_ =	shalt  }
0x87: {  	_ =	shalt  }
.Lfunc_end0:
.L_simem_size_0:
called_computation.3_lowered:
.L_overlay_start_0:
0x88: {  	s2 =	sld [smem:$0x3FD9]  }
0x89: {  	s3 =	sld [smem:$0x3FFE];
	_ =	sdelay $0x1  }
0x8a: {  	s1 =	srdreg.scid  }
0x8b: {  	s0 =	sand.u32 $0x1, s1  }
0x8c: {  	s16 =	sshll.u32 s0, $0xA;
	s2 =	sadd.s32 s3, s2  }
0x8d: {  	s2 =	sadd.s32 s2, s16  }
0x8e: {  	[smem:$0x3F77] =	sst s2  }
0x8f: {  	_ = 	snop  }
0x90: {  	(tm) =	ssettm $0x1  }
0x91: {  	s17 =	sld [smem:$0x3FFB];
	_ =	sdelay $0x3  }
0x92: {  	_ =	strace s17  }
0x93: {  	s2 =	sld [smem:$0x3FFC];
	_ =	sdelay $0x3  }
0x94: {  	_ =	strace s2  }
0x95: {  	s2 =	sld [smem:$0x3FFD];
	_ =	sdelay $0x3  }
0x96: {  	_ =	strace s2  }
0x97: {  	_ =	strace $0x8FFFFFFF  }
0x98: {  	s18 =	sld [smem:$0x3FDB];
	_ =	sdelay $0x1  }
0x99: {  	s19 =	simm.s32 $_scs_section_size  }
0x9a: {  	s4 =	simm.s32 $_size__tile_overlayer_lowered;
	s5 =	simm.s32 $_tile_overlayer_lowered  }
0x9b: {  	s22 =	simm.s32 $0x1BFF;
	s21 =	sshll.u32 s5, $0x1;
	s2 =	sadd.s32 s19, s18  }
0x9c: {  	s6 =	simm.s32 $0x0;
	s20 =	sshll.u32 s4, $0x1;
	s4 =	sadd.s32 s21, s2  }
0x9d: {  	[timem:s6], [sflag:s22] =	dma.local [hbm:s4], s20  }
0x9e: {  	_ =	swait.ge [sflag:s22], s20  }
0x9f: {  	s3 =	ssub.s32 $0x0, s20;
	[sflag:s22] =	ssyncset.done $0x0  }
0xa0: {  	[sflag:s22] =	ssyncadd.s32 s3;
	_ =	sdelay $0x1  }
0xa1: {  	s23 =	simm.s32 $0x1B8B  }
0xa2: {  	_ =	swait.ge [sflag:s23], $0x1  }
0xa3: {  	[sflag:s23] =	ssyncset.done $0x0  }
0xa4: {  	s25 =	simm.s32 $0x1B8E;
	s24 =	sld [smem:$0x3FFE];
	[sflag:s23] =	ssyncadd.s32 $0xFFFFFFFF  }
0xa5: {  	s26 =	simm.s32 $execute0_lowered;
	[smem:$0x3FD2] =	sst s25  }
0xa6: {  	s4 =	sshll.u32 s26, $0x1;
	_ =	strace $0x8000004F;
	[dreg:$0x1] =	wrdreg $0xFFFFFFFF  }
0xa7: {  	s28 =	simm.s32 $_size_execute0_lowered;
	s2 =	sadd.s32 s2, s4;
	[dreg:$0x0] =	wrdreg $0x0  }
0xa8: {  	s4 =	sshll.u32 s28, $0x1;
	[dreg:$0x2] =	wrdreg s2  }
0xa9: {  	[dreg:$0x3] =	wrdreg s4  }
0xaa: {  	[dreg:$0x4] =	wrdreg $0xC0  }
0xab: {  	_ =	task [dreg:s6], $0x5FFFF  }
0xac: {  	[dreg:$0x1] =	wrdreg $0xFFFFFFFF  }
0xad: {  	[dreg:$0x0] =	wrdreg $0x60  }
0xae: {  	[dreg:$0x2] =	wrdreg s24  }
0xaf: {  	[dreg:$0x3] =	wrdreg $0x40800  }
0xb0: {  	[dreg:$0x4] =	wrdreg $0x9  }
0xb1: {  	_ =	task.clear_ibuf [dreg:s6], $0x5FFFF;
	_ =	strace $0x9000004F  }
0xb2: {  	s29 =	simm.s32 $0x9;
	_ =	strace $0x80000051  }
0xb3: {  	_ =	swait.ge [sflag:s29], $0x1  }
0xb4: {  	[sflag:s29] =	ssyncadd.s32 $0xFFFFFFFF  }
0xb5: {  	_ =	strace $0x90000051  }
0xb6: {  	_ =	sfence  }
0xb7: {  	s30 =	sld [smem:$0x0];
	_ =	sdelay $0x2  }
0xb8: {  	s31 =	sshll.u32 s1, $0xD;
	s1 =	sshrl.u32 s1, $0x2  }
0xb9: {  	s3 =	sand.u32 $0x4000, s31;
	s1 =	sadd.s32 s1, s30  }
0xba: {  	s0 =	sor.u32 s3, s0;
	s1 =	sshll.u32 s1, $0x11  }
0xbb: {  	s0 =	sor.u32 s1, s0  }
0xbc: {  	s0 =	sadd.s32 $0x8F2B, s0  }
0xbd: {  	[sflag:s0] =	ssyncadd.remote.s32 $0x1  }
0xbe: {  	_ =	sfence.sel $0xFFFF  }
0xbf: {  	[dreg:$0x0] =	wrdreg $0xFFFFFFFF;
	(pc) =	sbr.abs _section_cstart, $3  }
0xc0: {  	[dreg:$0x1] =	wrdreg $0xFFFFFFFF  }
0xc1: {  	_ =	task.clear_ibuf [dreg:s6], $0x2FFFF;
	_ =	strace $0x9FFFFFFF  }
0xc2: {  	(tm) =	ssettm $0x7FFFFFFF  }
0xc3: {  	_ =	shalt  }
tec
execute0_lowered:
.L_overlay_start_1:
0x0: {  	(tag) =	ssettag $0x1  }
0x1: {  	s5 =	rddreg [dreg:$0x0]  }
0x2: {  	s2 =	rddreg [dreg:$0x1]  }
0x3: {  	s0 =	rddreg [dreg:$0x2];
	s1 =	stileid.u32  }
0x4: {  	s6 =	srdreg.scid;
	s3 =	simm.s32 $0x0;
	s4 =	smul.u32 $0x28000, s1  }
0x5: {  	s7 =	smul.u32 $0x13C00, s1;
	s6 =	sand.u32 $0x1, s6;
	[smem:$0x7FF] =	sst s3  }
0x6: {  	s12 =	sshll.u32 s1, $0x1;
	s13 =	smul.u32 $0x4F000, s1;
	s29 =	sshll.u32 s1, $0x6  }
0x7: {  	s8 =	smul.u32 $0x13C000, s6;
	_ =	strace $0x80000050;
	s25 =	ssub.s32 $0x2, s6  }
0x8: {  	s26 =	sor.u32 s6, s12;
	s30 =	smul.u32 $0x14000, s6;
	s6 =	sor.u32 $0x1C01, s29  }
0x9: {  	s12 =	simm.s32 $0x1;
	s9 =	sadd.s32 s4, s5;
	s4 =	sadd.s32 $0xB2A00, s5  }
0xa: {  	s10 =	sshrl.u32 s7, $0x3;
	s11 =	sshrl.u32 s25, $0x1;
	s28 =	sshrl.u32 s13, $0x2  }
0xb: {  	s7 =	sadd.s32 s7, s8;
	s24 =	sadd.s32 s10, s5;
	s10 =	ssub.s32 s25, s11  }
0xc: {  	s13 =	sadd.s32 s28, s2;
	s31 =	sadd.s32 s30, s9;
	s7 =	sshrl.u32 s7, $0x3  }
0xd: {  	s9 =	smax.u32 s10, $0x1;
	s10 =	sadd.s32 $0x5E4200, s31;
	s11 =	sshrl.u32 s13, $0x3  }
0xe: {  	s13 =	simm.s32 $0x80;
	s14 =	sadd.s32 s7, s5;
	s5 =	sadd.s32 $0xBCA00, s24  }
0xf: {  	s7 =	smul.u32 $0x1400, s26;
	s8 =	sadd.s32 $0x864200, s14;
	s14 =	simm.s32 $0x0  }
.LBB2_1:
0x10: {  	[spmem:s11], [sflag:s6] =	dma.local [hbm:s5], $0x2780  }
0x11: {  	s15 =	sand.u32 $0x1C00, s3  }
0x12: {  	s16 =	sand.u32 $0x380, s3;
	_ =	swait.ge [sflag:s12], $0x2780;
	s15 =	sadd.s32 s7, s15  }
0x13: {  	[sflag:s12] =	ssyncset.done $0x0;
	s15 =	sor.u32 s16, s15  }
0x14: {  	[sflag:s12] =	ssyncadd.s32 $0xFFFFD880;
	s15 =	sshrl.u32 s15, $0x3  }
0x15: {  	[bflag:$0x0] =	sbarrier.arrive $0xFFFF;
	s15 =	sadd.s32 s4, s15  }
0x16: {  	[tilespmem:s3], [sflag:$0x1] =	stream.linear.gather [hbm4b:s15+s3], $0x80, $0x38;
	[tilespmem:$0x17C80] =	vst v63  }
0x17: {  	_ =	swait.ge [sflag:s12], $0x80  }
0x18: {  	[sflag:s12] =	ssyncset.done $0x0  }
0x19: {  	[sflag:s12] =	ssyncadd.s32 $0xFFFFFF80  }
0x1a: {  	[tilespmem:s13], [sflag:$0x1] =	stream.linear.gather [hbm4b:s10+s3], $0x4000, $0x38;
	[tilespmem:$0x17C80] =	vst v63  }
0x1b: {  	_ =	swait.ge [sflag:s12], $0x4000  }
0x1c: {  	s31 =	simm.s32 $0x80;
	[sflag:s12] =	ssyncset.done $0x0  }
0x1d: {  	s17 =	sand.u32 $0x1C00, s31;
	s16 =	simm.s32 $0x100;
	[sflag:s12] =	ssyncadd.s32 $0xFFFFC000  }
0x1e: {  	[spmem:s2] =	stream.indirect.scatter.add.f32 [tilespmem:s13], [sflag:$0x1], $0x80, s3, s13, $0xb8;
	[tilespmem:$0x17C80] =	vst v63  }
0x1f: {  	s17 =	sadd.s32 s7, s17;
	s15 =	sand.u32 $0x380, s31;
	_ =	swait.ge [sflag:s12], $0x4000  }
0x20: {  	s17 =	sor.u32 s15, s17;
	s15 =	sadd.s32 $0x800, s10;
	[sflag:s12] =	ssyncset.done $0x0  }
.LBB2_2:
0x21: {  	s17 =	sshrl.u32 s17, $0x3  }
0x22: {  	[sflag:s12] =	ssyncadd.s32 $0xFFFFC000;
	s18 =	smov.u32 s16;
	s19 =	sadd.s32 $0x80, s16  }
0x23: {  	p0 =	sne.s32 s16, $0x1380;
	s16 =	sadd.s32 s4, s17  }
0x24: {  	[tilespmem:s3], [sflag:$0x1] =	stream.linear.gather [hbm4b:s16+s3], $0x80, $0x38;
	[tilespmem:$0x17C80] =	vst v63  }
0x25: {  	_ =	swait.ge [sflag:s12], $0x80  }
0x26: {  	[sflag:s12] =	ssyncset.done $0x0  }
0x27: {  	[sflag:s12] =	ssyncadd.s32 $0xFFFFFF80  }
0x28: {  	[tilespmem:s13], [sflag:$0x1] =	stream.linear.gather [hbm4b:s15+s3], $0x4000, $0x38;
	[tilespmem:$0x17C80] =	vst v63  }
0x29: {  	_ =	swait.ge [sflag:s12], $0x4000  }
.Ltmp0:
0x2a: {  	s16 =	sand.u32 $0x1C00, s18;
	[sflag:s12] =	ssyncset.done $0x0;
	(pc) =	sbr.rel @p0 .LBB2_2-.Ltmp0, $4  }
0x2b: {  	s17 =	sand.u32 $0x380, s18;
	s16 =	sadd.s32 s7, s16;
	[sflag:s12] =	ssyncadd.s32 $0xFFFFC000  }
0x2c: {  	[spmem:s2] =	stream.indirect.scatter.add.f32 [tilespmem:s13], [sflag:$0x1], $0x80, s3, s13, $0xb8;
	[tilespmem:$0x17C80] =	vst v63  }
0x2d: {  	s17 =	sor.u32 s17, s16;
	_ =	swait.ge [sflag:s12], $0x4000  }
0x2e: {  	s16 =	smov.u32 s19;
	s15 =	sadd.s32 $0x800, s15;
	[sflag:s12] =	ssyncset.done $0x0  }
0x2f: {  	s16 =	sshrl.u32 s17, $0x3  }
0x30: {  	[sflag:s12] =	ssyncadd.s32 $0xFFFFC000;
	s16 =	sadd.s32 s4, s16  }
0x31: {  	[tilespmem:s3], [sflag:$0x1] =	stream.linear.gather [hbm4b:s16+s3], $0x80, $0x38;
	[tilespmem:$0x17C80] =	vst v63  }
0x32: {  	_ =	swait.ge [sflag:s12], $0x80  }
0x33: {  	[sflag:s12] =	ssyncset.done $0x0  }
0x34: {  	[sflag:s12] =	ssyncadd.s32 $0xFFFFFF80  }
0x35: {  	[tilespmem:s13], [sflag:$0x1] =	stream.linear.gather [hbm4b:s15+s3], $0x4000, $0x38;
	[tilespmem:$0x17C80] =	vst v63  }
0x36: {  	_ =	swait.ge [sflag:s12], $0x4000  }
0x37: {  	[sflag:s12] =	ssyncset.done $0x0  }
0x38: {  	[sflag:s12] =	ssyncadd.s32 $0xFFFFC000  }
0x39: {  	[spmem:s2] =	stream.indirect.scatter.add.f32 [tilespmem:s13], [sflag:$0x1], $0x80, s3, s13, $0xb8;
	[tilespmem:$0x17C80] =	vst v63  }
0x3a: {  	_ =	swait.ge [sflag:s12], $0x4000  }
0x3b: {  	s14 =	sadd.s32 $0x1, s14;
	[sflag:s12] =	ssyncset.done $0x0  }
0x3c: {  	p0 =	sne.s32 s14, s9;
	[sflag:s12] =	ssyncadd.s32 $0xFFFFC000  }
.Ltmp1:
0x3d: {  	[bflag:$0x0] =	sbarrier.arrive $0xFFFF;
	(pc) =	sbr.rel @p0 .LBB2_1-.Ltmp1, $4  }
0x3e: {  	[hbm:s8], [sflag:s6] =	dma.local [spmem:s11], $0x2780  }
0x3f: {  	_ =	swait.ge [sflag:s12], $0x2780  }
0x40: {  	[sflag:s12] =	ssyncset.done $0x0  }
0x41: {  	[sflag:s12] =	ssyncadd.s32 $0xFFFFD880  }
0x42: {  	_ =	sfence.sel $0x180000  }
0x43: {  	[bflag:$0x0] =	sbarrier.arrive $0xFFFF  }
0x44: {  	p0 =	sne.s32 s1, $0x0;
	_ =	strace $0x90000050  }
0x45: {  	s0 =	sadd.s32 @!p0 $0x100000, s0;
	[bflag:$0x2] =	sbarrier.arrive $0xFFFF  }
0x46: {  	[sflag:s0] =	ssyncadd.tile.s32 @!p0 $0x1;
	_ =	shalt  }
.Lfunc_end2:
_tile_overlayer_lowered:
.L_overlay_start_2:
0x47: {  	(tag) =	ssettag $0x2  }
0x48: {  	s0 =	rddreg [dreg:$0x0];
	s2 =	stileid.u32  }
0x49: {  	s1 =	rddreg [dreg:$0x1];
	p0 =	sne.s32 s2, $0x0  }
0x4a: {  	s3 =	rddreg [dreg:$0x2];
	[bflag:$0x3] =	sbarrier.arrive $0xFFFF;
	s2 =	simm.s32 @!p0 $0x1C01  }
0x4b: {  	[timem:s3], [sflag:s2] =	dma.local @!p0 [hbm:s0], s1  }
0x4c: {  	s0 =	simm.s32 @!p0 $0x1  }
0x4d: {  	_ =	swait.ge @!p0 [sflag:s0], s1  }
0x4e: {  	s1 =	ssub.s32 @!p0 $0x0, s1;
	[sflag:s0] =	ssyncset.done @!p0 $0x0  }
0x4f: {  	[sflag:s0] =	ssyncadd.s32 @!p0 s1  }
0x50: {  	[bflag:$0x3] =	sbarrier.arrive $0xFFFF  }
0x51: {  	_ =	shalt  }

</sc_bundles>
